<compile_context>
chip_gen: v7x
topology: tpu7x:2x2x1
jax: 0.10.2.dev20260603
libtpu: 0.0.44.dev20260713+nightly
codegen_flags: <defaults>
</compile_context>

<pallas_src>
import functools

import jax
import jax.numpy as jnp
from jax import lax
from jax.experimental import pallas as pl
from jax.experimental.pallas import tpu as pltpu
from jax.experimental.pallas import tpu_sc as plsc

N = 10000
E = 320000
D = 128
N2 = 10240

NC = 2
NS = 16
NW = NC * NS
EDGES_PER_TILE = E // NW
K = 50
NWIN = EDGES_PER_TILE // K
GROUP = 2
NGROUP = NWIN // GROUP
ROWS_PER_TILE = N2 // NS
DEG_PER_TILE = N2 // NS

_mesh = plsc.VectorSubcoreMesh(core_axis_name="c", subcore_axis_name="s")


KD = 128
NWIN_D = 79
EPT_PAD = NWIN_D * KD


@functools.partial(
    pl.kernel,
    out_type=jax.ShapeDtypeStruct((NC, 1, N2), jnp.float32),
    mesh=_mesh,
    scratch_types=[
        pltpu.VMEM_SHARED((N2,), jnp.float32),
        pltpu.VMEM((NWIN_D, 1, KD), jnp.int32),
        pltpu.VMEM((DEG_PER_TILE,), jnp.float32),
        pltpu.VMEM((KD,), jnp.float32),
    ],
)
def _deg_kernel(dst_hbm, out_hbm, deg_acc, idx_v, zero_v, ones_v):
    c = lax.axis_index("c")
    s = lax.axis_index("s")
    wid = c * NS + s
    for i in range(DEG_PER_TILE // 16):
        zero_v[pl.ds(i * 16, 16)] = jnp.zeros((16,), jnp.float32)
    for i in range(KD // 16):
        ones_v[pl.ds(i * 16, 16)] = jnp.ones((16,), jnp.float32)
    sl = pl.ds(s * DEG_PER_TILE, DEG_PER_TILE)
    pltpu.sync_copy(zero_v, deg_acc.at[sl])
    pltpu.sync_copy(dst_hbm.at[wid], idx_v)
    plsc.subcore_barrier()

    def body(w, carry):
        pltpu.sync_copy(ones_v, deg_acc.at[idx_v.at[w, 0]], add=True)
        return carry

    lax.fori_loop(0, NWIN_D, body, 0)
    plsc.subcore_barrier()
    pltpu.sync_copy(deg_acc.at[sl], out_hbm.at[c, 0, sl])


@functools.partial(
    pl.kernel,
    out_type=jax.ShapeDtypeStruct((NC, N2, D), jnp.float32),
    mesh=_mesh,
    scratch_types=[
        pltpu.VMEM_SHARED((N2, D), jnp.float32),
        pltpu.VMEM((GROUP, 2, K), jnp.int32),
        pltpu.VMEM((GROUP, 2, K), jnp.int32),
        pltpu.VMEM((GROUP, 2, K), jnp.int32),
        pltpu.VMEM((GROUP, 2, K), jnp.int32),
        pltpu.VMEM((GROUP, K, D), jnp.float32),
        pltpu.VMEM((GROUP, K, D), jnp.float32),
        pltpu.SemaphoreType.DMA,
        pltpu.SemaphoreType.DMA,
        pltpu.SemaphoreType.DMA,
        pltpu.SemaphoreType.DMA,
        pltpu.SemaphoreType.DMA,
        pltpu.SemaphoreType.DMA,
        pltpu.SemaphoreType.DMA,
        pltpu.SemaphoreType.DMA,
        pltpu.SemaphoreType.DMA,
        pltpu.SemaphoreType.DMA,
        pltpu.SemaphoreType.DMA,
        pltpu.SemaphoreType.DMA,
    ],
)
def _agg_kernel(g_hbm, es_hbm, dum_hbm, out_hbm, acc, i0, i1, i2, i3,
                rows_a, rows_b,
                is0, is1, is2, is3, gs0, gs1, gs2, gs3, ss0, ss1, ss2, ss3):
    idx = (i0, i1, i2, i3)
    isem = (is0, is1, is2, is3)
    rows = (rows_a, rows_b)
    gsem = ((gs0, gs1), (gs2, gs3))
    ssem = ((ss0, ss1), (ss2, ss3))
    c = lax.axis_index("c")
    s = lax.axis_index("s")
    wid = c * NS + s
    rsl = pl.ds(s * ROWS_PER_TILE, ROWS_PER_TILE)
    pltpu.sync_copy(g_hbm.at[rsl], acc.at[rsl])
    plsc.subcore_barrier()

    def fire_idx(g, j):
        pltpu.async_copy(es_hbm.at[wid, pl.ds(g * GROUP, GROUP)], idx[j],
                         isem[j])

    def wait_scatter(st, b):
        pltpu.make_async_copy(dum_hbm, rows[st].at[b], ssem[st][b]).wait()

    def fire_gathers(g, j, first=False):
        pltpu.make_async_copy(es_hbm.at[wid, pl.ds(g * GROUP, GROUP)],
                              idx[j], isem[j]).wait()
        for b in range(GROUP):
            if not first:
                wait_scatter(j % 2, b)
            pltpu.async_copy(g_hbm.at[idx[j].at[b, 0]], rows[j % 2].at[b],
                             gsem[j % 2][b])

    def drain(g, j):
        for b in range(GROUP):
            pltpu.make_async_copy(g_hbm.at[idx[j].at[b, 0]],
                                  rows[j % 2].at[b], gsem[j % 2][b]).wait()
            pltpu.async_copy(rows[j % 2].at[b], acc.at[idx[j].at[b, 1]],
                             ssem[j % 2][b], add=True)

    fire_idx(0, 0)
    fire_idx(1, 1)
    fire_idx(2, 2)
    fire_gathers(0, 0, first=True)
    fire_gathers(1, 1, first=True)
    drain(0, 0)
    fire_idx(3, 3)
    for j in range(1, 4):
        fire_gathers(j + 1, (j + 1) % 4)
        drain(j, j)
        fire_idx(j + 3, (j + 3) % 4)

    def quad_body(qi, carry):
        g0 = 4 * qi
        for j in range(4):
            fire_gathers(g0 + j + 1, (j + 1) % 4)
            drain(g0 + j, j)
            fire_idx(g0 + j + 3, (j + 3) % 4)
        return carry

    lax.fori_loop(1, NGROUP // 4 - 1, quad_body, 0)
    fire_gathers(NGROUP - 3, 1)
    drain(NGROUP - 4, 0)
    fire_idx(NGROUP - 1, 3)
    fire_gathers(NGROUP - 2, 2)
    drain(NGROUP - 3, 1)
    fire_gathers(NGROUP - 1, 3)
    drain(NGROUP - 2, 2)
    drain(NGROUP - 1, 3)
    for st in range(2):
        for b in range(GROUP):
            wait_scatter(st, b)
    plsc.subcore_barrier()
    pltpu.sync_copy(acc.at[rsl], out_hbm.at[c, rsl])


ROWS_BLK = 1000
ROWS_BLK2 = 1024


def _mm1_body(x_ref, w_ref, d0_ref, d1_ref, g_ref, dinv_ref):
    dinv = lax.rsqrt(d0_ref[...] + d1_ref[...] + 1.0)
    dinv_ref[...] = dinv
    g_ref[...] = jnp.dot(x_ref[...], w_ref[...],
                         preferred_element_type=jnp.float32) * dinv


def _mid_body(p0_ref, p1_ref, g_ref, dinv_ref, b_ref, w_ref, o_ref):
    h = (p0_ref[0] + p1_ref[0] - g_ref[...]) * dinv_ref[...] + b_ref[...]
    o_ref[...] = jnp.dot(h, w_ref[...],
                         preferred_element_type=jnp.float32) * dinv_ref[...]


def _fin_body(p0_ref, p1_ref, g_ref, dinv_ref, b_ref, o_ref):
    o_ref[...] = ((p0_ref[0] + p1_ref[0] - g_ref[...]) * dinv_ref[...]
                  + b_ref[...])


def _row_specs(blk):
    return (pl.BlockSpec((blk, D), lambda i: (i, 0)),
            pl.BlockSpec((blk, 1), lambda i: (i, 0)))


_w_spec = pl.BlockSpec((D, D), lambda i: (0, 0))
_b_spec = pl.BlockSpec((1, D), lambda i: (0, 0))


def kernel(x, edge_index, W1, b1, W2, b2):
    es = jnp.stack([edge_index[0].reshape(NW, NWIN, K),
                    edge_index[1].reshape(NW, NWIN, K)], axis=2)
    dstp = jnp.pad(edge_index[1].reshape(NW, EDGES_PER_TILE),
                   ((0, 0), (0, EPT_PAD - EDGES_PER_TILE)),
                   constant_values=N2 - 1).reshape(NW, NWIN_D, 1, KD)
    b1r = b1.reshape(1, D)
    b2r = b2.reshape(1, D)

    degp = _deg_kernel(dstp)
    d0 = degp[0, 0, :, None]
    d1 = degp[1, 0, :, None]

    row_spec, col_spec = _row_specs(ROWS_BLK)
    row_spec2, col_spec2 = _row_specs(ROWS_BLK2)

    g1, dinv = pl.pallas_call(
        _mm1_body,
        grid=(N // ROWS_BLK,),
        in_specs=[row_spec, _w_spec, col_spec, col_spec],
        out_specs=(row_spec, col_spec),
        out_shape=(jax.ShapeDtypeStruct((N2, D), jnp.float32),
                   jax.ShapeDtypeStruct((N2, 1), jnp.float32)),
    )(x, W1, d0, d1)

    dum = jnp.zeros((K, D), jnp.float32)
    p = _agg_kernel(g1, es, dum)

    part0_spec2 = pl.BlockSpec((1, ROWS_BLK2, D), lambda i: (0, i, 0))
    part1_spec2 = pl.BlockSpec((1, ROWS_BLK2, D), lambda i: (1, i, 0))
    g2 = pl.pallas_call(
        _mid_body,
        grid=(N2 // ROWS_BLK2,),
        in_specs=[part0_spec2, part1_spec2, row_spec2, col_spec2, _b_spec,
                  _w_spec],
        out_specs=row_spec2,
        out_shape=jax.ShapeDtypeStruct((N2, D), jnp.float32),
    )(p, p, g1, dinv, b1r, W2)

    q = _agg_kernel(g2, es, dum)

    part0_spec = pl.BlockSpec((1, ROWS_BLK, D), lambda i: (0, i, 0))
    part1_spec = pl.BlockSpec((1, ROWS_BLK, D), lambda i: (1, i, 0))
    out = pl.pallas_call(
        _fin_body,
        grid=(N // ROWS_BLK,),
        in_specs=[part0_spec, part1_spec, row_spec, col_spec, _b_spec],
        out_specs=row_spec,
        out_shape=jax.ShapeDtypeStruct((N, D), jnp.float32),
    )(q, q, g2, dinv, b2r)

    return out

# --- scband reference (transcript-rebuilt; emitter-appended) ---
"""Pipeline reference for scband-graph-model-31095563223580 (READ-ONLY COPY).

The authoritative reference and input builder live on the scoring server;
editing this copy changes nothing except your own understanding.
"""

import jax, jax.numpy as jnp
import numpy as np

N = 10000
E = 320000
D = 128


def setup_inputs(seed: int = 0) -> dict:
    key = jax.random.key(seed)
    k1, k2, k3, k4 = jax.random.split(key, 4)
    x = jax.random.normal(k1, (N, D), dtype=jnp.float32)
    edge_index = jax.random.randint(k2, (2, E), 0, N, dtype=jnp.int32)
    scale = 1.0 / np.sqrt(D)
    W1 = jax.random.normal(k3, (D, D), dtype=jnp.float32) * scale
    b1 = jnp.zeros((D,), dtype=jnp.float32)
    W2 = jax.random.normal(k4, (D, D), dtype=jnp.float32) * scale
    b2 = jnp.zeros((D,), dtype=jnp.float32)
    return {"x": x, "edge_index": edge_index, "W1": W1, "b1": b1, "W2": W2, "b2": b2}


def _gcn_layer(h, src, dst, W, b, n_nodes):
    # PyG GCNConv with add_self_loops=True, symmetric normalization, bias.
    loop = jnp.arange(n_nodes, dtype=src.dtype)
    src2 = jnp.concatenate([src, loop])
    dst2 = jnp.concatenate([dst, loop])
    ones = jnp.ones(src2.shape[0], dtype=h.dtype)
    deg = jax.ops.segment_sum(ones, dst2, num_segments=n_nodes)
    dinv = jnp.where(deg > 0, jax.lax.rsqrt(deg), 0.0)
    norm = dinv[src2] * dinv[dst2]
    hw = h @ W
    msg = hw[src2] * norm[:, None]
    out = jax.ops.segment_sum(msg, dst2, num_segments=n_nodes)
    return out + b


def reference(x, edge_index, W1, b1, W2, b2):
    src = edge_index[0]
    dst = edge_index[1]
    h = _gcn_layer(x, src, dst, W1, b1, N)
    h = _gcn_layer(h, src, dst, W2, b2, N)
    return h

if __name__ == "__main__":
    import jax
    _d = setup_inputs()
    print(jax.jit(kernel)(*tuple(_d.values())))

</pallas_src>

<mosaic_0001>
#map = affine_map<(d0, d1) -> (0, 0, 0, 0)>
#map1 = affine_map<(d0, d1) -> (0, 0, 0)>
module attributes {stable_mosaic.version = 14 : i64} {
  func.func @_deg_kernel(%arg0: i32, %arg1: i32, %arg2: memref<32x79x1x128xi32, #tpu.memory_space<hbm>>, %arg3: memref<2x1x10240xf32, #tpu.memory_space<hbm>>, %arg4: memref<10240xf32, #tpu.memory_space<vmem_shared>>, %arg5: memref<79x1x128xi32, #tpu.memory_space<vmem>>, %arg6: memref<640xf32, #tpu.memory_space<vmem>>, %arg7: memref<128xf32, #tpu.memory_space<vmem>>) attributes {dimension_semantics = [#tpu.dimension_semantics<core_parallel>, #tpu.dimension_semantics<subcore_parallel>], iteration_bounds = array<i64: 2, 16>, scalar_prefetch = 0 : i64, scratch_operands = 4 : i64, tpu.core_type = #tpu.core_type<sc_vector_subcore>, window_params = [{transform_indices = #map}, {transform_indices = #map1}]} {
    %mul3A = arith.constant 16 : i32
    %mul3A_0 = arith.muli %arg0, %mul3A : i32
    %add3A = arith.addi %mul3A_0, %arg1 : i32
    %broadcast_in_dim3A = arith.constant 0.000000e+00 : f32
    %broadcast_in_dim3A_1 = vector.broadcast %broadcast_in_dim3A : f32 to vector<16xf32>
    %swap3A = arith.constant 0 : index
    %swap3A_2 = tpu.vector_load %arg6[%swap3A] {strides = array<i32>} : memref<640xf32, #tpu.memory_space<vmem>>, vector<16xf32>,
    %swap3A_3 = vector.shape_cast %swap3A_2 : vector<16xf32> to vector<16xf32>
    %swap3A_4 = vector.shape_cast %broadcast_in_dim3A_1 : vector<16xf32> to vector<16xf32>
    tpu.vector_store %arg6[%swap3A], %swap3A_4 {strides = array<i32>} : memref<640xf32, #tpu.memory_space<vmem>>, vector<16xf32>,
    %broadcast_in_dim3A_5 = arith.constant 0.000000e+00 : f32
    %broadcast_in_dim3A_6 = vector.broadcast %broadcast_in_dim3A_5 : f32 to vector<16xf32>
    %swap3A_7 = arith.constant 16 : index
    %swap3A_8 = tpu.vector_load %arg6[%swap3A_7] {strides = array<i32>} : memref<640xf32, #tpu.memory_space<vmem>>, vector<16xf32>,
    %swap3A_9 = vector.shape_cast %swap3A_8 : vector<16xf32> to vector<16xf32>
    %swap3A_10 = vector.shape_cast %broadcast_in_dim3A_6 : vector<16xf32> to vector<16xf32>
    tpu.vector_store %arg6[%swap3A_7], %swap3A_10 {strides = array<i32>} : memref<640xf32, #tpu.memory_space<vmem>>, vector<16xf32>,
    %broadcast_in_dim3A_11 = arith.constant 0.000000e+00 : f32
    %broadcast_in_dim3A_12 = vector.broadcast %broadcast_in_dim3A_11 : f32 to vector<16xf32>
    %swap3A_13 = arith.constant 32 : index
    %swap3A_14 = tpu.vector_load %arg6[%swap3A_13] {strides = array<i32>} : memref<640xf32, #tpu.memory_space<vmem>>, vector<16xf32>,
    %swap3A_15 = vector.shape_cast %swap3A_14 : vector<16xf32> to vector<16xf32>
    %swap3A_16 = vector.shape_cast %broadcast_in_dim3A_12 : vector<16xf32> to vector<16xf32>
    tpu.vector_store %arg6[%swap3A_13], %swap3A_16 {strides = array<i32>} : memref<640xf32, #tpu.memory_space<vmem>>, vector<16xf32>,
    %broadcast_in_dim3A_17 = arith.constant 0.000000e+00 : f32
    %broadcast_in_dim3A_18 = vector.broadcast %broadcast_in_dim3A_17 : f32 to vector<16xf32>
    %swap3A_19 = arith.constant 48 : index
    %swap3A_20 = tpu.vector_load %arg6[%swap3A_19] {strides = array<i32>} : memref<640xf32, #tpu.memory_space<vmem>>, vector<16xf32>,
    %swap3A_21 = vector.shape_cast %swap3A_20 : vector<16xf32> to vector<16xf32>
    %swap3A_22 = vector.shape_cast %broadcast_in_dim3A_18 : vector<16xf32> to vector<16xf32>
    tpu.vector_store %arg6[%swap3A_19], %swap3A_22 {strides = array<i32>} : memref<640xf32, #tpu.memory_space<vmem>>, vector<16xf32>,
    %broadcast_in_dim3A_23 = arith.constant 0.000000e+00 : f32
    %broadcast_in_dim3A_24 = vector.broadcast %broadcast_in_dim3A_23 : f32 to vector<16xf32>
    %swap3A_25 = arith.constant 64 : index
    %swap3A_26 = tpu.vector_load %arg6[%swap3A_25] {strides = array<i32>} : memref<640xf32, #tpu.memory_space<vmem>>, vector<16xf32>,
    %swap3A_27 = vector.shape_cast %swap3A_26 : vector<16xf32> to vector<16xf32>
    %swap3A_28 = vector.shape_cast %broadcast_in_dim3A_24 : vector<16xf32> to vector<16xf32>
    tpu.vector_store %arg6[%swap3A_25], %swap3A_28 {strides = array<i32>} : memref<640xf32, #tpu.memory_space<vmem>>, vector<16xf32>,
    %broadcast_in_dim3A_29 = arith.constant 0.000000e+00 : f32
    %broadcast_in_dim3A_30 = vector.broadcast %broadcast_in_dim3A_29 : f32 to vector<16xf32>
    %swap3A_31 = arith.constant 80 : index
    %swap3A_32 = tpu.vector_load %arg6[%swap3A_31] {strides = array<i32>} : memref<640xf32, #tpu.memory_space<vmem>>, vector<16xf32>,
    %swap3A_33 = vector.shape_cast %swap3A_32 : vector<16xf32> to vector<16xf32>
    %swap3A_34 = vector.shape_cast %broadcast_in_dim3A_30 : vector<16xf32> to vector<16xf32>
    tpu.vector_store %arg6[%swap3A_31], %swap3A_34 {strides = array<i32>} : memref<640xf32, #tpu.memory_space<vmem>>, vector<16xf32>,
    %broadcast_in_dim3A_35 = arith.constant 0.000000e+00 : f32
    %broadcast_in_dim3A_36 = vector.broadcast %broadcast_in_dim3A_35 : f32 to vector<16xf32>
    %swap3A_37 = arith.constant 96 : index
    %swap3A_38 = tpu.vector_load %arg6[%swap3A_37] {strides = array<i32>} : memref<640xf32, #tpu.memory_space<vmem>>, vector<16xf32>,
    %swap3A_39 = vector.shape_cast %swap3A_38 : vector<16xf32> to vector<16xf32>
    %swap3A_40 = vector.shape_cast %broadcast_in_dim3A_36 : vector<16xf32> to vector<16xf32>
    tpu.vector_store %arg6[%swap3A_37], %swap3A_40 {strides = array<i32>} : memref<640xf32, #tpu.memory_space<vmem>>, vector<16xf32>,
    %broadcast_in_dim3A_41 = arith.constant 0.000000e+00 : f32
    %broadcast_in_dim3A_42 = vector.broadcast %broadcast_in_dim3A_41 : f32 to vector<16xf32>
    %swap3A_43 = arith.constant 112 : index
    %swap3A_44 = tpu.vector_load %arg6[%swap3A_43] {strides = array<i32>} : memref<640xf32, #tpu.memory_space<vmem>>, vector<16xf32>,
    %swap3A_45 = vector.shape_cast %swap3A_44 : vector<16xf32> to vector<16xf32>
    %swap3A_46 = vector.shape_cast %broadcast_in_dim3A_42 : vector<16xf32> to vector<16xf32>
    tpu.vector_store %arg6[%swap3A_43], %swap3A_46 {strides = array<i32>} : memref<640xf32, #tpu.memory_space<vmem>>, vector<16xf32>,
    %broadcast_in_dim3A_47 = arith.constant 0.000000e+00 : f32
    %broadcast_in_dim3A_48 = vector.broadcast %broadcast_in_dim3A_47 : f32 to vector<16xf32>
    %swap3A_49 = arith.constant 128 : index
    %swap3A_50 = tpu.vector_load %arg6[%swap3A_49] {strides = array<i32>} : memref<640xf32, #tpu.memory_space<vmem>>, vector<16xf32>,
    %swap3A_51 = vector.shape_cast %swap3A_50 : vector<16xf32> to vector<16xf32>
    %swap3A_52 = vector.shape_cast %broadcast_in_dim3A_48 : vector<16xf32> to vector<16xf32>
    tpu.vector_store %arg6[%swap3A_49], %swap3A_52 {strides = array<i32>} : memref<640xf32, #tpu.memory_space<vmem>>, vector<16xf32>,
    %broadcast_in_dim3A_53 = arith.constant 0.000000e+00 : f32
    %broadcast_in_dim3A_54 = vector.broadcast %broadcast_in_dim3A_53 : f32 to vector<16xf32>
    %swap3A_55 = arith.constant 144 : index
    %swap3A_56 = tpu.vector_load %arg6[%swap3A_55] {strides = array<i32>} : memref<640xf32, #tpu.memory_space<vmem>>, vector<16xf32>,
    %swap3A_57 = vector.shape_cast %swap3A_56 : vector<16xf32> to vector<16xf32>
    %swap3A_58 = vector.shape_cast %broadcast_in_dim3A_54 : vector<16xf32> to vector<16xf32>
    tpu.vector_store %arg6[%swap3A_55], %swap3A_58 {strides = array<i32>} : memref<640xf32, #tpu.memory_space<vmem>>, vector<16xf32>,
    %broadcast_in_dim3A_59 = arith.constant 0.000000e+00 : f32
    %broadcast_in_dim3A_60 = vector.broadcast %broadcast_in_dim3A_59 : f32 to vector<16xf32>
    %swap3A_61 = arith.constant 160 : index
    %swap3A_62 = tpu.vector_load %arg6[%swap3A_61] {strides = array<i32>} : memref<640xf32, #tpu.memory_space<vmem>>, vector<16xf32>,
    %swap3A_63 = vector.shape_cast %swap3A_62 : vector<16xf32> to vector<16xf32>
    %swap3A_64 = vector.shape_cast %broadcast_in_dim3A_60 : vector<16xf32> to vector<16xf32>
    tpu.vector_store %arg6[%swap3A_61], %swap3A_64 {strides = array<i32>} : memref<640xf32, #tpu.memory_space<vmem>>, vector<16xf32>,
    %broadcast_in_dim3A_65 = arith.constant 0.000000e+00 : f32
    %broadcast_in_dim3A_66 = vector.broadcast %broadcast_in_dim3A_65 : f32 to vector<16xf32>
    %swap3A_67 = arith.constant 176 : index
    %swap3A_68 = tpu.vector_load %arg6[%swap3A_67] {strides = array<i32>} : memref<640xf32, #tpu.memory_space<vmem>>, vector<16xf32>,
    %swap3A_69 = vector.shape_cast %swap3A_68 : vector<16xf32> to vector<16xf32>
    %swap3A_70 = vector.shape_cast %broadcast_in_dim3A_66 : vector<16xf32> to vector<16xf32>
    tpu.vector_store %arg6[%swap3A_67], %swap3A_70 {strides = array<i32>} : memref<640xf32, #tpu.memory_space<vmem>>, vector<16xf32>,
    %broadcast_in_dim3A_71 = arith.constant 0.000000e+00 : f32
    %broadcast_in_dim3A_72 = vector.broadcast %broadcast_in_dim3A_71 : f32 to vector<16xf32>
    %swap3A_73 = arith.constant 192 : index
    %swap3A_74 = tpu.vector_load %arg6[%swap3A_73] {strides = array<i32>} : memref<640xf32, #tpu.memory_space<vmem>>, vector<16xf32>,
    %swap3A_75 = vector.shape_cast %swap3A_74 : vector<16xf32> to vector<16xf32>
    %swap3A_76 = vector.shape_cast %broadcast_in_dim3A_72 : vector<16xf32> to vector<16xf32>
    tpu.vector_store %arg6[%swap3A_73], %swap3A_76 {strides = array<i32>} : memref<640xf32, #tpu.memory_space<vmem>>, vector<16xf32>,
    %broadcast_in_dim3A_77 = arith.constant 0.000000e+00 : f32
    %broadcast_in_dim3A_78 = vector.broadcast %broadcast_in_dim3A_77 : f32 to vector<16xf32>
    %swap3A_79 = arith.constant 208 : index
    %swap3A_80 = tpu.vector_load %arg6[%swap3A_79] {strides = array<i32>} : memref<640xf32, #tpu.memory_space<vmem>>, vector<16xf32>,
    %swap3A_81 = vector.shape_cast %swap3A_80 : vector<16xf32> to vector<16xf32>
    %swap3A_82 = vector.shape_cast %broadcast_in_dim3A_78 : vector<16xf32> to vector<16xf32>
    tpu.vector_store %arg6[%swap3A_79], %swap3A_82 {strides = array<i32>} : memref<640xf32, #tpu.memory_space<vmem>>, vector<16xf32>,
    %broadcast_in_dim3A_83 = arith.constant 0.000000e+00 : f32
    %broadcast_in_dim3A_84 = vector.broadcast %broadcast_in_dim3A_83 : f32 to vector<16xf32>
    %swap3A_85 = arith.constant 224 : index
    %swap3A_86 = tpu.vector_load %arg6[%swap3A_85] {strides = array<i32>} : memref<640xf32, #tpu.memory_space<vmem>>, vector<16xf32>,
    %swap3A_87 = vector.shape_cast %swap3A_86 : vector<16xf32> to vector<16xf32>
    %swap3A_88 = vector.shape_cast %broadcast_in_dim3A_84 : vector<16xf32> to vector<16xf32>
    tpu.vector_store %arg6[%swap3A_85], %swap3A_88 {strides = array<i32>} : memref<640xf32, #tpu.memory_space<vmem>>, vector<16xf32>,
    %broadcast_in_dim3A_89 = arith.constant 0.000000e+00 : f32
    %broadcast_in_dim3A_90 = vector.broadcast %broadcast_in_dim3A_89 : f32 to vector<16xf32>
    %swap3A_91 = arith.constant 240 : index
    %swap3A_92 = tpu.vector_load %arg6[%swap3A_91] {strides = array<i32>} : memref<640xf32, #tpu.memory_space<vmem>>, vector<16xf32>,
    %swap3A_93 = vector.shape_cast %swap3A_92 : vector<16xf32> to vector<16xf32>
    %swap3A_94 = vector.shape_cast %broadcast_in_dim3A_90 : vector<16xf32> to vector<16xf32>
    tpu.vector_store %arg6[%swap3A_91], %swap3A_94 {strides = array<i32>} : memref<640xf32, #tpu.memory_space<vmem>>, vector<16xf32>,
    %broadcast_in_dim3A_95 = arith.constant 0.000000e+00 : f32
    %broadcast_in_dim3A_96 = vector.broadcast %broadcast_in_dim3A_95 : f32 to vector<16xf32>
    %swap3A_97 = arith.constant 256 : index
    %swap3A_98 = tpu.vector_load %arg6[%swap3A_97] {strides = array<i32>} : memref<640xf32, #tpu.memory_space<vmem>>, vector<16xf32>,
    %swap3A_99 = vector.shape_cast %swap3A_98 : vector<16xf32> to vector<16xf32>
    %swap3A_100 = vector.shape_cast %broadcast_in_dim3A_96 : vector<16xf32> to vector<16xf32>
    tpu.vector_store %arg6[%swap3A_97], %swap3A_100 {strides = array<i32>} : memref<640xf32, #tpu.memory_space<vmem>>, vector<16xf32>,
    %broadcast_in_dim3A_101 = arith.constant 0.000000e+00 : f32
    %broadcast_in_dim3A_102 = vector.broadcast %broadcast_in_dim3A_101 : f32 to vector<16xf32>
    %swap3A_103 = arith.constant 272 : index
    %swap3A_104 = tpu.vector_load %arg6[%swap3A_103] {strides = array<i32>} : memref<640xf32, #tpu.memory_space<vmem>>, vector<16xf32>,
    %swap3A_105 = vector.shape_cast %swap3A_104 : vector<16xf32> to vector<16xf32>
    %swap3A_106 = vector.shape_cast %broadcast_in_dim3A_102 : vector<16xf32> to vector<16xf32>
    tpu.vector_store %arg6[%swap3A_103], %swap3A_106 {strides = array<i32>} : memref<640xf32, #tpu.memory_space<vmem>>, vector<16xf32>,
    %broadcast_in_dim3A_107 = arith.constant 0.000000e+00 : f32
    %broadcast_in_dim3A_108 = vector.broadcast %broadcast_in_dim3A_107 : f32 to vector<16xf32>
    %swap3A_109 = arith.constant 288 : index
    %swap3A_110 = tpu.vector_load %arg6[%swap3A_109] {strides = array<i32>} : memref<640xf32, #tpu.memory_space<vmem>>, vector<16xf32>,
    %swap3A_111 = vector.shape_cast %swap3A_110 : vector<16xf32> to vector<16xf32>
    %swap3A_112 = vector.shape_cast %broadcast_in_dim3A_108 : vector<16xf32> to vector<16xf32>
    tpu.vector_store %arg6[%swap3A_109], %swap3A_112 {strides = array<i32>} : memref<640xf32, #tpu.memory_space<vmem>>, vector<16xf32>,
    %broadcast_in_dim3A_113 = arith.constant 0.000000e+00 : f32
    %broadcast_in_dim3A_114 = vector.broadcast %broadcast_in_dim3A_113 : f32 to vector<16xf32>
    %swap3A_115 = arith.constant 304 : index
    %swap3A_116 = tpu.vector_load %arg6[%swap3A_115] {strides = array<i32>} : memref<640xf32, #tpu.memory_space<vmem>>, vector<16xf32>,
    %swap3A_117 = vector.shape_cast %swap3A_116 : vector<16xf32> to vector<16xf32>
    %swap3A_118 = vector.shape_cast %broadcast_in_dim3A_114 : vector<16xf32> to vector<16xf32>
    tpu.vector_store %arg6[%swap3A_115], %swap3A_118 {strides = array<i32>} : memref<640xf32, #tpu.memory_space<vmem>>, vector<16xf32>,
    %broadcast_in_dim3A_119 = arith.constant 0.000000e+00 : f32
    %broadcast_in_dim3A_120 = vector.broadcast %broadcast_in_dim3A_119 : f32 to vector<16xf32>
    %swap3A_121 = arith.constant 320 : index
    %swap3A_122 = tpu.vector_load %arg6[%swap3A_121] {strides = array<i32>} : memref<640xf32, #tpu.memory_space<vmem>>, vector<16xf32>,
    %swap3A_123 = vector.shape_cast %swap3A_122 : vector<16xf32> to vector<16xf32>
    %swap3A_124 = vector.shape_cast %broadcast_in_dim3A_120 : vector<16xf32> to vector<16xf32>
    tpu.vector_store %arg6[%swap3A_121], %swap3A_124 {strides = array<i32>} : memref<640xf32, #tpu.memory_space<vmem>>, vector<16xf32>,
    %broadcast_in_dim3A_125 = arith.constant 0.000000e+00 : f32
    %broadcast_in_dim3A_126 = vector.broadcast %broadcast_in_dim3A_125 : f32 to vector<16xf32>
    %swap3A_127 = arith.constant 336 : index
    %swap3A_128 = tpu.vector_load %arg6[%swap3A_127] {strides = array<i32>} : memref<640xf32, #tpu.memory_space<vmem>>, vector<16xf32>,
    %swap3A_129 = vector.shape_cast %swap3A_128 : vector<16xf32> to vector<16xf32>
    %swap3A_130 = vector.shape_cast %broadcast_in_dim3A_126 : vector<16xf32> to vector<16xf32>
    tpu.vector_store %arg6[%swap3A_127], %swap3A_130 {strides = array<i32>} : memref<640xf32, #tpu.memory_space<vmem>>, vector<16xf32>,
    %broadcast_in_dim3A_131 = arith.constant 0.000000e+00 : f32
    %broadcast_in_dim3A_132 = vector.broadcast %broadcast_in_dim3A_131 : f32 to vector<16xf32>
    %swap3A_133 = arith.constant 352 : index
    %swap3A_134 = tpu.vector_load %arg6[%swap3A_133] {strides = array<i32>} : memref<640xf32, #tpu.memory_space<vmem>>, vector<16xf32>,
    %swap3A_135 = vector.shape_cast %swap3A_134 : vector<16xf32> to vector<16xf32>
    %swap3A_136 = vector.shape_cast %broadcast_in_dim3A_132 : vector<16xf32> to vector<16xf32>
    tpu.vector_store %arg6[%swap3A_133], %swap3A_136 {strides = array<i32>} : memref<640xf32, #tpu.memory_space<vmem>>, vector<16xf32>,
    %broadcast_in_dim3A_137 = arith.constant 0.000000e+00 : f32
    %broadcast_in_dim3A_138 = vector.broadcast %broadcast_in_dim3A_137 : f32 to vector<16xf32>
    %swap3A_139 = arith.constant 368 : index
    %swap3A_140 = tpu.vector_load %arg6[%swap3A_139] {strides = array<i32>} : memref<640xf32, #tpu.memory_space<vmem>>, vector<16xf32>,
    %swap3A_141 = vector.shape_cast %swap3A_140 : vector<16xf32> to vector<16xf32>
    %swap3A_142 = vector.shape_cast %broadcast_in_dim3A_138 : vector<16xf32> to vector<16xf32>
    tpu.vector_store %arg6[%swap3A_139], %swap3A_142 {strides = array<i32>} : memref<640xf32, #tpu.memory_space<vmem>>, vector<16xf32>,
    %broadcast_in_dim3A_143 = arith.constant 0.000000e+00 : f32
    %broadcast_in_dim3A_144 = vector.broadcast %broadcast_in_dim3A_143 : f32 to vector<16xf32>
    %swap3A_145 = arith.constant 384 : index
    %swap3A_146 = tpu.vector_load %arg6[%swap3A_145] {strides = array<i32>} : memref<640xf32, #tpu.memory_space<vmem>>, vector<16xf32>,
    %swap3A_147 = vector.shape_cast %swap3A_146 : vector<16xf32> to vector<16xf32>
    %swap3A_148 = vector.shape_cast %broadcast_in_dim3A_144 : vector<16xf32> to vector<16xf32>
    tpu.vector_store %arg6[%swap3A_145], %swap3A_148 {strides = array<i32>} : memref<640xf32, #tpu.memory_space<vmem>>, vector<16xf32>,
    %broadcast_in_dim3A_149 = arith.constant 0.000000e+00 : f32
    %broadcast_in_dim3A_150 = vector.broadcast %broadcast_in_dim3A_149 : f32 to vector<16xf32>
    %swap3A_151 = arith.constant 400 : index
    %swap3A_152 = tpu.vector_load %arg6[%swap3A_151] {strides = array<i32>} : memref<640xf32, #tpu.memory_space<vmem>>, vector<16xf32>,
    %swap3A_153 = vector.shape_cast %swap3A_152 : vector<16xf32> to vector<16xf32>
    %swap3A_154 = vector.shape_cast %broadcast_in_dim3A_150 : vector<16xf32> to vector<16xf32>
    tpu.vector_store %arg6[%swap3A_151], %swap3A_154 {strides = array<i32>} : memref<640xf32, #tpu.memory_space<vmem>>, vector<16xf32>,
    %broadcast_in_dim3A_155 = arith.constant 0.000000e+00 : f32
    %broadcast_in_dim3A_156 = vector.broadcast %broadcast_in_dim3A_155 : f32 to vector<16xf32>
    %swap3A_157 = arith.constant 416 : index
    %swap3A_158 = tpu.vector_load %arg6[%swap3A_157] {strides = array<i32>} : memref<640xf32, #tpu.memory_space<vmem>>, vector<16xf32>,
    %swap3A_159 = vector.shape_cast %swap3A_158 : vector<16xf32> to vector<16xf32>
    %swap3A_160 = vector.shape_cast %broadcast_in_dim3A_156 : vector<16xf32> to vector<16xf32>
    tpu.vector_store %arg6[%swap3A_157], %swap3A_160 {strides = array<i32>} : memref<640xf32, #tpu.memory_space<vmem>>, vector<16xf32>,
    %broadcast_in_dim3A_161 = arith.constant 0.000000e+00 : f32
    %broadcast_in_dim3A_162 = vector.broadcast %broadcast_in_dim3A_161 : f32 to vector<16xf32>
    %swap3A_163 = arith.constant 432 : index
    %swap3A_164 = tpu.vector_load %arg6[%swap3A_163] {strides = array<i32>} : memref<640xf32, #tpu.memory_space<vmem>>, vector<16xf32>,
    %swap3A_165 = vector.shape_cast %swap3A_164 : vector<16xf32> to vector<16xf32>
    %swap3A_166 = vector.shape_cast %broadcast_in_dim3A_162 : vector<16xf32> to vector<16xf32>
    tpu.vector_store %arg6[%swap3A_163], %swap3A_166 {strides = array<i32>} : memref<640xf32, #tpu.memory_space<vmem>>, vector<16xf32>,
    %broadcast_in_dim3A_167 = arith.constant 0.000000e+00 : f32
    %broadcast_in_dim3A_168 = vector.broadcast %broadcast_in_dim3A_167 : f32 to vector<16xf32>
    %swap3A_169 = arith.constant 448 : index
    %swap3A_170 = tpu.vector_load %arg6[%swap3A_169] {strides = array<i32>} : memref<640xf32, #tpu.memory_space<vmem>>, vector<16xf32>,
    %swap3A_171 = vector.shape_cast %swap3A_170 : vector<16xf32> to vector<16xf32>
    %swap3A_172 = vector.shape_cast %broadcast_in_dim3A_168 : vector<16xf32> to vector<16xf32>
    tpu.vector_store %arg6[%swap3A_169], %swap3A_172 {strides = array<i32>} : memref<640xf32, #tpu.memory_space<vmem>>, vector<16xf32>,
    %broadcast_in_dim3A_173 = arith.constant 0.000000e+00 : f32
    %broadcast_in_dim3A_174 = vector.broadcast %broadcast_in_dim3A_173 : f32 to vector<16xf32>
    %swap3A_175 = arith.constant 464 : index
    %swap3A_176 = tpu.vector_load %arg6[%swap3A_175] {strides = array<i32>} : memref<640xf32, #tpu.memory_space<vmem>>, vector<16xf32>,
    %swap3A_177 = vector.shape_cast %swap3A_176 : vector<16xf32> to vector<16xf32>
    %swap3A_178 = vector.shape_cast %broadcast_in_dim3A_174 : vector<16xf32> to vector<16xf32>
    tpu.vector_store %arg6[%swap3A_175], %swap3A_178 {strides = array<i32>} : memref<640xf32, #tpu.memory_space<vmem>>, vector<16xf32>,
    %broadcast_in_dim3A_179 = arith.constant 0.000000e+00 : f32
    %broadcast_in_dim3A_180 = vector.broadcast %broadcast_in_dim3A_179 : f32 to vector<16xf32>
    %swap3A_181 = arith.constant 480 : index
    %swap3A_182 = tpu.vector_load %arg6[%swap3A_181] {strides = array<i32>} : memref<640xf32, #tpu.memory_space<vmem>>, vector<16xf32>,
    %swap3A_183 = vector.shape_cast %swap3A_182 : vector<16xf32> to vector<16xf32>
    %swap3A_184 = vector.shape_cast %broadcast_in_dim3A_180 : vector<16xf32> to vector<16xf32>
    tpu.vector_store %arg6[%swap3A_181], %swap3A_184 {strides = array<i32>} : memref<640xf32, #tpu.memory_space<vmem>>, vector<16xf32>,
    %broadcast_in_dim3A_185 = arith.constant 0.000000e+00 : f32
    %broadcast_in_dim3A_186 = vector.broadcast %broadcast_in_dim3A_185 : f32 to vector<16xf32>
    %swap3A_187 = arith.constant 496 : index
    %swap3A_188 = tpu.vector_load %arg6[%swap3A_187] {strides = array<i32>} : memref<640xf32, #tpu.memory_space<vmem>>, vector<16xf32>,
    %swap3A_189 = vector.shape_cast %swap3A_188 : vector<16xf32> to vector<16xf32>
    %swap3A_190 = vector.shape_cast %broadcast_in_dim3A_186 : vector<16xf32> to vector<16xf32>
    tpu.vector_store %arg6[%swap3A_187], %swap3A_190 {strides = array<i32>} : memref<640xf32, #tpu.memory_space<vmem>>, vector<16xf32>,
    %broadcast_in_dim3A_191 = arith.constant 0.000000e+00 : f32
    %broadcast_in_dim3A_192 = vector.broadcast %broadcast_in_dim3A_191 : f32 to vector<16xf32>
    %swap3A_193 = arith.constant 512 : index
    %swap3A_194 = tpu.vector_load %arg6[%swap3A_193] {strides = array<i32>} : memref<640xf32, #tpu.memory_space<vmem>>, vector<16xf32>,
    %swap3A_195 = vector.shape_cast %swap3A_194 : vector<16xf32> to vector<16xf32>
    %swap3A_196 = vector.shape_cast %broadcast_in_dim3A_192 : vector<16xf32> to vector<16xf32>
    tpu.vector_store %arg6[%swap3A_193], %swap3A_196 {strides = array<i32>} : memref<640xf32, #tpu.memory_space<vmem>>, vector<16xf32>,
    %broadcast_in_dim3A_197 = arith.constant 0.000000e+00 : f32
    %broadcast_in_dim3A_198 = vector.broadcast %broadcast_in_dim3A_197 : f32 to vector<16xf32>
    %swap3A_199 = arith.constant 528 : index
    %swap3A_200 = tpu.vector_load %arg6[%swap3A_199] {strides = array<i32>} : memref<640xf32, #tpu.memory_space<vmem>>, vector<16xf32>,
    %swap3A_201 = vector.shape_cast %swap3A_200 : vector<16xf32> to vector<16xf32>
    %swap3A_202 = vector.shape_cast %broadcast_in_dim3A_198 : vector<16xf32> to vector<16xf32>
    tpu.vector_store %arg6[%swap3A_199], %swap3A_202 {strides = array<i32>} : memref<640xf32, #tpu.memory_space<vmem>>, vector<16xf32>,
    %broadcast_in_dim3A_203 = arith.constant 0.000000e+00 : f32
    %broadcast_in_dim3A_204 = vector.broadcast %broadcast_in_dim3A_203 : f32 to vector<16xf32>
    %swap3A_205 = arith.constant 544 : index
    %swap3A_206 = tpu.vector_load %arg6[%swap3A_205] {strides = array<i32>} : memref<640xf32, #tpu.memory_space<vmem>>, vector<16xf32>,
    %swap3A_207 = vector.shape_cast %swap3A_206 : vector<16xf32> to vector<16xf32>
    %swap3A_208 = vector.shape_cast %broadcast_in_dim3A_204 : vector<16xf32> to vector<16xf32>
    tpu.vector_store %arg6[%swap3A_205], %swap3A_208 {strides = array<i32>} : memref<640xf32, #tpu.memory_space<vmem>>, vector<16xf32>,
    %broadcast_in_dim3A_209 = arith.constant 0.000000e+00 : f32
    %broadcast_in_dim3A_210 = vector.broadcast %broadcast_in_dim3A_209 : f32 to vector<16xf32>
    %swap3A_211 = arith.constant 560 : index
    %swap3A_212 = tpu.vector_load %arg6[%swap3A_211] {strides = array<i32>} : memref<640xf32, #tpu.memory_space<vmem>>, vector<16xf32>,
    %swap3A_213 = vector.shape_cast %swap3A_212 : vector<16xf32> to vector<16xf32>
    %swap3A_214 = vector.shape_cast %broadcast_in_dim3A_210 : vector<16xf32> to vector<16xf32>
    tpu.vector_store %arg6[%swap3A_211], %swap3A_214 {strides = array<i32>} : memref<640xf32, #tpu.memory_space<vmem>>, vector<16xf32>,
    %broadcast_in_dim3A_215 = arith.constant 0.000000e+00 : f32
    %broadcast_in_dim3A_216 = vector.broadcast %broadcast_in_dim3A_215 : f32 to vector<16xf32>
    %swap3A_217 = arith.constant 576 : index
    %swap3A_218 = tpu.vector_load %arg6[%swap3A_217] {strides = array<i32>} : memref<640xf32, #tpu.memory_space<vmem>>, vector<16xf32>,
    %swap3A_219 = vector.shape_cast %swap3A_218 : vector<16xf32> to vector<16xf32>
    %swap3A_220 = vector.shape_cast %broadcast_in_dim3A_216 : vector<16xf32> to vector<16xf32>
    tpu.vector_store %arg6[%swap3A_217], %swap3A_220 {strides = array<i32>} : memref<640xf32, #tpu.memory_space<vmem>>, vector<16xf32>,
    %broadcast_in_dim3A_221 = arith.constant 0.000000e+00 : f32
    %broadcast_in_dim3A_222 = vector.broadcast %broadcast_in_dim3A_221 : f32 to vector<16xf32>
    %swap3A_223 = arith.constant 592 : index
    %swap3A_224 = tpu.vector_load %arg6[%swap3A_223] {strides = array<i32>} : memref<640xf32, #tpu.memory_space<vmem>>, vector<16xf32>,
    %swap3A_225 = vector.shape_cast %swap3A_224 : vector<16xf32> to vector<16xf32>
    %swap3A_226 = vector.shape_cast %broadcast_in_dim3A_222 : vector<16xf32> to vector<16xf32>
    tpu.vector_store %arg6[%swap3A_223], %swap3A_226 {strides = array<i32>} : memref<640xf32, #tpu.memory_space<vmem>>, vector<16xf32>,
    %broadcast_in_dim3A_227 = arith.constant 0.000000e+00 : f32
    %broadcast_in_dim3A_228 = vector.broadcast %broadcast_in_dim3A_227 : f32 to vector<16xf32>
    %swap3A_229 = arith.constant 608 : index
    %swap3A_230 = tpu.vector_load %arg6[%swap3A_229] {strides = array<i32>} : memref<640xf32, #tpu.memory_space<vmem>>, vector<16xf32>,
    %swap3A_231 = vector.shape_cast %swap3A_230 : vector<16xf32> to vector<16xf32>
    %swap3A_232 = vector.shape_cast %broadcast_in_dim3A_228 : vector<16xf32> to vector<16xf32>
    tpu.vector_store %arg6[%swap3A_229], %swap3A_232 {strides = array<i32>} : memref<640xf32, #tpu.memory_space<vmem>>, vector<16xf32>,
    %broadcast_in_dim3A_233 = arith.constant 0.000000e+00 : f32
    %broadcast_in_dim3A_234 = vector.broadcast %broadcast_in_dim3A_233 : f32 to vector<16xf32>
    %swap3A_235 = arith.constant 624 : index
    %swap3A_236 = tpu.vector_load %arg6[%swap3A_235] {strides = array<i32>} : memref<640xf32, #tpu.memory_space<vmem>>, vector<16xf32>,
    %swap3A_237 = vector.shape_cast %swap3A_236 : vector<16xf32> to vector<16xf32>
    %swap3A_238 = vector.shape_cast %broadcast_in_dim3A_234 : vector<16xf32> to vector<16xf32>
    tpu.vector_store %arg6[%swap3A_235], %swap3A_238 {strides = array<i32>} : memref<640xf32, #tpu.memory_space<vmem>>, vector<16xf32>,
    %broadcast_in_dim3A_239 = arith.constant 1.000000e+00 : f32
    %broadcast_in_dim3A_240 = vector.broadcast %broadcast_in_dim3A_239 : f32 to vector<16xf32>
    %swap3A_241 = arith.constant 0 : index
    %swap3A_242 = tpu.vector_load %arg7[%swap3A_241] {strides = array<i32>} : memref<128xf32, #tpu.memory_space<vmem>>, vector<16xf32>,
    %swap3A_243 = vector.shape_cast %swap3A_242 : vector<16xf32> to vector<16xf32>
    %swap3A_244 = vector.shape_cast %broadcast_in_dim3A_240 : vector<16xf32> to vector<16xf32>
    tpu.vector_store %arg7[%swap3A_241], %swap3A_244 {strides = array<i32>} : memref<128xf32, #tpu.memory_space<vmem>>, vector<16xf32>,
    %broadcast_in_dim3A_245 = arith.constant 1.000000e+00 : f32
    %broadcast_in_dim3A_246 = vector.broadcast %broadcast_in_dim3A_245 : f32 to vector<16xf32>
    %swap3A_247 = arith.constant 16 : index
    %swap3A_248 = tpu.vector_load %arg7[%swap3A_247] {strides = array<i32>} : memref<128xf32, #tpu.memory_space<vmem>>, vector<16xf32>,
    %swap3A_249 = vector.shape_cast %swap3A_248 : vector<16xf32> to vector<16xf32>
    %swap3A_250 = vector.shape_cast %broadcast_in_dim3A_246 : vector<16xf32> to vector<16xf32>
    tpu.vector_store %arg7[%swap3A_247], %swap3A_250 {strides = array<i32>} : memref<128xf32, #tpu.memory_space<vmem>>, vector<16xf32>,
    %broadcast_in_dim3A_251 = arith.constant 1.000000e+00 : f32
    %broadcast_in_dim3A_252 = vector.broadcast %broadcast_in_dim3A_251 : f32 to vector<16xf32>
    %swap3A_253 = arith.constant 32 : index
    %swap3A_254 = tpu.vector_load %arg7[%swap3A_253] {strides = array<i32>} : memref<128xf32, #tpu.memory_space<vmem>>, vector<16xf32>,
    %swap3A_255 = vector.shape_cast %swap3A_254 : vector<16xf32> to vector<16xf32>
    %swap3A_256 = vector.shape_cast %broadcast_in_dim3A_252 : vector<16xf32> to vector<16xf32>
    tpu.vector_store %arg7[%swap3A_253], %swap3A_256 {strides = array<i32>} : memref<128xf32, #tpu.memory_space<vmem>>, vector<16xf32>,
    %broadcast_in_dim3A_257 = arith.constant 1.000000e+00 : f32
    %broadcast_in_dim3A_258 = vector.broadcast %broadcast_in_dim3A_257 : f32 to vector<16xf32>
    %swap3A_259 = arith.constant 48 : index
    %swap3A_260 = tpu.vector_load %arg7[%swap3A_259] {strides = array<i32>} : memref<128xf32, #tpu.memory_space<vmem>>, vector<16xf32>,
    %swap3A_261 = vector.shape_cast %swap3A_260 : vector<16xf32> to vector<16xf32>
    %swap3A_262 = vector.shape_cast %broadcast_in_dim3A_258 : vector<16xf32> to vector<16xf32>
    tpu.vector_store %arg7[%swap3A_259], %swap3A_262 {strides = array<i32>} : memref<128xf32, #tpu.memory_space<vmem>>, vector<16xf32>,
    %broadcast_in_dim3A_263 = arith.constant 1.000000e+00 : f32
    %broadcast_in_dim3A_264 = vector.broadcast %broadcast_in_dim3A_263 : f32 to vector<16xf32>
    %swap3A_265 = arith.constant 64 : index
    %swap3A_266 = tpu.vector_load %arg7[%swap3A_265] {strides = array<i32>} : memref<128xf32, #tpu.memory_space<vmem>>, vector<16xf32>,
    %swap3A_267 = vector.shape_cast %swap3A_266 : vector<16xf32> to vector<16xf32>
    %swap3A_268 = vector.shape_cast %broadcast_in_dim3A_264 : vector<16xf32> to vector<16xf32>
    tpu.vector_store %arg7[%swap3A_265], %swap3A_268 {strides = array<i32>} : memref<128xf32, #tpu.memory_space<vmem>>, vector<16xf32>,
    %broadcast_in_dim3A_269 = arith.constant 1.000000e+00 : f32
    %broadcast_in_dim3A_270 = vector.broadcast %broadcast_in_dim3A_269 : f32 to vector<16xf32>
    %swap3A_271 = arith.constant 80 : index
    %swap3A_272 = tpu.vector_load %arg7[%swap3A_271] {strides = array<i32>} : memref<128xf32, #tpu.memory_space<vmem>>, vector<16xf32>,
    %swap3A_273 = vector.shape_cast %swap3A_272 : vector<16xf32> to vector<16xf32>
    %swap3A_274 = vector.shape_cast %broadcast_in_dim3A_270 : vector<16xf32> to vector<16xf32>
    tpu.vector_store %arg7[%swap3A_271], %swap3A_274 {strides = array<i32>} : memref<128xf32, #tpu.memory_space<vmem>>, vector<16xf32>,
    %broadcast_in_dim3A_275 = arith.constant 1.000000e+00 : f32
    %broadcast_in_dim3A_276 = vector.broadcast %broadcast_in_dim3A_275 : f32 to vector<16xf32>
    %swap3A_277 = arith.constant 96 : index
    %swap3A_278 = tpu.vector_load %arg7[%swap3A_277] {strides = array<i32>} : memref<128xf32, #tpu.memory_space<vmem>>, vector<16xf32>,
    %swap3A_279 = vector.shape_cast %swap3A_278 : vector<16xf32> to vector<16xf32>
    %swap3A_280 = vector.shape_cast %broadcast_in_dim3A_276 : vector<16xf32> to vector<16xf32>
    tpu.vector_store %arg7[%swap3A_277], %swap3A_280 {strides = array<i32>} : memref<128xf32, #tpu.memory_space<vmem>>, vector<16xf32>,
    %broadcast_in_dim3A_281 = arith.constant 1.000000e+00 : f32
    %broadcast_in_dim3A_282 = vector.broadcast %broadcast_in_dim3A_281 : f32 to vector<16xf32>
    %swap3A_283 = arith.constant 112 : index
    %swap3A_284 = tpu.vector_load %arg7[%swap3A_283] {strides = array<i32>} : memref<128xf32, #tpu.memory_space<vmem>>, vector<16xf32>,
    %swap3A_285 = vector.shape_cast %swap3A_284 : vector<16xf32> to vector<16xf32>
    %swap3A_286 = vector.shape_cast %broadcast_in_dim3A_282 : vector<16xf32> to vector<16xf32>
    tpu.vector_store %arg7[%swap3A_283], %swap3A_286 {strides = array<i32>} : memref<128xf32, #tpu.memory_space<vmem>>, vector<16xf32>,
    %mul3A_287 = arith.constant 640 : i32
    %mul3A_288 = arith.muli %arg1, %mul3A_287 : i32
    "tpu.region"() ({
      %run_scoped3A_295 = tpu.sem_alloc : memref<!tpu.dma_semaphore, #tpu.memory_space<semaphore_mem>>
      %dma_start3A = tpu.memref_slice %arg4[%mul3A_288] : memref<10240xf32, #tpu.memory_space<vmem_shared>> -> memref<640xf32, #tpu.memory_space<vmem_shared>>
      %dma_start3A_296 = tpu.memref_slice %arg4[%mul3A_288] : memref<10240xf32, #tpu.memory_space<vmem_shared>> -> memref<640xf32, #tpu.memory_space<vmem_shared>>
      tpu.enqueue_dma source(%arg6 : memref<640xf32, #tpu.memory_space<vmem>>) target(%dma_start3A_296 : memref<640xf32, #tpu.memory_space<vmem_shared>>) target_semaphore(%run_scoped3A_295 : memref<!tpu.dma_semaphore, #tpu.memory_space<semaphore_mem>>)
      %dma_wait3A = tpu.memref_slice %arg4[%mul3A_288] : memref<10240xf32, #tpu.memory_space<vmem_shared>> -> memref<640xf32, #tpu.memory_space<vmem_shared>>
      %dma_wait3A_297 = tpu.memref_slice %arg4[%mul3A_288] : memref<10240xf32, #tpu.memory_space<vmem_shared>> -> memref<640xf32, #tpu.memory_space<vmem_shared>>
      tpu.wait_dma2 semaphore(%run_scoped3A_295 : memref<!tpu.dma_semaphore, #tpu.memory_space<semaphore_mem>>) src(%arg6 : memref<640xf32, #tpu.memory_space<vmem>>) dst(%dma_wait3A_297 : memref<640xf32, #tpu.memory_space<vmem_shared>>)
      tpu.yield
    }) : () -> ()
    "tpu.region"() ({
      %run_scoped3A_295 = tpu.sem_alloc : memref<!tpu.dma_semaphore, #tpu.memory_space<semaphore_mem>>
      %dma_start3A = arith.constant 0 : i32
      %dma_start3A_296 = arith.constant 0 : i32
      %dma_start3A_297 = arith.constant 0 : i32
      %dma_start3A_298 = tpu.memref_slice %arg2[%add3A, %dma_start3A, %dma_start3A_296, %dma_start3A_297] : memref<32x79x1x128xi32, #tpu.memory_space<hbm>> -> memref<1x79x1x128xi32, #tpu.memory_space<hbm>>
      %dma_start3A_299 = tpu.memref_squeeze %dma_start3A_298 : memref<1x79x1x128xi32, #tpu.memory_space<hbm>> -> memref<79x1x128xi32, #tpu.memory_space<hbm>>
      %dma_start3A_300 = arith.constant 0 : i32
      %dma_start3A_301 = arith.constant 0 : i32
      %dma_start3A_302 = arith.constant 0 : i32
      %dma_start3A_303 = tpu.memref_slice %arg2[%add3A, %dma_start3A_300, %dma_start3A_301, %dma_start3A_302] : memref<32x79x1x128xi32, #tpu.memory_space<hbm>> -> memref<1x79x1x128xi32, #tpu.memory_space<hbm>>
      %dma_start3A_304 = tpu.memref_squeeze %dma_start3A_303 : memref<1x79x1x128xi32, #tpu.memory_space<hbm>> -> memref<79x1x128xi32, #tpu.memory_space<hbm>>
      tpu.enqueue_dma source(%dma_start3A_304 : memref<79x1x128xi32, #tpu.memory_space<hbm>>) target(%arg5 : memref<79x1x128xi32, #tpu.memory_space<vmem>>) target_semaphore(%run_scoped3A_295 : memref<!tpu.dma_semaphore, #tpu.memory_space<semaphore_mem>>)
      %dma_wait3A = arith.constant 0 : i32
      %dma_wait3A_305 = arith.constant 0 : i32
      %dma_wait3A_306 = arith.constant 0 : i32
      %dma_wait3A_307 = tpu.memref_slice %arg2[%add3A, %dma_wait3A, %dma_wait3A_305, %dma_wait3A_306] : memref<32x79x1x128xi32, #tpu.memory_space<hbm>> -> memref<1x79x1x128xi32, #tpu.memory_space<hbm>>
      %dma_wait3A_308 = tpu.memref_squeeze %dma_wait3A_307 : memref<1x79x1x128xi32, #tpu.memory_space<hbm>> -> memref<79x1x128xi32, #tpu.memory_space<hbm>>
      %dma_wait3A_309 = arith.constant 0 : i32
      %dma_wait3A_310 = arith.constant 0 : i32
      %dma_wait3A_311 = arith.constant 0 : i32
      %dma_wait3A_312 = tpu.memref_slice %arg2[%add3A, %dma_wait3A_309, %dma_wait3A_310, %dma_wait3A_311] : memref<32x79x1x128xi32, #tpu.memory_space<hbm>> -> memref<1x79x1x128xi32, #tpu.memory_space<hbm>>
      %dma_wait3A_313 = tpu.memref_squeeze %dma_wait3A_312 : memref<1x79x1x128xi32, #tpu.memory_space<hbm>> -> memref<79x1x128xi32, #tpu.memory_space<hbm>>
      tpu.wait_dma2 semaphore(%run_scoped3A_295 : memref<!tpu.dma_semaphore, #tpu.memory_space<semaphore_mem>>) src(%dma_wait3A_313 : memref<79x1x128xi32, #tpu.memory_space<hbm>>) dst(%arg5 : memref<79x1x128xi32, #tpu.memory_space<vmem>>)
      tpu.yield
    }) : () -> ()
    %barrier3A = arith.constant 0 : index
    tpu.barrier barrier_id(%barrier3A)
    %scan3A = arith.constant 0 : i32
    %scan3A_289 = arith.constant 0 : i32
    %scan3A_290 = arith.constant 79 : i32
    %scan3A_291 = arith.addi %scan3A_289, %scan3A_290 : i32
    %scan3A_292 = arith.constant 1 : i32
    scf.for %scan3A_295 = %scan3A_289 to %scan3A_291 step %scan3A_292  : i32 {
      %run_scoped3A_296 = arith.constant 0 : i32
      "tpu.region"() ({
        %run_scoped3A_297 = tpu.sem_alloc : memref<!tpu.dma_semaphore, #tpu.memory_space<semaphore_mem>>
        %dma_start3A = arith.constant 0 : i32
        %dma_start3A_298 = tpu.memref_slice %arg5[%scan3A_295, %run_scoped3A_296, %dma_start3A] : memref<79x1x128xi32, #tpu.memory_space<vmem>> -> memref<1x1x128xi32, #tpu.memory_space<vmem>>
        %dma_start3A_299 = tpu.memref_squeeze %dma_start3A_298 : memref<1x1x128xi32, #tpu.memory_space<vmem>> -> memref<128xi32, #tpu.memory_space<vmem>>
        %dma_start3A_300 = arith.constant 0 : i32
        %dma_start3A_301 = tpu.memref_slice %arg4[%dma_start3A_300] : memref<10240xf32, #tpu.memory_space<vmem_shared>> -> memref<10240xf32, #tpu.memory_space<vmem_shared>>
        tpu.enqueue_indirect_dma source(%arg7 : memref<128xf32, #tpu.memory_space<vmem>>) target(%dma_start3A_301 : memref<10240xf32, #tpu.memory_space<vmem_shared>>) offsets(%dma_start3A_299 : memref<128xi32, #tpu.memory_space<vmem>>) semaphore(%run_scoped3A_297 : memref<!tpu.dma_semaphore, #tpu.memory_space<semaphore_mem>>) {add = true}
        %dma_wait3A = arith.constant 0 : i32
        %dma_wait3A_302 = tpu.memref_slice %arg5[%scan3A_295, %run_scoped3A_296, %dma_wait3A] : memref<79x1x128xi32, #tpu.memory_space<vmem>> -> memref<1x1x128xi32, #tpu.memory_space<vmem>>
        %dma_wait3A_303 = tpu.memref_squeeze %dma_wait3A_302 : memref<1x1x128xi32, #tpu.memory_space<vmem>> -> memref<128xi32, #tpu.memory_space<vmem>>
        %dma_wait3A_304 = arith.constant 0 : i32
        %dma_wait3A_305 = tpu.memref_slice %arg4[%dma_wait3A_304] : memref<10240xf32, #tpu.memory_space<vmem_shared>> -> memref<10240xf32, #tpu.memory_space<vmem_shared>>
        tpu.wait_indirect_dma semaphore(%run_scoped3A_297 : memref<!tpu.dma_semaphore, #tpu.memory_space<semaphore_mem>>) src(%arg7 : memref<128xf32, #tpu.memory_space<vmem>>) dst(%dma_wait3A_305 : memref<10240xf32, #tpu.memory_space<vmem_shared>>)
        tpu.yield
      }) : () -> ()
    }
    %scan3A_293 = arith.constant 79 : i32
    %barrier3A_294 = arith.constant 0 : index
    tpu.barrier barrier_id(%barrier3A_294)
    %run_scoped3A = arith.constant 0 : i32
    "tpu.region"() ({
      %run_scoped3A_295 = tpu.sem_alloc : memref<!tpu.dma_semaphore, #tpu.memory_space<semaphore_mem>>
      %dma_start3A = tpu.memref_slice %arg3[%arg0, %run_scoped3A, %mul3A_288] : memref<2x1x10240xf32, #tpu.memory_space<hbm>> -> memref<1x1x640xf32, #tpu.memory_space<hbm>>
      %dma_start3A_296 = tpu.memref_squeeze %dma_start3A : memref<1x1x640xf32, #tpu.memory_space<hbm>> -> memref<640xf32, #tpu.memory_space<hbm>>
      %dma_start3A_297 = tpu.memref_slice %arg4[%mul3A_288] : memref<10240xf32, #tpu.memory_space<vmem_shared>> -> memref<640xf32, #tpu.memory_space<vmem_shared>>
      tpu.enqueue_dma source(%dma_start3A_297 : memref<640xf32, #tpu.memory_space<vmem_shared>>) target(%dma_start3A_296 : memref<640xf32, #tpu.memory_space<hbm>>) target_semaphore(%run_scoped3A_295 : memref<!tpu.dma_semaphore, #tpu.memory_space<semaphore_mem>>)
      %dma_wait3A = tpu.memref_slice %arg3[%arg0, %run_scoped3A, %mul3A_288] : memref<2x1x10240xf32, #tpu.memory_space<hbm>> -> memref<1x1x640xf32, #tpu.memory_space<hbm>>
      %dma_wait3A_298 = tpu.memref_squeeze %dma_wait3A : memref<1x1x640xf32, #tpu.memory_space<hbm>> -> memref<640xf32, #tpu.memory_space<hbm>>
      %dma_wait3A_299 = tpu.memref_slice %arg4[%mul3A_288] : memref<10240xf32, #tpu.memory_space<vmem_shared>> -> memref<640xf32, #tpu.memory_space<vmem_shared>>
      tpu.wait_dma2 semaphore(%run_scoped3A_295 : memref<!tpu.dma_semaphore, #tpu.memory_space<semaphore_mem>>) src(%dma_wait3A_299 : memref<640xf32, #tpu.memory_space<vmem_shared>>) dst(%dma_wait3A_298 : memref<640xf32, #tpu.memory_space<hbm>>)
      tpu.yield
    }) : () -> ()
    return
  }
}

#map = affine_map<(d0, d1) -> (0, 0)>
#map1 = affine_map<(d0, d1) -> (0, 0, 0, 0)>
#map2 = affine_map<(d0, d1) -> (0, 0, 0)>
module attributes {stable_mosaic.version = 14 : i64} {
  func.func @_agg_kernel(%arg0: i32, %arg1: i32, %arg2: memref<10240x128xf32, #tpu.memory_space<hbm>>, %arg3: memref<32x200x2x50xi32, #tpu.memory_space<hbm>>, %arg4: memref<50x128xf32, #tpu.memory_space<hbm>>, %arg5: memref<2x10240x128xf32, #tpu.memory_space<hbm>>, %arg6: memref<10240x128xf32, #tpu.memory_space<vmem_shared>>, %arg7: memref<2x2x50xi32, #tpu.memory_space<vmem>>, %arg8: memref<2x2x50xi32, #tpu.memory_space<vmem>>, %arg9: memref<2x2x50xi32, #tpu.memory_space<vmem>>, %arg10: memref<2x2x50xi32, #tpu.memory_space<vmem>>, %arg11: memref<2x50x128xf32, #tpu.memory_space<vmem>>, %arg12: memref<2x50x128xf32, #tpu.memory_space<vmem>>, %arg13: memref<!tpu.dma_semaphore, #tpu.memory_space<semaphore_mem>>, %arg14: memref<!tpu.dma_semaphore, #tpu.memory_space<semaphore_mem>>, %arg15: memref<!tpu.dma_semaphore, #tpu.memory_space<semaphore_mem>>, %arg16: memref<!tpu.dma_semaphore, #tpu.memory_space<semaphore_mem>>, %arg17: memref<!tpu.dma_semaphore, #tpu.memory_space<semaphore_mem>>, %arg18: memref<!tpu.dma_semaphore, #tpu.memory_space<semaphore_mem>>, %arg19: memref<!tpu.dma_semaphore, #tpu.memory_space<semaphore_mem>>, %arg20: memref<!tpu.dma_semaphore, #tpu.memory_space<semaphore_mem>>, %arg21: memref<!tpu.dma_semaphore, #tpu.memory_space<semaphore_mem>>, %arg22: memref<!tpu.dma_semaphore, #tpu.memory_space<semaphore_mem>>, %arg23: memref<!tpu.dma_semaphore, #tpu.memory_space<semaphore_mem>>, %arg24: memref<!tpu.dma_semaphore, #tpu.memory_space<semaphore_mem>>) attributes {dimension_semantics = [#tpu.dimension_semantics<core_parallel>, #tpu.dimension_semantics<subcore_parallel>], iteration_bounds = array<i64: 2, 16>, scalar_prefetch = 0 : i64, scratch_operands = 19 : i64, tpu.core_type = #tpu.core_type<sc_vector_subcore>, window_params = [{transform_indices = #map}, {transform_indices = #map1}, {transform_indices = #map}, {transform_indices = #map2}]} {
    %mul3A = arith.constant 16 : i32
    %mul3A_0 = arith.muli %arg0, %mul3A : i32
    %add3A = arith.addi %mul3A_0, %arg1 : i32
    %mul3A_1 = arith.constant 640 : i32
    %mul3A_2 = arith.muli %arg1, %mul3A_1 : i32
    "tpu.region"() ({
      %run_scoped3A = tpu.sem_alloc : memref<!tpu.dma_semaphore, #tpu.memory_space<semaphore_mem>>
      %dma_start3A_935 = arith.constant 0 : i32
      %dma_start3A_936 = tpu.memref_slice %arg6[%mul3A_2, %dma_start3A_935] : memref<10240x128xf32, #tpu.memory_space<vmem_shared>> -> memref<640x128xf32, #tpu.memory_space<vmem_shared>>
      %dma_start3A_937 = arith.constant 0 : i32
      %dma_start3A_938 = tpu.memref_slice %arg2[%mul3A_2, %dma_start3A_937] : memref<10240x128xf32, #tpu.memory_space<hbm>> -> memref<640x128xf32, #tpu.memory_space<hbm>>
      tpu.enqueue_dma source(%dma_start3A_938 : memref<640x128xf32, #tpu.memory_space<hbm>>) target(%dma_start3A_936 : memref<640x128xf32, #tpu.memory_space<vmem_shared>>) target_semaphore(%run_scoped3A : memref<!tpu.dma_semaphore, #tpu.memory_space<semaphore_mem>>)
      %dma_wait3A_939 = arith.constant 0 : i32
      %dma_wait3A_940 = tpu.memref_slice %arg6[%mul3A_2, %dma_wait3A_939] : memref<10240x128xf32, #tpu.memory_space<vmem_shared>> -> memref<640x128xf32, #tpu.memory_space<vmem_shared>>
      %dma_wait3A_941 = arith.constant 0 : i32
      %dma_wait3A_942 = tpu.memref_slice %arg2[%mul3A_2, %dma_wait3A_941] : memref<10240x128xf32, #tpu.memory_space<hbm>> -> memref<640x128xf32, #tpu.memory_space<hbm>>
      tpu.wait_dma2 semaphore(%run_scoped3A : memref<!tpu.dma_semaphore, #tpu.memory_space<semaphore_mem>>) src(%dma_wait3A_942 : memref<640x128xf32, #tpu.memory_space<hbm>>) dst(%dma_wait3A_940 : memref<640x128xf32, #tpu.memory_space<vmem_shared>>)
      tpu.yield
    }) : () -> ()
    %barrier3A = arith.constant 0 : index
    tpu.barrier barrier_id(%barrier3A)
    %dma_start3A = arith.constant 0 : i32
    %dma_start3A_3 = arith.constant 0 : i32
    %dma_start3A_4 = arith.constant 0 : i32
    %dma_start3A_5 = tpu.memref_slice %arg3[%add3A, %dma_start3A, %dma_start3A_3, %dma_start3A_4] : memref<32x200x2x50xi32, #tpu.memory_space<hbm>> -> memref<1x2x2x50xi32, #tpu.memory_space<hbm>>
    %dma_start3A_6 = tpu.memref_squeeze %dma_start3A_5 : memref<1x2x2x50xi32, #tpu.memory_space<hbm>> -> memref<2x2x50xi32, #tpu.memory_space<hbm>>
    %dma_start3A_7 = arith.constant 0 : i32
    %dma_start3A_8 = arith.constant 0 : i32
    %dma_start3A_9 = arith.constant 0 : i32
    %dma_start3A_10 = tpu.memref_slice %arg3[%add3A, %dma_start3A_7, %dma_start3A_8, %dma_start3A_9] : memref<32x200x2x50xi32, #tpu.memory_space<hbm>> -> memref<1x2x2x50xi32, #tpu.memory_space<hbm>>
    %dma_start3A_11 = tpu.memref_squeeze %dma_start3A_10 : memref<1x2x2x50xi32, #tpu.memory_space<hbm>> -> memref<2x2x50xi32, #tpu.memory_space<hbm>>
    tpu.enqueue_dma source(%dma_start3A_11 : memref<2x2x50xi32, #tpu.memory_space<hbm>>) target(%arg7 : memref<2x2x50xi32, #tpu.memory_space<vmem>>) target_semaphore(%arg13 : memref<!tpu.dma_semaphore, #tpu.memory_space<semaphore_mem>>)
    %dma_start3A_12 = arith.constant 2 : i32
    %dma_start3A_13 = arith.constant 0 : i32
    %dma_start3A_14 = arith.constant 0 : i32
    %dma_start3A_15 = tpu.memref_slice %arg3[%add3A, %dma_start3A_12, %dma_start3A_13, %dma_start3A_14] : memref<32x200x2x50xi32, #tpu.memory_space<hbm>> -> memref<1x2x2x50xi32, #tpu.memory_space<hbm>>
    %dma_start3A_16 = tpu.memref_squeeze %dma_start3A_15 : memref<1x2x2x50xi32, #tpu.memory_space<hbm>> -> memref<2x2x50xi32, #tpu.memory_space<hbm>>
    %dma_start3A_17 = arith.constant 2 : i32
    %dma_start3A_18 = arith.constant 0 : i32
    %dma_start3A_19 = arith.constant 0 : i32
    %dma_start3A_20 = tpu.memref_slice %arg3[%add3A, %dma_start3A_17, %dma_start3A_18, %dma_start3A_19] : memref<32x200x2x50xi32, #tpu.memory_space<hbm>> -> memref<1x2x2x50xi32, #tpu.memory_space<hbm>>
    %dma_start3A_21 = tpu.memref_squeeze %dma_start3A_20 : memref<1x2x2x50xi32, #tpu.memory_space<hbm>> -> memref<2x2x50xi32, #tpu.memory_space<hbm>>
    tpu.enqueue_dma source(%dma_start3A_21 : memref<2x2x50xi32, #tpu.memory_space<hbm>>) target(%arg8 : memref<2x2x50xi32, #tpu.memory_space<vmem>>) target_semaphore(%arg14 : memref<!tpu.dma_semaphore, #tpu.memory_space<semaphore_mem>>)
    %dma_start3A_22 = arith.constant 4 : i32
    %dma_start3A_23 = arith.constant 0 : i32
    %dma_start3A_24 = arith.constant 0 : i32
    %dma_start3A_25 = tpu.memref_slice %arg3[%add3A, %dma_start3A_22, %dma_start3A_23, %dma_start3A_24] : memref<32x200x2x50xi32, #tpu.memory_space<hbm>> -> memref<1x2x2x50xi32, #tpu.memory_space<hbm>>
    %dma_start3A_26 = tpu.memref_squeeze %dma_start3A_25 : memref<1x2x2x50xi32, #tpu.memory_space<hbm>> -> memref<2x2x50xi32, #tpu.memory_space<hbm>>
    %dma_start3A_27 = arith.constant 4 : i32
    %dma_start3A_28 = arith.constant 0 : i32
    %dma_start3A_29 = arith.constant 0 : i32
    %dma_start3A_30 = tpu.memref_slice %arg3[%add3A, %dma_start3A_27, %dma_start3A_28, %dma_start3A_29] : memref<32x200x2x50xi32, #tpu.memory_space<hbm>> -> memref<1x2x2x50xi32, #tpu.memory_space<hbm>>
    %dma_start3A_31 = tpu.memref_squeeze %dma_start3A_30 : memref<1x2x2x50xi32, #tpu.memory_space<hbm>> -> memref<2x2x50xi32, #tpu.memory_space<hbm>>
    tpu.enqueue_dma source(%dma_start3A_31 : memref<2x2x50xi32, #tpu.memory_space<hbm>>) target(%arg9 : memref<2x2x50xi32, #tpu.memory_space<vmem>>) target_semaphore(%arg15 : memref<!tpu.dma_semaphore, #tpu.memory_space<semaphore_mem>>)
    %dma_wait3A = arith.constant 0 : i32
    %dma_wait3A_32 = arith.constant 0 : i32
    %dma_wait3A_33 = arith.constant 0 : i32
    %dma_wait3A_34 = tpu.memref_slice %arg3[%add3A, %dma_wait3A, %dma_wait3A_32, %dma_wait3A_33] : memref<32x200x2x50xi32, #tpu.memory_space<hbm>> -> memref<1x2x2x50xi32, #tpu.memory_space<hbm>>
    %dma_wait3A_35 = tpu.memref_squeeze %dma_wait3A_34 : memref<1x2x2x50xi32, #tpu.memory_space<hbm>> -> memref<2x2x50xi32, #tpu.memory_space<hbm>>
    %dma_wait3A_36 = arith.constant 0 : i32
    %dma_wait3A_37 = arith.constant 0 : i32
    %dma_wait3A_38 = arith.constant 0 : i32
    %dma_wait3A_39 = tpu.memref_slice %arg3[%add3A, %dma_wait3A_36, %dma_wait3A_37, %dma_wait3A_38] : memref<32x200x2x50xi32, #tpu.memory_space<hbm>> -> memref<1x2x2x50xi32, #tpu.memory_space<hbm>>
    %dma_wait3A_40 = tpu.memref_squeeze %dma_wait3A_39 : memref<1x2x2x50xi32, #tpu.memory_space<hbm>> -> memref<2x2x50xi32, #tpu.memory_space<hbm>>
    tpu.wait_dma2 semaphore(%arg13 : memref<!tpu.dma_semaphore, #tpu.memory_space<semaphore_mem>>) src(%dma_wait3A_40 : memref<2x2x50xi32, #tpu.memory_space<hbm>>) dst(%arg7 : memref<2x2x50xi32, #tpu.memory_space<vmem>>)
    %dma_start3A_41 = arith.constant 0 : i32
    %dma_start3A_42 = arith.constant 0 : i32
    %dma_start3A_43 = arith.constant 0 : i32
    %dma_start3A_44 = arith.constant 0 : i32
    %dma_start3A_45 = arith.constant 0 : i32
    %dma_start3A_46 = tpu.memref_slice %arg11[%dma_start3A_43, %dma_start3A_44, %dma_start3A_45] : memref<2x50x128xf32, #tpu.memory_space<vmem>> -> memref<1x50x128xf32, #tpu.memory_space<vmem>>
    %dma_start3A_47 = tpu.memref_squeeze %dma_start3A_46 : memref<1x50x128xf32, #tpu.memory_space<vmem>> -> memref<50x128xf32, #tpu.memory_space<vmem>>
    %dma_start3A_48 = arith.constant 0 : i32
    %dma_start3A_49 = tpu.memref_slice %arg7[%dma_start3A_41, %dma_start3A_42, %dma_start3A_48] : memref<2x2x50xi32, #tpu.memory_space<vmem>> -> memref<1x1x50xi32, #tpu.memory_space<vmem>>
    %dma_start3A_50 = tpu.memref_squeeze %dma_start3A_49 : memref<1x1x50xi32, #tpu.memory_space<vmem>> -> memref<50xi32, #tpu.memory_space<vmem>>
    %dma_start3A_51 = arith.constant 0 : i32
    %dma_start3A_52 = arith.constant 0 : i32
    %dma_start3A_53 = tpu.memref_slice %arg2[%dma_start3A_51, %dma_start3A_52] : memref<10240x128xf32, #tpu.memory_space<hbm>> -> memref<10240x128xf32, #tpu.memory_space<hbm>>
    tpu.enqueue_indirect_dma source(%dma_start3A_53 : memref<10240x128xf32, #tpu.memory_space<hbm>>) target(%dma_start3A_47 : memref<50x128xf32, #tpu.memory_space<vmem>>) offsets(%dma_start3A_50 : memref<50xi32, #tpu.memory_space<vmem>>) semaphore(%arg17 : memref<!tpu.dma_semaphore, #tpu.memory_space<semaphore_mem>>)
    %dma_start3A_54 = arith.constant 1 : i32
    %dma_start3A_55 = arith.constant 0 : i32
    %dma_start3A_56 = arith.constant 1 : i32
    %dma_start3A_57 = arith.constant 0 : i32
    %dma_start3A_58 = arith.constant 0 : i32
    %dma_start3A_59 = tpu.memref_slice %arg11[%dma_start3A_56, %dma_start3A_57, %dma_start3A_58] : memref<2x50x128xf32, #tpu.memory_space<vmem>> -> memref<1x50x128xf32, #tpu.memory_space<vmem>>
    %dma_start3A_60 = tpu.memref_squeeze %dma_start3A_59 : memref<1x50x128xf32, #tpu.memory_space<vmem>> -> memref<50x128xf32, #tpu.memory_space<vmem>>
    %dma_start3A_61 = arith.constant 0 : i32
    %dma_start3A_62 = tpu.memref_slice %arg7[%dma_start3A_54, %dma_start3A_55, %dma_start3A_61] : memref<2x2x50xi32, #tpu.memory_space<vmem>> -> memref<1x1x50xi32, #tpu.memory_space<vmem>>
    %dma_start3A_63 = tpu.memref_squeeze %dma_start3A_62 : memref<1x1x50xi32, #tpu.memory_space<vmem>> -> memref<50xi32, #tpu.memory_space<vmem>>
    %dma_start3A_64 = arith.constant 0 : i32
    %dma_start3A_65 = arith.constant 0 : i32
    %dma_start3A_66 = tpu.memref_slice %arg2[%dma_start3A_64, %dma_start3A_65] : memref<10240x128xf32, #tpu.memory_space<hbm>> -> memref<10240x128xf32, #tpu.memory_space<hbm>>
    tpu.enqueue_indirect_dma source(%dma_start3A_66 : memref<10240x128xf32, #tpu.memory_space<hbm>>) target(%dma_start3A_60 : memref<50x128xf32, #tpu.memory_space<vmem>>) offsets(%dma_start3A_63 : memref<50xi32, #tpu.memory_space<vmem>>) semaphore(%arg18 : memref<!tpu.dma_semaphore, #tpu.memory_space<semaphore_mem>>)
    %dma_wait3A_67 = arith.constant 2 : i32
    %dma_wait3A_68 = arith.constant 0 : i32
    %dma_wait3A_69 = arith.constant 0 : i32
    %dma_wait3A_70 = tpu.memref_slice %arg3[%add3A, %dma_wait3A_67, %dma_wait3A_68, %dma_wait3A_69] : memref<32x200x2x50xi32, #tpu.memory_space<hbm>> -> memref<1x2x2x50xi32, #tpu.memory_space<hbm>>
    %dma_wait3A_71 = tpu.memref_squeeze %dma_wait3A_70 : memref<1x2x2x50xi32, #tpu.memory_space<hbm>> -> memref<2x2x50xi32, #tpu.memory_space<hbm>>
    %dma_wait3A_72 = arith.constant 2 : i32
    %dma_wait3A_73 = arith.constant 0 : i32
    %dma_wait3A_74 = arith.constant 0 : i32
    %dma_wait3A_75 = tpu.memref_slice %arg3[%add3A, %dma_wait3A_72, %dma_wait3A_73, %dma_wait3A_74] : memref<32x200x2x50xi32, #tpu.memory_space<hbm>> -> memref<1x2x2x50xi32, #tpu.memory_space<hbm>>
    %dma_wait3A_76 = tpu.memref_squeeze %dma_wait3A_75 : memref<1x2x2x50xi32, #tpu.memory_space<hbm>> -> memref<2x2x50xi32, #tpu.memory_space<hbm>>
    tpu.wait_dma2 semaphore(%arg14 : memref<!tpu.dma_semaphore, #tpu.memory_space<semaphore_mem>>) src(%dma_wait3A_76 : memref<2x2x50xi32, #tpu.memory_space<hbm>>) dst(%arg8 : memref<2x2x50xi32, #tpu.memory_space<vmem>>)
    %dma_start3A_77 = arith.constant 0 : i32
    %dma_start3A_78 = arith.constant 0 : i32
    %dma_start3A_79 = arith.constant 0 : i32
    %dma_start3A_80 = arith.constant 0 : i32
    %dma_start3A_81 = arith.constant 0 : i32
    %dma_start3A_82 = tpu.memref_slice %arg12[%dma_start3A_79, %dma_start3A_80, %dma_start3A_81] : memref<2x50x128xf32, #tpu.memory_space<vmem>> -> memref<1x50x128xf32, #tpu.memory_space<vmem>>
    %dma_start3A_83 = tpu.memref_squeeze %dma_start3A_82 : memref<1x50x128xf32, #tpu.memory_space<vmem>> -> memref<50x128xf32, #tpu.memory_space<vmem>>
    %dma_start3A_84 = arith.constant 0 : i32
    %dma_start3A_85 = tpu.memref_slice %arg8[%dma_start3A_77, %dma_start3A_78, %dma_start3A_84] : memref<2x2x50xi32, #tpu.memory_space<vmem>> -> memref<1x1x50xi32, #tpu.memory_space<vmem>>
    %dma_start3A_86 = tpu.memref_squeeze %dma_start3A_85 : memref<1x1x50xi32, #tpu.memory_space<vmem>> -> memref<50xi32, #tpu.memory_space<vmem>>
    %dma_start3A_87 = arith.constant 0 : i32
    %dma_start3A_88 = arith.constant 0 : i32
    %dma_start3A_89 = tpu.memref_slice %arg2[%dma_start3A_87, %dma_start3A_88] : memref<10240x128xf32, #tpu.memory_space<hbm>> -> memref<10240x128xf32, #tpu.memory_space<hbm>>
    tpu.enqueue_indirect_dma source(%dma_start3A_89 : memref<10240x128xf32, #tpu.memory_space<hbm>>) target(%dma_start3A_83 : memref<50x128xf32, #tpu.memory_space<vmem>>) offsets(%dma_start3A_86 : memref<50xi32, #tpu.memory_space<vmem>>) semaphore(%arg19 : memref<!tpu.dma_semaphore, #tpu.memory_space<semaphore_mem>>)
    %dma_start3A_90 = arith.constant 1 : i32
    %dma_start3A_91 = arith.constant 0 : i32
    %dma_start3A_92 = arith.constant 1 : i32
    %dma_start3A_93 = arith.constant 0 : i32
    %dma_start3A_94 = arith.constant 0 : i32
    %dma_start3A_95 = tpu.memref_slice %arg12[%dma_start3A_92, %dma_start3A_93, %dma_start3A_94] : memref<2x50x128xf32, #tpu.memory_space<vmem>> -> memref<1x50x128xf32, #tpu.memory_space<vmem>>
    %dma_start3A_96 = tpu.memref_squeeze %dma_start3A_95 : memref<1x50x128xf32, #tpu.memory_space<vmem>> -> memref<50x128xf32, #tpu.memory_space<vmem>>
    %dma_start3A_97 = arith.constant 0 : i32
    %dma_start3A_98 = tpu.memref_slice %arg8[%dma_start3A_90, %dma_start3A_91, %dma_start3A_97] : memref<2x2x50xi32, #tpu.memory_space<vmem>> -> memref<1x1x50xi32, #tpu.memory_space<vmem>>
    %dma_start3A_99 = tpu.memref_squeeze %dma_start3A_98 : memref<1x1x50xi32, #tpu.memory_space<vmem>> -> memref<50xi32, #tpu.memory_space<vmem>>
    %dma_start3A_100 = arith.constant 0 : i32
    %dma_start3A_101 = arith.constant 0 : i32
    %dma_start3A_102 = tpu.memref_slice %arg2[%dma_start3A_100, %dma_start3A_101] : memref<10240x128xf32, #tpu.memory_space<hbm>> -> memref<10240x128xf32, #tpu.memory_space<hbm>>
    tpu.enqueue_indirect_dma source(%dma_start3A_102 : memref<10240x128xf32, #tpu.memory_space<hbm>>) target(%dma_start3A_96 : memref<50x128xf32, #tpu.memory_space<vmem>>) offsets(%dma_start3A_99 : memref<50xi32, #tpu.memory_space<vmem>>) semaphore(%arg20 : memref<!tpu.dma_semaphore, #tpu.memory_space<semaphore_mem>>)
    %dma_wait3A_103 = arith.constant 0 : i32
    %dma_wait3A_104 = arith.constant 0 : i32
    %dma_wait3A_105 = arith.constant 0 : i32
    %dma_wait3A_106 = arith.constant 0 : i32
    %dma_wait3A_107 = arith.constant 0 : i32
    %dma_wait3A_108 = tpu.memref_slice %arg11[%dma_wait3A_105, %dma_wait3A_106, %dma_wait3A_107] : memref<2x50x128xf32, #tpu.memory_space<vmem>> -> memref<1x50x128xf32, #tpu.memory_space<vmem>>
    %dma_wait3A_109 = tpu.memref_squeeze %dma_wait3A_108 : memref<1x50x128xf32, #tpu.memory_space<vmem>> -> memref<50x128xf32, #tpu.memory_space<vmem>>
    %dma_wait3A_110 = arith.constant 0 : i32
    %dma_wait3A_111 = tpu.memref_slice %arg7[%dma_wait3A_103, %dma_wait3A_104, %dma_wait3A_110] : memref<2x2x50xi32, #tpu.memory_space<vmem>> -> memref<1x1x50xi32, #tpu.memory_space<vmem>>
    %dma_wait3A_112 = tpu.memref_squeeze %dma_wait3A_111 : memref<1x1x50xi32, #tpu.memory_space<vmem>> -> memref<50xi32, #tpu.memory_space<vmem>>
    %dma_wait3A_113 = arith.constant 0 : i32
    %dma_wait3A_114 = arith.constant 0 : i32
    %dma_wait3A_115 = tpu.memref_slice %arg2[%dma_wait3A_113, %dma_wait3A_114] : memref<10240x128xf32, #tpu.memory_space<hbm>> -> memref<10240x128xf32, #tpu.memory_space<hbm>>
    tpu.wait_indirect_dma semaphore(%arg17 : memref<!tpu.dma_semaphore, #tpu.memory_space<semaphore_mem>>) src(%dma_wait3A_115 : memref<10240x128xf32, #tpu.memory_space<hbm>>) dst(%dma_wait3A_109 : memref<50x128xf32, #tpu.memory_space<vmem>>)
    %dma_start3A_116 = arith.constant 0 : i32
    %dma_start3A_117 = arith.constant 0 : i32
    %dma_start3A_118 = arith.constant 1 : i32
    %dma_start3A_119 = arith.constant 0 : i32
    %dma_start3A_120 = arith.constant 0 : i32
    %dma_start3A_121 = tpu.memref_slice %arg11[%dma_start3A_116, %dma_start3A_119, %dma_start3A_120] : memref<2x50x128xf32, #tpu.memory_space<vmem>> -> memref<1x50x128xf32, #tpu.memory_space<vmem>>
    %dma_start3A_122 = tpu.memref_squeeze %dma_start3A_121 : memref<1x50x128xf32, #tpu.memory_space<vmem>> -> memref<50x128xf32, #tpu.memory_space<vmem>>
    %dma_start3A_123 = arith.constant 0 : i32
    %dma_start3A_124 = tpu.memref_slice %arg7[%dma_start3A_117, %dma_start3A_118, %dma_start3A_123] : memref<2x2x50xi32, #tpu.memory_space<vmem>> -> memref<1x1x50xi32, #tpu.memory_space<vmem>>
    %dma_start3A_125 = tpu.memref_squeeze %dma_start3A_124 : memref<1x1x50xi32, #tpu.memory_space<vmem>> -> memref<50xi32, #tpu.memory_space<vmem>>
    %dma_start3A_126 = arith.constant 0 : i32
    %dma_start3A_127 = arith.constant 0 : i32
    %dma_start3A_128 = tpu.memref_slice %arg6[%dma_start3A_126, %dma_start3A_127] : memref<10240x128xf32, #tpu.memory_space<vmem_shared>> -> memref<10240x128xf32, #tpu.memory_space<vmem_shared>>
    tpu.enqueue_indirect_dma source(%dma_start3A_122 : memref<50x128xf32, #tpu.memory_space<vmem>>) target(%dma_start3A_128 : memref<10240x128xf32, #tpu.memory_space<vmem_shared>>) offsets(%dma_start3A_125 : memref<50xi32, #tpu.memory_space<vmem>>) semaphore(%arg21 : memref<!tpu.dma_semaphore, #tpu.memory_space<semaphore_mem>>) {add = true}
    %dma_wait3A_129 = arith.constant 1 : i32
    %dma_wait3A_130 = arith.constant 0 : i32
    %dma_wait3A_131 = arith.constant 1 : i32
    %dma_wait3A_132 = arith.constant 0 : i32
    %dma_wait3A_133 = arith.constant 0 : i32
    %dma_wait3A_134 = tpu.memref_slice %arg11[%dma_wait3A_131, %dma_wait3A_132, %dma_wait3A_133] : memref<2x50x128xf32, #tpu.memory_space<vmem>> -> memref<1x50x128xf32, #tpu.memory_space<vmem>>
    %dma_wait3A_135 = tpu.memref_squeeze %dma_wait3A_134 : memref<1x50x128xf32, #tpu.memory_space<vmem>> -> memref<50x128xf32, #tpu.memory_space<vmem>>
    %dma_wait3A_136 = arith.constant 0 : i32
    %dma_wait3A_137 = tpu.memref_slice %arg7[%dma_wait3A_129, %dma_wait3A_130, %dma_wait3A_136] : memref<2x2x50xi32, #tpu.memory_space<vmem>> -> memref<1x1x50xi32, #tpu.memory_space<vmem>>
    %dma_wait3A_138 = tpu.memref_squeeze %dma_wait3A_137 : memref<1x1x50xi32, #tpu.memory_space<vmem>> -> memref<50xi32, #tpu.memory_space<vmem>>
    %dma_wait3A_139 = arith.constant 0 : i32
    %dma_wait3A_140 = arith.constant 0 : i32
    %dma_wait3A_141 = tpu.memref_slice %arg2[%dma_wait3A_139, %dma_wait3A_140] : memref<10240x128xf32, #tpu.memory_space<hbm>> -> memref<10240x128xf32, #tpu.memory_space<hbm>>
    tpu.wait_indirect_dma semaphore(%arg18 : memref<!tpu.dma_semaphore, #tpu.memory_space<semaphore_mem>>) src(%dma_wait3A_141 : memref<10240x128xf32, #tpu.memory_space<hbm>>) dst(%dma_wait3A_135 : memref<50x128xf32, #tpu.memory_space<vmem>>)
    %dma_start3A_142 = arith.constant 1 : i32
    %dma_start3A_143 = arith.constant 1 : i32
    %dma_start3A_144 = arith.constant 1 : i32
    %dma_start3A_145 = arith.constant 0 : i32
    %dma_start3A_146 = arith.constant 0 : i32
    %dma_start3A_147 = tpu.memref_slice %arg11[%dma_start3A_142, %dma_start3A_145, %dma_start3A_146] : memref<2x50x128xf32, #tpu.memory_space<vmem>> -> memref<1x50x128xf32, #tpu.memory_space<vmem>>
    %dma_start3A_148 = tpu.memref_squeeze %dma_start3A_147 : memref<1x50x128xf32, #tpu.memory_space<vmem>> -> memref<50x128xf32, #tpu.memory_space<vmem>>
    %dma_start3A_149 = arith.constant 0 : i32
    %dma_start3A_150 = tpu.memref_slice %arg7[%dma_start3A_143, %dma_start3A_144, %dma_start3A_149] : memref<2x2x50xi32, #tpu.memory_space<vmem>> -> memref<1x1x50xi32, #tpu.memory_space<vmem>>
    %dma_start3A_151 = tpu.memref_squeeze %dma_start3A_150 : memref<1x1x50xi32, #tpu.memory_space<vmem>> -> memref<50xi32, #tpu.memory_space<vmem>>
    %dma_start3A_152 = arith.constant 0 : i32
    %dma_start3A_153 = arith.constant 0 : i32
    %dma_start3A_154 = tpu.memref_slice %arg6[%dma_start3A_152, %dma_start3A_153] : memref<10240x128xf32, #tpu.memory_space<vmem_shared>> -> memref<10240x128xf32, #tpu.memory_space<vmem_shared>>
    tpu.enqueue_indirect_dma source(%dma_start3A_148 : memref<50x128xf32, #tpu.memory_space<vmem>>) target(%dma_start3A_154 : memref<10240x128xf32, #tpu.memory_space<vmem_shared>>) offsets(%dma_start3A_151 : memref<50xi32, #tpu.memory_space<vmem>>) semaphore(%arg22 : memref<!tpu.dma_semaphore, #tpu.memory_space<semaphore_mem>>) {add = true}
    %dma_start3A_155 = arith.constant 6 : i32
    %dma_start3A_156 = arith.constant 0 : i32
    %dma_start3A_157 = arith.constant 0 : i32
    %dma_start3A_158 = tpu.memref_slice %arg3[%add3A, %dma_start3A_155, %dma_start3A_156, %dma_start3A_157] : memref<32x200x2x50xi32, #tpu.memory_space<hbm>> -> memref<1x2x2x50xi32, #tpu.memory_space<hbm>>
    %dma_start3A_159 = tpu.memref_squeeze %dma_start3A_158 : memref<1x2x2x50xi32, #tpu.memory_space<hbm>> -> memref<2x2x50xi32, #tpu.memory_space<hbm>>
    %dma_start3A_160 = arith.constant 6 : i32
    %dma_start3A_161 = arith.constant 0 : i32
    %dma_start3A_162 = arith.constant 0 : i32
    %dma_start3A_163 = tpu.memref_slice %arg3[%add3A, %dma_start3A_160, %dma_start3A_161, %dma_start3A_162] : memref<32x200x2x50xi32, #tpu.memory_space<hbm>> -> memref<1x2x2x50xi32, #tpu.memory_space<hbm>>
    %dma_start3A_164 = tpu.memref_squeeze %dma_start3A_163 : memref<1x2x2x50xi32, #tpu.memory_space<hbm>> -> memref<2x2x50xi32, #tpu.memory_space<hbm>>
    tpu.enqueue_dma source(%dma_start3A_164 : memref<2x2x50xi32, #tpu.memory_space<hbm>>) target(%arg10 : memref<2x2x50xi32, #tpu.memory_space<vmem>>) target_semaphore(%arg16 : memref<!tpu.dma_semaphore, #tpu.memory_space<semaphore_mem>>)
    %dma_wait3A_165 = arith.constant 4 : i32
    %dma_wait3A_166 = arith.constant 0 : i32
    %dma_wait3A_167 = arith.constant 0 : i32
    %dma_wait3A_168 = tpu.memref_slice %arg3[%add3A, %dma_wait3A_165, %dma_wait3A_166, %dma_wait3A_167] : memref<32x200x2x50xi32, #tpu.memory_space<hbm>> -> memref<1x2x2x50xi32, #tpu.memory_space<hbm>>
    %dma_wait3A_169 = tpu.memref_squeeze %dma_wait3A_168 : memref<1x2x2x50xi32, #tpu.memory_space<hbm>> -> memref<2x2x50xi32, #tpu.memory_space<hbm>>
    %dma_wait3A_170 = arith.constant 4 : i32
    %dma_wait3A_171 = arith.constant 0 : i32
    %dma_wait3A_172 = arith.constant 0 : i32
    %dma_wait3A_173 = tpu.memref_slice %arg3[%add3A, %dma_wait3A_170, %dma_wait3A_171, %dma_wait3A_172] : memref<32x200x2x50xi32, #tpu.memory_space<hbm>> -> memref<1x2x2x50xi32, #tpu.memory_space<hbm>>
    %dma_wait3A_174 = tpu.memref_squeeze %dma_wait3A_173 : memref<1x2x2x50xi32, #tpu.memory_space<hbm>> -> memref<2x2x50xi32, #tpu.memory_space<hbm>>
    tpu.wait_dma2 semaphore(%arg15 : memref<!tpu.dma_semaphore, #tpu.memory_space<semaphore_mem>>) src(%dma_wait3A_174 : memref<2x2x50xi32, #tpu.memory_space<hbm>>) dst(%arg9 : memref<2x2x50xi32, #tpu.memory_space<vmem>>)
    %dma_wait3A_175 = arith.constant 0 : i32
    %dma_wait3A_176 = arith.constant 0 : i32
    %dma_wait3A_177 = arith.constant 0 : i32
    %dma_wait3A_178 = tpu.memref_slice %arg11[%dma_wait3A_175, %dma_wait3A_176, %dma_wait3A_177] : memref<2x50x128xf32, #tpu.memory_space<vmem>> -> memref<1x50x128xf32, #tpu.memory_space<vmem>>
    %dma_wait3A_179 = tpu.memref_squeeze %dma_wait3A_178 : memref<1x50x128xf32, #tpu.memory_space<vmem>> -> memref<50x128xf32, #tpu.memory_space<vmem>>
    %dma_wait3A_180 = arith.constant 0 : i32
    %dma_wait3A_181 = arith.constant 0 : i32
    %dma_wait3A_182 = tpu.memref_slice %arg11[%dma_wait3A_175, %dma_wait3A_180, %dma_wait3A_181] : memref<2x50x128xf32, #tpu.memory_space<vmem>> -> memref<1x50x128xf32, #tpu.memory_space<vmem>>
    %dma_wait3A_183 = tpu.memref_squeeze %dma_wait3A_182 : memref<1x50x128xf32, #tpu.memory_space<vmem>> -> memref<50x128xf32, #tpu.memory_space<vmem>>
    tpu.wait_dma2 semaphore(%arg21 : memref<!tpu.dma_semaphore, #tpu.memory_space<semaphore_mem>>) src(%arg4 : memref<50x128xf32, #tpu.memory_space<hbm>>) dst(%dma_wait3A_183 : memref<50x128xf32, #tpu.memory_space<vmem>>)
    %dma_start3A_184 = arith.constant 0 : i32
    %dma_start3A_185 = arith.constant 0 : i32
    %dma_start3A_186 = arith.constant 0 : i32
    %dma_start3A_187 = arith.constant 0 : i32
    %dma_start3A_188 = arith.constant 0 : i32
    %dma_start3A_189 = tpu.memref_slice %arg11[%dma_start3A_186, %dma_start3A_187, %dma_start3A_188] : memref<2x50x128xf32, #tpu.memory_space<vmem>> -> memref<1x50x128xf32, #tpu.memory_space<vmem>>
    %dma_start3A_190 = tpu.memref_squeeze %dma_start3A_189 : memref<1x50x128xf32, #tpu.memory_space<vmem>> -> memref<50x128xf32, #tpu.memory_space<vmem>>
    %dma_start3A_191 = arith.constant 0 : i32
    %dma_start3A_192 = tpu.memref_slice %arg9[%dma_start3A_184, %dma_start3A_185, %dma_start3A_191] : memref<2x2x50xi32, #tpu.memory_space<vmem>> -> memref<1x1x50xi32, #tpu.memory_space<vmem>>
    %dma_start3A_193 = tpu.memref_squeeze %dma_start3A_192 : memref<1x1x50xi32, #tpu.memory_space<vmem>> -> memref<50xi32, #tpu.memory_space<vmem>>
    %dma_start3A_194 = arith.constant 0 : i32
    %dma_start3A_195 = arith.constant 0 : i32
    %dma_start3A_196 = tpu.memref_slice %arg2[%dma_start3A_194, %dma_start3A_195] : memref<10240x128xf32, #tpu.memory_space<hbm>> -> memref<10240x128xf32, #tpu.memory_space<hbm>>
    tpu.enqueue_indirect_dma source(%dma_start3A_196 : memref<10240x128xf32, #tpu.memory_space<hbm>>) target(%dma_start3A_190 : memref<50x128xf32, #tpu.memory_space<vmem>>) offsets(%dma_start3A_193 : memref<50xi32, #tpu.memory_space<vmem>>) semaphore(%arg17 : memref<!tpu.dma_semaphore, #tpu.memory_space<semaphore_mem>>)
    %dma_wait3A_197 = arith.constant 1 : i32
    %dma_wait3A_198 = arith.constant 0 : i32
    %dma_wait3A_199 = arith.constant 0 : i32
    %dma_wait3A_200 = tpu.memref_slice %arg11[%dma_wait3A_197, %dma_wait3A_198, %dma_wait3A_199] : memref<2x50x128xf32, #tpu.memory_space<vmem>> -> memref<1x50x128xf32, #tpu.memory_space<vmem>>
    %dma_wait3A_201 = tpu.memref_squeeze %dma_wait3A_200 : memref<1x50x128xf32, #tpu.memory_space<vmem>> -> memref<50x128xf32, #tpu.memory_space<vmem>>
    %dma_wait3A_202 = arith.constant 0 : i32
    %dma_wait3A_203 = arith.constant 0 : i32
    %dma_wait3A_204 = tpu.memref_slice %arg11[%dma_wait3A_197, %dma_wait3A_202, %dma_wait3A_203] : memref<2x50x128xf32, #tpu.memory_space<vmem>> -> memref<1x50x128xf32, #tpu.memory_space<vmem>>
    %dma_wait3A_205 = tpu.memref_squeeze %dma_wait3A_204 : memref<1x50x128xf32, #tpu.memory_space<vmem>> -> memref<50x128xf32, #tpu.memory_space<vmem>>
    tpu.wait_dma2 semaphore(%arg22 : memref<!tpu.dma_semaphore, #tpu.memory_space<semaphore_mem>>) src(%arg4 : memref<50x128xf32, #tpu.memory_space<hbm>>) dst(%dma_wait3A_205 : memref<50x128xf32, #tpu.memory_space<vmem>>)
    %dma_start3A_206 = arith.constant 1 : i32
    %dma_start3A_207 = arith.constant 0 : i32
    %dma_start3A_208 = arith.constant 1 : i32
    %dma_start3A_209 = arith.constant 0 : i32
    %dma_start3A_210 = arith.constant 0 : i32
    %dma_start3A_211 = tpu.memref_slice %arg11[%dma_start3A_208, %dma_start3A_209, %dma_start3A_210] : memref<2x50x128xf32, #tpu.memory_space<vmem>> -> memref<1x50x128xf32, #tpu.memory_space<vmem>>
    %dma_start3A_212 = tpu.memref_squeeze %dma_start3A_211 : memref<1x50x128xf32, #tpu.memory_space<vmem>> -> memref<50x128xf32, #tpu.memory_space<vmem>>
    %dma_start3A_213 = arith.constant 0 : i32
    %dma_start3A_214 = tpu.memref_slice %arg9[%dma_start3A_206, %dma_start3A_207, %dma_start3A_213] : memref<2x2x50xi32, #tpu.memory_space<vmem>> -> memref<1x1x50xi32, #tpu.memory_space<vmem>>
    %dma_start3A_215 = tpu.memref_squeeze %dma_start3A_214 : memref<1x1x50xi32, #tpu.memory_space<vmem>> -> memref<50xi32, #tpu.memory_space<vmem>>
    %dma_start3A_216 = arith.constant 0 : i32
    %dma_start3A_217 = arith.constant 0 : i32
    %dma_start3A_218 = tpu.memref_slice %arg2[%dma_start3A_216, %dma_start3A_217] : memref<10240x128xf32, #tpu.memory_space<hbm>> -> memref<10240x128xf32, #tpu.memory_space<hbm>>
    tpu.enqueue_indirect_dma source(%dma_start3A_218 : memref<10240x128xf32, #tpu.memory_space<hbm>>) target(%dma_start3A_212 : memref<50x128xf32, #tpu.memory_space<vmem>>) offsets(%dma_start3A_215 : memref<50xi32, #tpu.memory_space<vmem>>) semaphore(%arg18 : memref<!tpu.dma_semaphore, #tpu.memory_space<semaphore_mem>>)
    %dma_wait3A_219 = arith.constant 0 : i32
    %dma_wait3A_220 = arith.constant 0 : i32
    %dma_wait3A_221 = arith.constant 0 : i32
    %dma_wait3A_222 = arith.constant 0 : i32
    %dma_wait3A_223 = arith.constant 0 : i32
    %dma_wait3A_224 = tpu.memref_slice %arg12[%dma_wait3A_221, %dma_wait3A_222, %dma_wait3A_223] : memref<2x50x128xf32, #tpu.memory_space<vmem>> -> memref<1x50x128xf32, #tpu.memory_space<vmem>>
    %dma_wait3A_225 = tpu.memref_squeeze %dma_wait3A_224 : memref<1x50x128xf32, #tpu.memory_space<vmem>> -> memref<50x128xf32, #tpu.memory_space<vmem>>
    %dma_wait3A_226 = arith.constant 0 : i32
    %dma_wait3A_227 = tpu.memref_slice %arg8[%dma_wait3A_219, %dma_wait3A_220, %dma_wait3A_226] : memref<2x2x50xi32, #tpu.memory_space<vmem>> -> memref<1x1x50xi32, #tpu.memory_space<vmem>>
    %dma_wait3A_228 = tpu.memref_squeeze %dma_wait3A_227 : memref<1x1x50xi32, #tpu.memory_space<vmem>> -> memref<50xi32, #tpu.memory_space<vmem>>
    %dma_wait3A_229 = arith.constant 0 : i32
    %dma_wait3A_230 = arith.constant 0 : i32
    %dma_wait3A_231 = tpu.memref_slice %arg2[%dma_wait3A_229, %dma_wait3A_230] : memref<10240x128xf32, #tpu.memory_space<hbm>> -> memref<10240x128xf32, #tpu.memory_space<hbm>>
    tpu.wait_indirect_dma semaphore(%arg19 : memref<!tpu.dma_semaphore, #tpu.memory_space<semaphore_mem>>) src(%dma_wait3A_231 : memref<10240x128xf32, #tpu.memory_space<hbm>>) dst(%dma_wait3A_225 : memref<50x128xf32, #tpu.memory_space<vmem>>)
    %dma_start3A_232 = arith.constant 0 : i32
    %dma_start3A_233 = arith.constant 0 : i32
    %dma_start3A_234 = arith.constant 1 : i32
    %dma_start3A_235 = arith.constant 0 : i32
    %dma_start3A_236 = arith.constant 0 : i32
    %dma_start3A_237 = tpu.memref_slice %arg12[%dma_start3A_232, %dma_start3A_235, %dma_start3A_236] : memref<2x50x128xf32, #tpu.memory_space<vmem>> -> memref<1x50x128xf32, #tpu.memory_space<vmem>>
    %dma_start3A_238 = tpu.memref_squeeze %dma_start3A_237 : memref<1x50x128xf32, #tpu.memory_space<vmem>> -> memref<50x128xf32, #tpu.memory_space<vmem>>
    %dma_start3A_239 = arith.constant 0 : i32
    %dma_start3A_240 = tpu.memref_slice %arg8[%dma_start3A_233, %dma_start3A_234, %dma_start3A_239] : memref<2x2x50xi32, #tpu.memory_space<vmem>> -> memref<1x1x50xi32, #tpu.memory_space<vmem>>
    %dma_start3A_241 = tpu.memref_squeeze %dma_start3A_240 : memref<1x1x50xi32, #tpu.memory_space<vmem>> -> memref<50xi32, #tpu.memory_space<vmem>>
    %dma_start3A_242 = arith.constant 0 : i32
    %dma_start3A_243 = arith.constant 0 : i32
    %dma_start3A_244 = tpu.memref_slice %arg6[%dma_start3A_242, %dma_start3A_243] : memref<10240x128xf32, #tpu.memory_space<vmem_shared>> -> memref<10240x128xf32, #tpu.memory_space<vmem_shared>>
    tpu.enqueue_indirect_dma source(%dma_start3A_238 : memref<50x128xf32, #tpu.memory_space<vmem>>) target(%dma_start3A_244 : memref<10240x128xf32, #tpu.memory_space<vmem_shared>>) offsets(%dma_start3A_241 : memref<50xi32, #tpu.memory_space<vmem>>) semaphore(%arg23 : memref<!tpu.dma_semaphore, #tpu.memory_space<semaphore_mem>>) {add = true}
    %dma_wait3A_245 = arith.constant 1 : i32
    %dma_wait3A_246 = arith.constant 0 : i32
    %dma_wait3A_247 = arith.constant 1 : i32
    %dma_wait3A_248 = arith.constant 0 : i32
    %dma_wait3A_249 = arith.constant 0 : i32
    %dma_wait3A_250 = tpu.memref_slice %arg12[%dma_wait3A_247, %dma_wait3A_248, %dma_wait3A_249] : memref<2x50x128xf32, #tpu.memory_space<vmem>> -> memref<1x50x128xf32, #tpu.memory_space<vmem>>
    %dma_wait3A_251 = tpu.memref_squeeze %dma_wait3A_250 : memref<1x50x128xf32, #tpu.memory_space<vmem>> -> memref<50x128xf32, #tpu.memory_space<vmem>>
    %dma_wait3A_252 = arith.constant 0 : i32
    %dma_wait3A_253 = tpu.memref_slice %arg8[%dma_wait3A_245, %dma_wait3A_246, %dma_wait3A_252] : memref<2x2x50xi32, #tpu.memory_space<vmem>> -> memref<1x1x50xi32, #tpu.memory_space<vmem>>
    %dma_wait3A_254 = tpu.memref_squeeze %dma_wait3A_253 : memref<1x1x50xi32, #tpu.memory_space<vmem>> -> memref<50xi32, #tpu.memory_space<vmem>>
    %dma_wait3A_255 = arith.constant 0 : i32
    %dma_wait3A_256 = arith.constant 0 : i32
    %dma_wait3A_257 = tpu.memref_slice %arg2[%dma_wait3A_255, %dma_wait3A_256] : memref<10240x128xf32, #tpu.memory_space<hbm>> -> memref<10240x128xf32, #tpu.memory_space<hbm>>
    tpu.wait_indirect_dma semaphore(%arg20 : memref<!tpu.dma_semaphore, #tpu.memory_space<semaphore_mem>>) src(%dma_wait3A_257 : memref<10240x128xf32, #tpu.memory_space<hbm>>) dst(%dma_wait3A_251 : memref<50x128xf32, #tpu.memory_space<vmem>>)
    %dma_start3A_258 = arith.constant 1 : i32
    %dma_start3A_259 = arith.constant 1 : i32
    %dma_start3A_260 = arith.constant 1 : i32
    %dma_start3A_261 = arith.constant 0 : i32
    %dma_start3A_262 = arith.constant 0 : i32
    %dma_start3A_263 = tpu.memref_slice %arg12[%dma_start3A_258, %dma_start3A_261, %dma_start3A_262] : memref<2x50x128xf32, #tpu.memory_space<vmem>> -> memref<1x50x128xf32, #tpu.memory_space<vmem>>
    %dma_start3A_264 = tpu.memref_squeeze %dma_start3A_263 : memref<1x50x128xf32, #tpu.memory_space<vmem>> -> memref<50x128xf32, #tpu.memory_space<vmem>>
    %dma_start3A_265 = arith.constant 0 : i32
    %dma_start3A_266 = tpu.memref_slice %arg8[%dma_start3A_259, %dma_start3A_260, %dma_start3A_265] : memref<2x2x50xi32, #tpu.memory_space<vmem>> -> memref<1x1x50xi32, #tpu.memory_space<vmem>>
    %dma_start3A_267 = tpu.memref_squeeze %dma_start3A_266 : memref<1x1x50xi32, #tpu.memory_space<vmem>> -> memref<50xi32, #tpu.memory_space<vmem>>
    %dma_start3A_268 = arith.constant 0 : i32
    %dma_start3A_269 = arith.constant 0 : i32
    %dma_start3A_270 = tpu.memref_slice %arg6[%dma_start3A_268, %dma_start3A_269] : memref<10240x128xf32, #tpu.memory_space<vmem_shared>> -> memref<10240x128xf32, #tpu.memory_space<vmem_shared>>
    tpu.enqueue_indirect_dma source(%dma_start3A_264 : memref<50x128xf32, #tpu.memory_space<vmem>>) target(%dma_start3A_270 : memref<10240x128xf32, #tpu.memory_space<vmem_shared>>) offsets(%dma_start3A_267 : memref<50xi32, #tpu.memory_space<vmem>>) semaphore(%arg24 : memref<!tpu.dma_semaphore, #tpu.memory_space<semaphore_mem>>) {add = true}
    %dma_start3A_271 = arith.constant 8 : i32
    %dma_start3A_272 = arith.constant 0 : i32
    %dma_start3A_273 = arith.constant 0 : i32
    %dma_start3A_274 = tpu.memref_slice %arg3[%add3A, %dma_start3A_271, %dma_start3A_272, %dma_start3A_273] : memref<32x200x2x50xi32, #tpu.memory_space<hbm>> -> memref<1x2x2x50xi32, #tpu.memory_space<hbm>>
    %dma_start3A_275 = tpu.memref_squeeze %dma_start3A_274 : memref<1x2x2x50xi32, #tpu.memory_space<hbm>> -> memref<2x2x50xi32, #tpu.memory_space<hbm>>
    %dma_start3A_276 = arith.constant 8 : i32
    %dma_start3A_277 = arith.constant 0 : i32
    %dma_start3A_278 = arith.constant 0 : i32
    %dma_start3A_279 = tpu.memref_slice %arg3[%add3A, %dma_start3A_276, %dma_start3A_277, %dma_start3A_278] : memref<32x200x2x50xi32, #tpu.memory_space<hbm>> -> memref<1x2x2x50xi32, #tpu.memory_space<hbm>>
    %dma_start3A_280 = tpu.memref_squeeze %dma_start3A_279 : memref<1x2x2x50xi32, #tpu.memory_space<hbm>> -> memref<2x2x50xi32, #tpu.memory_space<hbm>>
    tpu.enqueue_dma source(%dma_start3A_280 : memref<2x2x50xi32, #tpu.memory_space<hbm>>) target(%arg7 : memref<2x2x50xi32, #tpu.memory_space<vmem>>) target_semaphore(%arg13 : memref<!tpu.dma_semaphore, #tpu.memory_space<semaphore_mem>>)
    %dma_wait3A_281 = arith.constant 6 : i32
    %dma_wait3A_282 = arith.constant 0 : i32
    %dma_wait3A_283 = arith.constant 0 : i32
    %dma_wait3A_284 = tpu.memref_slice %arg3[%add3A, %dma_wait3A_281, %dma_wait3A_282, %dma_wait3A_283] : memref<32x200x2x50xi32, #tpu.memory_space<hbm>> -> memref<1x2x2x50xi32, #tpu.memory_space<hbm>>
    %dma_wait3A_285 = tpu.memref_squeeze %dma_wait3A_284 : memref<1x2x2x50xi32, #tpu.memory_space<hbm>> -> memref<2x2x50xi32, #tpu.memory_space<hbm>>
    %dma_wait3A_286 = arith.constant 6 : i32
    %dma_wait3A_287 = arith.constant 0 : i32
    %dma_wait3A_288 = arith.constant 0 : i32
    %dma_wait3A_289 = tpu.memref_slice %arg3[%add3A, %dma_wait3A_286, %dma_wait3A_287, %dma_wait3A_288] : memref<32x200x2x50xi32, #tpu.memory_space<hbm>> -> memref<1x2x2x50xi32, #tpu.memory_space<hbm>>
    %dma_wait3A_290 = tpu.memref_squeeze %dma_wait3A_289 : memref<1x2x2x50xi32, #tpu.memory_space<hbm>> -> memref<2x2x50xi32, #tpu.memory_space<hbm>>
    tpu.wait_dma2 semaphore(%arg16 : memref<!tpu.dma_semaphore, #tpu.memory_space<semaphore_mem>>) src(%dma_wait3A_290 : memref<2x2x50xi32, #tpu.memory_space<hbm>>) dst(%arg10 : memref<2x2x50xi32, #tpu.memory_space<vmem>>)
    %dma_wait3A_291 = arith.constant 0 : i32
    %dma_wait3A_292 = arith.constant 0 : i32
    %dma_wait3A_293 = arith.constant 0 : i32
    %dma_wait3A_294 = tpu.memref_slice %arg12[%dma_wait3A_291, %dma_wait3A_292, %dma_wait3A_293] : memref<2x50x128xf32, #tpu.memory_space<vmem>> -> memref<1x50x128xf32, #tpu.memory_space<vmem>>
    %dma_wait3A_295 = tpu.memref_squeeze %dma_wait3A_294 : memref<1x50x128xf32, #tpu.memory_space<vmem>> -> memref<50x128xf32, #tpu.memory_space<vmem>>
    %dma_wait3A_296 = arith.constant 0 : i32
    %dma_wait3A_297 = arith.constant 0 : i32
    %dma_wait3A_298 = tpu.memref_slice %arg12[%dma_wait3A_291, %dma_wait3A_296, %dma_wait3A_297] : memref<2x50x128xf32, #tpu.memory_space<vmem>> -> memref<1x50x128xf32, #tpu.memory_space<vmem>>
    %dma_wait3A_299 = tpu.memref_squeeze %dma_wait3A_298 : memref<1x50x128xf32, #tpu.memory_space<vmem>> -> memref<50x128xf32, #tpu.memory_space<vmem>>
    tpu.wait_dma2 semaphore(%arg23 : memref<!tpu.dma_semaphore, #tpu.memory_space<semaphore_mem>>) src(%arg4 : memref<50x128xf32, #tpu.memory_space<hbm>>) dst(%dma_wait3A_299 : memref<50x128xf32, #tpu.memory_space<vmem>>)
    %dma_start3A_300 = arith.constant 0 : i32
    %dma_start3A_301 = arith.constant 0 : i32
    %dma_start3A_302 = arith.constant 0 : i32
    %dma_start3A_303 = arith.constant 0 : i32
    %dma_start3A_304 = arith.constant 0 : i32
    %dma_start3A_305 = tpu.memref_slice %arg12[%dma_start3A_302, %dma_start3A_303, %dma_start3A_304] : memref<2x50x128xf32, #tpu.memory_space<vmem>> -> memref<1x50x128xf32, #tpu.memory_space<vmem>>
    %dma_start3A_306 = tpu.memref_squeeze %dma_start3A_305 : memref<1x50x128xf32, #tpu.memory_space<vmem>> -> memref<50x128xf32, #tpu.memory_space<vmem>>
    %dma_start3A_307 = arith.constant 0 : i32
    %dma_start3A_308 = tpu.memref_slice %arg10[%dma_start3A_300, %dma_start3A_301, %dma_start3A_307] : memref<2x2x50xi32, #tpu.memory_space<vmem>> -> memref<1x1x50xi32, #tpu.memory_space<vmem>>
    %dma_start3A_309 = tpu.memref_squeeze %dma_start3A_308 : memref<1x1x50xi32, #tpu.memory_space<vmem>> -> memref<50xi32, #tpu.memory_space<vmem>>
    %dma_start3A_310 = arith.constant 0 : i32
    %dma_start3A_311 = arith.constant 0 : i32
    %dma_start3A_312 = tpu.memref_slice %arg2[%dma_start3A_310, %dma_start3A_311] : memref<10240x128xf32, #tpu.memory_space<hbm>> -> memref<10240x128xf32, #tpu.memory_space<hbm>>
    tpu.enqueue_indirect_dma source(%dma_start3A_312 : memref<10240x128xf32, #tpu.memory_space<hbm>>) target(%dma_start3A_306 : memref<50x128xf32, #tpu.memory_space<vmem>>) offsets(%dma_start3A_309 : memref<50xi32, #tpu.memory_space<vmem>>) semaphore(%arg19 : memref<!tpu.dma_semaphore, #tpu.memory_space<semaphore_mem>>)
    %dma_wait3A_313 = arith.constant 1 : i32
    %dma_wait3A_314 = arith.constant 0 : i32
    %dma_wait3A_315 = arith.constant 0 : i32
    %dma_wait3A_316 = tpu.memref_slice %arg12[%dma_wait3A_313, %dma_wait3A_314, %dma_wait3A_315] : memref<2x50x128xf32, #tpu.memory_space<vmem>> -> memref<1x50x128xf32, #tpu.memory_space<vmem>>
    %dma_wait3A_317 = tpu.memref_squeeze %dma_wait3A_316 : memref<1x50x128xf32, #tpu.memory_space<vmem>> -> memref<50x128xf32, #tpu.memory_space<vmem>>
    %dma_wait3A_318 = arith.constant 0 : i32
    %dma_wait3A_319 = arith.constant 0 : i32
    %dma_wait3A_320 = tpu.memref_slice %arg12[%dma_wait3A_313, %dma_wait3A_318, %dma_wait3A_319] : memref<2x50x128xf32, #tpu.memory_space<vmem>> -> memref<1x50x128xf32, #tpu.memory_space<vmem>>
    %dma_wait3A_321 = tpu.memref_squeeze %dma_wait3A_320 : memref<1x50x128xf32, #tpu.memory_space<vmem>> -> memref<50x128xf32, #tpu.memory_space<vmem>>
    tpu.wait_dma2 semaphore(%arg24 : memref<!tpu.dma_semaphore, #tpu.memory_space<semaphore_mem>>) src(%arg4 : memref<50x128xf32, #tpu.memory_space<hbm>>) dst(%dma_wait3A_321 : memref<50x128xf32, #tpu.memory_space<vmem>>)
    %dma_start3A_322 = arith.constant 1 : i32
    %dma_start3A_323 = arith.constant 0 : i32
    %dma_start3A_324 = arith.constant 1 : i32
    %dma_start3A_325 = arith.constant 0 : i32
    %dma_start3A_326 = arith.constant 0 : i32
    %dma_start3A_327 = tpu.memref_slice %arg12[%dma_start3A_324, %dma_start3A_325, %dma_start3A_326] : memref<2x50x128xf32, #tpu.memory_space<vmem>> -> memref<1x50x128xf32, #tpu.memory_space<vmem>>
    %dma_start3A_328 = tpu.memref_squeeze %dma_start3A_327 : memref<1x50x128xf32, #tpu.memory_space<vmem>> -> memref<50x128xf32, #tpu.memory_space<vmem>>
    %dma_start3A_329 = arith.constant 0 : i32
    %dma_start3A_330 = tpu.memref_slice %arg10[%dma_start3A_322, %dma_start3A_323, %dma_start3A_329] : memref<2x2x50xi32, #tpu.memory_space<vmem>> -> memref<1x1x50xi32, #tpu.memory_space<vmem>>
    %dma_start3A_331 = tpu.memref_squeeze %dma_start3A_330 : memref<1x1x50xi32, #tpu.memory_space<vmem>> -> memref<50xi32, #tpu.memory_space<vmem>>
    %dma_start3A_332 = arith.constant 0 : i32
    %dma_start3A_333 = arith.constant 0 : i32
    %dma_start3A_334 = tpu.memref_slice %arg2[%dma_start3A_332, %dma_start3A_333] : memref<10240x128xf32, #tpu.memory_space<hbm>> -> memref<10240x128xf32, #tpu.memory_space<hbm>>
    tpu.enqueue_indirect_dma source(%dma_start3A_334 : memref<10240x128xf32, #tpu.memory_space<hbm>>) target(%dma_start3A_328 : memref<50x128xf32, #tpu.memory_space<vmem>>) offsets(%dma_start3A_331 : memref<50xi32, #tpu.memory_space<vmem>>) semaphore(%arg20 : memref<!tpu.dma_semaphore, #tpu.memory_space<semaphore_mem>>)
    %dma_wait3A_335 = arith.constant 0 : i32
    %dma_wait3A_336 = arith.constant 0 : i32
    %dma_wait3A_337 = arith.constant 0 : i32
    %dma_wait3A_338 = arith.constant 0 : i32
    %dma_wait3A_339 = arith.constant 0 : i32
    %dma_wait3A_340 = tpu.memref_slice %arg11[%dma_wait3A_337, %dma_wait3A_338, %dma_wait3A_339] : memref<2x50x128xf32, #tpu.memory_space<vmem>> -> memref<1x50x128xf32, #tpu.memory_space<vmem>>
    %dma_wait3A_341 = tpu.memref_squeeze %dma_wait3A_340 : memref<1x50x128xf32, #tpu.memory_space<vmem>> -> memref<50x128xf32, #tpu.memory_space<vmem>>
    %dma_wait3A_342 = arith.constant 0 : i32
    %dma_wait3A_343 = tpu.memref_slice %arg9[%dma_wait3A_335, %dma_wait3A_336, %dma_wait3A_342] : memref<2x2x50xi32, #tpu.memory_space<vmem>> -> memref<1x1x50xi32, #tpu.memory_space<vmem>>
    %dma_wait3A_344 = tpu.memref_squeeze %dma_wait3A_343 : memref<1x1x50xi32, #tpu.memory_space<vmem>> -> memref<50xi32, #tpu.memory_space<vmem>>
    %dma_wait3A_345 = arith.constant 0 : i32
    %dma_wait3A_346 = arith.constant 0 : i32
    %dma_wait3A_347 = tpu.memref_slice %arg2[%dma_wait3A_345, %dma_wait3A_346] : memref<10240x128xf32, #tpu.memory_space<hbm>> -> memref<10240x128xf32, #tpu.memory_space<hbm>>
    tpu.wait_indirect_dma semaphore(%arg17 : memref<!tpu.dma_semaphore, #tpu.memory_space<semaphore_mem>>) src(%dma_wait3A_347 : memref<10240x128xf32, #tpu.memory_space<hbm>>) dst(%dma_wait3A_341 : memref<50x128xf32, #tpu.memory_space<vmem>>)
    %dma_start3A_348 = arith.constant 0 : i32
    %dma_start3A_349 = arith.constant 0 : i32
    %dma_start3A_350 = arith.constant 1 : i32
    %dma_start3A_351 = arith.constant 0 : i32
    %dma_start3A_352 = arith.constant 0 : i32
    %dma_start3A_353 = tpu.memref_slice %arg11[%dma_start3A_348, %dma_start3A_351, %dma_start3A_352] : memref<2x50x128xf32, #tpu.memory_space<vmem>> -> memref<1x50x128xf32, #tpu.memory_space<vmem>>
    %dma_start3A_354 = tpu.memref_squeeze %dma_start3A_353 : memref<1x50x128xf32, #tpu.memory_space<vmem>> -> memref<50x128xf32, #tpu.memory_space<vmem>>
    %dma_start3A_355 = arith.constant 0 : i32
    %dma_start3A_356 = tpu.memref_slice %arg9[%dma_start3A_349, %dma_start3A_350, %dma_start3A_355] : memref<2x2x50xi32, #tpu.memory_space<vmem>> -> memref<1x1x50xi32, #tpu.memory_space<vmem>>
    %dma_start3A_357 = tpu.memref_squeeze %dma_start3A_356 : memref<1x1x50xi32, #tpu.memory_space<vmem>> -> memref<50xi32, #tpu.memory_space<vmem>>
    %dma_start3A_358 = arith.constant 0 : i32
    %dma_start3A_359 = arith.constant 0 : i32
    %dma_start3A_360 = tpu.memref_slice %arg6[%dma_start3A_358, %dma_start3A_359] : memref<10240x128xf32, #tpu.memory_space<vmem_shared>> -> memref<10240x128xf32, #tpu.memory_space<vmem_shared>>
    tpu.enqueue_indirect_dma source(%dma_start3A_354 : memref<50x128xf32, #tpu.memory_space<vmem>>) target(%dma_start3A_360 : memref<10240x128xf32, #tpu.memory_space<vmem_shared>>) offsets(%dma_start3A_357 : memref<50xi32, #tpu.memory_space<vmem>>) semaphore(%arg21 : memref<!tpu.dma_semaphore, #tpu.memory_space<semaphore_mem>>) {add = true}
    %dma_wait3A_361 = arith.constant 1 : i32
    %dma_wait3A_362 = arith.constant 0 : i32
    %dma_wait3A_363 = arith.constant 1 : i32
    %dma_wait3A_364 = arith.constant 0 : i32
    %dma_wait3A_365 = arith.constant 0 : i32
    %dma_wait3A_366 = tpu.memref_slice %arg11[%dma_wait3A_363, %dma_wait3A_364, %dma_wait3A_365] : memref<2x50x128xf32, #tpu.memory_space<vmem>> -> memref<1x50x128xf32, #tpu.memory_space<vmem>>
    %dma_wait3A_367 = tpu.memref_squeeze %dma_wait3A_366 : memref<1x50x128xf32, #tpu.memory_space<vmem>> -> memref<50x128xf32, #tpu.memory_space<vmem>>
    %dma_wait3A_368 = arith.constant 0 : i32
    %dma_wait3A_369 = tpu.memref_slice %arg9[%dma_wait3A_361, %dma_wait3A_362, %dma_wait3A_368] : memref<2x2x50xi32, #tpu.memory_space<vmem>> -> memref<1x1x50xi32, #tpu.memory_space<vmem>>
    %dma_wait3A_370 = tpu.memref_squeeze %dma_wait3A_369 : memref<1x1x50xi32, #tpu.memory_space<vmem>> -> memref<50xi32, #tpu.memory_space<vmem>>
    %dma_wait3A_371 = arith.constant 0 : i32
    %dma_wait3A_372 = arith.constant 0 : i32
    %dma_wait3A_373 = tpu.memref_slice %arg2[%dma_wait3A_371, %dma_wait3A_372] : memref<10240x128xf32, #tpu.memory_space<hbm>> -> memref<10240x128xf32, #tpu.memory_space<hbm>>
    tpu.wait_indirect_dma semaphore(%arg18 : memref<!tpu.dma_semaphore, #tpu.memory_space<semaphore_mem>>) src(%dma_wait3A_373 : memref<10240x128xf32, #tpu.memory_space<hbm>>) dst(%dma_wait3A_367 : memref<50x128xf32, #tpu.memory_space<vmem>>)
    %dma_start3A_374 = arith.constant 1 : i32
    %dma_start3A_375 = arith.constant 1 : i32
    %dma_start3A_376 = arith.constant 1 : i32
    %dma_start3A_377 = arith.constant 0 : i32
    %dma_start3A_378 = arith.constant 0 : i32
    %dma_start3A_379 = tpu.memref_slice %arg11[%dma_start3A_374, %dma_start3A_377, %dma_start3A_378] : memref<2x50x128xf32, #tpu.memory_space<vmem>> -> memref<1x50x128xf32, #tpu.memory_space<vmem>>
    %dma_start3A_380 = tpu.memref_squeeze %dma_start3A_379 : memref<1x50x128xf32, #tpu.memory_space<vmem>> -> memref<50x128xf32, #tpu.memory_space<vmem>>
    %dma_start3A_381 = arith.constant 0 : i32
    %dma_start3A_382 = tpu.memref_slice %arg9[%dma_start3A_375, %dma_start3A_376, %dma_start3A_381] : memref<2x2x50xi32, #tpu.memory_space<vmem>> -> memref<1x1x50xi32, #tpu.memory_space<vmem>>
    %dma_start3A_383 = tpu.memref_squeeze %dma_start3A_382 : memref<1x1x50xi32, #tpu.memory_space<vmem>> -> memref<50xi32, #tpu.memory_space<vmem>>
    %dma_start3A_384 = arith.constant 0 : i32
    %dma_start3A_385 = arith.constant 0 : i32
    %dma_start3A_386 = tpu.memref_slice %arg6[%dma_start3A_384, %dma_start3A_385] : memref<10240x128xf32, #tpu.memory_space<vmem_shared>> -> memref<10240x128xf32, #tpu.memory_space<vmem_shared>>
    tpu.enqueue_indirect_dma source(%dma_start3A_380 : memref<50x128xf32, #tpu.memory_space<vmem>>) target(%dma_start3A_386 : memref<10240x128xf32, #tpu.memory_space<vmem_shared>>) offsets(%dma_start3A_383 : memref<50xi32, #tpu.memory_space<vmem>>) semaphore(%arg22 : memref<!tpu.dma_semaphore, #tpu.memory_space<semaphore_mem>>) {add = true}
    %dma_start3A_387 = arith.constant 10 : i32
    %dma_start3A_388 = arith.constant 0 : i32
    %dma_start3A_389 = arith.constant 0 : i32
    %dma_start3A_390 = tpu.memref_slice %arg3[%add3A, %dma_start3A_387, %dma_start3A_388, %dma_start3A_389] : memref<32x200x2x50xi32, #tpu.memory_space<hbm>> -> memref<1x2x2x50xi32, #tpu.memory_space<hbm>>
    %dma_start3A_391 = tpu.memref_squeeze %dma_start3A_390 : memref<1x2x2x50xi32, #tpu.memory_space<hbm>> -> memref<2x2x50xi32, #tpu.memory_space<hbm>>
    %dma_start3A_392 = arith.constant 10 : i32
    %dma_start3A_393 = arith.constant 0 : i32
    %dma_start3A_394 = arith.constant 0 : i32
    %dma_start3A_395 = tpu.memref_slice %arg3[%add3A, %dma_start3A_392, %dma_start3A_393, %dma_start3A_394] : memref<32x200x2x50xi32, #tpu.memory_space<hbm>> -> memref<1x2x2x50xi32, #tpu.memory_space<hbm>>
    %dma_start3A_396 = tpu.memref_squeeze %dma_start3A_395 : memref<1x2x2x50xi32, #tpu.memory_space<hbm>> -> memref<2x2x50xi32, #tpu.memory_space<hbm>>
    tpu.enqueue_dma source(%dma_start3A_396 : memref<2x2x50xi32, #tpu.memory_space<hbm>>) target(%arg8 : memref<2x2x50xi32, #tpu.memory_space<vmem>>) target_semaphore(%arg14 : memref<!tpu.dma_semaphore, #tpu.memory_space<semaphore_mem>>)
    %dma_wait3A_397 = arith.constant 8 : i32
    %dma_wait3A_398 = arith.constant 0 : i32
    %dma_wait3A_399 = arith.constant 0 : i32
    %dma_wait3A_400 = tpu.memref_slice %arg3[%add3A, %dma_wait3A_397, %dma_wait3A_398, %dma_wait3A_399] : memref<32x200x2x50xi32, #tpu.memory_space<hbm>> -> memref<1x2x2x50xi32, #tpu.memory_space<hbm>>
    %dma_wait3A_401 = tpu.memref_squeeze %dma_wait3A_400 : memref<1x2x2x50xi32, #tpu.memory_space<hbm>> -> memref<2x2x50xi32, #tpu.memory_space<hbm>>
    %dma_wait3A_402 = arith.constant 8 : i32
    %dma_wait3A_403 = arith.constant 0 : i32
    %dma_wait3A_404 = arith.constant 0 : i32
    %dma_wait3A_405 = tpu.memref_slice %arg3[%add3A, %dma_wait3A_402, %dma_wait3A_403, %dma_wait3A_404] : memref<32x200x2x50xi32, #tpu.memory_space<hbm>> -> memref<1x2x2x50xi32, #tpu.memory_space<hbm>>
    %dma_wait3A_406 = tpu.memref_squeeze %dma_wait3A_405 : memref<1x2x2x50xi32, #tpu.memory_space<hbm>> -> memref<2x2x50xi32, #tpu.memory_space<hbm>>
    tpu.wait_dma2 semaphore(%arg13 : memref<!tpu.dma_semaphore, #tpu.memory_space<semaphore_mem>>) src(%dma_wait3A_406 : memref<2x2x50xi32, #tpu.memory_space<hbm>>) dst(%arg7 : memref<2x2x50xi32, #tpu.memory_space<vmem>>)
    %dma_wait3A_407 = arith.constant 0 : i32
    %dma_wait3A_408 = arith.constant 0 : i32
    %dma_wait3A_409 = arith.constant 0 : i32
    %dma_wait3A_410 = tpu.memref_slice %arg11[%dma_wait3A_407, %dma_wait3A_408, %dma_wait3A_409] : memref<2x50x128xf32, #tpu.memory_space<vmem>> -> memref<1x50x128xf32, #tpu.memory_space<vmem>>
    %dma_wait3A_411 = tpu.memref_squeeze %dma_wait3A_410 : memref<1x50x128xf32, #tpu.memory_space<vmem>> -> memref<50x128xf32, #tpu.memory_space<vmem>>
    %dma_wait3A_412 = arith.constant 0 : i32
    %dma_wait3A_413 = arith.constant 0 : i32
    %dma_wait3A_414 = tpu.memref_slice %arg11[%dma_wait3A_407, %dma_wait3A_412, %dma_wait3A_413] : memref<2x50x128xf32, #tpu.memory_space<vmem>> -> memref<1x50x128xf32, #tpu.memory_space<vmem>>
    %dma_wait3A_415 = tpu.memref_squeeze %dma_wait3A_414 : memref<1x50x128xf32, #tpu.memory_space<vmem>> -> memref<50x128xf32, #tpu.memory_space<vmem>>
    tpu.wait_dma2 semaphore(%arg21 : memref<!tpu.dma_semaphore, #tpu.memory_space<semaphore_mem>>) src(%arg4 : memref<50x128xf32, #tpu.memory_space<hbm>>) dst(%dma_wait3A_415 : memref<50x128xf32, #tpu.memory_space<vmem>>)
    %dma_start3A_416 = arith.constant 0 : i32
    %dma_start3A_417 = arith.constant 0 : i32
    %dma_start3A_418 = arith.constant 0 : i32
    %dma_start3A_419 = arith.constant 0 : i32
    %dma_start3A_420 = arith.constant 0 : i32
    %dma_start3A_421 = tpu.memref_slice %arg11[%dma_start3A_418, %dma_start3A_419, %dma_start3A_420] : memref<2x50x128xf32, #tpu.memory_space<vmem>> -> memref<1x50x128xf32, #tpu.memory_space<vmem>>
    %dma_start3A_422 = tpu.memref_squeeze %dma_start3A_421 : memref<1x50x128xf32, #tpu.memory_space<vmem>> -> memref<50x128xf32, #tpu.memory_space<vmem>>
    %dma_start3A_423 = arith.constant 0 : i32
    %dma_start3A_424 = tpu.memref_slice %arg7[%dma_start3A_416, %dma_start3A_417, %dma_start3A_423] : memref<2x2x50xi32, #tpu.memory_space<vmem>> -> memref<1x1x50xi32, #tpu.memory_space<vmem>>
    %dma_start3A_425 = tpu.memref_squeeze %dma_start3A_424 : memref<1x1x50xi32, #tpu.memory_space<vmem>> -> memref<50xi32, #tpu.memory_space<vmem>>
    %dma_start3A_426 = arith.constant 0 : i32
    %dma_start3A_427 = arith.constant 0 : i32
    %dma_start3A_428 = tpu.memref_slice %arg2[%dma_start3A_426, %dma_start3A_427] : memref<10240x128xf32, #tpu.memory_space<hbm>> -> memref<10240x128xf32, #tpu.memory_space<hbm>>
    tpu.enqueue_indirect_dma source(%dma_start3A_428 : memref<10240x128xf32, #tpu.memory_space<hbm>>) target(%dma_start3A_422 : memref<50x128xf32, #tpu.memory_space<vmem>>) offsets(%dma_start3A_425 : memref<50xi32, #tpu.memory_space<vmem>>) semaphore(%arg17 : memref<!tpu.dma_semaphore, #tpu.memory_space<semaphore_mem>>)
    %dma_wait3A_429 = arith.constant 1 : i32
    %dma_wait3A_430 = arith.constant 0 : i32
    %dma_wait3A_431 = arith.constant 0 : i32
    %dma_wait3A_432 = tpu.memref_slice %arg11[%dma_wait3A_429, %dma_wait3A_430, %dma_wait3A_431] : memref<2x50x128xf32, #tpu.memory_space<vmem>> -> memref<1x50x128xf32, #tpu.memory_space<vmem>>
    %dma_wait3A_433 = tpu.memref_squeeze %dma_wait3A_432 : memref<1x50x128xf32, #tpu.memory_space<vmem>> -> memref<50x128xf32, #tpu.memory_space<vmem>>
    %dma_wait3A_434 = arith.constant 0 : i32
    %dma_wait3A_435 = arith.constant 0 : i32
    %dma_wait3A_436 = tpu.memref_slice %arg11[%dma_wait3A_429, %dma_wait3A_434, %dma_wait3A_435] : memref<2x50x128xf32, #tpu.memory_space<vmem>> -> memref<1x50x128xf32, #tpu.memory_space<vmem>>
    %dma_wait3A_437 = tpu.memref_squeeze %dma_wait3A_436 : memref<1x50x128xf32, #tpu.memory_space<vmem>> -> memref<50x128xf32, #tpu.memory_space<vmem>>
    tpu.wait_dma2 semaphore(%arg22 : memref<!tpu.dma_semaphore, #tpu.memory_space<semaphore_mem>>) src(%arg4 : memref<50x128xf32, #tpu.memory_space<hbm>>) dst(%dma_wait3A_437 : memref<50x128xf32, #tpu.memory_space<vmem>>)
    %dma_start3A_438 = arith.constant 1 : i32
    %dma_start3A_439 = arith.constant 0 : i32
    %dma_start3A_440 = arith.constant 1 : i32
    %dma_start3A_441 = arith.constant 0 : i32
    %dma_start3A_442 = arith.constant 0 : i32
    %dma_start3A_443 = tpu.memref_slice %arg11[%dma_start3A_440, %dma_start3A_441, %dma_start3A_442] : memref<2x50x128xf32, #tpu.memory_space<vmem>> -> memref<1x50x128xf32, #tpu.memory_space<vmem>>
    %dma_start3A_444 = tpu.memref_squeeze %dma_start3A_443 : memref<1x50x128xf32, #tpu.memory_space<vmem>> -> memref<50x128xf32, #tpu.memory_space<vmem>>
    %dma_start3A_445 = arith.constant 0 : i32
    %dma_start3A_446 = tpu.memref_slice %arg7[%dma_start3A_438, %dma_start3A_439, %dma_start3A_445] : memref<2x2x50xi32, #tpu.memory_space<vmem>> -> memref<1x1x50xi32, #tpu.memory_space<vmem>>
    %dma_start3A_447 = tpu.memref_squeeze %dma_start3A_446 : memref<1x1x50xi32, #tpu.memory_space<vmem>> -> memref<50xi32, #tpu.memory_space<vmem>>
    %dma_start3A_448 = arith.constant 0 : i32
    %dma_start3A_449 = arith.constant 0 : i32
    %dma_start3A_450 = tpu.memref_slice %arg2[%dma_start3A_448, %dma_start3A_449] : memref<10240x128xf32, #tpu.memory_space<hbm>> -> memref<10240x128xf32, #tpu.memory_space<hbm>>
    tpu.enqueue_indirect_dma source(%dma_start3A_450 : memref<10240x128xf32, #tpu.memory_space<hbm>>) target(%dma_start3A_444 : memref<50x128xf32, #tpu.memory_space<vmem>>) offsets(%dma_start3A_447 : memref<50xi32, #tpu.memory_space<vmem>>) semaphore(%arg18 : memref<!tpu.dma_semaphore, #tpu.memory_space<semaphore_mem>>)
    %dma_wait3A_451 = arith.constant 0 : i32
    %dma_wait3A_452 = arith.constant 0 : i32
    %dma_wait3A_453 = arith.constant 0 : i32
    %dma_wait3A_454 = arith.constant 0 : i32
    %dma_wait3A_455 = arith.constant 0 : i32
    %dma_wait3A_456 = tpu.memref_slice %arg12[%dma_wait3A_453, %dma_wait3A_454, %dma_wait3A_455] : memref<2x50x128xf32, #tpu.memory_space<vmem>> -> memref<1x50x128xf32, #tpu.memory_space<vmem>>
    %dma_wait3A_457 = tpu.memref_squeeze %dma_wait3A_456 : memref<1x50x128xf32, #tpu.memory_space<vmem>> -> memref<50x128xf32, #tpu.memory_space<vmem>>
    %dma_wait3A_458 = arith.constant 0 : i32
    %dma_wait3A_459 = tpu.memref_slice %arg10[%dma_wait3A_451, %dma_wait3A_452, %dma_wait3A_458] : memref<2x2x50xi32, #tpu.memory_space<vmem>> -> memref<1x1x50xi32, #tpu.memory_space<vmem>>
    %dma_wait3A_460 = tpu.memref_squeeze %dma_wait3A_459 : memref<1x1x50xi32, #tpu.memory_space<vmem>> -> memref<50xi32, #tpu.memory_space<vmem>>
    %dma_wait3A_461 = arith.constant 0 : i32
    %dma_wait3A_462 = arith.constant 0 : i32
    %dma_wait3A_463 = tpu.memref_slice %arg2[%dma_wait3A_461, %dma_wait3A_462] : memref<10240x128xf32, #tpu.memory_space<hbm>> -> memref<10240x128xf32, #tpu.memory_space<hbm>>
    tpu.wait_indirect_dma semaphore(%arg19 : memref<!tpu.dma_semaphore, #tpu.memory_space<semaphore_mem>>) src(%dma_wait3A_463 : memref<10240x128xf32, #tpu.memory_space<hbm>>) dst(%dma_wait3A_457 : memref<50x128xf32, #tpu.memory_space<vmem>>)
    %dma_start3A_464 = arith.constant 0 : i32
    %dma_start3A_465 = arith.constant 0 : i32
    %dma_start3A_466 = arith.constant 1 : i32
    %dma_start3A_467 = arith.constant 0 : i32
    %dma_start3A_468 = arith.constant 0 : i32
    %dma_start3A_469 = tpu.memref_slice %arg12[%dma_start3A_464, %dma_start3A_467, %dma_start3A_468] : memref<2x50x128xf32, #tpu.memory_space<vmem>> -> memref<1x50x128xf32, #tpu.memory_space<vmem>>
    %dma_start3A_470 = tpu.memref_squeeze %dma_start3A_469 : memref<1x50x128xf32, #tpu.memory_space<vmem>> -> memref<50x128xf32, #tpu.memory_space<vmem>>
    %dma_start3A_471 = arith.constant 0 : i32
    %dma_start3A_472 = tpu.memref_slice %arg10[%dma_start3A_465, %dma_start3A_466, %dma_start3A_471] : memref<2x2x50xi32, #tpu.memory_space<vmem>> -> memref<1x1x50xi32, #tpu.memory_space<vmem>>
    %dma_start3A_473 = tpu.memref_squeeze %dma_start3A_472 : memref<1x1x50xi32, #tpu.memory_space<vmem>> -> memref<50xi32, #tpu.memory_space<vmem>>
    %dma_start3A_474 = arith.constant 0 : i32
    %dma_start3A_475 = arith.constant 0 : i32
    %dma_start3A_476 = tpu.memref_slice %arg6[%dma_start3A_474, %dma_start3A_475] : memref<10240x128xf32, #tpu.memory_space<vmem_shared>> -> memref<10240x128xf32, #tpu.memory_space<vmem_shared>>
    tpu.enqueue_indirect_dma source(%dma_start3A_470 : memref<50x128xf32, #tpu.memory_space<vmem>>) target(%dma_start3A_476 : memref<10240x128xf32, #tpu.memory_space<vmem_shared>>) offsets(%dma_start3A_473 : memref<50xi32, #tpu.memory_space<vmem>>) semaphore(%arg23 : memref<!tpu.dma_semaphore, #tpu.memory_space<semaphore_mem>>) {add = true}
    %dma_wait3A_477 = arith.constant 1 : i32
    %dma_wait3A_478 = arith.constant 0 : i32
    %dma_wait3A_479 = arith.constant 1 : i32
    %dma_wait3A_480 = arith.constant 0 : i32
    %dma_wait3A_481 = arith.constant 0 : i32
    %dma_wait3A_482 = tpu.memref_slice %arg12[%dma_wait3A_479, %dma_wait3A_480, %dma_wait3A_481] : memref<2x50x128xf32, #tpu.memory_space<vmem>> -> memref<1x50x128xf32, #tpu.memory_space<vmem>>
    %dma_wait3A_483 = tpu.memref_squeeze %dma_wait3A_482 : memref<1x50x128xf32, #tpu.memory_space<vmem>> -> memref<50x128xf32, #tpu.memory_space<vmem>>
    %dma_wait3A_484 = arith.constant 0 : i32
    %dma_wait3A_485 = tpu.memref_slice %arg10[%dma_wait3A_477, %dma_wait3A_478, %dma_wait3A_484] : memref<2x2x50xi32, #tpu.memory_space<vmem>> -> memref<1x1x50xi32, #tpu.memory_space<vmem>>
    %dma_wait3A_486 = tpu.memref_squeeze %dma_wait3A_485 : memref<1x1x50xi32, #tpu.memory_space<vmem>> -> memref<50xi32, #tpu.memory_space<vmem>>
    %dma_wait3A_487 = arith.constant 0 : i32
    %dma_wait3A_488 = arith.constant 0 : i32
    %dma_wait3A_489 = tpu.memref_slice %arg2[%dma_wait3A_487, %dma_wait3A_488] : memref<10240x128xf32, #tpu.memory_space<hbm>> -> memref<10240x128xf32, #tpu.memory_space<hbm>>
    tpu.wait_indirect_dma semaphore(%arg20 : memref<!tpu.dma_semaphore, #tpu.memory_space<semaphore_mem>>) src(%dma_wait3A_489 : memref<10240x128xf32, #tpu.memory_space<hbm>>) dst(%dma_wait3A_483 : memref<50x128xf32, #tpu.memory_space<vmem>>)
    %dma_start3A_490 = arith.constant 1 : i32
    %dma_start3A_491 = arith.constant 1 : i32
    %dma_start3A_492 = arith.constant 1 : i32
    %dma_start3A_493 = arith.constant 0 : i32
    %dma_start3A_494 = arith.constant 0 : i32
    %dma_start3A_495 = tpu.memref_slice %arg12[%dma_start3A_490, %dma_start3A_493, %dma_start3A_494] : memref<2x50x128xf32, #tpu.memory_space<vmem>> -> memref<1x50x128xf32, #tpu.memory_space<vmem>>
    %dma_start3A_496 = tpu.memref_squeeze %dma_start3A_495 : memref<1x50x128xf32, #tpu.memory_space<vmem>> -> memref<50x128xf32, #tpu.memory_space<vmem>>
    %dma_start3A_497 = arith.constant 0 : i32
    %dma_start3A_498 = tpu.memref_slice %arg10[%dma_start3A_491, %dma_start3A_492, %dma_start3A_497] : memref<2x2x50xi32, #tpu.memory_space<vmem>> -> memref<1x1x50xi32, #tpu.memory_space<vmem>>
    %dma_start3A_499 = tpu.memref_squeeze %dma_start3A_498 : memref<1x1x50xi32, #tpu.memory_space<vmem>> -> memref<50xi32, #tpu.memory_space<vmem>>
    %dma_start3A_500 = arith.constant 0 : i32
    %dma_start3A_501 = arith.constant 0 : i32
    %dma_start3A_502 = tpu.memref_slice %arg6[%dma_start3A_500, %dma_start3A_501] : memref<10240x128xf32, #tpu.memory_space<vmem_shared>> -> memref<10240x128xf32, #tpu.memory_space<vmem_shared>>
    tpu.enqueue_indirect_dma source(%dma_start3A_496 : memref<50x128xf32, #tpu.memory_space<vmem>>) target(%dma_start3A_502 : memref<10240x128xf32, #tpu.memory_space<vmem_shared>>) offsets(%dma_start3A_499 : memref<50xi32, #tpu.memory_space<vmem>>) semaphore(%arg24 : memref<!tpu.dma_semaphore, #tpu.memory_space<semaphore_mem>>) {add = true}
    %dma_start3A_503 = arith.constant 12 : i32
    %dma_start3A_504 = arith.constant 0 : i32
    %dma_start3A_505 = arith.constant 0 : i32
    %dma_start3A_506 = tpu.memref_slice %arg3[%add3A, %dma_start3A_503, %dma_start3A_504, %dma_start3A_505] : memref<32x200x2x50xi32, #tpu.memory_space<hbm>> -> memref<1x2x2x50xi32, #tpu.memory_space<hbm>>
    %dma_start3A_507 = tpu.memref_squeeze %dma_start3A_506 : memref<1x2x2x50xi32, #tpu.memory_space<hbm>> -> memref<2x2x50xi32, #tpu.memory_space<hbm>>
    %dma_start3A_508 = arith.constant 12 : i32
    %dma_start3A_509 = arith.constant 0 : i32
    %dma_start3A_510 = arith.constant 0 : i32
    %dma_start3A_511 = tpu.memref_slice %arg3[%add3A, %dma_start3A_508, %dma_start3A_509, %dma_start3A_510] : memref<32x200x2x50xi32, #tpu.memory_space<hbm>> -> memref<1x2x2x50xi32, #tpu.memory_space<hbm>>
    %dma_start3A_512 = tpu.memref_squeeze %dma_start3A_511 : memref<1x2x2x50xi32, #tpu.memory_space<hbm>> -> memref<2x2x50xi32, #tpu.memory_space<hbm>>
    tpu.enqueue_dma source(%dma_start3A_512 : memref<2x2x50xi32, #tpu.memory_space<hbm>>) target(%arg9 : memref<2x2x50xi32, #tpu.memory_space<vmem>>) target_semaphore(%arg15 : memref<!tpu.dma_semaphore, #tpu.memory_space<semaphore_mem>>)
    %scan3A = arith.constant 0 : i32
    %scan3A_513 = arith.constant 1 : i32
    %scan3A_514 = arith.constant 23 : i32
    %scan3A_515 = arith.addi %scan3A_513, %scan3A_514 : i32
    %scan3A_516 = arith.constant 1 : i32
    scf.for %scan3A_935 = %scan3A_513 to %scan3A_515 step %scan3A_516  : i32 {
      %mul3A_936 = arith.constant 4 : i32
      %mul3A_937 = arith.muli %mul3A_936, %scan3A_935 : i32
      %add3A_938 = arith.constant 0 : i32
      %add3A_939 = arith.addi %mul3A_937, %add3A_938 : i32
      %add3A_940 = arith.constant 1 : i32
      %add3A_941 = arith.addi %add3A_939, %add3A_940 : i32
      %mul3A_942 = arith.constant 2 : i32
      %mul3A_943 = arith.muli %add3A_941, %mul3A_942 : i32
      %dma_wait3A_944 = arith.constant 0 : i32
      %dma_wait3A_945 = arith.constant 0 : i32
      %dma_wait3A_946 = tpu.memref_slice %arg3[%add3A, %mul3A_943, %dma_wait3A_944, %dma_wait3A_945] : memref<32x200x2x50xi32, #tpu.memory_space<hbm>> -> memref<1x2x2x50xi32, #tpu.memory_space<hbm>>
      %dma_wait3A_947 = tpu.memref_squeeze %dma_wait3A_946 : memref<1x2x2x50xi32, #tpu.memory_space<hbm>> -> memref<2x2x50xi32, #tpu.memory_space<hbm>>
      %dma_wait3A_948 = arith.constant 0 : i32
      %dma_wait3A_949 = arith.constant 0 : i32
      %dma_wait3A_950 = tpu.memref_slice %arg3[%add3A, %mul3A_943, %dma_wait3A_948, %dma_wait3A_949] : memref<32x200x2x50xi32, #tpu.memory_space<hbm>> -> memref<1x2x2x50xi32, #tpu.memory_space<hbm>>
      %dma_wait3A_951 = tpu.memref_squeeze %dma_wait3A_950 : memref<1x2x2x50xi32, #tpu.memory_space<hbm>> -> memref<2x2x50xi32, #tpu.memory_space<hbm>>
      tpu.wait_dma2 semaphore(%arg14 : memref<!tpu.dma_semaphore, #tpu.memory_space<semaphore_mem>>) src(%dma_wait3A_951 : memref<2x2x50xi32, #tpu.memory_space<hbm>>) dst(%arg8 : memref<2x2x50xi32, #tpu.memory_space<vmem>>)
      %dma_wait3A_952 = arith.constant 0 : i32
      %dma_wait3A_953 = arith.constant 0 : i32
      %dma_wait3A_954 = arith.constant 0 : i32
      %dma_wait3A_955 = tpu.memref_slice %arg12[%dma_wait3A_952, %dma_wait3A_953, %dma_wait3A_954] : memref<2x50x128xf32, #tpu.memory_space<vmem>> -> memref<1x50x128xf32, #tpu.memory_space<vmem>>
      %dma_wait3A_956 = tpu.memref_squeeze %dma_wait3A_955 : memref<1x50x128xf32, #tpu.memory_space<vmem>> -> memref<50x128xf32, #tpu.memory_space<vmem>>
      %dma_wait3A_957 = arith.constant 0 : i32
      %dma_wait3A_958 = arith.constant 0 : i32
      %dma_wait3A_959 = tpu.memref_slice %arg12[%dma_wait3A_952, %dma_wait3A_957, %dma_wait3A_958] : memref<2x50x128xf32, #tpu.memory_space<vmem>> -> memref<1x50x128xf32, #tpu.memory_space<vmem>>
      %dma_wait3A_960 = tpu.memref_squeeze %dma_wait3A_959 : memref<1x50x128xf32, #tpu.memory_space<vmem>> -> memref<50x128xf32, #tpu.memory_space<vmem>>
      tpu.wait_dma2 semaphore(%arg23 : memref<!tpu.dma_semaphore, #tpu.memory_space<semaphore_mem>>) src(%arg4 : memref<50x128xf32, #tpu.memory_space<hbm>>) dst(%dma_wait3A_960 : memref<50x128xf32, #tpu.memory_space<vmem>>)
      %dma_start3A_961 = arith.constant 0 : i32
      %dma_start3A_962 = arith.constant 0 : i32
      %dma_start3A_963 = arith.constant 0 : i32
      %dma_start3A_964 = arith.constant 0 : i32
      %dma_start3A_965 = arith.constant 0 : i32
      %dma_start3A_966 = tpu.memref_slice %arg12[%dma_start3A_963, %dma_start3A_964, %dma_start3A_965] : memref<2x50x128xf32, #tpu.memory_space<vmem>> -> memref<1x50x128xf32, #tpu.memory_space<vmem>>
      %dma_start3A_967 = tpu.memref_squeeze %dma_start3A_966 : memref<1x50x128xf32, #tpu.memory_space<vmem>> -> memref<50x128xf32, #tpu.memory_space<vmem>>
      %dma_start3A_968 = arith.constant 0 : i32
      %dma_start3A_969 = tpu.memref_slice %arg8[%dma_start3A_961, %dma_start3A_962, %dma_start3A_968] : memref<2x2x50xi32, #tpu.memory_space<vmem>> -> memref<1x1x50xi32, #tpu.memory_space<vmem>>
      %dma_start3A_970 = tpu.memref_squeeze %dma_start3A_969 : memref<1x1x50xi32, #tpu.memory_space<vmem>> -> memref<50xi32, #tpu.memory_space<vmem>>
      %dma_start3A_971 = arith.constant 0 : i32
      %dma_start3A_972 = arith.constant 0 : i32
      %dma_start3A_973 = tpu.memref_slice %arg2[%dma_start3A_971, %dma_start3A_972] : memref<10240x128xf32, #tpu.memory_space<hbm>> -> memref<10240x128xf32, #tpu.memory_space<hbm>>
      tpu.enqueue_indirect_dma source(%dma_start3A_973 : memref<10240x128xf32, #tpu.memory_space<hbm>>) target(%dma_start3A_967 : memref<50x128xf32, #tpu.memory_space<vmem>>) offsets(%dma_start3A_970 : memref<50xi32, #tpu.memory_space<vmem>>) semaphore(%arg19 : memref<!tpu.dma_semaphore, #tpu.memory_space<semaphore_mem>>)
      %dma_wait3A_974 = arith.constant 1 : i32
      %dma_wait3A_975 = arith.constant 0 : i32
      %dma_wait3A_976 = arith.constant 0 : i32
      %dma_wait3A_977 = tpu.memref_slice %arg12[%dma_wait3A_974, %dma_wait3A_975, %dma_wait3A_976] : memref<2x50x128xf32, #tpu.memory_space<vmem>> -> memref<1x50x128xf32, #tpu.memory_space<vmem>>
      %dma_wait3A_978 = tpu.memref_squeeze %dma_wait3A_977 : memref<1x50x128xf32, #tpu.memory_space<vmem>> -> memref<50x128xf32, #tpu.memory_space<vmem>>
      %dma_wait3A_979 = arith.constant 0 : i32
      %dma_wait3A_980 = arith.constant 0 : i32
      %dma_wait3A_981 = tpu.memref_slice %arg12[%dma_wait3A_974, %dma_wait3A_979, %dma_wait3A_980] : memref<2x50x128xf32, #tpu.memory_space<vmem>> -> memref<1x50x128xf32, #tpu.memory_space<vmem>>
      %dma_wait3A_982 = tpu.memref_squeeze %dma_wait3A_981 : memref<1x50x128xf32, #tpu.memory_space<vmem>> -> memref<50x128xf32, #tpu.memory_space<vmem>>
      tpu.wait_dma2 semaphore(%arg24 : memref<!tpu.dma_semaphore, #tpu.memory_space<semaphore_mem>>) src(%arg4 : memref<50x128xf32, #tpu.memory_space<hbm>>) dst(%dma_wait3A_982 : memref<50x128xf32, #tpu.memory_space<vmem>>)
      %dma_start3A_983 = arith.constant 1 : i32
      %dma_start3A_984 = arith.constant 0 : i32
      %dma_start3A_985 = arith.constant 1 : i32
      %dma_start3A_986 = arith.constant 0 : i32
      %dma_start3A_987 = arith.constant 0 : i32
      %dma_start3A_988 = tpu.memref_slice %arg12[%dma_start3A_985, %dma_start3A_986, %dma_start3A_987] : memref<2x50x128xf32, #tpu.memory_space<vmem>> -> memref<1x50x128xf32, #tpu.memory_space<vmem>>
      %dma_start3A_989 = tpu.memref_squeeze %dma_start3A_988 : memref<1x50x128xf32, #tpu.memory_space<vmem>> -> memref<50x128xf32, #tpu.memory_space<vmem>>
      %dma_start3A_990 = arith.constant 0 : i32
      %dma_start3A_991 = tpu.memref_slice %arg8[%dma_start3A_983, %dma_start3A_984, %dma_start3A_990] : memref<2x2x50xi32, #tpu.memory_space<vmem>> -> memref<1x1x50xi32, #tpu.memory_space<vmem>>
      %dma_start3A_992 = tpu.memref_squeeze %dma_start3A_991 : memref<1x1x50xi32, #tpu.memory_space<vmem>> -> memref<50xi32, #tpu.memory_space<vmem>>
      %dma_start3A_993 = arith.constant 0 : i32
      %dma_start3A_994 = arith.constant 0 : i32
      %dma_start3A_995 = tpu.memref_slice %arg2[%dma_start3A_993, %dma_start3A_994] : memref<10240x128xf32, #tpu.memory_space<hbm>> -> memref<10240x128xf32, #tpu.memory_space<hbm>>
      tpu.enqueue_indirect_dma source(%dma_start3A_995 : memref<10240x128xf32, #tpu.memory_space<hbm>>) target(%dma_start3A_989 : memref<50x128xf32, #tpu.memory_space<vmem>>) offsets(%dma_start3A_992 : memref<50xi32, #tpu.memory_space<vmem>>) semaphore(%arg20 : memref<!tpu.dma_semaphore, #tpu.memory_space<semaphore_mem>>)
      %add3A_996 = arith.constant 0 : i32
      %add3A_997 = arith.addi %mul3A_937, %add3A_996 : i32
      %dma_wait3A_998 = arith.constant 0 : i32
      %dma_wait3A_999 = arith.constant 0 : i32
      %dma_wait3A_1000 = arith.constant 0 : i32
      %dma_wait3A_1001 = arith.constant 0 : i32
      %dma_wait3A_1002 = arith.constant 0 : i32
      %dma_wait3A_1003 = tpu.memref_slice %arg11[%dma_wait3A_1000, %dma_wait3A_1001, %dma_wait3A_1002] : memref<2x50x128xf32, #tpu.memory_space<vmem>> -> memref<1x50x128xf32, #tpu.memory_space<vmem>>
      %dma_wait3A_1004 = tpu.memref_squeeze %dma_wait3A_1003 : memref<1x50x128xf32, #tpu.memory_space<vmem>> -> memref<50x128xf32, #tpu.memory_space<vmem>>
      %dma_wait3A_1005 = arith.constant 0 : i32
      %dma_wait3A_1006 = tpu.memref_slice %arg7[%dma_wait3A_998, %dma_wait3A_999, %dma_wait3A_1005] : memref<2x2x50xi32, #tpu.memory_space<vmem>> -> memref<1x1x50xi32, #tpu.memory_space<vmem>>
      %dma_wait3A_1007 = tpu.memref_squeeze %dma_wait3A_1006 : memref<1x1x50xi32, #tpu.memory_space<vmem>> -> memref<50xi32, #tpu.memory_space<vmem>>
      %dma_wait3A_1008 = arith.constant 0 : i32
      %dma_wait3A_1009 = arith.constant 0 : i32
      %dma_wait3A_1010 = tpu.memref_slice %arg2[%dma_wait3A_1008, %dma_wait3A_1009] : memref<10240x128xf32, #tpu.memory_space<hbm>> -> memref<10240x128xf32, #tpu.memory_space<hbm>>
      tpu.wait_indirect_dma semaphore(%arg17 : memref<!tpu.dma_semaphore, #tpu.memory_space<semaphore_mem>>) src(%dma_wait3A_1010 : memref<10240x128xf32, #tpu.memory_space<hbm>>) dst(%dma_wait3A_1004 : memref<50x128xf32, #tpu.memory_space<vmem>>)
      %dma_start3A_1011 = arith.constant 0 : i32
      %dma_start3A_1012 = arith.constant 0 : i32
      %dma_start3A_1013 = arith.constant 1 : i32
      %dma_start3A_1014 = arith.constant 0 : i32
      %dma_start3A_1015 = arith.constant 0 : i32
      %dma_start3A_1016 = tpu.memref_slice %arg11[%dma_start3A_1011, %dma_start3A_1014, %dma_start3A_1015] : memref<2x50x128xf32, #tpu.memory_space<vmem>> -> memref<1x50x128xf32, #tpu.memory_space<vmem>>
      %dma_start3A_1017 = tpu.memref_squeeze %dma_start3A_1016 : memref<1x50x128xf32, #tpu.memory_space<vmem>> -> memref<50x128xf32, #tpu.memory_space<vmem>>
      %dma_start3A_1018 = arith.constant 0 : i32
      %dma_start3A_1019 = tpu.memref_slice %arg7[%dma_start3A_1012, %dma_start3A_1013, %dma_start3A_1018] : memref<2x2x50xi32, #tpu.memory_space<vmem>> -> memref<1x1x50xi32, #tpu.memory_space<vmem>>
      %dma_start3A_1020 = tpu.memref_squeeze %dma_start3A_1019 : memref<1x1x50xi32, #tpu.memory_space<vmem>> -> memref<50xi32, #tpu.memory_space<vmem>>
      %dma_start3A_1021 = arith.constant 0 : i32
      %dma_start3A_1022 = arith.constant 0 : i32
      %dma_start3A_1023 = tpu.memref_slice %arg6[%dma_start3A_1021, %dma_start3A_1022] : memref<10240x128xf32, #tpu.memory_space<vmem_shared>> -> memref<10240x128xf32, #tpu.memory_space<vmem_shared>>
      tpu.enqueue_indirect_dma source(%dma_start3A_1017 : memref<50x128xf32, #tpu.memory_space<vmem>>) target(%dma_start3A_1023 : memref<10240x128xf32, #tpu.memory_space<vmem_shared>>) offsets(%dma_start3A_1020 : memref<50xi32, #tpu.memory_space<vmem>>) semaphore(%arg21 : memref<!tpu.dma_semaphore, #tpu.memory_space<semaphore_mem>>) {add = true}
      %dma_wait3A_1024 = arith.constant 1 : i32
      %dma_wait3A_1025 = arith.constant 0 : i32
      %dma_wait3A_1026 = arith.constant 1 : i32
      %dma_wait3A_1027 = arith.constant 0 : i32
      %dma_wait3A_1028 = arith.constant 0 : i32
      %dma_wait3A_1029 = tpu.memref_slice %arg11[%dma_wait3A_1026, %dma_wait3A_1027, %dma_wait3A_1028] : memref<2x50x128xf32, #tpu.memory_space<vmem>> -> memref<1x50x128xf32, #tpu.memory_space<vmem>>
      %dma_wait3A_1030 = tpu.memref_squeeze %dma_wait3A_1029 : memref<1x50x128xf32, #tpu.memory_space<vmem>> -> memref<50x128xf32, #tpu.memory_space<vmem>>
      %dma_wait3A_1031 = arith.constant 0 : i32
      %dma_wait3A_1032 = tpu.memref_slice %arg7[%dma_wait3A_1024, %dma_wait3A_1025, %dma_wait3A_1031] : memref<2x2x50xi32, #tpu.memory_space<vmem>> -> memref<1x1x50xi32, #tpu.memory_space<vmem>>
      %dma_wait3A_1033 = tpu.memref_squeeze %dma_wait3A_1032 : memref<1x1x50xi32, #tpu.memory_space<vmem>> -> memref<50xi32, #tpu.memory_space<vmem>>
      %dma_wait3A_1034 = arith.constant 0 : i32
      %dma_wait3A_1035 = arith.constant 0 : i32
      %dma_wait3A_1036 = tpu.memref_slice %arg2[%dma_wait3A_1034, %dma_wait3A_1035] : memref<10240x128xf32, #tpu.memory_space<hbm>> -> memref<10240x128xf32, #tpu.memory_space<hbm>>
      tpu.wait_indirect_dma semaphore(%arg18 : memref<!tpu.dma_semaphore, #tpu.memory_space<semaphore_mem>>) src(%dma_wait3A_1036 : memref<10240x128xf32, #tpu.memory_space<hbm>>) dst(%dma_wait3A_1030 : memref<50x128xf32, #tpu.memory_space<vmem>>)
      %dma_start3A_1037 = arith.constant 1 : i32
      %dma_start3A_1038 = arith.constant 1 : i32
      %dma_start3A_1039 = arith.constant 1 : i32
      %dma_start3A_1040 = arith.constant 0 : i32
      %dma_start3A_1041 = arith.constant 0 : i32
      %dma_start3A_1042 = tpu.memref_slice %arg11[%dma_start3A_1037, %dma_start3A_1040, %dma_start3A_1041] : memref<2x50x128xf32, #tpu.memory_space<vmem>> -> memref<1x50x128xf32, #tpu.memory_space<vmem>>
      %dma_start3A_1043 = tpu.memref_squeeze %dma_start3A_1042 : memref<1x50x128xf32, #tpu.memory_space<vmem>> -> memref<50x128xf32, #tpu.memory_space<vmem>>
      %dma_start3A_1044 = arith.constant 0 : i32
      %dma_start3A_1045 = tpu.memref_slice %arg7[%dma_start3A_1038, %dma_start3A_1039, %dma_start3A_1044] : memref<2x2x50xi32, #tpu.memory_space<vmem>> -> memref<1x1x50xi32, #tpu.memory_space<vmem>>
      %dma_start3A_1046 = tpu.memref_squeeze %dma_start3A_1045 : memref<1x1x50xi32, #tpu.memory_space<vmem>> -> memref<50xi32, #tpu.memory_space<vmem>>
      %dma_start3A_1047 = arith.constant 0 : i32
      %dma_start3A_1048 = arith.constant 0 : i32
      %dma_start3A_1049 = tpu.memref_slice %arg6[%dma_start3A_1047, %dma_start3A_1048] : memref<10240x128xf32, #tpu.memory_space<vmem_shared>> -> memref<10240x128xf32, #tpu.memory_space<vmem_shared>>
      tpu.enqueue_indirect_dma source(%dma_start3A_1043 : memref<50x128xf32, #tpu.memory_space<vmem>>) target(%dma_start3A_1049 : memref<10240x128xf32, #tpu.memory_space<vmem_shared>>) offsets(%dma_start3A_1046 : memref<50xi32, #tpu.memory_space<vmem>>) semaphore(%arg22 : memref<!tpu.dma_semaphore, #tpu.memory_space<semaphore_mem>>) {add = true}
      %add3A_1050 = arith.constant 0 : i32
      %add3A_1051 = arith.addi %mul3A_937, %add3A_1050 : i32
      %add3A_1052 = arith.constant 3 : i32
      %add3A_1053 = arith.addi %add3A_1051, %add3A_1052 : i32
      %mul3A_1054 = arith.constant 2 : i32
      %mul3A_1055 = arith.muli %add3A_1053, %mul3A_1054 : i32
      %dma_start3A_1056 = arith.constant 0 : i32
      %dma_start3A_1057 = arith.constant 0 : i32
      %dma_start3A_1058 = tpu.memref_slice %arg3[%add3A, %mul3A_1055, %dma_start3A_1056, %dma_start3A_1057] : memref<32x200x2x50xi32, #tpu.memory_space<hbm>> -> memref<1x2x2x50xi32, #tpu.memory_space<hbm>>
      %dma_start3A_1059 = tpu.memref_squeeze %dma_start3A_1058 : memref<1x2x2x50xi32, #tpu.memory_space<hbm>> -> memref<2x2x50xi32, #tpu.memory_space<hbm>>
      %dma_start3A_1060 = arith.constant 0 : i32
      %dma_start3A_1061 = arith.constant 0 : i32
      %dma_start3A_1062 = tpu.memref_slice %arg3[%add3A, %mul3A_1055, %dma_start3A_1060, %dma_start3A_1061] : memref<32x200x2x50xi32, #tpu.memory_space<hbm>> -> memref<1x2x2x50xi32, #tpu.memory_space<hbm>>
      %dma_start3A_1063 = tpu.memref_squeeze %dma_start3A_1062 : memref<1x2x2x50xi32, #tpu.memory_space<hbm>> -> memref<2x2x50xi32, #tpu.memory_space<hbm>>
      tpu.enqueue_dma source(%dma_start3A_1063 : memref<2x2x50xi32, #tpu.memory_space<hbm>>) target(%arg10 : memref<2x2x50xi32, #tpu.memory_space<vmem>>) target_semaphore(%arg16 : memref<!tpu.dma_semaphore, #tpu.memory_space<semaphore_mem>>)
      %add3A_1064 = arith.constant 1 : i32
      %add3A_1065 = arith.addi %mul3A_937, %add3A_1064 : i32
      %add3A_1066 = arith.constant 1 : i32
      %add3A_1067 = arith.addi %add3A_1065, %add3A_1066 : i32
      %mul3A_1068 = arith.constant 2 : i32
      %mul3A_1069 = arith.muli %add3A_1067, %mul3A_1068 : i32
      %dma_wait3A_1070 = arith.constant 0 : i32
      %dma_wait3A_1071 = arith.constant 0 : i32
      %dma_wait3A_1072 = tpu.memref_slice %arg3[%add3A, %mul3A_1069, %dma_wait3A_1070, %dma_wait3A_1071] : memref<32x200x2x50xi32, #tpu.memory_space<hbm>> -> memref<1x2x2x50xi32, #tpu.memory_space<hbm>>
      %dma_wait3A_1073 = tpu.memref_squeeze %dma_wait3A_1072 : memref<1x2x2x50xi32, #tpu.memory_space<hbm>> -> memref<2x2x50xi32, #tpu.memory_space<hbm>>
      %dma_wait3A_1074 = arith.constant 0 : i32
      %dma_wait3A_1075 = arith.constant 0 : i32
      %dma_wait3A_1076 = tpu.memref_slice %arg3[%add3A, %mul3A_1069, %dma_wait3A_1074, %dma_wait3A_1075] : memref<32x200x2x50xi32, #tpu.memory_space<hbm>> -> memref<1x2x2x50xi32, #tpu.memory_space<hbm>>
      %dma_wait3A_1077 = tpu.memref_squeeze %dma_wait3A_1076 : memref<1x2x2x50xi32, #tpu.memory_space<hbm>> -> memref<2x2x50xi32, #tpu.memory_space<hbm>>
      tpu.wait_dma2 semaphore(%arg15 : memref<!tpu.dma_semaphore, #tpu.memory_space<semaphore_mem>>) src(%dma_wait3A_1077 : memref<2x2x50xi32, #tpu.memory_space<hbm>>) dst(%arg9 : memref<2x2x50xi32, #tpu.memory_space<vmem>>)
      %dma_wait3A_1078 = arith.constant 0 : i32
      %dma_wait3A_1079 = arith.constant 0 : i32
      %dma_wait3A_1080 = arith.constant 0 : i32
      %dma_wait3A_1081 = tpu.memref_slice %arg11[%dma_wait3A_1078, %dma_wait3A_1079, %dma_wait3A_1080] : memref<2x50x128xf32, #tpu.memory_space<vmem>> -> memref<1x50x128xf32, #tpu.memory_space<vmem>>
      %dma_wait3A_1082 = tpu.memref_squeeze %dma_wait3A_1081 : memref<1x50x128xf32, #tpu.memory_space<vmem>> -> memref<50x128xf32, #tpu.memory_space<vmem>>
      %dma_wait3A_1083 = arith.constant 0 : i32
      %dma_wait3A_1084 = arith.constant 0 : i32
      %dma_wait3A_1085 = tpu.memref_slice %arg11[%dma_wait3A_1078, %dma_wait3A_1083, %dma_wait3A_1084] : memref<2x50x128xf32, #tpu.memory_space<vmem>> -> memref<1x50x128xf32, #tpu.memory_space<vmem>>
      %dma_wait3A_1086 = tpu.memref_squeeze %dma_wait3A_1085 : memref<1x50x128xf32, #tpu.memory_space<vmem>> -> memref<50x128xf32, #tpu.memory_space<vmem>>
      tpu.wait_dma2 semaphore(%arg21 : memref<!tpu.dma_semaphore, #tpu.memory_space<semaphore_mem>>) src(%arg4 : memref<50x128xf32, #tpu.memory_space<hbm>>) dst(%dma_wait3A_1086 : memref<50x128xf32, #tpu.memory_space<vmem>>)
      %dma_start3A_1087 = arith.constant 0 : i32
      %dma_start3A_1088 = arith.constant 0 : i32
      %dma_start3A_1089 = arith.constant 0 : i32
      %dma_start3A_1090 = arith.constant 0 : i32
      %dma_start3A_1091 = arith.constant 0 : i32
      %dma_start3A_1092 = tpu.memref_slice %arg11[%dma_start3A_1089, %dma_start3A_1090, %dma_start3A_1091] : memref<2x50x128xf32, #tpu.memory_space<vmem>> -> memref<1x50x128xf32, #tpu.memory_space<vmem>>
      %dma_start3A_1093 = tpu.memref_squeeze %dma_start3A_1092 : memref<1x50x128xf32, #tpu.memory_space<vmem>> -> memref<50x128xf32, #tpu.memory_space<vmem>>
      %dma_start3A_1094 = arith.constant 0 : i32
      %dma_start3A_1095 = tpu.memref_slice %arg9[%dma_start3A_1087, %dma_start3A_1088, %dma_start3A_1094] : memref<2x2x50xi32, #tpu.memory_space<vmem>> -> memref<1x1x50xi32, #tpu.memory_space<vmem>>
      %dma_start3A_1096 = tpu.memref_squeeze %dma_start3A_1095 : memref<1x1x50xi32, #tpu.memory_space<vmem>> -> memref<50xi32, #tpu.memory_space<vmem>>
      %dma_start3A_1097 = arith.constant 0 : i32
      %dma_start3A_1098 = arith.constant 0 : i32
      %dma_start3A_1099 = tpu.memref_slice %arg2[%dma_start3A_1097, %dma_start3A_1098] : memref<10240x128xf32, #tpu.memory_space<hbm>> -> memref<10240x128xf32, #tpu.memory_space<hbm>>
      tpu.enqueue_indirect_dma source(%dma_start3A_1099 : memref<10240x128xf32, #tpu.memory_space<hbm>>) target(%dma_start3A_1093 : memref<50x128xf32, #tpu.memory_space<vmem>>) offsets(%dma_start3A_1096 : memref<50xi32, #tpu.memory_space<vmem>>) semaphore(%arg17 : memref<!tpu.dma_semaphore, #tpu.memory_space<semaphore_mem>>)
      %dma_wait3A_1100 = arith.constant 1 : i32
      %dma_wait3A_1101 = arith.constant 0 : i32
      %dma_wait3A_1102 = arith.constant 0 : i32
      %dma_wait3A_1103 = tpu.memref_slice %arg11[%dma_wait3A_1100, %dma_wait3A_1101, %dma_wait3A_1102] : memref<2x50x128xf32, #tpu.memory_space<vmem>> -> memref<1x50x128xf32, #tpu.memory_space<vmem>>
      %dma_wait3A_1104 = tpu.memref_squeeze %dma_wait3A_1103 : memref<1x50x128xf32, #tpu.memory_space<vmem>> -> memref<50x128xf32, #tpu.memory_space<vmem>>
      %dma_wait3A_1105 = arith.constant 0 : i32
      %dma_wait3A_1106 = arith.constant 0 : i32
      %dma_wait3A_1107 = tpu.memref_slice %arg11[%dma_wait3A_1100, %dma_wait3A_1105, %dma_wait3A_1106] : memref<2x50x128xf32, #tpu.memory_space<vmem>> -> memref<1x50x128xf32, #tpu.memory_space<vmem>>
      %dma_wait3A_1108 = tpu.memref_squeeze %dma_wait3A_1107 : memref<1x50x128xf32, #tpu.memory_space<vmem>> -> memref<50x128xf32, #tpu.memory_space<vmem>>
      tpu.wait_dma2 semaphore(%arg22 : memref<!tpu.dma_semaphore, #tpu.memory_space<semaphore_mem>>) src(%arg4 : memref<50x128xf32, #tpu.memory_space<hbm>>) dst(%dma_wait3A_1108 : memref<50x128xf32, #tpu.memory_space<vmem>>)
      %dma_start3A_1109 = arith.constant 1 : i32
      %dma_start3A_1110 = arith.constant 0 : i32
      %dma_start3A_1111 = arith.constant 1 : i32
      %dma_start3A_1112 = arith.constant 0 : i32
      %dma_start3A_1113 = arith.constant 0 : i32
      %dma_start3A_1114 = tpu.memref_slice %arg11[%dma_start3A_1111, %dma_start3A_1112, %dma_start3A_1113] : memref<2x50x128xf32, #tpu.memory_space<vmem>> -> memref<1x50x128xf32, #tpu.memory_space<vmem>>
      %dma_start3A_1115 = tpu.memref_squeeze %dma_start3A_1114 : memref<1x50x128xf32, #tpu.memory_space<vmem>> -> memref<50x128xf32, #tpu.memory_space<vmem>>
      %dma_start3A_1116 = arith.constant 0 : i32
      %dma_start3A_1117 = tpu.memref_slice %arg9[%dma_start3A_1109, %dma_start3A_1110, %dma_start3A_1116] : memref<2x2x50xi32, #tpu.memory_space<vmem>> -> memref<1x1x50xi32, #tpu.memory_space<vmem>>
      %dma_start3A_1118 = tpu.memref_squeeze %dma_start3A_1117 : memref<1x1x50xi32, #tpu.memory_space<vmem>> -> memref<50xi32, #tpu.memory_space<vmem>>
      %dma_start3A_1119 = arith.constant 0 : i32
      %dma_start3A_1120 = arith.constant 0 : i32
      %dma_start3A_1121 = tpu.memref_slice %arg2[%dma_start3A_1119, %dma_start3A_1120] : memref<10240x128xf32, #tpu.memory_space<hbm>> -> memref<10240x128xf32, #tpu.memory_space<hbm>>
      tpu.enqueue_indirect_dma source(%dma_start3A_1121 : memref<10240x128xf32, #tpu.memory_space<hbm>>) target(%dma_start3A_1115 : memref<50x128xf32, #tpu.memory_space<vmem>>) offsets(%dma_start3A_1118 : memref<50xi32, #tpu.memory_space<vmem>>) semaphore(%arg18 : memref<!tpu.dma_semaphore, #tpu.memory_space<semaphore_mem>>)
      %add3A_1122 = arith.constant 1 : i32
      %add3A_1123 = arith.addi %mul3A_937, %add3A_1122 : i32
      %dma_wait3A_1124 = arith.constant 0 : i32
      %dma_wait3A_1125 = arith.constant 0 : i32
      %dma_wait3A_1126 = arith.constant 0 : i32
      %dma_wait3A_1127 = arith.constant 0 : i32
      %dma_wait3A_1128 = arith.constant 0 : i32
      %dma_wait3A_1129 = tpu.memref_slice %arg12[%dma_wait3A_1126, %dma_wait3A_1127, %dma_wait3A_1128] : memref<2x50x128xf32, #tpu.memory_space<vmem>> -> memref<1x50x128xf32, #tpu.memory_space<vmem>>
      %dma_wait3A_1130 = tpu.memref_squeeze %dma_wait3A_1129 : memref<1x50x128xf32, #tpu.memory_space<vmem>> -> memref<50x128xf32, #tpu.memory_space<vmem>>
      %dma_wait3A_1131 = arith.constant 0 : i32
      %dma_wait3A_1132 = tpu.memref_slice %arg8[%dma_wait3A_1124, %dma_wait3A_1125, %dma_wait3A_1131] : memref<2x2x50xi32, #tpu.memory_space<vmem>> -> memref<1x1x50xi32, #tpu.memory_space<vmem>>
      %dma_wait3A_1133 = tpu.memref_squeeze %dma_wait3A_1132 : memref<1x1x50xi32, #tpu.memory_space<vmem>> -> memref<50xi32, #tpu.memory_space<vmem>>
      %dma_wait3A_1134 = arith.constant 0 : i32
      %dma_wait3A_1135 = arith.constant 0 : i32
      %dma_wait3A_1136 = tpu.memref_slice %arg2[%dma_wait3A_1134, %dma_wait3A_1135] : memref<10240x128xf32, #tpu.memory_space<hbm>> -> memref<10240x128xf32, #tpu.memory_space<hbm>>
      tpu.wait_indirect_dma semaphore(%arg19 : memref<!tpu.dma_semaphore, #tpu.memory_space<semaphore_mem>>) src(%dma_wait3A_1136 : memref<10240x128xf32, #tpu.memory_space<hbm>>) dst(%dma_wait3A_1130 : memref<50x128xf32, #tpu.memory_space<vmem>>)
      %dma_start3A_1137 = arith.constant 0 : i32
      %dma_start3A_1138 = arith.constant 0 : i32
      %dma_start3A_1139 = arith.constant 1 : i32
      %dma_start3A_1140 = arith.constant 0 : i32
      %dma_start3A_1141 = arith.constant 0 : i32
      %dma_start3A_1142 = tpu.memref_slice %arg12[%dma_start3A_1137, %dma_start3A_1140, %dma_start3A_1141] : memref<2x50x128xf32, #tpu.memory_space<vmem>> -> memref<1x50x128xf32, #tpu.memory_space<vmem>>
      %dma_start3A_1143 = tpu.memref_squeeze %dma_start3A_1142 : memref<1x50x128xf32, #tpu.memory_space<vmem>> -> memref<50x128xf32, #tpu.memory_space<vmem>>
      %dma_start3A_1144 = arith.constant 0 : i32
      %dma_start3A_1145 = tpu.memref_slice %arg8[%dma_start3A_1138, %dma_start3A_1139, %dma_start3A_1144] : memref<2x2x50xi32, #tpu.memory_space<vmem>> -> memref<1x1x50xi32, #tpu.memory_space<vmem>>
      %dma_start3A_1146 = tpu.memref_squeeze %dma_start3A_1145 : memref<1x1x50xi32, #tpu.memory_space<vmem>> -> memref<50xi32, #tpu.memory_space<vmem>>
      %dma_start3A_1147 = arith.constant 0 : i32
      %dma_start3A_1148 = arith.constant 0 : i32
      %dma_start3A_1149 = tpu.memref_slice %arg6[%dma_start3A_1147, %dma_start3A_1148] : memref<10240x128xf32, #tpu.memory_space<vmem_shared>> -> memref<10240x128xf32, #tpu.memory_space<vmem_shared>>
      tpu.enqueue_indirect_dma source(%dma_start3A_1143 : memref<50x128xf32, #tpu.memory_space<vmem>>) target(%dma_start3A_1149 : memref<10240x128xf32, #tpu.memory_space<vmem_shared>>) offsets(%dma_start3A_1146 : memref<50xi32, #tpu.memory_space<vmem>>) semaphore(%arg23 : memref<!tpu.dma_semaphore, #tpu.memory_space<semaphore_mem>>) {add = true}
      %dma_wait3A_1150 = arith.constant 1 : i32
      %dma_wait3A_1151 = arith.constant 0 : i32
      %dma_wait3A_1152 = arith.constant 1 : i32
      %dma_wait3A_1153 = arith.constant 0 : i32
      %dma_wait3A_1154 = arith.constant 0 : i32
      %dma_wait3A_1155 = tpu.memref_slice %arg12[%dma_wait3A_1152, %dma_wait3A_1153, %dma_wait3A_1154] : memref<2x50x128xf32, #tpu.memory_space<vmem>> -> memref<1x50x128xf32, #tpu.memory_space<vmem>>
      %dma_wait3A_1156 = tpu.memref_squeeze %dma_wait3A_1155 : memref<1x50x128xf32, #tpu.memory_space<vmem>> -> memref<50x128xf32, #tpu.memory_space<vmem>>
      %dma_wait3A_1157 = arith.constant 0 : i32
      %dma_wait3A_1158 = tpu.memref_slice %arg8[%dma_wait3A_1150, %dma_wait3A_1151, %dma_wait3A_1157] : memref<2x2x50xi32, #tpu.memory_space<vmem>> -> memref<1x1x50xi32, #tpu.memory_space<vmem>>
      %dma_wait3A_1159 = tpu.memref_squeeze %dma_wait3A_1158 : memref<1x1x50xi32, #tpu.memory_space<vmem>> -> memref<50xi32, #tpu.memory_space<vmem>>
      %dma_wait3A_1160 = arith.constant 0 : i32
      %dma_wait3A_1161 = arith.constant 0 : i32
      %dma_wait3A_1162 = tpu.memref_slice %arg2[%dma_wait3A_1160, %dma_wait3A_1161] : memref<10240x128xf32, #tpu.memory_space<hbm>> -> memref<10240x128xf32, #tpu.memory_space<hbm>>
      tpu.wait_indirect_dma semaphore(%arg20 : memref<!tpu.dma_semaphore, #tpu.memory_space<semaphore_mem>>) src(%dma_wait3A_1162 : memref<10240x128xf32, #tpu.memory_space<hbm>>) dst(%dma_wait3A_1156 : memref<50x128xf32, #tpu.memory_space<vmem>>)
      %dma_start3A_1163 = arith.constant 1 : i32
      %dma_start3A_1164 = arith.constant 1 : i32
      %dma_start3A_1165 = arith.constant 1 : i32
      %dma_start3A_1166 = arith.constant 0 : i32
      %dma_start3A_1167 = arith.constant 0 : i32
      %dma_start3A_1168 = tpu.memref_slice %arg12[%dma_start3A_1163, %dma_start3A_1166, %dma_start3A_1167] : memref<2x50x128xf32, #tpu.memory_space<vmem>> -> memref<1x50x128xf32, #tpu.memory_space<vmem>>
      %dma_start3A_1169 = tpu.memref_squeeze %dma_start3A_1168 : memref<1x50x128xf32, #tpu.memory_space<vmem>> -> memref<50x128xf32, #tpu.memory_space<vmem>>
      %dma_start3A_1170 = arith.constant 0 : i32
      %dma_start3A_1171 = tpu.memref_slice %arg8[%dma_start3A_1164, %dma_start3A_1165, %dma_start3A_1170] : memref<2x2x50xi32, #tpu.memory_space<vmem>> -> memref<1x1x50xi32, #tpu.memory_space<vmem>>
      %dma_start3A_1172 = tpu.memref_squeeze %dma_start3A_1171 : memref<1x1x50xi32, #tpu.memory_space<vmem>> -> memref<50xi32, #tpu.memory_space<vmem>>
      %dma_start3A_1173 = arith.constant 0 : i32
      %dma_start3A_1174 = arith.constant 0 : i32
      %dma_start3A_1175 = tpu.memref_slice %arg6[%dma_start3A_1173, %dma_start3A_1174] : memref<10240x128xf32, #tpu.memory_space<vmem_shared>> -> memref<10240x128xf32, #tpu.memory_space<vmem_shared>>
      tpu.enqueue_indirect_dma source(%dma_start3A_1169 : memref<50x128xf32, #tpu.memory_space<vmem>>) target(%dma_start3A_1175 : memref<10240x128xf32, #tpu.memory_space<vmem_shared>>) offsets(%dma_start3A_1172 : memref<50xi32, #tpu.memory_space<vmem>>) semaphore(%arg24 : memref<!tpu.dma_semaphore, #tpu.memory_space<semaphore_mem>>) {add = true}
      %add3A_1176 = arith.constant 1 : i32
      %add3A_1177 = arith.addi %mul3A_937, %add3A_1176 : i32
      %add3A_1178 = arith.constant 3 : i32
      %add3A_1179 = arith.addi %add3A_1177, %add3A_1178 : i32
      %mul3A_1180 = arith.constant 2 : i32
      %mul3A_1181 = arith.muli %add3A_1179, %mul3A_1180 : i32
      %dma_start3A_1182 = arith.constant 0 : i32
      %dma_start3A_1183 = arith.constant 0 : i32
      %dma_start3A_1184 = tpu.memref_slice %arg3[%add3A, %mul3A_1181, %dma_start3A_1182, %dma_start3A_1183] : memref<32x200x2x50xi32, #tpu.memory_space<hbm>> -> memref<1x2x2x50xi32, #tpu.memory_space<hbm>>
      %dma_start3A_1185 = tpu.memref_squeeze %dma_start3A_1184 : memref<1x2x2x50xi32, #tpu.memory_space<hbm>> -> memref<2x2x50xi32, #tpu.memory_space<hbm>>
      %dma_start3A_1186 = arith.constant 0 : i32
      %dma_start3A_1187 = arith.constant 0 : i32
      %dma_start3A_1188 = tpu.memref_slice %arg3[%add3A, %mul3A_1181, %dma_start3A_1186, %dma_start3A_1187] : memref<32x200x2x50xi32, #tpu.memory_space<hbm>> -> memref<1x2x2x50xi32, #tpu.memory_space<hbm>>
      %dma_start3A_1189 = tpu.memref_squeeze %dma_start3A_1188 : memref<1x2x2x50xi32, #tpu.memory_space<hbm>> -> memref<2x2x50xi32, #tpu.memory_space<hbm>>
      tpu.enqueue_dma source(%dma_start3A_1189 : memref<2x2x50xi32, #tpu.memory_space<hbm>>) target(%arg7 : memref<2x2x50xi32, #tpu.memory_space<vmem>>) target_semaphore(%arg13 : memref<!tpu.dma_semaphore, #tpu.memory_space<semaphore_mem>>)
      %add3A_1190 = arith.constant 2 : i32
      %add3A_1191 = arith.addi %mul3A_937, %add3A_1190 : i32
      %add3A_1192 = arith.constant 1 : i32
      %add3A_1193 = arith.addi %add3A_1191, %add3A_1192 : i32
      %mul3A_1194 = arith.constant 2 : i32
      %mul3A_1195 = arith.muli %add3A_1193, %mul3A_1194 : i32
      %dma_wait3A_1196 = arith.constant 0 : i32
      %dma_wait3A_1197 = arith.constant 0 : i32
      %dma_wait3A_1198 = tpu.memref_slice %arg3[%add3A, %mul3A_1195, %dma_wait3A_1196, %dma_wait3A_1197] : memref<32x200x2x50xi32, #tpu.memory_space<hbm>> -> memref<1x2x2x50xi32, #tpu.memory_space<hbm>>
      %dma_wait3A_1199 = tpu.memref_squeeze %dma_wait3A_1198 : memref<1x2x2x50xi32, #tpu.memory_space<hbm>> -> memref<2x2x50xi32, #tpu.memory_space<hbm>>
      %dma_wait3A_1200 = arith.constant 0 : i32
      %dma_wait3A_1201 = arith.constant 0 : i32
      %dma_wait3A_1202 = tpu.memref_slice %arg3[%add3A, %mul3A_1195, %dma_wait3A_1200, %dma_wait3A_1201] : memref<32x200x2x50xi32, #tpu.memory_space<hbm>> -> memref<1x2x2x50xi32, #tpu.memory_space<hbm>>
      %dma_wait3A_1203 = tpu.memref_squeeze %dma_wait3A_1202 : memref<1x2x2x50xi32, #tpu.memory_space<hbm>> -> memref<2x2x50xi32, #tpu.memory_space<hbm>>
      tpu.wait_dma2 semaphore(%arg16 : memref<!tpu.dma_semaphore, #tpu.memory_space<semaphore_mem>>) src(%dma_wait3A_1203 : memref<2x2x50xi32, #tpu.memory_space<hbm>>) dst(%arg10 : memref<2x2x50xi32, #tpu.memory_space<vmem>>)
      %dma_wait3A_1204 = arith.constant 0 : i32
      %dma_wait3A_1205 = arith.constant 0 : i32
      %dma_wait3A_1206 = arith.constant 0 : i32
      %dma_wait3A_1207 = tpu.memref_slice %arg12[%dma_wait3A_1204, %dma_wait3A_1205, %dma_wait3A_1206] : memref<2x50x128xf32, #tpu.memory_space<vmem>> -> memref<1x50x128xf32, #tpu.memory_space<vmem>>
      %dma_wait3A_1208 = tpu.memref_squeeze %dma_wait3A_1207 : memref<1x50x128xf32, #tpu.memory_space<vmem>> -> memref<50x128xf32, #tpu.memory_space<vmem>>
      %dma_wait3A_1209 = arith.constant 0 : i32
      %dma_wait3A_1210 = arith.constant 0 : i32
      %dma_wait3A_1211 = tpu.memref_slice %arg12[%dma_wait3A_1204, %dma_wait3A_1209, %dma_wait3A_1210] : memref<2x50x128xf32, #tpu.memory_space<vmem>> -> memref<1x50x128xf32, #tpu.memory_space<vmem>>
      %dma_wait3A_1212 = tpu.memref_squeeze %dma_wait3A_1211 : memref<1x50x128xf32, #tpu.memory_space<vmem>> -> memref<50x128xf32, #tpu.memory_space<vmem>>
      tpu.wait_dma2 semaphore(%arg23 : memref<!tpu.dma_semaphore, #tpu.memory_space<semaphore_mem>>) src(%arg4 : memref<50x128xf32, #tpu.memory_space<hbm>>) dst(%dma_wait3A_1212 : memref<50x128xf32, #tpu.memory_space<vmem>>)
      %dma_start3A_1213 = arith.constant 0 : i32
      %dma_start3A_1214 = arith.constant 0 : i32
      %dma_start3A_1215 = arith.constant 0 : i32
      %dma_start3A_1216 = arith.constant 0 : i32
      %dma_start3A_1217 = arith.constant 0 : i32
      %dma_start3A_1218 = tpu.memref_slice %arg12[%dma_start3A_1215, %dma_start3A_1216, %dma_start3A_1217] : memref<2x50x128xf32, #tpu.memory_space<vmem>> -> memref<1x50x128xf32, #tpu.memory_space<vmem>>
      %dma_start3A_1219 = tpu.memref_squeeze %dma_start3A_1218 : memref<1x50x128xf32, #tpu.memory_space<vmem>> -> memref<50x128xf32, #tpu.memory_space<vmem>>
      %dma_start3A_1220 = arith.constant 0 : i32
      %dma_start3A_1221 = tpu.memref_slice %arg10[%dma_start3A_1213, %dma_start3A_1214, %dma_start3A_1220] : memref<2x2x50xi32, #tpu.memory_space<vmem>> -> memref<1x1x50xi32, #tpu.memory_space<vmem>>
      %dma_start3A_1222 = tpu.memref_squeeze %dma_start3A_1221 : memref<1x1x50xi32, #tpu.memory_space<vmem>> -> memref<50xi32, #tpu.memory_space<vmem>>
      %dma_start3A_1223 = arith.constant 0 : i32
      %dma_start3A_1224 = arith.constant 0 : i32
      %dma_start3A_1225 = tpu.memref_slice %arg2[%dma_start3A_1223, %dma_start3A_1224] : memref<10240x128xf32, #tpu.memory_space<hbm>> -> memref<10240x128xf32, #tpu.memory_space<hbm>>
      tpu.enqueue_indirect_dma source(%dma_start3A_1225 : memref<10240x128xf32, #tpu.memory_space<hbm>>) target(%dma_start3A_1219 : memref<50x128xf32, #tpu.memory_space<vmem>>) offsets(%dma_start3A_1222 : memref<50xi32, #tpu.memory_space<vmem>>) semaphore(%arg19 : memref<!tpu.dma_semaphore, #tpu.memory_space<semaphore_mem>>)
      %dma_wait3A_1226 = arith.constant 1 : i32
      %dma_wait3A_1227 = arith.constant 0 : i32
      %dma_wait3A_1228 = arith.constant 0 : i32
      %dma_wait3A_1229 = tpu.memref_slice %arg12[%dma_wait3A_1226, %dma_wait3A_1227, %dma_wait3A_1228] : memref<2x50x128xf32, #tpu.memory_space<vmem>> -> memref<1x50x128xf32, #tpu.memory_space<vmem>>
      %dma_wait3A_1230 = tpu.memref_squeeze %dma_wait3A_1229 : memref<1x50x128xf32, #tpu.memory_space<vmem>> -> memref<50x128xf32, #tpu.memory_space<vmem>>
      %dma_wait3A_1231 = arith.constant 0 : i32
      %dma_wait3A_1232 = arith.constant 0 : i32
      %dma_wait3A_1233 = tpu.memref_slice %arg12[%dma_wait3A_1226, %dma_wait3A_1231, %dma_wait3A_1232] : memref<2x50x128xf32, #tpu.memory_space<vmem>> -> memref<1x50x128xf32, #tpu.memory_space<vmem>>
      %dma_wait3A_1234 = tpu.memref_squeeze %dma_wait3A_1233 : memref<1x50x128xf32, #tpu.memory_space<vmem>> -> memref<50x128xf32, #tpu.memory_space<vmem>>
      tpu.wait_dma2 semaphore(%arg24 : memref<!tpu.dma_semaphore, #tpu.memory_space<semaphore_mem>>) src(%arg4 : memref<50x128xf32, #tpu.memory_space<hbm>>) dst(%dma_wait3A_1234 : memref<50x128xf32, #tpu.memory_space<vmem>>)
      %dma_start3A_1235 = arith.constant 1 : i32
      %dma_start3A_1236 = arith.constant 0 : i32
      %dma_start3A_1237 = arith.constant 1 : i32
      %dma_start3A_1238 = arith.constant 0 : i32
      %dma_start3A_1239 = arith.constant 0 : i32
      %dma_start3A_1240 = tpu.memref_slice %arg12[%dma_start3A_1237, %dma_start3A_1238, %dma_start3A_1239] : memref<2x50x128xf32, #tpu.memory_space<vmem>> -> memref<1x50x128xf32, #tpu.memory_space<vmem>>
      %dma_start3A_1241 = tpu.memref_squeeze %dma_start3A_1240 : memref<1x50x128xf32, #tpu.memory_space<vmem>> -> memref<50x128xf32, #tpu.memory_space<vmem>>
      %dma_start3A_1242 = arith.constant 0 : i32
      %dma_start3A_1243 = tpu.memref_slice %arg10[%dma_start3A_1235, %dma_start3A_1236, %dma_start3A_1242] : memref<2x2x50xi32, #tpu.memory_space<vmem>> -> memref<1x1x50xi32, #tpu.memory_space<vmem>>
      %dma_start3A_1244 = tpu.memref_squeeze %dma_start3A_1243 : memref<1x1x50xi32, #tpu.memory_space<vmem>> -> memref<50xi32, #tpu.memory_space<vmem>>
      %dma_start3A_1245 = arith.constant 0 : i32
      %dma_start3A_1246 = arith.constant 0 : i32
      %dma_start3A_1247 = tpu.memref_slice %arg2[%dma_start3A_1245, %dma_start3A_1246] : memref<10240x128xf32, #tpu.memory_space<hbm>> -> memref<10240x128xf32, #tpu.memory_space<hbm>>
      tpu.enqueue_indirect_dma source(%dma_start3A_1247 : memref<10240x128xf32, #tpu.memory_space<hbm>>) target(%dma_start3A_1241 : memref<50x128xf32, #tpu.memory_space<vmem>>) offsets(%dma_start3A_1244 : memref<50xi32, #tpu.memory_space<vmem>>) semaphore(%arg20 : memref<!tpu.dma_semaphore, #tpu.memory_space<semaphore_mem>>)
      %add3A_1248 = arith.constant 2 : i32
      %add3A_1249 = arith.addi %mul3A_937, %add3A_1248 : i32
      %dma_wait3A_1250 = arith.constant 0 : i32
      %dma_wait3A_1251 = arith.constant 0 : i32
      %dma_wait3A_1252 = arith.constant 0 : i32
      %dma_wait3A_1253 = arith.constant 0 : i32
      %dma_wait3A_1254 = arith.constant 0 : i32
      %dma_wait3A_1255 = tpu.memref_slice %arg11[%dma_wait3A_1252, %dma_wait3A_1253, %dma_wait3A_1254] : memref<2x50x128xf32, #tpu.memory_space<vmem>> -> memref<1x50x128xf32, #tpu.memory_space<vmem>>
      %dma_wait3A_1256 = tpu.memref_squeeze %dma_wait3A_1255 : memref<1x50x128xf32, #tpu.memory_space<vmem>> -> memref<50x128xf32, #tpu.memory_space<vmem>>
      %dma_wait3A_1257 = arith.constant 0 : i32
      %dma_wait3A_1258 = tpu.memref_slice %arg9[%dma_wait3A_1250, %dma_wait3A_1251, %dma_wait3A_1257] : memref<2x2x50xi32, #tpu.memory_space<vmem>> -> memref<1x1x50xi32, #tpu.memory_space<vmem>>
      %dma_wait3A_1259 = tpu.memref_squeeze %dma_wait3A_1258 : memref<1x1x50xi32, #tpu.memory_space<vmem>> -> memref<50xi32, #tpu.memory_space<vmem>>
      %dma_wait3A_1260 = arith.constant 0 : i32
      %dma_wait3A_1261 = arith.constant 0 : i32
      %dma_wait3A_1262 = tpu.memref_slice %arg2[%dma_wait3A_1260, %dma_wait3A_1261] : memref<10240x128xf32, #tpu.memory_space<hbm>> -> memref<10240x128xf32, #tpu.memory_space<hbm>>
      tpu.wait_indirect_dma semaphore(%arg17 : memref<!tpu.dma_semaphore, #tpu.memory_space<semaphore_mem>>) src(%dma_wait3A_1262 : memref<10240x128xf32, #tpu.memory_space<hbm>>) dst(%dma_wait3A_1256 : memref<50x128xf32, #tpu.memory_space<vmem>>)
      %dma_start3A_1263 = arith.constant 0 : i32
      %dma_start3A_1264 = arith.constant 0 : i32
      %dma_start3A_1265 = arith.constant 1 : i32
      %dma_start3A_1266 = arith.constant 0 : i32
      %dma_start3A_1267 = arith.constant 0 : i32
      %dma_start3A_1268 = tpu.memref_slice %arg11[%dma_start3A_1263, %dma_start3A_1266, %dma_start3A_1267] : memref<2x50x128xf32, #tpu.memory_space<vmem>> -> memref<1x50x128xf32, #tpu.memory_space<vmem>>
      %dma_start3A_1269 = tpu.memref_squeeze %dma_start3A_1268 : memref<1x50x128xf32, #tpu.memory_space<vmem>> -> memref<50x128xf32, #tpu.memory_space<vmem>>
      %dma_start3A_1270 = arith.constant 0 : i32
      %dma_start3A_1271 = tpu.memref_slice %arg9[%dma_start3A_1264, %dma_start3A_1265, %dma_start3A_1270] : memref<2x2x50xi32, #tpu.memory_space<vmem>> -> memref<1x1x50xi32, #tpu.memory_space<vmem>>
      %dma_start3A_1272 = tpu.memref_squeeze %dma_start3A_1271 : memref<1x1x50xi32, #tpu.memory_space<vmem>> -> memref<50xi32, #tpu.memory_space<vmem>>
      %dma_start3A_1273 = arith.constant 0 : i32
      %dma_start3A_1274 = arith.constant 0 : i32
      %dma_start3A_1275 = tpu.memref_slice %arg6[%dma_start3A_1273, %dma_start3A_1274] : memref<10240x128xf32, #tpu.memory_space<vmem_shared>> -> memref<10240x128xf32, #tpu.memory_space<vmem_shared>>
      tpu.enqueue_indirect_dma source(%dma_start3A_1269 : memref<50x128xf32, #tpu.memory_space<vmem>>) target(%dma_start3A_1275 : memref<10240x128xf32, #tpu.memory_space<vmem_shared>>) offsets(%dma_start3A_1272 : memref<50xi32, #tpu.memory_space<vmem>>) semaphore(%arg21 : memref<!tpu.dma_semaphore, #tpu.memory_space<semaphore_mem>>) {add = true}
      %dma_wait3A_1276 = arith.constant 1 : i32
      %dma_wait3A_1277 = arith.constant 0 : i32
      %dma_wait3A_1278 = arith.constant 1 : i32
      %dma_wait3A_1279 = arith.constant 0 : i32
      %dma_wait3A_1280 = arith.constant 0 : i32
      %dma_wait3A_1281 = tpu.memref_slice %arg11[%dma_wait3A_1278, %dma_wait3A_1279, %dma_wait3A_1280] : memref<2x50x128xf32, #tpu.memory_space<vmem>> -> memref<1x50x128xf32, #tpu.memory_space<vmem>>
      %dma_wait3A_1282 = tpu.memref_squeeze %dma_wait3A_1281 : memref<1x50x128xf32, #tpu.memory_space<vmem>> -> memref<50x128xf32, #tpu.memory_space<vmem>>
      %dma_wait3A_1283 = arith.constant 0 : i32
      %dma_wait3A_1284 = tpu.memref_slice %arg9[%dma_wait3A_1276, %dma_wait3A_1277, %dma_wait3A_1283] : memref<2x2x50xi32, #tpu.memory_space<vmem>> -> memref<1x1x50xi32, #tpu.memory_space<vmem>>
      %dma_wait3A_1285 = tpu.memref_squeeze %dma_wait3A_1284 : memref<1x1x50xi32, #tpu.memory_space<vmem>> -> memref<50xi32, #tpu.memory_space<vmem>>
      %dma_wait3A_1286 = arith.constant 0 : i32
      %dma_wait3A_1287 = arith.constant 0 : i32
      %dma_wait3A_1288 = tpu.memref_slice %arg2[%dma_wait3A_1286, %dma_wait3A_1287] : memref<10240x128xf32, #tpu.memory_space<hbm>> -> memref<10240x128xf32, #tpu.memory_space<hbm>>
      tpu.wait_indirect_dma semaphore(%arg18 : memref<!tpu.dma_semaphore, #tpu.memory_space<semaphore_mem>>) src(%dma_wait3A_1288 : memref<10240x128xf32, #tpu.memory_space<hbm>>) dst(%dma_wait3A_1282 : memref<50x128xf32, #tpu.memory_space<vmem>>)
      %dma_start3A_1289 = arith.constant 1 : i32
      %dma_start3A_1290 = arith.constant 1 : i32
      %dma_start3A_1291 = arith.constant 1 : i32
      %dma_start3A_1292 = arith.constant 0 : i32
      %dma_start3A_1293 = arith.constant 0 : i32
      %dma_start3A_1294 = tpu.memref_slice %arg11[%dma_start3A_1289, %dma_start3A_1292, %dma_start3A_1293] : memref<2x50x128xf32, #tpu.memory_space<vmem>> -> memref<1x50x128xf32, #tpu.memory_space<vmem>>
      %dma_start3A_1295 = tpu.memref_squeeze %dma_start3A_1294 : memref<1x50x128xf32, #tpu.memory_space<vmem>> -> memref<50x128xf32, #tpu.memory_space<vmem>>
      %dma_start3A_1296 = arith.constant 0 : i32
      %dma_start3A_1297 = tpu.memref_slice %arg9[%dma_start3A_1290, %dma_start3A_1291, %dma_start3A_1296] : memref<2x2x50xi32, #tpu.memory_space<vmem>> -> memref<1x1x50xi32, #tpu.memory_space<vmem>>
      %dma_start3A_1298 = tpu.memref_squeeze %dma_start3A_1297 : memref<1x1x50xi32, #tpu.memory_space<vmem>> -> memref<50xi32, #tpu.memory_space<vmem>>
      %dma_start3A_1299 = arith.constant 0 : i32
      %dma_start3A_1300 = arith.constant 0 : i32
      %dma_start3A_1301 = tpu.memref_slice %arg6[%dma_start3A_1299, %dma_start3A_1300] : memref<10240x128xf32, #tpu.memory_space<vmem_shared>> -> memref<10240x128xf32, #tpu.memory_space<vmem_shared>>
      tpu.enqueue_indirect_dma source(%dma_start3A_1295 : memref<50x128xf32, #tpu.memory_space<vmem>>) target(%dma_start3A_1301 : memref<10240x128xf32, #tpu.memory_space<vmem_shared>>) offsets(%dma_start3A_1298 : memref<50xi32, #tpu.memory_space<vmem>>) semaphore(%arg22 : memref<!tpu.dma_semaphore, #tpu.memory_space<semaphore_mem>>) {add = true}
      %add3A_1302 = arith.constant 2 : i32
      %add3A_1303 = arith.addi %mul3A_937, %add3A_1302 : i32
      %add3A_1304 = arith.constant 3 : i32
      %add3A_1305 = arith.addi %add3A_1303, %add3A_1304 : i32
      %mul3A_1306 = arith.constant 2 : i32
      %mul3A_1307 = arith.muli %add3A_1305, %mul3A_1306 : i32
      %dma_start3A_1308 = arith.constant 0 : i32
      %dma_start3A_1309 = arith.constant 0 : i32
      %dma_start3A_1310 = tpu.memref_slice %arg3[%add3A, %mul3A_1307, %dma_start3A_1308, %dma_start3A_1309] : memref<32x200x2x50xi32, #tpu.memory_space<hbm>> -> memref<1x2x2x50xi32, #tpu.memory_space<hbm>>
      %dma_start3A_1311 = tpu.memref_squeeze %dma_start3A_1310 : memref<1x2x2x50xi32, #tpu.memory_space<hbm>> -> memref<2x2x50xi32, #tpu.memory_space<hbm>>
      %dma_start3A_1312 = arith.constant 0 : i32
      %dma_start3A_1313 = arith.constant 0 : i32
      %dma_start3A_1314 = tpu.memref_slice %arg3[%add3A, %mul3A_1307, %dma_start3A_1312, %dma_start3A_1313] : memref<32x200x2x50xi32, #tpu.memory_space<hbm>> -> memref<1x2x2x50xi32, #tpu.memory_space<hbm>>
      %dma_start3A_1315 = tpu.memref_squeeze %dma_start3A_1314 : memref<1x2x2x50xi32, #tpu.memory_space<hbm>> -> memref<2x2x50xi32, #tpu.memory_space<hbm>>
      tpu.enqueue_dma source(%dma_start3A_1315 : memref<2x2x50xi32, #tpu.memory_space<hbm>>) target(%arg8 : memref<2x2x50xi32, #tpu.memory_space<vmem>>) target_semaphore(%arg14 : memref<!tpu.dma_semaphore, #tpu.memory_space<semaphore_mem>>)
      %add3A_1316 = arith.constant 3 : i32
      %add3A_1317 = arith.addi %mul3A_937, %add3A_1316 : i32
      %add3A_1318 = arith.constant 1 : i32
      %add3A_1319 = arith.addi %add3A_1317, %add3A_1318 : i32
      %mul3A_1320 = arith.constant 2 : i32
      %mul3A_1321 = arith.muli %add3A_1319, %mul3A_1320 : i32
      %dma_wait3A_1322 = arith.constant 0 : i32
      %dma_wait3A_1323 = arith.constant 0 : i32
      %dma_wait3A_1324 = tpu.memref_slice %arg3[%add3A, %mul3A_1321, %dma_wait3A_1322, %dma_wait3A_1323] : memref<32x200x2x50xi32, #tpu.memory_space<hbm>> -> memref<1x2x2x50xi32, #tpu.memory_space<hbm>>
      %dma_wait3A_1325 = tpu.memref_squeeze %dma_wait3A_1324 : memref<1x2x2x50xi32, #tpu.memory_space<hbm>> -> memref<2x2x50xi32, #tpu.memory_space<hbm>>
      %dma_wait3A_1326 = arith.constant 0 : i32
      %dma_wait3A_1327 = arith.constant 0 : i32
      %dma_wait3A_1328 = tpu.memref_slice %arg3[%add3A, %mul3A_1321, %dma_wait3A_1326, %dma_wait3A_1327] : memref<32x200x2x50xi32, #tpu.memory_space<hbm>> -> memref<1x2x2x50xi32, #tpu.memory_space<hbm>>
      %dma_wait3A_1329 = tpu.memref_squeeze %dma_wait3A_1328 : memref<1x2x2x50xi32, #tpu.memory_space<hbm>> -> memref<2x2x50xi32, #tpu.memory_space<hbm>>
      tpu.wait_dma2 semaphore(%arg13 : memref<!tpu.dma_semaphore, #tpu.memory_space<semaphore_mem>>) src(%dma_wait3A_1329 : memref<2x2x50xi32, #tpu.memory_space<hbm>>) dst(%arg7 : memref<2x2x50xi32, #tpu.memory_space<vmem>>)
      %dma_wait3A_1330 = arith.constant 0 : i32
      %dma_wait3A_1331 = arith.constant 0 : i32
      %dma_wait3A_1332 = arith.constant 0 : i32
      %dma_wait3A_1333 = tpu.memref_slice %arg11[%dma_wait3A_1330, %dma_wait3A_1331, %dma_wait3A_1332] : memref<2x50x128xf32, #tpu.memory_space<vmem>> -> memref<1x50x128xf32, #tpu.memory_space<vmem>>
      %dma_wait3A_1334 = tpu.memref_squeeze %dma_wait3A_1333 : memref<1x50x128xf32, #tpu.memory_space<vmem>> -> memref<50x128xf32, #tpu.memory_space<vmem>>
      %dma_wait3A_1335 = arith.constant 0 : i32
      %dma_wait3A_1336 = arith.constant 0 : i32
      %dma_wait3A_1337 = tpu.memref_slice %arg11[%dma_wait3A_1330, %dma_wait3A_1335, %dma_wait3A_1336] : memref<2x50x128xf32, #tpu.memory_space<vmem>> -> memref<1x50x128xf32, #tpu.memory_space<vmem>>
      %dma_wait3A_1338 = tpu.memref_squeeze %dma_wait3A_1337 : memref<1x50x128xf32, #tpu.memory_space<vmem>> -> memref<50x128xf32, #tpu.memory_space<vmem>>
      tpu.wait_dma2 semaphore(%arg21 : memref<!tpu.dma_semaphore, #tpu.memory_space<semaphore_mem>>) src(%arg4 : memref<50x128xf32, #tpu.memory_space<hbm>>) dst(%dma_wait3A_1338 : memref<50x128xf32, #tpu.memory_space<vmem>>)
      %dma_start3A_1339 = arith.constant 0 : i32
      %dma_start3A_1340 = arith.constant 0 : i32
      %dma_start3A_1341 = arith.constant 0 : i32
      %dma_start3A_1342 = arith.constant 0 : i32
      %dma_start3A_1343 = arith.constant 0 : i32
      %dma_start3A_1344 = tpu.memref_slice %arg11[%dma_start3A_1341, %dma_start3A_1342, %dma_start3A_1343] : memref<2x50x128xf32, #tpu.memory_space<vmem>> -> memref<1x50x128xf32, #tpu.memory_space<vmem>>
      %dma_start3A_1345 = tpu.memref_squeeze %dma_start3A_1344 : memref<1x50x128xf32, #tpu.memory_space<vmem>> -> memref<50x128xf32, #tpu.memory_space<vmem>>
      %dma_start3A_1346 = arith.constant 0 : i32
      %dma_start3A_1347 = tpu.memref_slice %arg7[%dma_start3A_1339, %dma_start3A_1340, %dma_start3A_1346] : memref<2x2x50xi32, #tpu.memory_space<vmem>> -> memref<1x1x50xi32, #tpu.memory_space<vmem>>
      %dma_start3A_1348 = tpu.memref_squeeze %dma_start3A_1347 : memref<1x1x50xi32, #tpu.memory_space<vmem>> -> memref<50xi32, #tpu.memory_space<vmem>>
      %dma_start3A_1349 = arith.constant 0 : i32
      %dma_start3A_1350 = arith.constant 0 : i32
      %dma_start3A_1351 = tpu.memref_slice %arg2[%dma_start3A_1349, %dma_start3A_1350] : memref<10240x128xf32, #tpu.memory_space<hbm>> -> memref<10240x128xf32, #tpu.memory_space<hbm>>
      tpu.enqueue_indirect_dma source(%dma_start3A_1351 : memref<10240x128xf32, #tpu.memory_space<hbm>>) target(%dma_start3A_1345 : memref<50x128xf32, #tpu.memory_space<vmem>>) offsets(%dma_start3A_1348 : memref<50xi32, #tpu.memory_space<vmem>>) semaphore(%arg17 : memref<!tpu.dma_semaphore, #tpu.memory_space<semaphore_mem>>)
      %dma_wait3A_1352 = arith.constant 1 : i32
      %dma_wait3A_1353 = arith.constant 0 : i32
      %dma_wait3A_1354 = arith.constant 0 : i32
      %dma_wait3A_1355 = tpu.memref_slice %arg11[%dma_wait3A_1352, %dma_wait3A_1353, %dma_wait3A_1354] : memref<2x50x128xf32, #tpu.memory_space<vmem>> -> memref<1x50x128xf32, #tpu.memory_space<vmem>>
      %dma_wait3A_1356 = tpu.memref_squeeze %dma_wait3A_1355 : memref<1x50x128xf32, #tpu.memory_space<vmem>> -> memref<50x128xf32, #tpu.memory_space<vmem>>
      %dma_wait3A_1357 = arith.constant 0 : i32
      %dma_wait3A_1358 = arith.constant 0 : i32
      %dma_wait3A_1359 = tpu.memref_slice %arg11[%dma_wait3A_1352, %dma_wait3A_1357, %dma_wait3A_1358] : memref<2x50x128xf32, #tpu.memory_space<vmem>> -> memref<1x50x128xf32, #tpu.memory_space<vmem>>
      %dma_wait3A_1360 = tpu.memref_squeeze %dma_wait3A_1359 : memref<1x50x128xf32, #tpu.memory_space<vmem>> -> memref<50x128xf32, #tpu.memory_space<vmem>>
      tpu.wait_dma2 semaphore(%arg22 : memref<!tpu.dma_semaphore, #tpu.memory_space<semaphore_mem>>) src(%arg4 : memref<50x128xf32, #tpu.memory_space<hbm>>) dst(%dma_wait3A_1360 : memref<50x128xf32, #tpu.memory_space<vmem>>)
      %dma_start3A_1361 = arith.constant 1 : i32
      %dma_start3A_1362 = arith.constant 0 : i32
      %dma_start3A_1363 = arith.constant 1 : i32
      %dma_start3A_1364 = arith.constant 0 : i32
      %dma_start3A_1365 = arith.constant 0 : i32
      %dma_start3A_1366 = tpu.memref_slice %arg11[%dma_start3A_1363, %dma_start3A_1364, %dma_start3A_1365] : memref<2x50x128xf32, #tpu.memory_space<vmem>> -> memref<1x50x128xf32, #tpu.memory_space<vmem>>
      %dma_start3A_1367 = tpu.memref_squeeze %dma_start3A_1366 : memref<1x50x128xf32, #tpu.memory_space<vmem>> -> memref<50x128xf32, #tpu.memory_space<vmem>>
      %dma_start3A_1368 = arith.constant 0 : i32
      %dma_start3A_1369 = tpu.memref_slice %arg7[%dma_start3A_1361, %dma_start3A_1362, %dma_start3A_1368] : memref<2x2x50xi32, #tpu.memory_space<vmem>> -> memref<1x1x50xi32, #tpu.memory_space<vmem>>
      %dma_start3A_1370 = tpu.memref_squeeze %dma_start3A_1369 : memref<1x1x50xi32, #tpu.memory_space<vmem>> -> memref<50xi32, #tpu.memory_space<vmem>>
      %dma_start3A_1371 = arith.constant 0 : i32
      %dma_start3A_1372 = arith.constant 0 : i32
      %dma_start3A_1373 = tpu.memref_slice %arg2[%dma_start3A_1371, %dma_start3A_1372] : memref<10240x128xf32, #tpu.memory_space<hbm>> -> memref<10240x128xf32, #tpu.memory_space<hbm>>
      tpu.enqueue_indirect_dma source(%dma_start3A_1373 : memref<10240x128xf32, #tpu.memory_space<hbm>>) target(%dma_start3A_1367 : memref<50x128xf32, #tpu.memory_space<vmem>>) offsets(%dma_start3A_1370 : memref<50xi32, #tpu.memory_space<vmem>>) semaphore(%arg18 : memref<!tpu.dma_semaphore, #tpu.memory_space<semaphore_mem>>)
      %add3A_1374 = arith.constant 3 : i32
      %add3A_1375 = arith.addi %mul3A_937, %add3A_1374 : i32
      %dma_wait3A_1376 = arith.constant 0 : i32
      %dma_wait3A_1377 = arith.constant 0 : i32
      %dma_wait3A_1378 = arith.constant 0 : i32
      %dma_wait3A_1379 = arith.constant 0 : i32
      %dma_wait3A_1380 = arith.constant 0 : i32
      %dma_wait3A_1381 = tpu.memref_slice %arg12[%dma_wait3A_1378, %dma_wait3A_1379, %dma_wait3A_1380] : memref<2x50x128xf32, #tpu.memory_space<vmem>> -> memref<1x50x128xf32, #tpu.memory_space<vmem>>
      %dma_wait3A_1382 = tpu.memref_squeeze %dma_wait3A_1381 : memref<1x50x128xf32, #tpu.memory_space<vmem>> -> memref<50x128xf32, #tpu.memory_space<vmem>>
      %dma_wait3A_1383 = arith.constant 0 : i32
      %dma_wait3A_1384 = tpu.memref_slice %arg10[%dma_wait3A_1376, %dma_wait3A_1377, %dma_wait3A_1383] : memref<2x2x50xi32, #tpu.memory_space<vmem>> -> memref<1x1x50xi32, #tpu.memory_space<vmem>>
      %dma_wait3A_1385 = tpu.memref_squeeze %dma_wait3A_1384 : memref<1x1x50xi32, #tpu.memory_space<vmem>> -> memref<50xi32, #tpu.memory_space<vmem>>
      %dma_wait3A_1386 = arith.constant 0 : i32
      %dma_wait3A_1387 = arith.constant 0 : i32
      %dma_wait3A_1388 = tpu.memref_slice %arg2[%dma_wait3A_1386, %dma_wait3A_1387] : memref<10240x128xf32, #tpu.memory_space<hbm>> -> memref<10240x128xf32, #tpu.memory_space<hbm>>
      tpu.wait_indirect_dma semaphore(%arg19 : memref<!tpu.dma_semaphore, #tpu.memory_space<semaphore_mem>>) src(%dma_wait3A_1388 : memref<10240x128xf32, #tpu.memory_space<hbm>>) dst(%dma_wait3A_1382 : memref<50x128xf32, #tpu.memory_space<vmem>>)
      %dma_start3A_1389 = arith.constant 0 : i32
      %dma_start3A_1390 = arith.constant 0 : i32
      %dma_start3A_1391 = arith.constant 1 : i32
      %dma_start3A_1392 = arith.constant 0 : i32
      %dma_start3A_1393 = arith.constant 0 : i32
      %dma_start3A_1394 = tpu.memref_slice %arg12[%dma_start3A_1389, %dma_start3A_1392, %dma_start3A_1393] : memref<2x50x128xf32, #tpu.memory_space<vmem>> -> memref<1x50x128xf32, #tpu.memory_space<vmem>>
      %dma_start3A_1395 = tpu.memref_squeeze %dma_start3A_1394 : memref<1x50x128xf32, #tpu.memory_space<vmem>> -> memref<50x128xf32, #tpu.memory_space<vmem>>
      %dma_start3A_1396 = arith.constant 0 : i32
      %dma_start3A_1397 = tpu.memref_slice %arg10[%dma_start3A_1390, %dma_start3A_1391, %dma_start3A_1396] : memref<2x2x50xi32, #tpu.memory_space<vmem>> -> memref<1x1x50xi32, #tpu.memory_space<vmem>>
      %dma_start3A_1398 = tpu.memref_squeeze %dma_start3A_1397 : memref<1x1x50xi32, #tpu.memory_space<vmem>> -> memref<50xi32, #tpu.memory_space<vmem>>
      %dma_start3A_1399 = arith.constant 0 : i32
      %dma_start3A_1400 = arith.constant 0 : i32
      %dma_start3A_1401 = tpu.memref_slice %arg6[%dma_start3A_1399, %dma_start3A_1400] : memref<10240x128xf32, #tpu.memory_space<vmem_shared>> -> memref<10240x128xf32, #tpu.memory_space<vmem_shared>>
      tpu.enqueue_indirect_dma source(%dma_start3A_1395 : memref<50x128xf32, #tpu.memory_space<vmem>>) target(%dma_start3A_1401 : memref<10240x128xf32, #tpu.memory_space<vmem_shared>>) offsets(%dma_start3A_1398 : memref<50xi32, #tpu.memory_space<vmem>>) semaphore(%arg23 : memref<!tpu.dma_semaphore, #tpu.memory_space<semaphore_mem>>) {add = true}
      %dma_wait3A_1402 = arith.constant 1 : i32
      %dma_wait3A_1403 = arith.constant 0 : i32
      %dma_wait3A_1404 = arith.constant 1 : i32
      %dma_wait3A_1405 = arith.constant 0 : i32
      %dma_wait3A_1406 = arith.constant 0 : i32
      %dma_wait3A_1407 = tpu.memref_slice %arg12[%dma_wait3A_1404, %dma_wait3A_1405, %dma_wait3A_1406] : memref<2x50x128xf32, #tpu.memory_space<vmem>> -> memref<1x50x128xf32, #tpu.memory_space<vmem>>
      %dma_wait3A_1408 = tpu.memref_squeeze %dma_wait3A_1407 : memref<1x50x128xf32, #tpu.memory_space<vmem>> -> memref<50x128xf32, #tpu.memory_space<vmem>>
      %dma_wait3A_1409 = arith.constant 0 : i32
      %dma_wait3A_1410 = tpu.memref_slice %arg10[%dma_wait3A_1402, %dma_wait3A_1403, %dma_wait3A_1409] : memref<2x2x50xi32, #tpu.memory_space<vmem>> -> memref<1x1x50xi32, #tpu.memory_space<vmem>>
      %dma_wait3A_1411 = tpu.memref_squeeze %dma_wait3A_1410 : memref<1x1x50xi32, #tpu.memory_space<vmem>> -> memref<50xi32, #tpu.memory_space<vmem>>
      %dma_wait3A_1412 = arith.constant 0 : i32
      %dma_wait3A_1413 = arith.constant 0 : i32
      %dma_wait3A_1414 = tpu.memref_slice %arg2[%dma_wait3A_1412, %dma_wait3A_1413] : memref<10240x128xf32, #tpu.memory_space<hbm>> -> memref<10240x128xf32, #tpu.memory_space<hbm>>
      tpu.wait_indirect_dma semaphore(%arg20 : memref<!tpu.dma_semaphore, #tpu.memory_space<semaphore_mem>>) src(%dma_wait3A_1414 : memref<10240x128xf32, #tpu.memory_space<hbm>>) dst(%dma_wait3A_1408 : memref<50x128xf32, #tpu.memory_space<vmem>>)
      %dma_start3A_1415 = arith.constant 1 : i32
      %dma_start3A_1416 = arith.constant 1 : i32
      %dma_start3A_1417 = arith.constant 1 : i32
      %dma_start3A_1418 = arith.constant 0 : i32
      %dma_start3A_1419 = arith.constant 0 : i32
      %dma_start3A_1420 = tpu.memref_slice %arg12[%dma_start3A_1415, %dma_start3A_1418, %dma_start3A_1419] : memref<2x50x128xf32, #tpu.memory_space<vmem>> -> memref<1x50x128xf32, #tpu.memory_space<vmem>>
      %dma_start3A_1421 = tpu.memref_squeeze %dma_start3A_1420 : memref<1x50x128xf32, #tpu.memory_space<vmem>> -> memref<50x128xf32, #tpu.memory_space<vmem>>
      %dma_start3A_1422 = arith.constant 0 : i32
      %dma_start3A_1423 = tpu.memref_slice %arg10[%dma_start3A_1416, %dma_start3A_1417, %dma_start3A_1422] : memref<2x2x50xi32, #tpu.memory_space<vmem>> -> memref<1x1x50xi32, #tpu.memory_space<vmem>>
      %dma_start3A_1424 = tpu.memref_squeeze %dma_start3A_1423 : memref<1x1x50xi32, #tpu.memory_space<vmem>> -> memref<50xi32, #tpu.memory_space<vmem>>
      %dma_start3A_1425 = arith.constant 0 : i32
      %dma_start3A_1426 = arith.constant 0 : i32
      %dma_start3A_1427 = tpu.memref_slice %arg6[%dma_start3A_1425, %dma_start3A_1426] : memref<10240x128xf32, #tpu.memory_space<vmem_shared>> -> memref<10240x128xf32, #tpu.memory_space<vmem_shared>>
      tpu.enqueue_indirect_dma source(%dma_start3A_1421 : memref<50x128xf32, #tpu.memory_space<vmem>>) target(%dma_start3A_1427 : memref<10240x128xf32, #tpu.memory_space<vmem_shared>>) offsets(%dma_start3A_1424 : memref<50xi32, #tpu.memory_space<vmem>>) semaphore(%arg24 : memref<!tpu.dma_semaphore, #tpu.memory_space<semaphore_mem>>) {add = true}
      %add3A_1428 = arith.constant 3 : i32
      %add3A_1429 = arith.addi %mul3A_937, %add3A_1428 : i32
      %add3A_1430 = arith.constant 3 : i32
      %add3A_1431 = arith.addi %add3A_1429, %add3A_1430 : i32
      %mul3A_1432 = arith.constant 2 : i32
      %mul3A_1433 = arith.muli %add3A_1431, %mul3A_1432 : i32
      %dma_start3A_1434 = arith.constant 0 : i32
      %dma_start3A_1435 = arith.constant 0 : i32
      %dma_start3A_1436 = tpu.memref_slice %arg3[%add3A, %mul3A_1433, %dma_start3A_1434, %dma_start3A_1435] : memref<32x200x2x50xi32, #tpu.memory_space<hbm>> -> memref<1x2x2x50xi32, #tpu.memory_space<hbm>>
      %dma_start3A_1437 = tpu.memref_squeeze %dma_start3A_1436 : memref<1x2x2x50xi32, #tpu.memory_space<hbm>> -> memref<2x2x50xi32, #tpu.memory_space<hbm>>
      %dma_start3A_1438 = arith.constant 0 : i32
      %dma_start3A_1439 = arith.constant 0 : i32
      %dma_start3A_1440 = tpu.memref_slice %arg3[%add3A, %mul3A_1433, %dma_start3A_1438, %dma_start3A_1439] : memref<32x200x2x50xi32, #tpu.memory_space<hbm>> -> memref<1x2x2x50xi32, #tpu.memory_space<hbm>>
      %dma_start3A_1441 = tpu.memref_squeeze %dma_start3A_1440 : memref<1x2x2x50xi32, #tpu.memory_space<hbm>> -> memref<2x2x50xi32, #tpu.memory_space<hbm>>
      tpu.enqueue_dma source(%dma_start3A_1441 : memref<2x2x50xi32, #tpu.memory_space<hbm>>) target(%arg9 : memref<2x2x50xi32, #tpu.memory_space<vmem>>) target_semaphore(%arg15 : memref<!tpu.dma_semaphore, #tpu.memory_space<semaphore_mem>>)
    }
    %scan3A_517 = arith.constant 23 : i32
    %dma_wait3A_518 = arith.constant 194 : i32
    %dma_wait3A_519 = arith.constant 0 : i32
    %dma_wait3A_520 = arith.constant 0 : i32
    %dma_wait3A_521 = tpu.memref_slice %arg3[%add3A, %dma_wait3A_518, %dma_wait3A_519, %dma_wait3A_520] : memref<32x200x2x50xi32, #tpu.memory_space<hbm>> -> memref<1x2x2x50xi32, #tpu.memory_space<hbm>>
    %dma_wait3A_522 = tpu.memref_squeeze %dma_wait3A_521 : memref<1x2x2x50xi32, #tpu.memory_space<hbm>> -> memref<2x2x50xi32, #tpu.memory_space<hbm>>
    %dma_wait3A_523 = arith.constant 194 : i32
    %dma_wait3A_524 = arith.constant 0 : i32
    %dma_wait3A_525 = arith.constant 0 : i32
    %dma_wait3A_526 = tpu.memref_slice %arg3[%add3A, %dma_wait3A_523, %dma_wait3A_524, %dma_wait3A_525] : memref<32x200x2x50xi32, #tpu.memory_space<hbm>> -> memref<1x2x2x50xi32, #tpu.memory_space<hbm>>
    %dma_wait3A_527 = tpu.memref_squeeze %dma_wait3A_526 : memref<1x2x2x50xi32, #tpu.memory_space<hbm>> -> memref<2x2x50xi32, #tpu.memory_space<hbm>>
    tpu.wait_dma2 semaphore(%arg14 : memref<!tpu.dma_semaphore, #tpu.memory_space<semaphore_mem>>) src(%dma_wait3A_527 : memref<2x2x50xi32, #tpu.memory_space<hbm>>) dst(%arg8 : memref<2x2x50xi32, #tpu.memory_space<vmem>>)
    %dma_wait3A_528 = arith.constant 0 : i32
    %dma_wait3A_529 = arith.constant 0 : i32
    %dma_wait3A_530 = arith.constant 0 : i32
    %dma_wait3A_531 = tpu.memref_slice %arg12[%dma_wait3A_528, %dma_wait3A_529, %dma_wait3A_530] : memref<2x50x128xf32, #tpu.memory_space<vmem>> -> memref<1x50x128xf32, #tpu.memory_space<vmem>>
    %dma_wait3A_532 = tpu.memref_squeeze %dma_wait3A_531 : memref<1x50x128xf32, #tpu.memory_space<vmem>> -> memref<50x128xf32, #tpu.memory_space<vmem>>
    %dma_wait3A_533 = arith.constant 0 : i32
    %dma_wait3A_534 = arith.constant 0 : i32
    %dma_wait3A_535 = tpu.memref_slice %arg12[%dma_wait3A_528, %dma_wait3A_533, %dma_wait3A_534] : memref<2x50x128xf32, #tpu.memory_space<vmem>> -> memref<1x50x128xf32, #tpu.memory_space<vmem>>
    %dma_wait3A_536 = tpu.memref_squeeze %dma_wait3A_535 : memref<1x50x128xf32, #tpu.memory_space<vmem>> -> memref<50x128xf32, #tpu.memory_space<vmem>>
    tpu.wait_dma2 semaphore(%arg23 : memref<!tpu.dma_semaphore, #tpu.memory_space<semaphore_mem>>) src(%arg4 : memref<50x128xf32, #tpu.memory_space<hbm>>) dst(%dma_wait3A_536 : memref<50x128xf32, #tpu.memory_space<vmem>>)
    %dma_start3A_537 = arith.constant 0 : i32
    %dma_start3A_538 = arith.constant 0 : i32
    %dma_start3A_539 = arith.constant 0 : i32
    %dma_start3A_540 = arith.constant 0 : i32
    %dma_start3A_541 = arith.constant 0 : i32
    %dma_start3A_542 = tpu.memref_slice %arg12[%dma_start3A_539, %dma_start3A_540, %dma_start3A_541] : memref<2x50x128xf32, #tpu.memory_space<vmem>> -> memref<1x50x128xf32, #tpu.memory_space<vmem>>
    %dma_start3A_543 = tpu.memref_squeeze %dma_start3A_542 : memref<1x50x128xf32, #tpu.memory_space<vmem>> -> memref<50x128xf32, #tpu.memory_space<vmem>>
    %dma_start3A_544 = arith.constant 0 : i32
    %dma_start3A_545 = tpu.memref_slice %arg8[%dma_start3A_537, %dma_start3A_538, %dma_start3A_544] : memref<2x2x50xi32, #tpu.memory_space<vmem>> -> memref<1x1x50xi32, #tpu.memory_space<vmem>>
    %dma_start3A_546 = tpu.memref_squeeze %dma_start3A_545 : memref<1x1x50xi32, #tpu.memory_space<vmem>> -> memref<50xi32, #tpu.memory_space<vmem>>
    %dma_start3A_547 = arith.constant 0 : i32
    %dma_start3A_548 = arith.constant 0 : i32
    %dma_start3A_549 = tpu.memref_slice %arg2[%dma_start3A_547, %dma_start3A_548] : memref<10240x128xf32, #tpu.memory_space<hbm>> -> memref<10240x128xf32, #tpu.memory_space<hbm>>
    tpu.enqueue_indirect_dma source(%dma_start3A_549 : memref<10240x128xf32, #tpu.memory_space<hbm>>) target(%dma_start3A_543 : memref<50x128xf32, #tpu.memory_space<vmem>>) offsets(%dma_start3A_546 : memref<50xi32, #tpu.memory_space<vmem>>) semaphore(%arg19 : memref<!tpu.dma_semaphore, #tpu.memory_space<semaphore_mem>>)
    %dma_wait3A_550 = arith.constant 1 : i32
    %dma_wait3A_551 = arith.constant 0 : i32
    %dma_wait3A_552 = arith.constant 0 : i32
    %dma_wait3A_553 = tpu.memref_slice %arg12[%dma_wait3A_550, %dma_wait3A_551, %dma_wait3A_552] : memref<2x50x128xf32, #tpu.memory_space<vmem>> -> memref<1x50x128xf32, #tpu.memory_space<vmem>>
    %dma_wait3A_554 = tpu.memref_squeeze %dma_wait3A_553 : memref<1x50x128xf32, #tpu.memory_space<vmem>> -> memref<50x128xf32, #tpu.memory_space<vmem>>
    %dma_wait3A_555 = arith.constant 0 : i32
    %dma_wait3A_556 = arith.constant 0 : i32
    %dma_wait3A_557 = tpu.memref_slice %arg12[%dma_wait3A_550, %dma_wait3A_555, %dma_wait3A_556] : memref<2x50x128xf32, #tpu.memory_space<vmem>> -> memref<1x50x128xf32, #tpu.memory_space<vmem>>
    %dma_wait3A_558 = tpu.memref_squeeze %dma_wait3A_557 : memref<1x50x128xf32, #tpu.memory_space<vmem>> -> memref<50x128xf32, #tpu.memory_space<vmem>>
    tpu.wait_dma2 semaphore(%arg24 : memref<!tpu.dma_semaphore, #tpu.memory_space<semaphore_mem>>) src(%arg4 : memref<50x128xf32, #tpu.memory_space<hbm>>) dst(%dma_wait3A_558 : memref<50x128xf32, #tpu.memory_space<vmem>>)
    %dma_start3A_559 = arith.constant 1 : i32
    %dma_start3A_560 = arith.constant 0 : i32
    %dma_start3A_561 = arith.constant 1 : i32
    %dma_start3A_562 = arith.constant 0 : i32
    %dma_start3A_563 = arith.constant 0 : i32
    %dma_start3A_564 = tpu.memref_slice %arg12[%dma_start3A_561, %dma_start3A_562, %dma_start3A_563] : memref<2x50x128xf32, #tpu.memory_space<vmem>> -> memref<1x50x128xf32, #tpu.memory_space<vmem>>
    %dma_start3A_565 = tpu.memref_squeeze %dma_start3A_564 : memref<1x50x128xf32, #tpu.memory_space<vmem>> -> memref<50x128xf32, #tpu.memory_space<vmem>>
    %dma_start3A_566 = arith.constant 0 : i32
    %dma_start3A_567 = tpu.memref_slice %arg8[%dma_start3A_559, %dma_start3A_560, %dma_start3A_566] : memref<2x2x50xi32, #tpu.memory_space<vmem>> -> memref<1x1x50xi32, #tpu.memory_space<vmem>>
    %dma_start3A_568 = tpu.memref_squeeze %dma_start3A_567 : memref<1x1x50xi32, #tpu.memory_space<vmem>> -> memref<50xi32, #tpu.memory_space<vmem>>
    %dma_start3A_569 = arith.constant 0 : i32
    %dma_start3A_570 = arith.constant 0 : i32
    %dma_start3A_571 = tpu.memref_slice %arg2[%dma_start3A_569, %dma_start3A_570] : memref<10240x128xf32, #tpu.memory_space<hbm>> -> memref<10240x128xf32, #tpu.memory_space<hbm>>
    tpu.enqueue_indirect_dma source(%dma_start3A_571 : memref<10240x128xf32, #tpu.memory_space<hbm>>) target(%dma_start3A_565 : memref<50x128xf32, #tpu.memory_space<vmem>>) offsets(%dma_start3A_568 : memref<50xi32, #tpu.memory_space<vmem>>) semaphore(%arg20 : memref<!tpu.dma_semaphore, #tpu.memory_space<semaphore_mem>>)
    %dma_wait3A_572 = arith.constant 0 : i32
    %dma_wait3A_573 = arith.constant 0 : i32
    %dma_wait3A_574 = arith.constant 0 : i32
    %dma_wait3A_575 = arith.constant 0 : i32
    %dma_wait3A_576 = arith.constant 0 : i32
    %dma_wait3A_577 = tpu.memref_slice %arg11[%dma_wait3A_574, %dma_wait3A_575, %dma_wait3A_576] : memref<2x50x128xf32, #tpu.memory_space<vmem>> -> memref<1x50x128xf32, #tpu.memory_space<vmem>>
    %dma_wait3A_578 = tpu.memref_squeeze %dma_wait3A_577 : memref<1x50x128xf32, #tpu.memory_space<vmem>> -> memref<50x128xf32, #tpu.memory_space<vmem>>
    %dma_wait3A_579 = arith.constant 0 : i32
    %dma_wait3A_580 = tpu.memref_slice %arg7[%dma_wait3A_572, %dma_wait3A_573, %dma_wait3A_579] : memref<2x2x50xi32, #tpu.memory_space<vmem>> -> memref<1x1x50xi32, #tpu.memory_space<vmem>>
    %dma_wait3A_581 = tpu.memref_squeeze %dma_wait3A_580 : memref<1x1x50xi32, #tpu.memory_space<vmem>> -> memref<50xi32, #tpu.memory_space<vmem>>
    %dma_wait3A_582 = arith.constant 0 : i32
    %dma_wait3A_583 = arith.constant 0 : i32
    %dma_wait3A_584 = tpu.memref_slice %arg2[%dma_wait3A_582, %dma_wait3A_583] : memref<10240x128xf32, #tpu.memory_space<hbm>> -> memref<10240x128xf32, #tpu.memory_space<hbm>>
    tpu.wait_indirect_dma semaphore(%arg17 : memref<!tpu.dma_semaphore, #tpu.memory_space<semaphore_mem>>) src(%dma_wait3A_584 : memref<10240x128xf32, #tpu.memory_space<hbm>>) dst(%dma_wait3A_578 : memref<50x128xf32, #tpu.memory_space<vmem>>)
    %dma_start3A_585 = arith.constant 0 : i32
    %dma_start3A_586 = arith.constant 0 : i32
    %dma_start3A_587 = arith.constant 1 : i32
    %dma_start3A_588 = arith.constant 0 : i32
    %dma_start3A_589 = arith.constant 0 : i32
    %dma_start3A_590 = tpu.memref_slice %arg11[%dma_start3A_585, %dma_start3A_588, %dma_start3A_589] : memref<2x50x128xf32, #tpu.memory_space<vmem>> -> memref<1x50x128xf32, #tpu.memory_space<vmem>>
    %dma_start3A_591 = tpu.memref_squeeze %dma_start3A_590 : memref<1x50x128xf32, #tpu.memory_space<vmem>> -> memref<50x128xf32, #tpu.memory_space<vmem>>
    %dma_start3A_592 = arith.constant 0 : i32
    %dma_start3A_593 = tpu.memref_slice %arg7[%dma_start3A_586, %dma_start3A_587, %dma_start3A_592] : memref<2x2x50xi32, #tpu.memory_space<vmem>> -> memref<1x1x50xi32, #tpu.memory_space<vmem>>
    %dma_start3A_594 = tpu.memref_squeeze %dma_start3A_593 : memref<1x1x50xi32, #tpu.memory_space<vmem>> -> memref<50xi32, #tpu.memory_space<vmem>>
    %dma_start3A_595 = arith.constant 0 : i32
    %dma_start3A_596 = arith.constant 0 : i32
    %dma_start3A_597 = tpu.memref_slice %arg6[%dma_start3A_595, %dma_start3A_596] : memref<10240x128xf32, #tpu.memory_space<vmem_shared>> -> memref<10240x128xf32, #tpu.memory_space<vmem_shared>>
    tpu.enqueue_indirect_dma source(%dma_start3A_591 : memref<50x128xf32, #tpu.memory_space<vmem>>) target(%dma_start3A_597 : memref<10240x128xf32, #tpu.memory_space<vmem_shared>>) offsets(%dma_start3A_594 : memref<50xi32, #tpu.memory_space<vmem>>) semaphore(%arg21 : memref<!tpu.dma_semaphore, #tpu.memory_space<semaphore_mem>>) {add = true}
    %dma_wait3A_598 = arith.constant 1 : i32
    %dma_wait3A_599 = arith.constant 0 : i32
    %dma_wait3A_600 = arith.constant 1 : i32
    %dma_wait3A_601 = arith.constant 0 : i32
    %dma_wait3A_602 = arith.constant 0 : i32
    %dma_wait3A_603 = tpu.memref_slice %arg11[%dma_wait3A_600, %dma_wait3A_601, %dma_wait3A_602] : memref<2x50x128xf32, #tpu.memory_space<vmem>> -> memref<1x50x128xf32, #tpu.memory_space<vmem>>
    %dma_wait3A_604 = tpu.memref_squeeze %dma_wait3A_603 : memref<1x50x128xf32, #tpu.memory_space<vmem>> -> memref<50x128xf32, #tpu.memory_space<vmem>>
    %dma_wait3A_605 = arith.constant 0 : i32
    %dma_wait3A_606 = tpu.memref_slice %arg7[%dma_wait3A_598, %dma_wait3A_599, %dma_wait3A_605] : memref<2x2x50xi32, #tpu.memory_space<vmem>> -> memref<1x1x50xi32, #tpu.memory_space<vmem>>
    %dma_wait3A_607 = tpu.memref_squeeze %dma_wait3A_606 : memref<1x1x50xi32, #tpu.memory_space<vmem>> -> memref<50xi32, #tpu.memory_space<vmem>>
    %dma_wait3A_608 = arith.constant 0 : i32
    %dma_wait3A_609 = arith.constant 0 : i32
    %dma_wait3A_610 = tpu.memref_slice %arg2[%dma_wait3A_608, %dma_wait3A_609] : memref<10240x128xf32, #tpu.memory_space<hbm>> -> memref<10240x128xf32, #tpu.memory_space<hbm>>
    tpu.wait_indirect_dma semaphore(%arg18 : memref<!tpu.dma_semaphore, #tpu.memory_space<semaphore_mem>>) src(%dma_wait3A_610 : memref<10240x128xf32, #tpu.memory_space<hbm>>) dst(%dma_wait3A_604 : memref<50x128xf32, #tpu.memory_space<vmem>>)
    %dma_start3A_611 = arith.constant 1 : i32
    %dma_start3A_612 = arith.constant 1 : i32
    %dma_start3A_613 = arith.constant 1 : i32
    %dma_start3A_614 = arith.constant 0 : i32
    %dma_start3A_615 = arith.constant 0 : i32
    %dma_start3A_616 = tpu.memref_slice %arg11[%dma_start3A_611, %dma_start3A_614, %dma_start3A_615] : memref<2x50x128xf32, #tpu.memory_space<vmem>> -> memref<1x50x128xf32, #tpu.memory_space<vmem>>
    %dma_start3A_617 = tpu.memref_squeeze %dma_start3A_616 : memref<1x50x128xf32, #tpu.memory_space<vmem>> -> memref<50x128xf32, #tpu.memory_space<vmem>>
    %dma_start3A_618 = arith.constant 0 : i32
    %dma_start3A_619 = tpu.memref_slice %arg7[%dma_start3A_612, %dma_start3A_613, %dma_start3A_618] : memref<2x2x50xi32, #tpu.memory_space<vmem>> -> memref<1x1x50xi32, #tpu.memory_space<vmem>>
    %dma_start3A_620 = tpu.memref_squeeze %dma_start3A_619 : memref<1x1x50xi32, #tpu.memory_space<vmem>> -> memref<50xi32, #tpu.memory_space<vmem>>
    %dma_start3A_621 = arith.constant 0 : i32
    %dma_start3A_622 = arith.constant 0 : i32
    %dma_start3A_623 = tpu.memref_slice %arg6[%dma_start3A_621, %dma_start3A_622] : memref<10240x128xf32, #tpu.memory_space<vmem_shared>> -> memref<10240x128xf32, #tpu.memory_space<vmem_shared>>
    tpu.enqueue_indirect_dma source(%dma_start3A_617 : memref<50x128xf32, #tpu.memory_space<vmem>>) target(%dma_start3A_623 : memref<10240x128xf32, #tpu.memory_space<vmem_shared>>) offsets(%dma_start3A_620 : memref<50xi32, #tpu.memory_space<vmem>>) semaphore(%arg22 : memref<!tpu.dma_semaphore, #tpu.memory_space<semaphore_mem>>) {add = true}
    %dma_start3A_624 = arith.constant 198 : i32
    %dma_start3A_625 = arith.constant 0 : i32
    %dma_start3A_626 = arith.constant 0 : i32
    %dma_start3A_627 = tpu.memref_slice %arg3[%add3A, %dma_start3A_624, %dma_start3A_625, %dma_start3A_626] : memref<32x200x2x50xi32, #tpu.memory_space<hbm>> -> memref<1x2x2x50xi32, #tpu.memory_space<hbm>>
    %dma_start3A_628 = tpu.memref_squeeze %dma_start3A_627 : memref<1x2x2x50xi32, #tpu.memory_space<hbm>> -> memref<2x2x50xi32, #tpu.memory_space<hbm>>
    %dma_start3A_629 = arith.constant 198 : i32
    %dma_start3A_630 = arith.constant 0 : i32
    %dma_start3A_631 = arith.constant 0 : i32
    %dma_start3A_632 = tpu.memref_slice %arg3[%add3A, %dma_start3A_629, %dma_start3A_630, %dma_start3A_631] : memref<32x200x2x50xi32, #tpu.memory_space<hbm>> -> memref<1x2x2x50xi32, #tpu.memory_space<hbm>>
    %dma_start3A_633 = tpu.memref_squeeze %dma_start3A_632 : memref<1x2x2x50xi32, #tpu.memory_space<hbm>> -> memref<2x2x50xi32, #tpu.memory_space<hbm>>
    tpu.enqueue_dma source(%dma_start3A_633 : memref<2x2x50xi32, #tpu.memory_space<hbm>>) target(%arg10 : memref<2x2x50xi32, #tpu.memory_space<vmem>>) target_semaphore(%arg16 : memref<!tpu.dma_semaphore, #tpu.memory_space<semaphore_mem>>)
    %dma_wait3A_634 = arith.constant 196 : i32
    %dma_wait3A_635 = arith.constant 0 : i32
    %dma_wait3A_636 = arith.constant 0 : i32
    %dma_wait3A_637 = tpu.memref_slice %arg3[%add3A, %dma_wait3A_634, %dma_wait3A_635, %dma_wait3A_636] : memref<32x200x2x50xi32, #tpu.memory_space<hbm>> -> memref<1x2x2x50xi32, #tpu.memory_space<hbm>>
    %dma_wait3A_638 = tpu.memref_squeeze %dma_wait3A_637 : memref<1x2x2x50xi32, #tpu.memory_space<hbm>> -> memref<2x2x50xi32, #tpu.memory_space<hbm>>
    %dma_wait3A_639 = arith.constant 196 : i32
    %dma_wait3A_640 = arith.constant 0 : i32
    %dma_wait3A_641 = arith.constant 0 : i32
    %dma_wait3A_642 = tpu.memref_slice %arg3[%add3A, %dma_wait3A_639, %dma_wait3A_640, %dma_wait3A_641] : memref<32x200x2x50xi32, #tpu.memory_space<hbm>> -> memref<1x2x2x50xi32, #tpu.memory_space<hbm>>
    %dma_wait3A_643 = tpu.memref_squeeze %dma_wait3A_642 : memref<1x2x2x50xi32, #tpu.memory_space<hbm>> -> memref<2x2x50xi32, #tpu.memory_space<hbm>>
    tpu.wait_dma2 semaphore(%arg15 : memref<!tpu.dma_semaphore, #tpu.memory_space<semaphore_mem>>) src(%dma_wait3A_643 : memref<2x2x50xi32, #tpu.memory_space<hbm>>) dst(%arg9 : memref<2x2x50xi32, #tpu.memory_space<vmem>>)
    %dma_wait3A_644 = arith.constant 0 : i32
    %dma_wait3A_645 = arith.constant 0 : i32
    %dma_wait3A_646 = arith.constant 0 : i32
    %dma_wait3A_647 = tpu.memref_slice %arg11[%dma_wait3A_644, %dma_wait3A_645, %dma_wait3A_646] : memref<2x50x128xf32, #tpu.memory_space<vmem>> -> memref<1x50x128xf32, #tpu.memory_space<vmem>>
    %dma_wait3A_648 = tpu.memref_squeeze %dma_wait3A_647 : memref<1x50x128xf32, #tpu.memory_space<vmem>> -> memref<50x128xf32, #tpu.memory_space<vmem>>
    %dma_wait3A_649 = arith.constant 0 : i32
    %dma_wait3A_650 = arith.constant 0 : i32
    %dma_wait3A_651 = tpu.memref_slice %arg11[%dma_wait3A_644, %dma_wait3A_649, %dma_wait3A_650] : memref<2x50x128xf32, #tpu.memory_space<vmem>> -> memref<1x50x128xf32, #tpu.memory_space<vmem>>
    %dma_wait3A_652 = tpu.memref_squeeze %dma_wait3A_651 : memref<1x50x128xf32, #tpu.memory_space<vmem>> -> memref<50x128xf32, #tpu.memory_space<vmem>>
    tpu.wait_dma2 semaphore(%arg21 : memref<!tpu.dma_semaphore, #tpu.memory_space<semaphore_mem>>) src(%arg4 : memref<50x128xf32, #tpu.memory_space<hbm>>) dst(%dma_wait3A_652 : memref<50x128xf32, #tpu.memory_space<vmem>>)
    %dma_start3A_653 = arith.constant 0 : i32
    %dma_start3A_654 = arith.constant 0 : i32
    %dma_start3A_655 = arith.constant 0 : i32
    %dma_start3A_656 = arith.constant 0 : i32
    %dma_start3A_657 = arith.constant 0 : i32
    %dma_start3A_658 = tpu.memref_slice %arg11[%dma_start3A_655, %dma_start3A_656, %dma_start3A_657] : memref<2x50x128xf32, #tpu.memory_space<vmem>> -> memref<1x50x128xf32, #tpu.memory_space<vmem>>
    %dma_start3A_659 = tpu.memref_squeeze %dma_start3A_658 : memref<1x50x128xf32, #tpu.memory_space<vmem>> -> memref<50x128xf32, #tpu.memory_space<vmem>>
    %dma_start3A_660 = arith.constant 0 : i32
    %dma_start3A_661 = tpu.memref_slice %arg9[%dma_start3A_653, %dma_start3A_654, %dma_start3A_660] : memref<2x2x50xi32, #tpu.memory_space<vmem>> -> memref<1x1x50xi32, #tpu.memory_space<vmem>>
    %dma_start3A_662 = tpu.memref_squeeze %dma_start3A_661 : memref<1x1x50xi32, #tpu.memory_space<vmem>> -> memref<50xi32, #tpu.memory_space<vmem>>
    %dma_start3A_663 = arith.constant 0 : i32
    %dma_start3A_664 = arith.constant 0 : i32
    %dma_start3A_665 = tpu.memref_slice %arg2[%dma_start3A_663, %dma_start3A_664] : memref<10240x128xf32, #tpu.memory_space<hbm>> -> memref<10240x128xf32, #tpu.memory_space<hbm>>
    tpu.enqueue_indirect_dma source(%dma_start3A_665 : memref<10240x128xf32, #tpu.memory_space<hbm>>) target(%dma_start3A_659 : memref<50x128xf32, #tpu.memory_space<vmem>>) offsets(%dma_start3A_662 : memref<50xi32, #tpu.memory_space<vmem>>) semaphore(%arg17 : memref<!tpu.dma_semaphore, #tpu.memory_space<semaphore_mem>>)
    %dma_wait3A_666 = arith.constant 1 : i32
    %dma_wait3A_667 = arith.constant 0 : i32
    %dma_wait3A_668 = arith.constant 0 : i32
    %dma_wait3A_669 = tpu.memref_slice %arg11[%dma_wait3A_666, %dma_wait3A_667, %dma_wait3A_668] : memref<2x50x128xf32, #tpu.memory_space<vmem>> -> memref<1x50x128xf32, #tpu.memory_space<vmem>>
    %dma_wait3A_670 = tpu.memref_squeeze %dma_wait3A_669 : memref<1x50x128xf32, #tpu.memory_space<vmem>> -> memref<50x128xf32, #tpu.memory_space<vmem>>
    %dma_wait3A_671 = arith.constant 0 : i32
    %dma_wait3A_672 = arith.constant 0 : i32
    %dma_wait3A_673 = tpu.memref_slice %arg11[%dma_wait3A_666, %dma_wait3A_671, %dma_wait3A_672] : memref<2x50x128xf32, #tpu.memory_space<vmem>> -> memref<1x50x128xf32, #tpu.memory_space<vmem>>
    %dma_wait3A_674 = tpu.memref_squeeze %dma_wait3A_673 : memref<1x50x128xf32, #tpu.memory_space<vmem>> -> memref<50x128xf32, #tpu.memory_space<vmem>>
    tpu.wait_dma2 semaphore(%arg22 : memref<!tpu.dma_semaphore, #tpu.memory_space<semaphore_mem>>) src(%arg4 : memref<50x128xf32, #tpu.memory_space<hbm>>) dst(%dma_wait3A_674 : memref<50x128xf32, #tpu.memory_space<vmem>>)
    %dma_start3A_675 = arith.constant 1 : i32
    %dma_start3A_676 = arith.constant 0 : i32
    %dma_start3A_677 = arith.constant 1 : i32
    %dma_start3A_678 = arith.constant 0 : i32
    %dma_start3A_679 = arith.constant 0 : i32
    %dma_start3A_680 = tpu.memref_slice %arg11[%dma_start3A_677, %dma_start3A_678, %dma_start3A_679] : memref<2x50x128xf32, #tpu.memory_space<vmem>> -> memref<1x50x128xf32, #tpu.memory_space<vmem>>
    %dma_start3A_681 = tpu.memref_squeeze %dma_start3A_680 : memref<1x50x128xf32, #tpu.memory_space<vmem>> -> memref<50x128xf32, #tpu.memory_space<vmem>>
    %dma_start3A_682 = arith.constant 0 : i32
    %dma_start3A_683 = tpu.memref_slice %arg9[%dma_start3A_675, %dma_start3A_676, %dma_start3A_682] : memref<2x2x50xi32, #tpu.memory_space<vmem>> -> memref<1x1x50xi32, #tpu.memory_space<vmem>>
    %dma_start3A_684 = tpu.memref_squeeze %dma_start3A_683 : memref<1x1x50xi32, #tpu.memory_space<vmem>> -> memref<50xi32, #tpu.memory_space<vmem>>
    %dma_start3A_685 = arith.constant 0 : i32
    %dma_start3A_686 = arith.constant 0 : i32
    %dma_start3A_687 = tpu.memref_slice %arg2[%dma_start3A_685, %dma_start3A_686] : memref<10240x128xf32, #tpu.memory_space<hbm>> -> memref<10240x128xf32, #tpu.memory_space<hbm>>
    tpu.enqueue_indirect_dma source(%dma_start3A_687 : memref<10240x128xf32, #tpu.memory_space<hbm>>) target(%dma_start3A_681 : memref<50x128xf32, #tpu.memory_space<vmem>>) offsets(%dma_start3A_684 : memref<50xi32, #tpu.memory_space<vmem>>) semaphore(%arg18 : memref<!tpu.dma_semaphore, #tpu.memory_space<semaphore_mem>>)
    %dma_wait3A_688 = arith.constant 0 : i32
    %dma_wait3A_689 = arith.constant 0 : i32
    %dma_wait3A_690 = arith.constant 0 : i32
    %dma_wait3A_691 = arith.constant 0 : i32
    %dma_wait3A_692 = arith.constant 0 : i32
    %dma_wait3A_693 = tpu.memref_slice %arg12[%dma_wait3A_690, %dma_wait3A_691, %dma_wait3A_692] : memref<2x50x128xf32, #tpu.memory_space<vmem>> -> memref<1x50x128xf32, #tpu.memory_space<vmem>>
    %dma_wait3A_694 = tpu.memref_squeeze %dma_wait3A_693 : memref<1x50x128xf32, #tpu.memory_space<vmem>> -> memref<50x128xf32, #tpu.memory_space<vmem>>
    %dma_wait3A_695 = arith.constant 0 : i32
    %dma_wait3A_696 = tpu.memref_slice %arg8[%dma_wait3A_688, %dma_wait3A_689, %dma_wait3A_695] : memref<2x2x50xi32, #tpu.memory_space<vmem>> -> memref<1x1x50xi32, #tpu.memory_space<vmem>>
    %dma_wait3A_697 = tpu.memref_squeeze %dma_wait3A_696 : memref<1x1x50xi32, #tpu.memory_space<vmem>> -> memref<50xi32, #tpu.memory_space<vmem>>
    %dma_wait3A_698 = arith.constant 0 : i32
    %dma_wait3A_699 = arith.constant 0 : i32
    %dma_wait3A_700 = tpu.memref_slice %arg2[%dma_wait3A_698, %dma_wait3A_699] : memref<10240x128xf32, #tpu.memory_space<hbm>> -> memref<10240x128xf32, #tpu.memory_space<hbm>>
    tpu.wait_indirect_dma semaphore(%arg19 : memref<!tpu.dma_semaphore, #tpu.memory_space<semaphore_mem>>) src(%dma_wait3A_700 : memref<10240x128xf32, #tpu.memory_space<hbm>>) dst(%dma_wait3A_694 : memref<50x128xf32, #tpu.memory_space<vmem>>)
    %dma_start3A_701 = arith.constant 0 : i32
    %dma_start3A_702 = arith.constant 0 : i32
    %dma_start3A_703 = arith.constant 1 : i32
    %dma_start3A_704 = arith.constant 0 : i32
    %dma_start3A_705 = arith.constant 0 : i32
    %dma_start3A_706 = tpu.memref_slice %arg12[%dma_start3A_701, %dma_start3A_704, %dma_start3A_705] : memref<2x50x128xf32, #tpu.memory_space<vmem>> -> memref<1x50x128xf32, #tpu.memory_space<vmem>>
    %dma_start3A_707 = tpu.memref_squeeze %dma_start3A_706 : memref<1x50x128xf32, #tpu.memory_space<vmem>> -> memref<50x128xf32, #tpu.memory_space<vmem>>
    %dma_start3A_708 = arith.constant 0 : i32
    %dma_start3A_709 = tpu.memref_slice %arg8[%dma_start3A_702, %dma_start3A_703, %dma_start3A_708] : memref<2x2x50xi32, #tpu.memory_space<vmem>> -> memref<1x1x50xi32, #tpu.memory_space<vmem>>
    %dma_start3A_710 = tpu.memref_squeeze %dma_start3A_709 : memref<1x1x50xi32, #tpu.memory_space<vmem>> -> memref<50xi32, #tpu.memory_space<vmem>>
    %dma_start3A_711 = arith.constant 0 : i32
    %dma_start3A_712 = arith.constant 0 : i32
    %dma_start3A_713 = tpu.memref_slice %arg6[%dma_start3A_711, %dma_start3A_712] : memref<10240x128xf32, #tpu.memory_space<vmem_shared>> -> memref<10240x128xf32, #tpu.memory_space<vmem_shared>>
    tpu.enqueue_indirect_dma source(%dma_start3A_707 : memref<50x128xf32, #tpu.memory_space<vmem>>) target(%dma_start3A_713 : memref<10240x128xf32, #tpu.memory_space<vmem_shared>>) offsets(%dma_start3A_710 : memref<50xi32, #tpu.memory_space<vmem>>) semaphore(%arg23 : memref<!tpu.dma_semaphore, #tpu.memory_space<semaphore_mem>>) {add = true}
    %dma_wait3A_714 = arith.constant 1 : i32
    %dma_wait3A_715 = arith.constant 0 : i32
    %dma_wait3A_716 = arith.constant 1 : i32
    %dma_wait3A_717 = arith.constant 0 : i32
    %dma_wait3A_718 = arith.constant 0 : i32
    %dma_wait3A_719 = tpu.memref_slice %arg12[%dma_wait3A_716, %dma_wait3A_717, %dma_wait3A_718] : memref<2x50x128xf32, #tpu.memory_space<vmem>> -> memref<1x50x128xf32, #tpu.memory_space<vmem>>
    %dma_wait3A_720 = tpu.memref_squeeze %dma_wait3A_719 : memref<1x50x128xf32, #tpu.memory_space<vmem>> -> memref<50x128xf32, #tpu.memory_space<vmem>>
    %dma_wait3A_721 = arith.constant 0 : i32
    %dma_wait3A_722 = tpu.memref_slice %arg8[%dma_wait3A_714, %dma_wait3A_715, %dma_wait3A_721] : memref<2x2x50xi32, #tpu.memory_space<vmem>> -> memref<1x1x50xi32, #tpu.memory_space<vmem>>
    %dma_wait3A_723 = tpu.memref_squeeze %dma_wait3A_722 : memref<1x1x50xi32, #tpu.memory_space<vmem>> -> memref<50xi32, #tpu.memory_space<vmem>>
    %dma_wait3A_724 = arith.constant 0 : i32
    %dma_wait3A_725 = arith.constant 0 : i32
    %dma_wait3A_726 = tpu.memref_slice %arg2[%dma_wait3A_724, %dma_wait3A_725] : memref<10240x128xf32, #tpu.memory_space<hbm>> -> memref<10240x128xf32, #tpu.memory_space<hbm>>
    tpu.wait_indirect_dma semaphore(%arg20 : memref<!tpu.dma_semaphore, #tpu.memory_space<semaphore_mem>>) src(%dma_wait3A_726 : memref<10240x128xf32, #tpu.memory_space<hbm>>) dst(%dma_wait3A_720 : memref<50x128xf32, #tpu.memory_space<vmem>>)
    %dma_start3A_727 = arith.constant 1 : i32
    %dma_start3A_728 = arith.constant 1 : i32
    %dma_start3A_729 = arith.constant 1 : i32
    %dma_start3A_730 = arith.constant 0 : i32
    %dma_start3A_731 = arith.constant 0 : i32
    %dma_start3A_732 = tpu.memref_slice %arg12[%dma_start3A_727, %dma_start3A_730, %dma_start3A_731] : memref<2x50x128xf32, #tpu.memory_space<vmem>> -> memref<1x50x128xf32, #tpu.memory_space<vmem>>
    %dma_start3A_733 = tpu.memref_squeeze %dma_start3A_732 : memref<1x50x128xf32, #tpu.memory_space<vmem>> -> memref<50x128xf32, #tpu.memory_space<vmem>>
    %dma_start3A_734 = arith.constant 0 : i32
    %dma_start3A_735 = tpu.memref_slice %arg8[%dma_start3A_728, %dma_start3A_729, %dma_start3A_734] : memref<2x2x50xi32, #tpu.memory_space<vmem>> -> memref<1x1x50xi32, #tpu.memory_space<vmem>>
    %dma_start3A_736 = tpu.memref_squeeze %dma_start3A_735 : memref<1x1x50xi32, #tpu.memory_space<vmem>> -> memref<50xi32, #tpu.memory_space<vmem>>
    %dma_start3A_737 = arith.constant 0 : i32
    %dma_start3A_738 = arith.constant 0 : i32
    %dma_start3A_739 = tpu.memref_slice %arg6[%dma_start3A_737, %dma_start3A_738] : memref<10240x128xf32, #tpu.memory_space<vmem_shared>> -> memref<10240x128xf32, #tpu.memory_space<vmem_shared>>
    tpu.enqueue_indirect_dma source(%dma_start3A_733 : memref<50x128xf32, #tpu.memory_space<vmem>>) target(%dma_start3A_739 : memref<10240x128xf32, #tpu.memory_space<vmem_shared>>) offsets(%dma_start3A_736 : memref<50xi32, #tpu.memory_space<vmem>>) semaphore(%arg24 : memref<!tpu.dma_semaphore, #tpu.memory_space<semaphore_mem>>) {add = true}
    %dma_wait3A_740 = arith.constant 198 : i32
    %dma_wait3A_741 = arith.constant 0 : i32
    %dma_wait3A_742 = arith.constant 0 : i32
    %dma_wait3A_743 = tpu.memref_slice %arg3[%add3A, %dma_wait3A_740, %dma_wait3A_741, %dma_wait3A_742] : memref<32x200x2x50xi32, #tpu.memory_space<hbm>> -> memref<1x2x2x50xi32, #tpu.memory_space<hbm>>
    %dma_wait3A_744 = tpu.memref_squeeze %dma_wait3A_743 : memref<1x2x2x50xi32, #tpu.memory_space<hbm>> -> memref<2x2x50xi32, #tpu.memory_space<hbm>>
    %dma_wait3A_745 = arith.constant 198 : i32
    %dma_wait3A_746 = arith.constant 0 : i32
    %dma_wait3A_747 = arith.constant 0 : i32
    %dma_wait3A_748 = tpu.memref_slice %arg3[%add3A, %dma_wait3A_745, %dma_wait3A_746, %dma_wait3A_747] : memref<32x200x2x50xi32, #tpu.memory_space<hbm>> -> memref<1x2x2x50xi32, #tpu.memory_space<hbm>>
    %dma_wait3A_749 = tpu.memref_squeeze %dma_wait3A_748 : memref<1x2x2x50xi32, #tpu.memory_space<hbm>> -> memref<2x2x50xi32, #tpu.memory_space<hbm>>
    tpu.wait_dma2 semaphore(%arg16 : memref<!tpu.dma_semaphore, #tpu.memory_space<semaphore_mem>>) src(%dma_wait3A_749 : memref<2x2x50xi32, #tpu.memory_space<hbm>>) dst(%arg10 : memref<2x2x50xi32, #tpu.memory_space<vmem>>)
    %dma_wait3A_750 = arith.constant 0 : i32
    %dma_wait3A_751 = arith.constant 0 : i32
    %dma_wait3A_752 = arith.constant 0 : i32
    %dma_wait3A_753 = tpu.memref_slice %arg12[%dma_wait3A_750, %dma_wait3A_751, %dma_wait3A_752] : memref<2x50x128xf32, #tpu.memory_space<vmem>> -> memref<1x50x128xf32, #tpu.memory_space<vmem>>
    %dma_wait3A_754 = tpu.memref_squeeze %dma_wait3A_753 : memref<1x50x128xf32, #tpu.memory_space<vmem>> -> memref<50x128xf32, #tpu.memory_space<vmem>>
    %dma_wait3A_755 = arith.constant 0 : i32
    %dma_wait3A_756 = arith.constant 0 : i32
    %dma_wait3A_757 = tpu.memref_slice %arg12[%dma_wait3A_750, %dma_wait3A_755, %dma_wait3A_756] : memref<2x50x128xf32, #tpu.memory_space<vmem>> -> memref<1x50x128xf32, #tpu.memory_space<vmem>>
    %dma_wait3A_758 = tpu.memref_squeeze %dma_wait3A_757 : memref<1x50x128xf32, #tpu.memory_space<vmem>> -> memref<50x128xf32, #tpu.memory_space<vmem>>
    tpu.wait_dma2 semaphore(%arg23 : memref<!tpu.dma_semaphore, #tpu.memory_space<semaphore_mem>>) src(%arg4 : memref<50x128xf32, #tpu.memory_space<hbm>>) dst(%dma_wait3A_758 : memref<50x128xf32, #tpu.memory_space<vmem>>)
    %dma_start3A_759 = arith.constant 0 : i32
    %dma_start3A_760 = arith.constant 0 : i32
    %dma_start3A_761 = arith.constant 0 : i32
    %dma_start3A_762 = arith.constant 0 : i32
    %dma_start3A_763 = arith.constant 0 : i32
    %dma_start3A_764 = tpu.memref_slice %arg12[%dma_start3A_761, %dma_start3A_762, %dma_start3A_763] : memref<2x50x128xf32, #tpu.memory_space<vmem>> -> memref<1x50x128xf32, #tpu.memory_space<vmem>>
    %dma_start3A_765 = tpu.memref_squeeze %dma_start3A_764 : memref<1x50x128xf32, #tpu.memory_space<vmem>> -> memref<50x128xf32, #tpu.memory_space<vmem>>
    %dma_start3A_766 = arith.constant 0 : i32
    %dma_start3A_767 = tpu.memref_slice %arg10[%dma_start3A_759, %dma_start3A_760, %dma_start3A_766] : memref<2x2x50xi32, #tpu.memory_space<vmem>> -> memref<1x1x50xi32, #tpu.memory_space<vmem>>
    %dma_start3A_768 = tpu.memref_squeeze %dma_start3A_767 : memref<1x1x50xi32, #tpu.memory_space<vmem>> -> memref<50xi32, #tpu.memory_space<vmem>>
    %dma_start3A_769 = arith.constant 0 : i32
    %dma_start3A_770 = arith.constant 0 : i32
    %dma_start3A_771 = tpu.memref_slice %arg2[%dma_start3A_769, %dma_start3A_770] : memref<10240x128xf32, #tpu.memory_space<hbm>> -> memref<10240x128xf32, #tpu.memory_space<hbm>>
    tpu.enqueue_indirect_dma source(%dma_start3A_771 : memref<10240x128xf32, #tpu.memory_space<hbm>>) target(%dma_start3A_765 : memref<50x128xf32, #tpu.memory_space<vmem>>) offsets(%dma_start3A_768 : memref<50xi32, #tpu.memory_space<vmem>>) semaphore(%arg19 : memref<!tpu.dma_semaphore, #tpu.memory_space<semaphore_mem>>)
    %dma_wait3A_772 = arith.constant 1 : i32
    %dma_wait3A_773 = arith.constant 0 : i32
    %dma_wait3A_774 = arith.constant 0 : i32
    %dma_wait3A_775 = tpu.memref_slice %arg12[%dma_wait3A_772, %dma_wait3A_773, %dma_wait3A_774] : memref<2x50x128xf32, #tpu.memory_space<vmem>> -> memref<1x50x128xf32, #tpu.memory_space<vmem>>
    %dma_wait3A_776 = tpu.memref_squeeze %dma_wait3A_775 : memref<1x50x128xf32, #tpu.memory_space<vmem>> -> memref<50x128xf32, #tpu.memory_space<vmem>>
    %dma_wait3A_777 = arith.constant 0 : i32
    %dma_wait3A_778 = arith.constant 0 : i32
    %dma_wait3A_779 = tpu.memref_slice %arg12[%dma_wait3A_772, %dma_wait3A_777, %dma_wait3A_778] : memref<2x50x128xf32, #tpu.memory_space<vmem>> -> memref<1x50x128xf32, #tpu.memory_space<vmem>>
    %dma_wait3A_780 = tpu.memref_squeeze %dma_wait3A_779 : memref<1x50x128xf32, #tpu.memory_space<vmem>> -> memref<50x128xf32, #tpu.memory_space<vmem>>
    tpu.wait_dma2 semaphore(%arg24 : memref<!tpu.dma_semaphore, #tpu.memory_space<semaphore_mem>>) src(%arg4 : memref<50x128xf32, #tpu.memory_space<hbm>>) dst(%dma_wait3A_780 : memref<50x128xf32, #tpu.memory_space<vmem>>)
    %dma_start3A_781 = arith.constant 1 : i32
    %dma_start3A_782 = arith.constant 0 : i32
    %dma_start3A_783 = arith.constant 1 : i32
    %dma_start3A_784 = arith.constant 0 : i32
    %dma_start3A_785 = arith.constant 0 : i32
    %dma_start3A_786 = tpu.memref_slice %arg12[%dma_start3A_783, %dma_start3A_784, %dma_start3A_785] : memref<2x50x128xf32, #tpu.memory_space<vmem>> -> memref<1x50x128xf32, #tpu.memory_space<vmem>>
    %dma_start3A_787 = tpu.memref_squeeze %dma_start3A_786 : memref<1x50x128xf32, #tpu.memory_space<vmem>> -> memref<50x128xf32, #tpu.memory_space<vmem>>
    %dma_start3A_788 = arith.constant 0 : i32
    %dma_start3A_789 = tpu.memref_slice %arg10[%dma_start3A_781, %dma_start3A_782, %dma_start3A_788] : memref<2x2x50xi32, #tpu.memory_space<vmem>> -> memref<1x1x50xi32, #tpu.memory_space<vmem>>
    %dma_start3A_790 = tpu.memref_squeeze %dma_start3A_789 : memref<1x1x50xi32, #tpu.memory_space<vmem>> -> memref<50xi32, #tpu.memory_space<vmem>>
    %dma_start3A_791 = arith.constant 0 : i32
    %dma_start3A_792 = arith.constant 0 : i32
    %dma_start3A_793 = tpu.memref_slice %arg2[%dma_start3A_791, %dma_start3A_792] : memref<10240x128xf32, #tpu.memory_space<hbm>> -> memref<10240x128xf32, #tpu.memory_space<hbm>>
    tpu.enqueue_indirect_dma source(%dma_start3A_793 : memref<10240x128xf32, #tpu.memory_space<hbm>>) target(%dma_start3A_787 : memref<50x128xf32, #tpu.memory_space<vmem>>) offsets(%dma_start3A_790 : memref<50xi32, #tpu.memory_space<vmem>>) semaphore(%arg20 : memref<!tpu.dma_semaphore, #tpu.memory_space<semaphore_mem>>)
    %dma_wait3A_794 = arith.constant 0 : i32
    %dma_wait3A_795 = arith.constant 0 : i32
    %dma_wait3A_796 = arith.constant 0 : i32
    %dma_wait3A_797 = arith.constant 0 : i32
    %dma_wait3A_798 = arith.constant 0 : i32
    %dma_wait3A_799 = tpu.memref_slice %arg11[%dma_wait3A_796, %dma_wait3A_797, %dma_wait3A_798] : memref<2x50x128xf32, #tpu.memory_space<vmem>> -> memref<1x50x128xf32, #tpu.memory_space<vmem>>
    %dma_wait3A_800 = tpu.memref_squeeze %dma_wait3A_799 : memref<1x50x128xf32, #tpu.memory_space<vmem>> -> memref<50x128xf32, #tpu.memory_space<vmem>>
    %dma_wait3A_801 = arith.constant 0 : i32
    %dma_wait3A_802 = tpu.memref_slice %arg9[%dma_wait3A_794, %dma_wait3A_795, %dma_wait3A_801] : memref<2x2x50xi32, #tpu.memory_space<vmem>> -> memref<1x1x50xi32, #tpu.memory_space<vmem>>
    %dma_wait3A_803 = tpu.memref_squeeze %dma_wait3A_802 : memref<1x1x50xi32, #tpu.memory_space<vmem>> -> memref<50xi32, #tpu.memory_space<vmem>>
    %dma_wait3A_804 = arith.constant 0 : i32
    %dma_wait3A_805 = arith.constant 0 : i32
    %dma_wait3A_806 = tpu.memref_slice %arg2[%dma_wait3A_804, %dma_wait3A_805] : memref<10240x128xf32, #tpu.memory_space<hbm>> -> memref<10240x128xf32, #tpu.memory_space<hbm>>
    tpu.wait_indirect_dma semaphore(%arg17 : memref<!tpu.dma_semaphore, #tpu.memory_space<semaphore_mem>>) src(%dma_wait3A_806 : memref<10240x128xf32, #tpu.memory_space<hbm>>) dst(%dma_wait3A_800 : memref<50x128xf32, #tpu.memory_space<vmem>>)
    %dma_start3A_807 = arith.constant 0 : i32
    %dma_start3A_808 = arith.constant 0 : i32
    %dma_start3A_809 = arith.constant 1 : i32
    %dma_start3A_810 = arith.constant 0 : i32
    %dma_start3A_811 = arith.constant 0 : i32
    %dma_start3A_812 = tpu.memref_slice %arg11[%dma_start3A_807, %dma_start3A_810, %dma_start3A_811] : memref<2x50x128xf32, #tpu.memory_space<vmem>> -> memref<1x50x128xf32, #tpu.memory_space<vmem>>
    %dma_start3A_813 = tpu.memref_squeeze %dma_start3A_812 : memref<1x50x128xf32, #tpu.memory_space<vmem>> -> memref<50x128xf32, #tpu.memory_space<vmem>>
    %dma_start3A_814 = arith.constant 0 : i32
    %dma_start3A_815 = tpu.memref_slice %arg9[%dma_start3A_808, %dma_start3A_809, %dma_start3A_814] : memref<2x2x50xi32, #tpu.memory_space<vmem>> -> memref<1x1x50xi32, #tpu.memory_space<vmem>>
    %dma_start3A_816 = tpu.memref_squeeze %dma_start3A_815 : memref<1x1x50xi32, #tpu.memory_space<vmem>> -> memref<50xi32, #tpu.memory_space<vmem>>
    %dma_start3A_817 = arith.constant 0 : i32
    %dma_start3A_818 = arith.constant 0 : i32
    %dma_start3A_819 = tpu.memref_slice %arg6[%dma_start3A_817, %dma_start3A_818] : memref<10240x128xf32, #tpu.memory_space<vmem_shared>> -> memref<10240x128xf32, #tpu.memory_space<vmem_shared>>
    tpu.enqueue_indirect_dma source(%dma_start3A_813 : memref<50x128xf32, #tpu.memory_space<vmem>>) target(%dma_start3A_819 : memref<10240x128xf32, #tpu.memory_space<vmem_shared>>) offsets(%dma_start3A_816 : memref<50xi32, #tpu.memory_space<vmem>>) semaphore(%arg21 : memref<!tpu.dma_semaphore, #tpu.memory_space<semaphore_mem>>) {add = true}
    %dma_wait3A_820 = arith.constant 1 : i32
    %dma_wait3A_821 = arith.constant 0 : i32
    %dma_wait3A_822 = arith.constant 1 : i32
    %dma_wait3A_823 = arith.constant 0 : i32
    %dma_wait3A_824 = arith.constant 0 : i32
    %dma_wait3A_825 = tpu.memref_slice %arg11[%dma_wait3A_822, %dma_wait3A_823, %dma_wait3A_824] : memref<2x50x128xf32, #tpu.memory_space<vmem>> -> memref<1x50x128xf32, #tpu.memory_space<vmem>>
    %dma_wait3A_826 = tpu.memref_squeeze %dma_wait3A_825 : memref<1x50x128xf32, #tpu.memory_space<vmem>> -> memref<50x128xf32, #tpu.memory_space<vmem>>
    %dma_wait3A_827 = arith.constant 0 : i32
    %dma_wait3A_828 = tpu.memref_slice %arg9[%dma_wait3A_820, %dma_wait3A_821, %dma_wait3A_827] : memref<2x2x50xi32, #tpu.memory_space<vmem>> -> memref<1x1x50xi32, #tpu.memory_space<vmem>>
    %dma_wait3A_829 = tpu.memref_squeeze %dma_wait3A_828 : memref<1x1x50xi32, #tpu.memory_space<vmem>> -> memref<50xi32, #tpu.memory_space<vmem>>
    %dma_wait3A_830 = arith.constant 0 : i32
    %dma_wait3A_831 = arith.constant 0 : i32
    %dma_wait3A_832 = tpu.memref_slice %arg2[%dma_wait3A_830, %dma_wait3A_831] : memref<10240x128xf32, #tpu.memory_space<hbm>> -> memref<10240x128xf32, #tpu.memory_space<hbm>>
    tpu.wait_indirect_dma semaphore(%arg18 : memref<!tpu.dma_semaphore, #tpu.memory_space<semaphore_mem>>) src(%dma_wait3A_832 : memref<10240x128xf32, #tpu.memory_space<hbm>>) dst(%dma_wait3A_826 : memref<50x128xf32, #tpu.memory_space<vmem>>)
    %dma_start3A_833 = arith.constant 1 : i32
    %dma_start3A_834 = arith.constant 1 : i32
    %dma_start3A_835 = arith.constant 1 : i32
    %dma_start3A_836 = arith.constant 0 : i32
    %dma_start3A_837 = arith.constant 0 : i32
    %dma_start3A_838 = tpu.memref_slice %arg11[%dma_start3A_833, %dma_start3A_836, %dma_start3A_837] : memref<2x50x128xf32, #tpu.memory_space<vmem>> -> memref<1x50x128xf32, #tpu.memory_space<vmem>>
    %dma_start3A_839 = tpu.memref_squeeze %dma_start3A_838 : memref<1x50x128xf32, #tpu.memory_space<vmem>> -> memref<50x128xf32, #tpu.memory_space<vmem>>
    %dma_start3A_840 = arith.constant 0 : i32
    %dma_start3A_841 = tpu.memref_slice %arg9[%dma_start3A_834, %dma_start3A_835, %dma_start3A_840] : memref<2x2x50xi32, #tpu.memory_space<vmem>> -> memref<1x1x50xi32, #tpu.memory_space<vmem>>
    %dma_start3A_842 = tpu.memref_squeeze %dma_start3A_841 : memref<1x1x50xi32, #tpu.memory_space<vmem>> -> memref<50xi32, #tpu.memory_space<vmem>>
    %dma_start3A_843 = arith.constant 0 : i32
    %dma_start3A_844 = arith.constant 0 : i32
    %dma_start3A_845 = tpu.memref_slice %arg6[%dma_start3A_843, %dma_start3A_844] : memref<10240x128xf32, #tpu.memory_space<vmem_shared>> -> memref<10240x128xf32, #tpu.memory_space<vmem_shared>>
    tpu.enqueue_indirect_dma source(%dma_start3A_839 : memref<50x128xf32, #tpu.memory_space<vmem>>) target(%dma_start3A_845 : memref<10240x128xf32, #tpu.memory_space<vmem_shared>>) offsets(%dma_start3A_842 : memref<50xi32, #tpu.memory_space<vmem>>) semaphore(%arg22 : memref<!tpu.dma_semaphore, #tpu.memory_space<semaphore_mem>>) {add = true}
    %dma_wait3A_846 = arith.constant 0 : i32
    %dma_wait3A_847 = arith.constant 0 : i32
    %dma_wait3A_848 = arith.constant 0 : i32
    %dma_wait3A_849 = arith.constant 0 : i32
    %dma_wait3A_850 = arith.constant 0 : i32
    %dma_wait3A_851 = tpu.memref_slice %arg12[%dma_wait3A_848, %dma_wait3A_849, %dma_wait3A_850] : memref<2x50x128xf32, #tpu.memory_space<vmem>> -> memref<1x50x128xf32, #tpu.memory_space<vmem>>
    %dma_wait3A_852 = tpu.memref_squeeze %dma_wait3A_851 : memref<1x50x128xf32, #tpu.memory_space<vmem>> -> memref<50x128xf32, #tpu.memory_space<vmem>>
    %dma_wait3A_853 = arith.constant 0 : i32
    %dma_wait3A_854 = tpu.memref_slice %arg10[%dma_wait3A_846, %dma_wait3A_847, %dma_wait3A_853] : memref<2x2x50xi32, #tpu.memory_space<vmem>> -> memref<1x1x50xi32, #tpu.memory_space<vmem>>
    %dma_wait3A_855 = tpu.memref_squeeze %dma_wait3A_854 : memref<1x1x50xi32, #tpu.memory_space<vmem>> -> memref<50xi32, #tpu.memory_space<vmem>>
    %dma_wait3A_856 = arith.constant 0 : i32
    %dma_wait3A_857 = arith.constant 0 : i32
    %dma_wait3A_858 = tpu.memref_slice %arg2[%dma_wait3A_856, %dma_wait3A_857] : memref<10240x128xf32, #tpu.memory_space<hbm>> -> memref<10240x128xf32, #tpu.memory_space<hbm>>
    tpu.wait_indirect_dma semaphore(%arg19 : memref<!tpu.dma_semaphore, #tpu.memory_space<semaphore_mem>>) src(%dma_wait3A_858 : memref<10240x128xf32, #tpu.memory_space<hbm>>) dst(%dma_wait3A_852 : memref<50x128xf32, #tpu.memory_space<vmem>>)
    %dma_start3A_859 = arith.constant 0 : i32
    %dma_start3A_860 = arith.constant 0 : i32
    %dma_start3A_861 = arith.constant 1 : i32
    %dma_start3A_862 = arith.constant 0 : i32
    %dma_start3A_863 = arith.constant 0 : i32
    %dma_start3A_864 = tpu.memref_slice %arg12[%dma_start3A_859, %dma_start3A_862, %dma_start3A_863] : memref<2x50x128xf32, #tpu.memory_space<vmem>> -> memref<1x50x128xf32, #tpu.memory_space<vmem>>
    %dma_start3A_865 = tpu.memref_squeeze %dma_start3A_864 : memref<1x50x128xf32, #tpu.memory_space<vmem>> -> memref<50x128xf32, #tpu.memory_space<vmem>>
    %dma_start3A_866 = arith.constant 0 : i32
    %dma_start3A_867 = tpu.memref_slice %arg10[%dma_start3A_860, %dma_start3A_861, %dma_start3A_866] : memref<2x2x50xi32, #tpu.memory_space<vmem>> -> memref<1x1x50xi32, #tpu.memory_space<vmem>>
    %dma_start3A_868 = tpu.memref_squeeze %dma_start3A_867 : memref<1x1x50xi32, #tpu.memory_space<vmem>> -> memref<50xi32, #tpu.memory_space<vmem>>
    %dma_start3A_869 = arith.constant 0 : i32
    %dma_start3A_870 = arith.constant 0 : i32
    %dma_start3A_871 = tpu.memref_slice %arg6[%dma_start3A_869, %dma_start3A_870] : memref<10240x128xf32, #tpu.memory_space<vmem_shared>> -> memref<10240x128xf32, #tpu.memory_space<vmem_shared>>
    tpu.enqueue_indirect_dma source(%dma_start3A_865 : memref<50x128xf32, #tpu.memory_space<vmem>>) target(%dma_start3A_871 : memref<10240x128xf32, #tpu.memory_space<vmem_shared>>) offsets(%dma_start3A_868 : memref<50xi32, #tpu.memory_space<vmem>>) semaphore(%arg23 : memref<!tpu.dma_semaphore, #tpu.memory_space<semaphore_mem>>) {add = true}
    %dma_wait3A_872 = arith.constant 1 : i32
    %dma_wait3A_873 = arith.constant 0 : i32
    %dma_wait3A_874 = arith.constant 1 : i32
    %dma_wait3A_875 = arith.constant 0 : i32
    %dma_wait3A_876 = arith.constant 0 : i32
    %dma_wait3A_877 = tpu.memref_slice %arg12[%dma_wait3A_874, %dma_wait3A_875, %dma_wait3A_876] : memref<2x50x128xf32, #tpu.memory_space<vmem>> -> memref<1x50x128xf32, #tpu.memory_space<vmem>>
    %dma_wait3A_878 = tpu.memref_squeeze %dma_wait3A_877 : memref<1x50x128xf32, #tpu.memory_space<vmem>> -> memref<50x128xf32, #tpu.memory_space<vmem>>
    %dma_wait3A_879 = arith.constant 0 : i32
    %dma_wait3A_880 = tpu.memref_slice %arg10[%dma_wait3A_872, %dma_wait3A_873, %dma_wait3A_879] : memref<2x2x50xi32, #tpu.memory_space<vmem>> -> memref<1x1x50xi32, #tpu.memory_space<vmem>>
    %dma_wait3A_881 = tpu.memref_squeeze %dma_wait3A_880 : memref<1x1x50xi32, #tpu.memory_space<vmem>> -> memref<50xi32, #tpu.memory_space<vmem>>
    %dma_wait3A_882 = arith.constant 0 : i32
    %dma_wait3A_883 = arith.constant 0 : i32
    %dma_wait3A_884 = tpu.memref_slice %arg2[%dma_wait3A_882, %dma_wait3A_883] : memref<10240x128xf32, #tpu.memory_space<hbm>> -> memref<10240x128xf32, #tpu.memory_space<hbm>>
    tpu.wait_indirect_dma semaphore(%arg20 : memref<!tpu.dma_semaphore, #tpu.memory_space<semaphore_mem>>) src(%dma_wait3A_884 : memref<10240x128xf32, #tpu.memory_space<hbm>>) dst(%dma_wait3A_878 : memref<50x128xf32, #tpu.memory_space<vmem>>)
    %dma_start3A_885 = arith.constant 1 : i32
    %dma_start3A_886 = arith.constant 1 : i32
    %dma_start3A_887 = arith.constant 1 : i32
    %dma_start3A_888 = arith.constant 0 : i32
    %dma_start3A_889 = arith.constant 0 : i32
    %dma_start3A_890 = tpu.memref_slice %arg12[%dma_start3A_885, %dma_start3A_888, %dma_start3A_889] : memref<2x50x128xf32, #tpu.memory_space<vmem>> -> memref<1x50x128xf32, #tpu.memory_space<vmem>>
    %dma_start3A_891 = tpu.memref_squeeze %dma_start3A_890 : memref<1x50x128xf32, #tpu.memory_space<vmem>> -> memref<50x128xf32, #tpu.memory_space<vmem>>
    %dma_start3A_892 = arith.constant 0 : i32
    %dma_start3A_893 = tpu.memref_slice %arg10[%dma_start3A_886, %dma_start3A_887, %dma_start3A_892] : memref<2x2x50xi32, #tpu.memory_space<vmem>> -> memref<1x1x50xi32, #tpu.memory_space<vmem>>
    %dma_start3A_894 = tpu.memref_squeeze %dma_start3A_893 : memref<1x1x50xi32, #tpu.memory_space<vmem>> -> memref<50xi32, #tpu.memory_space<vmem>>
    %dma_start3A_895 = arith.constant 0 : i32
    %dma_start3A_896 = arith.constant 0 : i32
    %dma_start3A_897 = tpu.memref_slice %arg6[%dma_start3A_895, %dma_start3A_896] : memref<10240x128xf32, #tpu.memory_space<vmem_shared>> -> memref<10240x128xf32, #tpu.memory_space<vmem_shared>>
    tpu.enqueue_indirect_dma source(%dma_start3A_891 : memref<50x128xf32, #tpu.memory_space<vmem>>) target(%dma_start3A_897 : memref<10240x128xf32, #tpu.memory_space<vmem_shared>>) offsets(%dma_start3A_894 : memref<50xi32, #tpu.memory_space<vmem>>) semaphore(%arg24 : memref<!tpu.dma_semaphore, #tpu.memory_space<semaphore_mem>>) {add = true}
    %dma_wait3A_898 = arith.constant 0 : i32
    %dma_wait3A_899 = arith.constant 0 : i32
    %dma_wait3A_900 = arith.constant 0 : i32
    %dma_wait3A_901 = tpu.memref_slice %arg11[%dma_wait3A_898, %dma_wait3A_899, %dma_wait3A_900] : memref<2x50x128xf32, #tpu.memory_space<vmem>> -> memref<1x50x128xf32, #tpu.memory_space<vmem>>
    %dma_wait3A_902 = tpu.memref_squeeze %dma_wait3A_901 : memref<1x50x128xf32, #tpu.memory_space<vmem>> -> memref<50x128xf32, #tpu.memory_space<vmem>>
    %dma_wait3A_903 = arith.constant 0 : i32
    %dma_wait3A_904 = arith.constant 0 : i32
    %dma_wait3A_905 = tpu.memref_slice %arg11[%dma_wait3A_898, %dma_wait3A_903, %dma_wait3A_904] : memref<2x50x128xf32, #tpu.memory_space<vmem>> -> memref<1x50x128xf32, #tpu.memory_space<vmem>>
    %dma_wait3A_906 = tpu.memref_squeeze %dma_wait3A_905 : memref<1x50x128xf32, #tpu.memory_space<vmem>> -> memref<50x128xf32, #tpu.memory_space<vmem>>
    tpu.wait_dma2 semaphore(%arg21 : memref<!tpu.dma_semaphore, #tpu.memory_space<semaphore_mem>>) src(%arg4 : memref<50x128xf32, #tpu.memory_space<hbm>>) dst(%dma_wait3A_906 : memref<50x128xf32, #tpu.memory_space<vmem>>)
    %dma_wait3A_907 = arith.constant 1 : i32
    %dma_wait3A_908 = arith.constant 0 : i32
    %dma_wait3A_909 = arith.constant 0 : i32
    %dma_wait3A_910 = tpu.memref_slice %arg11[%dma_wait3A_907, %dma_wait3A_908, %dma_wait3A_909] : memref<2x50x128xf32, #tpu.memory_space<vmem>> -> memref<1x50x128xf32, #tpu.memory_space<vmem>>
    %dma_wait3A_911 = tpu.memref_squeeze %dma_wait3A_910 : memref<1x50x128xf32, #tpu.memory_space<vmem>> -> memref<50x128xf32, #tpu.memory_space<vmem>>
    %dma_wait3A_912 = arith.constant 0 : i32
    %dma_wait3A_913 = arith.constant 0 : i32
    %dma_wait3A_914 = tpu.memref_slice %arg11[%dma_wait3A_907, %dma_wait3A_912, %dma_wait3A_913] : memref<2x50x128xf32, #tpu.memory_space<vmem>> -> memref<1x50x128xf32, #tpu.memory_space<vmem>>
    %dma_wait3A_915 = tpu.memref_squeeze %dma_wait3A_914 : memref<1x50x128xf32, #tpu.memory_space<vmem>> -> memref<50x128xf32, #tpu.memory_space<vmem>>
    tpu.wait_dma2 semaphore(%arg22 : memref<!tpu.dma_semaphore, #tpu.memory_space<semaphore_mem>>) src(%arg4 : memref<50x128xf32, #tpu.memory_space<hbm>>) dst(%dma_wait3A_915 : memref<50x128xf32, #tpu.memory_space<vmem>>)
    %dma_wait3A_916 = arith.constant 0 : i32
    %dma_wait3A_917 = arith.constant 0 : i32
    %dma_wait3A_918 = arith.constant 0 : i32
    %dma_wait3A_919 = tpu.memref_slice %arg12[%dma_wait3A_916, %dma_wait3A_917, %dma_wait3A_918] : memref<2x50x128xf32, #tpu.memory_space<vmem>> -> memref<1x50x128xf32, #tpu.memory_space<vmem>>
    %dma_wait3A_920 = tpu.memref_squeeze %dma_wait3A_919 : memref<1x50x128xf32, #tpu.memory_space<vmem>> -> memref<50x128xf32, #tpu.memory_space<vmem>>
    %dma_wait3A_921 = arith.constant 0 : i32
    %dma_wait3A_922 = arith.constant 0 : i32
    %dma_wait3A_923 = tpu.memref_slice %arg12[%dma_wait3A_916, %dma_wait3A_921, %dma_wait3A_922] : memref<2x50x128xf32, #tpu.memory_space<vmem>> -> memref<1x50x128xf32, #tpu.memory_space<vmem>>
    %dma_wait3A_924 = tpu.memref_squeeze %dma_wait3A_923 : memref<1x50x128xf32, #tpu.memory_space<vmem>> -> memref<50x128xf32, #tpu.memory_space<vmem>>
    tpu.wait_dma2 semaphore(%arg23 : memref<!tpu.dma_semaphore, #tpu.memory_space<semaphore_mem>>) src(%arg4 : memref<50x128xf32, #tpu.memory_space<hbm>>) dst(%dma_wait3A_924 : memref<50x128xf32, #tpu.memory_space<vmem>>)
    %dma_wait3A_925 = arith.constant 1 : i32
    %dma_wait3A_926 = arith.constant 0 : i32
    %dma_wait3A_927 = arith.constant 0 : i32
    %dma_wait3A_928 = tpu.memref_slice %arg12[%dma_wait3A_925, %dma_wait3A_926, %dma_wait3A_927] : memref<2x50x128xf32, #tpu.memory_space<vmem>> -> memref<1x50x128xf32, #tpu.memory_space<vmem>>
    %dma_wait3A_929 = tpu.memref_squeeze %dma_wait3A_928 : memref<1x50x128xf32, #tpu.memory_space<vmem>> -> memref<50x128xf32, #tpu.memory_space<vmem>>
    %dma_wait3A_930 = arith.constant 0 : i32
    %dma_wait3A_931 = arith.constant 0 : i32
    %dma_wait3A_932 = tpu.memref_slice %arg12[%dma_wait3A_925, %dma_wait3A_930, %dma_wait3A_931] : memref<2x50x128xf32, #tpu.memory_space<vmem>> -> memref<1x50x128xf32, #tpu.memory_space<vmem>>
    %dma_wait3A_933 = tpu.memref_squeeze %dma_wait3A_932 : memref<1x50x128xf32, #tpu.memory_space<vmem>> -> memref<50x128xf32, #tpu.memory_space<vmem>>
    tpu.wait_dma2 semaphore(%arg24 : memref<!tpu.dma_semaphore, #tpu.memory_space<semaphore_mem>>) src(%arg4 : memref<50x128xf32, #tpu.memory_space<hbm>>) dst(%dma_wait3A_933 : memref<50x128xf32, #tpu.memory_space<vmem>>)
    %barrier3A_934 = arith.constant 0 : index
    tpu.barrier barrier_id(%barrier3A_934)
    "tpu.region"() ({
      %run_scoped3A = tpu.sem_alloc : memref<!tpu.dma_semaphore, #tpu.memory_space<semaphore_mem>>
      %dma_start3A_935 = arith.constant 0 : i32
      %dma_start3A_936 = tpu.memref_slice %arg5[%arg0, %mul3A_2, %dma_start3A_935] : memref<2x10240x128xf32, #tpu.memory_space<hbm>> -> memref<1x640x128xf32, #tpu.memory_space<hbm>>
      %dma_start3A_937 = tpu.memref_squeeze %dma_start3A_936 : memref<1x640x128xf32, #tpu.memory_space<hbm>> -> memref<640x128xf32, #tpu.memory_space<hbm>>
      %dma_start3A_938 = arith.constant 0 : i32
      %dma_start3A_939 = tpu.memref_slice %arg6[%mul3A_2, %dma_start3A_938] : memref<10240x128xf32, #tpu.memory_space<vmem_shared>> -> memref<640x128xf32, #tpu.memory_space<vmem_shared>>
      tpu.enqueue_dma source(%dma_start3A_939 : memref<640x128xf32, #tpu.memory_space<vmem_shared>>) target(%dma_start3A_937 : memref<640x128xf32, #tpu.memory_space<hbm>>) target_semaphore(%run_scoped3A : memref<!tpu.dma_semaphore, #tpu.memory_space<semaphore_mem>>)
      %dma_wait3A_940 = arith.constant 0 : i32
      %dma_wait3A_941 = tpu.memref_slice %arg5[%arg0, %mul3A_2, %dma_wait3A_940] : memref<2x10240x128xf32, #tpu.memory_space<hbm>> -> memref<1x640x128xf32, #tpu.memory_space<hbm>>
      %dma_wait3A_942 = tpu.memref_squeeze %dma_wait3A_941 : memref<1x640x128xf32, #tpu.memory_space<hbm>> -> memref<640x128xf32, #tpu.memory_space<hbm>>
      %dma_wait3A_943 = arith.constant 0 : i32
      %dma_wait3A_944 = tpu.memref_slice %arg6[%mul3A_2, %dma_wait3A_943] : memref<10240x128xf32, #tpu.memory_space<vmem_shared>> -> memref<640x128xf32, #tpu.memory_space<vmem_shared>>
      tpu.wait_dma2 semaphore(%run_scoped3A : memref<!tpu.dma_semaphore, #tpu.memory_space<semaphore_mem>>) src(%dma_wait3A_944 : memref<640x128xf32, #tpu.memory_space<vmem_shared>>) dst(%dma_wait3A_942 : memref<640x128xf32, #tpu.memory_space<hbm>>)
      tpu.yield
    }) : () -> ()
    return
  }
}

#map = affine_map<(d0, d1) -> (0, 0)>
#map1 = affine_map<(d0, d1) -> (0, 0, 0, 0)>
#map2 = affine_map<(d0, d1) -> (0, 0, 0)>
module attributes {stable_mosaic.version = 14 : i64} {
  func.func @_agg_kernel(%arg0: i32, %arg1: i32, %arg2: memref<10240x128xf32, #tpu.memory_space<hbm>>, %arg3: memref<32x200x2x50xi32, #tpu.memory_space<hbm>>, %arg4: memref<50x128xf32, #tpu.memory_space<hbm>>, %arg5: memref<2x10240x128xf32, #tpu.memory_space<hbm>>, %arg6: memref<10240x128xf32, #tpu.memory_space<vmem_shared>>, %arg7: memref<2x2x50xi32, #tpu.memory_space<vmem>>, %arg8: memref<2x2x50xi32, #tpu.memory_space<vmem>>, %arg9: memref<2x2x50xi32, #tpu.memory_space<vmem>>, %arg10: memref<2x2x50xi32, #tpu.memory_space<vmem>>, %arg11: memref<2x50x128xf32, #tpu.memory_space<vmem>>, %arg12: memref<2x50x128xf32, #tpu.memory_space<vmem>>, %arg13: memref<!tpu.dma_semaphore, #tpu.memory_space<semaphore_mem>>, %arg14: memref<!tpu.dma_semaphore, #tpu.memory_space<semaphore_mem>>, %arg15: memref<!tpu.dma_semaphore, #tpu.memory_space<semaphore_mem>>, %arg16: memref<!tpu.dma_semaphore, #tpu.memory_space<semaphore_mem>>, %arg17: memref<!tpu.dma_semaphore, #tpu.memory_space<semaphore_mem>>, %arg18: memref<!tpu.dma_semaphore, #tpu.memory_space<semaphore_mem>>, %arg19: memref<!tpu.dma_semaphore, #tpu.memory_space<semaphore_mem>>, %arg20: memref<!tpu.dma_semaphore, #tpu.memory_space<semaphore_mem>>, %arg21: memref<!tpu.dma_semaphore, #tpu.memory_space<semaphore_mem>>, %arg22: memref<!tpu.dma_semaphore, #tpu.memory_space<semaphore_mem>>, %arg23: memref<!tpu.dma_semaphore, #tpu.memory_space<semaphore_mem>>, %arg24: memref<!tpu.dma_semaphore, #tpu.memory_space<semaphore_mem>>) attributes {dimension_semantics = [#tpu.dimension_semantics<core_parallel>, #tpu.dimension_semantics<subcore_parallel>], iteration_bounds = array<i64: 2, 16>, scalar_prefetch = 0 : i64, scratch_operands = 19 : i64, tpu.core_type = #tpu.core_type<sc_vector_subcore>, window_params = [{transform_indices = #map}, {transform_indices = #map1}, {transform_indices = #map}, {transform_indices = #map2}]} {
    %mul3A = arith.constant 16 : i32
    %mul3A_0 = arith.muli %arg0, %mul3A : i32
    %add3A = arith.addi %mul3A_0, %arg1 : i32
    %mul3A_1 = arith.constant 640 : i32
    %mul3A_2 = arith.muli %arg1, %mul3A_1 : i32
    "tpu.region"() ({
      %run_scoped3A = tpu.sem_alloc : memref<!tpu.dma_semaphore, #tpu.memory_space<semaphore_mem>>
      %dma_start3A_935 = arith.constant 0 : i32
      %dma_start3A_936 = tpu.memref_slice %arg6[%mul3A_2, %dma_start3A_935] : memref<10240x128xf32, #tpu.memory_space<vmem_shared>> -> memref<640x128xf32, #tpu.memory_space<vmem_shared>>
      %dma_start3A_937 = arith.constant 0 : i32
      %dma_start3A_938 = tpu.memref_slice %arg2[%mul3A_2, %dma_start3A_937] : memref<10240x128xf32, #tpu.memory_space<hbm>> -> memref<640x128xf32, #tpu.memory_space<hbm>>
      tpu.enqueue_dma source(%dma_start3A_938 : memref<640x128xf32, #tpu.memory_space<hbm>>) target(%dma_start3A_936 : memref<640x128xf32, #tpu.memory_space<vmem_shared>>) target_semaphore(%run_scoped3A : memref<!tpu.dma_semaphore, #tpu.memory_space<semaphore_mem>>)
      %dma_wait3A_939 = arith.constant 0 : i32
      %dma_wait3A_940 = tpu.memref_slice %arg6[%mul3A_2, %dma_wait3A_939] : memref<10240x128xf32, #tpu.memory_space<vmem_shared>> -> memref<640x128xf32, #tpu.memory_space<vmem_shared>>
      %dma_wait3A_941 = arith.constant 0 : i32
      %dma_wait3A_942 = tpu.memref_slice %arg2[%mul3A_2, %dma_wait3A_941] : memref<10240x128xf32, #tpu.memory_space<hbm>> -> memref<640x128xf32, #tpu.memory_space<hbm>>
      tpu.wait_dma2 semaphore(%run_scoped3A : memref<!tpu.dma_semaphore, #tpu.memory_space<semaphore_mem>>) src(%dma_wait3A_942 : memref<640x128xf32, #tpu.memory_space<hbm>>) dst(%dma_wait3A_940 : memref<640x128xf32, #tpu.memory_space<vmem_shared>>)
      tpu.yield
    }) : () -> ()
    %barrier3A = arith.constant 0 : index
    tpu.barrier barrier_id(%barrier3A)
    %dma_start3A = arith.constant 0 : i32
    %dma_start3A_3 = arith.constant 0 : i32
    %dma_start3A_4 = arith.constant 0 : i32
    %dma_start3A_5 = tpu.memref_slice %arg3[%add3A, %dma_start3A, %dma_start3A_3, %dma_start3A_4] : memref<32x200x2x50xi32, #tpu.memory_space<hbm>> -> memref<1x2x2x50xi32, #tpu.memory_space<hbm>>
    %dma_start3A_6 = tpu.memref_squeeze %dma_start3A_5 : memref<1x2x2x50xi32, #tpu.memory_space<hbm>> -> memref<2x2x50xi32, #tpu.memory_space<hbm>>
    %dma_start3A_7 = arith.constant 0 : i32
    %dma_start3A_8 = arith.constant 0 : i32
    %dma_start3A_9 = arith.constant 0 : i32
    %dma_start3A_10 = tpu.memref_slice %arg3[%add3A, %dma_start3A_7, %dma_start3A_8, %dma_start3A_9] : memref<32x200x2x50xi32, #tpu.memory_space<hbm>> -> memref<1x2x2x50xi32, #tpu.memory_space<hbm>>
    %dma_start3A_11 = tpu.memref_squeeze %dma_start3A_10 : memref<1x2x2x50xi32, #tpu.memory_space<hbm>> -> memref<2x2x50xi32, #tpu.memory_space<hbm>>
    tpu.enqueue_dma source(%dma_start3A_11 : memref<2x2x50xi32, #tpu.memory_space<hbm>>) target(%arg7 : memref<2x2x50xi32, #tpu.memory_space<vmem>>) target_semaphore(%arg13 : memref<!tpu.dma_semaphore, #tpu.memory_space<semaphore_mem>>)
    %dma_start3A_12 = arith.constant 2 : i32
    %dma_start3A_13 = arith.constant 0 : i32
    %dma_start3A_14 = arith.constant 0 : i32
    %dma_start3A_15 = tpu.memref_slice %arg3[%add3A, %dma_start3A_12, %dma_start3A_13, %dma_start3A_14] : memref<32x200x2x50xi32, #tpu.memory_space<hbm>> -> memref<1x2x2x50xi32, #tpu.memory_space<hbm>>
    %dma_start3A_16 = tpu.memref_squeeze %dma_start3A_15 : memref<1x2x2x50xi32, #tpu.memory_space<hbm>> -> memref<2x2x50xi32, #tpu.memory_space<hbm>>
    %dma_start3A_17 = arith.constant 2 : i32
    %dma_start3A_18 = arith.constant 0 : i32
    %dma_start3A_19 = arith.constant 0 : i32
    %dma_start3A_20 = tpu.memref_slice %arg3[%add3A, %dma_start3A_17, %dma_start3A_18, %dma_start3A_19] : memref<32x200x2x50xi32, #tpu.memory_space<hbm>> -> memref<1x2x2x50xi32, #tpu.memory_space<hbm>>
    %dma_start3A_21 = tpu.memref_squeeze %dma_start3A_20 : memref<1x2x2x50xi32, #tpu.memory_space<hbm>> -> memref<2x2x50xi32, #tpu.memory_space<hbm>>
    tpu.enqueue_dma source(%dma_start3A_21 : memref<2x2x50xi32, #tpu.memory_space<hbm>>) target(%arg8 : memref<2x2x50xi32, #tpu.memory_space<vmem>>) target_semaphore(%arg14 : memref<!tpu.dma_semaphore, #tpu.memory_space<semaphore_mem>>)
    %dma_start3A_22 = arith.constant 4 : i32
    %dma_start3A_23 = arith.constant 0 : i32
    %dma_start3A_24 = arith.constant 0 : i32
    %dma_start3A_25 = tpu.memref_slice %arg3[%add3A, %dma_start3A_22, %dma_start3A_23, %dma_start3A_24] : memref<32x200x2x50xi32, #tpu.memory_space<hbm>> -> memref<1x2x2x50xi32, #tpu.memory_space<hbm>>
    %dma_start3A_26 = tpu.memref_squeeze %dma_start3A_25 : memref<1x2x2x50xi32, #tpu.memory_space<hbm>> -> memref<2x2x50xi32, #tpu.memory_space<hbm>>
    %dma_start3A_27 = arith.constant 4 : i32
    %dma_start3A_28 = arith.constant 0 : i32
    %dma_start3A_29 = arith.constant 0 : i32
    %dma_start3A_30 = tpu.memref_slice %arg3[%add3A, %dma_start3A_27, %dma_start3A_28, %dma_start3A_29] : memref<32x200x2x50xi32, #tpu.memory_space<hbm>> -> memref<1x2x2x50xi32, #tpu.memory_space<hbm>>
    %dma_start3A_31 = tpu.memref_squeeze %dma_start3A_30 : memref<1x2x2x50xi32, #tpu.memory_space<hbm>> -> memref<2x2x50xi32, #tpu.memory_space<hbm>>
    tpu.enqueue_dma source(%dma_start3A_31 : memref<2x2x50xi32, #tpu.memory_space<hbm>>) target(%arg9 : memref<2x2x50xi32, #tpu.memory_space<vmem>>) target_semaphore(%arg15 : memref<!tpu.dma_semaphore, #tpu.memory_space<semaphore_mem>>)
    %dma_wait3A = arith.constant 0 : i32
    %dma_wait3A_32 = arith.constant 0 : i32
    %dma_wait3A_33 = arith.constant 0 : i32
    %dma_wait3A_34 = tpu.memref_slice %arg3[%add3A, %dma_wait3A, %dma_wait3A_32, %dma_wait3A_33] : memref<32x200x2x50xi32, #tpu.memory_space<hbm>> -> memref<1x2x2x50xi32, #tpu.memory_space<hbm>>
    %dma_wait3A_35 = tpu.memref_squeeze %dma_wait3A_34 : memref<1x2x2x50xi32, #tpu.memory_space<hbm>> -> memref<2x2x50xi32, #tpu.memory_space<hbm>>
    %dma_wait3A_36 = arith.constant 0 : i32
    %dma_wait3A_37 = arith.constant 0 : i32
    %dma_wait3A_38 = arith.constant 0 : i32
    %dma_wait3A_39 = tpu.memref_slice %arg3[%add3A, %dma_wait3A_36, %dma_wait3A_37, %dma_wait3A_38] : memref<32x200x2x50xi32, #tpu.memory_space<hbm>> -> memref<1x2x2x50xi32, #tpu.memory_space<hbm>>
    %dma_wait3A_40 = tpu.memref_squeeze %dma_wait3A_39 : memref<1x2x2x50xi32, #tpu.memory_space<hbm>> -> memref<2x2x50xi32, #tpu.memory_space<hbm>>
    tpu.wait_dma2 semaphore(%arg13 : memref<!tpu.dma_semaphore, #tpu.memory_space<semaphore_mem>>) src(%dma_wait3A_40 : memref<2x2x50xi32, #tpu.memory_space<hbm>>) dst(%arg7 : memref<2x2x50xi32, #tpu.memory_space<vmem>>)
    %dma_start3A_41 = arith.constant 0 : i32
    %dma_start3A_42 = arith.constant 0 : i32
    %dma_start3A_43 = arith.constant 0 : i32
    %dma_start3A_44 = arith.constant 0 : i32
    %dma_start3A_45 = arith.constant 0 : i32
    %dma_start3A_46 = tpu.memref_slice %arg11[%dma_start3A_43, %dma_start3A_44, %dma_start3A_45] : memref<2x50x128xf32, #tpu.memory_space<vmem>> -> memref<1x50x128xf32, #tpu.memory_space<vmem>>
    %dma_start3A_47 = tpu.memref_squeeze %dma_start3A_46 : memref<1x50x128xf32, #tpu.memory_space<vmem>> -> memref<50x128xf32, #tpu.memory_space<vmem>>
    %dma_start3A_48 = arith.constant 0 : i32
    %dma_start3A_49 = tpu.memref_slice %arg7[%dma_start3A_41, %dma_start3A_42, %dma_start3A_48] : memref<2x2x50xi32, #tpu.memory_space<vmem>> -> memref<1x1x50xi32, #tpu.memory_space<vmem>>
    %dma_start3A_50 = tpu.memref_squeeze %dma_start3A_49 : memref<1x1x50xi32, #tpu.memory_space<vmem>> -> memref<50xi32, #tpu.memory_space<vmem>>
    %dma_start3A_51 = arith.constant 0 : i32
    %dma_start3A_52 = arith.constant 0 : i32
    %dma_start3A_53 = tpu.memref_slice %arg2[%dma_start3A_51, %dma_start3A_52] : memref<10240x128xf32, #tpu.memory_space<hbm>> -> memref<10240x128xf32, #tpu.memory_space<hbm>>
    tpu.enqueue_indirect_dma source(%dma_start3A_53 : memref<10240x128xf32, #tpu.memory_space<hbm>>) target(%dma_start3A_47 : memref<50x128xf32, #tpu.memory_space<vmem>>) offsets(%dma_start3A_50 : memref<50xi32, #tpu.memory_space<vmem>>) semaphore(%arg17 : memref<!tpu.dma_semaphore, #tpu.memory_space<semaphore_mem>>)
    %dma_start3A_54 = arith.constant 1 : i32
    %dma_start3A_55 = arith.constant 0 : i32
    %dma_start3A_56 = arith.constant 1 : i32
    %dma_start3A_57 = arith.constant 0 : i32
    %dma_start3A_58 = arith.constant 0 : i32
    %dma_start3A_59 = tpu.memref_slice %arg11[%dma_start3A_56, %dma_start3A_57, %dma_start3A_58] : memref<2x50x128xf32, #tpu.memory_space<vmem>> -> memref<1x50x128xf32, #tpu.memory_space<vmem>>
    %dma_start3A_60 = tpu.memref_squeeze %dma_start3A_59 : memref<1x50x128xf32, #tpu.memory_space<vmem>> -> memref<50x128xf32, #tpu.memory_space<vmem>>
    %dma_start3A_61 = arith.constant 0 : i32
    %dma_start3A_62 = tpu.memref_slice %arg7[%dma_start3A_54, %dma_start3A_55, %dma_start3A_61] : memref<2x2x50xi32, #tpu.memory_space<vmem>> -> memref<1x1x50xi32, #tpu.memory_space<vmem>>
    %dma_start3A_63 = tpu.memref_squeeze %dma_start3A_62 : memref<1x1x50xi32, #tpu.memory_space<vmem>> -> memref<50xi32, #tpu.memory_space<vmem>>
    %dma_start3A_64 = arith.constant 0 : i32
    %dma_start3A_65 = arith.constant 0 : i32
    %dma_start3A_66 = tpu.memref_slice %arg2[%dma_start3A_64, %dma_start3A_65] : memref<10240x128xf32, #tpu.memory_space<hbm>> -> memref<10240x128xf32, #tpu.memory_space<hbm>>
    tpu.enqueue_indirect_dma source(%dma_start3A_66 : memref<10240x128xf32, #tpu.memory_space<hbm>>) target(%dma_start3A_60 : memref<50x128xf32, #tpu.memory_space<vmem>>) offsets(%dma_start3A_63 : memref<50xi32, #tpu.memory_space<vmem>>) semaphore(%arg18 : memref<!tpu.dma_semaphore, #tpu.memory_space<semaphore_mem>>)
    %dma_wait3A_67 = arith.constant 2 : i32
    %dma_wait3A_68 = arith.constant 0 : i32
    %dma_wait3A_69 = arith.constant 0 : i32
    %dma_wait3A_70 = tpu.memref_slice %arg3[%add3A, %dma_wait3A_67, %dma_wait3A_68, %dma_wait3A_69] : memref<32x200x2x50xi32, #tpu.memory_space<hbm>> -> memref<1x2x2x50xi32, #tpu.memory_space<hbm>>
    %dma_wait3A_71 = tpu.memref_squeeze %dma_wait3A_70 : memref<1x2x2x50xi32, #tpu.memory_space<hbm>> -> memref<2x2x50xi32, #tpu.memory_space<hbm>>
    %dma_wait3A_72 = arith.constant 2 : i32
    %dma_wait3A_73 = arith.constant 0 : i32
    %dma_wait3A_74 = arith.constant 0 : i32
    %dma_wait3A_75 = tpu.memref_slice %arg3[%add3A, %dma_wait3A_72, %dma_wait3A_73, %dma_wait3A_74] : memref<32x200x2x50xi32, #tpu.memory_space<hbm>> -> memref<1x2x2x50xi32, #tpu.memory_space<hbm>>
    %dma_wait3A_76 = tpu.memref_squeeze %dma_wait3A_75 : memref<1x2x2x50xi32, #tpu.memory_space<hbm>> -> memref<2x2x50xi32, #tpu.memory_space<hbm>>
    tpu.wait_dma2 semaphore(%arg14 : memref<!tpu.dma_semaphore, #tpu.memory_space<semaphore_mem>>) src(%dma_wait3A_76 : memref<2x2x50xi32, #tpu.memory_space<hbm>>) dst(%arg8 : memref<2x2x50xi32, #tpu.memory_space<vmem>>)
    %dma_start3A_77 = arith.constant 0 : i32
    %dma_start3A_78 = arith.constant 0 : i32
    %dma_start3A_79 = arith.constant 0 : i32
    %dma_start3A_80 = arith.constant 0 : i32
    %dma_start3A_81 = arith.constant 0 : i32
    %dma_start3A_82 = tpu.memref_slice %arg12[%dma_start3A_79, %dma_start3A_80, %dma_start3A_81] : memref<2x50x128xf32, #tpu.memory_space<vmem>> -> memref<1x50x128xf32, #tpu.memory_space<vmem>>
    %dma_start3A_83 = tpu.memref_squeeze %dma_start3A_82 : memref<1x50x128xf32, #tpu.memory_space<vmem>> -> memref<50x128xf32, #tpu.memory_space<vmem>>
    %dma_start3A_84 = arith.constant 0 : i32
    %dma_start3A_85 = tpu.memref_slice %arg8[%dma_start3A_77, %dma_start3A_78, %dma_start3A_84] : memref<2x2x50xi32, #tpu.memory_space<vmem>> -> memref<1x1x50xi32, #tpu.memory_space<vmem>>
    %dma_start3A_86 = tpu.memref_squeeze %dma_start3A_85 : memref<1x1x50xi32, #tpu.memory_space<vmem>> -> memref<50xi32, #tpu.memory_space<vmem>>
    %dma_start3A_87 = arith.constant 0 : i32
    %dma_start3A_88 = arith.constant 0 : i32
    %dma_start3A_89 = tpu.memref_slice %arg2[%dma_start3A_87, %dma_start3A_88] : memref<10240x128xf32, #tpu.memory_space<hbm>> -> memref<10240x128xf32, #tpu.memory_space<hbm>>
    tpu.enqueue_indirect_dma source(%dma_start3A_89 : memref<10240x128xf32, #tpu.memory_space<hbm>>) target(%dma_start3A_83 : memref<50x128xf32, #tpu.memory_space<vmem>>) offsets(%dma_start3A_86 : memref<50xi32, #tpu.memory_space<vmem>>) semaphore(%arg19 : memref<!tpu.dma_semaphore, #tpu.memory_space<semaphore_mem>>)
    %dma_start3A_90 = arith.constant 1 : i32
    %dma_start3A_91 = arith.constant 0 : i32
    %dma_start3A_92 = arith.constant 1 : i32
    %dma_start3A_93 = arith.constant 0 : i32
    %dma_start3A_94 = arith.constant 0 : i32
    %dma_start3A_95 = tpu.memref_slice %arg12[%dma_start3A_92, %dma_start3A_93, %dma_start3A_94] : memref<2x50x128xf32, #tpu.memory_space<vmem>> -> memref<1x50x128xf32, #tpu.memory_space<vmem>>
    %dma_start3A_96 = tpu.memref_squeeze %dma_start3A_95 : memref<1x50x128xf32, #tpu.memory_space<vmem>> -> memref<50x128xf32, #tpu.memory_space<vmem>>
    %dma_start3A_97 = arith.constant 0 : i32
    %dma_start3A_98 = tpu.memref_slice %arg8[%dma_start3A_90, %dma_start3A_91, %dma_start3A_97] : memref<2x2x50xi32, #tpu.memory_space<vmem>> -> memref<1x1x50xi32, #tpu.memory_space<vmem>>
    %dma_start3A_99 = tpu.memref_squeeze %dma_start3A_98 : memref<1x1x50xi32, #tpu.memory_space<vmem>> -> memref<50xi32, #tpu.memory_space<vmem>>
    %dma_start3A_100 = arith.constant 0 : i32
    %dma_start3A_101 = arith.constant 0 : i32
    %dma_start3A_102 = tpu.memref_slice %arg2[%dma_start3A_100, %dma_start3A_101] : memref<10240x128xf32, #tpu.memory_space<hbm>> -> memref<10240x128xf32, #tpu.memory_space<hbm>>
    tpu.enqueue_indirect_dma source(%dma_start3A_102 : memref<10240x128xf32, #tpu.memory_space<hbm>>) target(%dma_start3A_96 : memref<50x128xf32, #tpu.memory_space<vmem>>) offsets(%dma_start3A_99 : memref<50xi32, #tpu.memory_space<vmem>>) semaphore(%arg20 : memref<!tpu.dma_semaphore, #tpu.memory_space<semaphore_mem>>)
    %dma_wait3A_103 = arith.constant 0 : i32
    %dma_wait3A_104 = arith.constant 0 : i32
    %dma_wait3A_105 = arith.constant 0 : i32
    %dma_wait3A_106 = arith.constant 0 : i32
    %dma_wait3A_107 = arith.constant 0 : i32
    %dma_wait3A_108 = tpu.memref_slice %arg11[%dma_wait3A_105, %dma_wait3A_106, %dma_wait3A_107] : memref<2x50x128xf32, #tpu.memory_space<vmem>> -> memref<1x50x128xf32, #tpu.memory_space<vmem>>
    %dma_wait3A_109 = tpu.memref_squeeze %dma_wait3A_108 : memref<1x50x128xf32, #tpu.memory_space<vmem>> -> memref<50x128xf32, #tpu.memory_space<vmem>>
    %dma_wait3A_110 = arith.constant 0 : i32
    %dma_wait3A_111 = tpu.memref_slice %arg7[%dma_wait3A_103, %dma_wait3A_104, %dma_wait3A_110] : memref<2x2x50xi32, #tpu.memory_space<vmem>> -> memref<1x1x50xi32, #tpu.memory_space<vmem>>
    %dma_wait3A_112 = tpu.memref_squeeze %dma_wait3A_111 : memref<1x1x50xi32, #tpu.memory_space<vmem>> -> memref<50xi32, #tpu.memory_space<vmem>>
    %dma_wait3A_113 = arith.constant 0 : i32
    %dma_wait3A_114 = arith.constant 0 : i32
    %dma_wait3A_115 = tpu.memref_slice %arg2[%dma_wait3A_113, %dma_wait3A_114] : memref<10240x128xf32, #tpu.memory_space<hbm>> -> memref<10240x128xf32, #tpu.memory_space<hbm>>
    tpu.wait_indirect_dma semaphore(%arg17 : memref<!tpu.dma_semaphore, #tpu.memory_space<semaphore_mem>>) src(%dma_wait3A_115 : memref<10240x128xf32, #tpu.memory_space<hbm>>) dst(%dma_wait3A_109 : memref<50x128xf32, #tpu.memory_space<vmem>>)
    %dma_start3A_116 = arith.constant 0 : i32
    %dma_start3A_117 = arith.constant 0 : i32
    %dma_start3A_118 = arith.constant 1 : i32
    %dma_start3A_119 = arith.constant 0 : i32
    %dma_start3A_120 = arith.constant 0 : i32
    %dma_start3A_121 = tpu.memref_slice %arg11[%dma_start3A_116, %dma_start3A_119, %dma_start3A_120] : memref<2x50x128xf32, #tpu.memory_space<vmem>> -> memref<1x50x128xf32, #tpu.memory_space<vmem>>
    %dma_start3A_122 = tpu.memref_squeeze %dma_start3A_121 : memref<1x50x128xf32, #tpu.memory_space<vmem>> -> memref<50x128xf32, #tpu.memory_space<vmem>>
    %dma_start3A_123 = arith.constant 0 : i32
    %dma_start3A_124 = tpu.memref_slice %arg7[%dma_start3A_117, %dma_start3A_118, %dma_start3A_123] : memref<2x2x50xi32, #tpu.memory_space<vmem>> -> memref<1x1x50xi32, #tpu.memory_space<vmem>>
    %dma_start3A_125 = tpu.memref_squeeze %dma_start3A_124 : memref<1x1x50xi32, #tpu.memory_space<vmem>> -> memref<50xi32, #tpu.memory_space<vmem>>
    %dma_start3A_126 = arith.constant 0 : i32
    %dma_start3A_127 = arith.constant 0 : i32
    %dma_start3A_128 = tpu.memref_slice %arg6[%dma_start3A_126, %dma_start3A_127] : memref<10240x128xf32, #tpu.memory_space<vmem_shared>> -> memref<10240x128xf32, #tpu.memory_space<vmem_shared>>
    tpu.enqueue_indirect_dma source(%dma_start3A_122 : memref<50x128xf32, #tpu.memory_space<vmem>>) target(%dma_start3A_128 : memref<10240x128xf32, #tpu.memory_space<vmem_shared>>) offsets(%dma_start3A_125 : memref<50xi32, #tpu.memory_space<vmem>>) semaphore(%arg21 : memref<!tpu.dma_semaphore, #tpu.memory_space<semaphore_mem>>) {add = true}
    %dma_wait3A_129 = arith.constant 1 : i32
    %dma_wait3A_130 = arith.constant 0 : i32
    %dma_wait3A_131 = arith.constant 1 : i32
    %dma_wait3A_132 = arith.constant 0 : i32
    %dma_wait3A_133 = arith.constant 0 : i32
    %dma_wait3A_134 = tpu.memref_slice %arg11[%dma_wait3A_131, %dma_wait3A_132, %dma_wait3A_133] : memref<2x50x128xf32, #tpu.memory_space<vmem>> -> memref<1x50x128xf32, #tpu.memory_space<vmem>>
    %dma_wait3A_135 = tpu.memref_squeeze %dma_wait3A_134 : memref<1x50x128xf32, #tpu.memory_space<vmem>> -> memref<50x128xf32, #tpu.memory_space<vmem>>
    %dma_wait3A_136 = arith.constant 0 : i32
    %dma_wait3A_137 = tpu.memref_slice %arg7[%dma_wait3A_129, %dma_wait3A_130, %dma_wait3A_136] : memref<2x2x50xi32, #tpu.memory_space<vmem>> -> memref<1x1x50xi32, #tpu.memory_space<vmem>>
    %dma_wait3A_138 = tpu.memref_squeeze %dma_wait3A_137 : memref<1x1x50xi32, #tpu.memory_space<vmem>> -> memref<50xi32, #tpu.memory_space<vmem>>
    %dma_wait3A_139 = arith.constant 0 : i32
    %dma_wait3A_140 = arith.constant 0 : i32
    %dma_wait3A_141 = tpu.memref_slice %arg2[%dma_wait3A_139, %dma_wait3A_140] : memref<10240x128xf32, #tpu.memory_space<hbm>> -> memref<10240x128xf32, #tpu.memory_space<hbm>>
    tpu.wait_indirect_dma semaphore(%arg18 : memref<!tpu.dma_semaphore, #tpu.memory_space<semaphore_mem>>) src(%dma_wait3A_141 : memref<10240x128xf32, #tpu.memory_space<hbm>>) dst(%dma_wait3A_135 : memref<50x128xf32, #tpu.memory_space<vmem>>)
    %dma_start3A_142 = arith.constant 1 : i32
    %dma_start3A_143 = arith.constant 1 : i32
    %dma_start3A_144 = arith.constant 1 : i32
    %dma_start3A_145 = arith.constant 0 : i32
    %dma_start3A_146 = arith.constant 0 : i32
    %dma_start3A_147 = tpu.memref_slice %arg11[%dma_start3A_142, %dma_start3A_145, %dma_start3A_146] : memref<2x50x128xf32, #tpu.memory_space<vmem>> -> memref<1x50x128xf32, #tpu.memory_space<vmem>>
    %dma_start3A_148 = tpu.memref_squeeze %dma_start3A_147 : memref<1x50x128xf32, #tpu.memory_space<vmem>> -> memref<50x128xf32, #tpu.memory_space<vmem>>
    %dma_start3A_149 = arith.constant 0 : i32
    %dma_start3A_150 = tpu.memref_slice %arg7[%dma_start3A_143, %dma_start3A_144, %dma_start3A_149] : memref<2x2x50xi32, #tpu.memory_space<vmem>> -> memref<1x1x50xi32, #tpu.memory_space<vmem>>
    %dma_start3A_151 = tpu.memref_squeeze %dma_start3A_150 : memref<1x1x50xi32, #tpu.memory_space<vmem>> -> memref<50xi32, #tpu.memory_space<vmem>>
    %dma_start3A_152 = arith.constant 0 : i32
    %dma_start3A_153 = arith.constant 0 : i32
    %dma_start3A_154 = tpu.memref_slice %arg6[%dma_start3A_152, %dma_start3A_153] : memref<10240x128xf32, #tpu.memory_space<vmem_shared>> -> memref<10240x128xf32, #tpu.memory_space<vmem_shared>>
    tpu.enqueue_indirect_dma source(%dma_start3A_148 : memref<50x128xf32, #tpu.memory_space<vmem>>) target(%dma_start3A_154 : memref<10240x128xf32, #tpu.memory_space<vmem_shared>>) offsets(%dma_start3A_151 : memref<50xi32, #tpu.memory_space<vmem>>) semaphore(%arg22 : memref<!tpu.dma_semaphore, #tpu.memory_space<semaphore_mem>>) {add = true}
    %dma_start3A_155 = arith.constant 6 : i32
    %dma_start3A_156 = arith.constant 0 : i32
    %dma_start3A_157 = arith.constant 0 : i32
    %dma_start3A_158 = tpu.memref_slice %arg3[%add3A, %dma_start3A_155, %dma_start3A_156, %dma_start3A_157] : memref<32x200x2x50xi32, #tpu.memory_space<hbm>> -> memref<1x2x2x50xi32, #tpu.memory_space<hbm>>
    %dma_start3A_159 = tpu.memref_squeeze %dma_start3A_158 : memref<1x2x2x50xi32, #tpu.memory_space<hbm>> -> memref<2x2x50xi32, #tpu.memory_space<hbm>>
    %dma_start3A_160 = arith.constant 6 : i32
    %dma_start3A_161 = arith.constant 0 : i32
    %dma_start3A_162 = arith.constant 0 : i32
    %dma_start3A_163 = tpu.memref_slice %arg3[%add3A, %dma_start3A_160, %dma_start3A_161, %dma_start3A_162] : memref<32x200x2x50xi32, #tpu.memory_space<hbm>> -> memref<1x2x2x50xi32, #tpu.memory_space<hbm>>
    %dma_start3A_164 = tpu.memref_squeeze %dma_start3A_163 : memref<1x2x2x50xi32, #tpu.memory_space<hbm>> -> memref<2x2x50xi32, #tpu.memory_space<hbm>>
    tpu.enqueue_dma source(%dma_start3A_164 : memref<2x2x50xi32, #tpu.memory_space<hbm>>) target(%arg10 : memref<2x2x50xi32, #tpu.memory_space<vmem>>) target_semaphore(%arg16 : memref<!tpu.dma_semaphore, #tpu.memory_space<semaphore_mem>>)
    %dma_wait3A_165 = arith.constant 4 : i32
    %dma_wait3A_166 = arith.constant 0 : i32
    %dma_wait3A_167 = arith.constant 0 : i32
    %dma_wait3A_168 = tpu.memref_slice %arg3[%add3A, %dma_wait3A_165, %dma_wait3A_166, %dma_wait3A_167] : memref<32x200x2x50xi32, #tpu.memory_space<hbm>> -> memref<1x2x2x50xi32, #tpu.memory_space<hbm>>
    %dma_wait3A_169 = tpu.memref_squeeze %dma_wait3A_168 : memref<1x2x2x50xi32, #tpu.memory_space<hbm>> -> memref<2x2x50xi32, #tpu.memory_space<hbm>>
    %dma_wait3A_170 = arith.constant 4 : i32
    %dma_wait3A_171 = arith.constant 0 : i32
    %dma_wait3A_172 = arith.constant 0 : i32
    %dma_wait3A_173 = tpu.memref_slice %arg3[%add3A, %dma_wait3A_170, %dma_wait3A_171, %dma_wait3A_172] : memref<32x200x2x50xi32, #tpu.memory_space<hbm>> -> memref<1x2x2x50xi32, #tpu.memory_space<hbm>>
    %dma_wait3A_174 = tpu.memref_squeeze %dma_wait3A_173 : memref<1x2x2x50xi32, #tpu.memory_space<hbm>> -> memref<2x2x50xi32, #tpu.memory_space<hbm>>
    tpu.wait_dma2 semaphore(%arg15 : memref<!tpu.dma_semaphore, #tpu.memory_space<semaphore_mem>>) src(%dma_wait3A_174 : memref<2x2x50xi32, #tpu.memory_space<hbm>>) dst(%arg9 : memref<2x2x50xi32, #tpu.memory_space<vmem>>)
    %dma_wait3A_175 = arith.constant 0 : i32
    %dma_wait3A_176 = arith.constant 0 : i32
    %dma_wait3A_177 = arith.constant 0 : i32
    %dma_wait3A_178 = tpu.memref_slice %arg11[%dma_wait3A_175, %dma_wait3A_176, %dma_wait3A_177] : memref<2x50x128xf32, #tpu.memory_space<vmem>> -> memref<1x50x128xf32, #tpu.memory_space<vmem>>
    %dma_wait3A_179 = tpu.memref_squeeze %dma_wait3A_178 : memref<1x50x128xf32, #tpu.memory_space<vmem>> -> memref<50x128xf32, #tpu.memory_space<vmem>>
    %dma_wait3A_180 = arith.constant 0 : i32
    %dma_wait3A_181 = arith.constant 0 : i32
    %dma_wait3A_182 = tpu.memref_slice %arg11[%dma_wait3A_175, %dma_wait3A_180, %dma_wait3A_181] : memref<2x50x128xf32, #tpu.memory_space<vmem>> -> memref<1x50x128xf32, #tpu.memory_space<vmem>>
    %dma_wait3A_183 = tpu.memref_squeeze %dma_wait3A_182 : memref<1x50x128xf32, #tpu.memory_space<vmem>> -> memref<50x128xf32, #tpu.memory_space<vmem>>
    tpu.wait_dma2 semaphore(%arg21 : memref<!tpu.dma_semaphore, #tpu.memory_space<semaphore_mem>>) src(%arg4 : memref<50x128xf32, #tpu.memory_space<hbm>>) dst(%dma_wait3A_183 : memref<50x128xf32, #tpu.memory_space<vmem>>)
    %dma_start3A_184 = arith.constant 0 : i32
    %dma_start3A_185 = arith.constant 0 : i32
    %dma_start3A_186 = arith.constant 0 : i32
    %dma_start3A_187 = arith.constant 0 : i32
    %dma_start3A_188 = arith.constant 0 : i32
    %dma_start3A_189 = tpu.memref_slice %arg11[%dma_start3A_186, %dma_start3A_187, %dma_start3A_188] : memref<2x50x128xf32, #tpu.memory_space<vmem>> -> memref<1x50x128xf32, #tpu.memory_space<vmem>>
    %dma_start3A_190 = tpu.memref_squeeze %dma_start3A_189 : memref<1x50x128xf32, #tpu.memory_space<vmem>> -> memref<50x128xf32, #tpu.memory_space<vmem>>
    %dma_start3A_191 = arith.constant 0 : i32
    %dma_start3A_192 = tpu.memref_slice %arg9[%dma_start3A_184, %dma_start3A_185, %dma_start3A_191] : memref<2x2x50xi32, #tpu.memory_space<vmem>> -> memref<1x1x50xi32, #tpu.memory_space<vmem>>
    %dma_start3A_193 = tpu.memref_squeeze %dma_start3A_192 : memref<1x1x50xi32, #tpu.memory_space<vmem>> -> memref<50xi32, #tpu.memory_space<vmem>>
    %dma_start3A_194 = arith.constant 0 : i32
    %dma_start3A_195 = arith.constant 0 : i32
    %dma_start3A_196 = tpu.memref_slice %arg2[%dma_start3A_194, %dma_start3A_195] : memref<10240x128xf32, #tpu.memory_space<hbm>> -> memref<10240x128xf32, #tpu.memory_space<hbm>>
    tpu.enqueue_indirect_dma source(%dma_start3A_196 : memref<10240x128xf32, #tpu.memory_space<hbm>>) target(%dma_start3A_190 : memref<50x128xf32, #tpu.memory_space<vmem>>) offsets(%dma_start3A_193 : memref<50xi32, #tpu.memory_space<vmem>>) semaphore(%arg17 : memref<!tpu.dma_semaphore, #tpu.memory_space<semaphore_mem>>)
    %dma_wait3A_197 = arith.constant 1 : i32
    %dma_wait3A_198 = arith.constant 0 : i32
    %dma_wait3A_199 = arith.constant 0 : i32
    %dma_wait3A_200 = tpu.memref_slice %arg11[%dma_wait3A_197, %dma_wait3A_198, %dma_wait3A_199] : memref<2x50x128xf32, #tpu.memory_space<vmem>> -> memref<1x50x128xf32, #tpu.memory_space<vmem>>
    %dma_wait3A_201 = tpu.memref_squeeze %dma_wait3A_200 : memref<1x50x128xf32, #tpu.memory_space<vmem>> -> memref<50x128xf32, #tpu.memory_space<vmem>>
    %dma_wait3A_202 = arith.constant 0 : i32
    %dma_wait3A_203 = arith.constant 0 : i32
    %dma_wait3A_204 = tpu.memref_slice %arg11[%dma_wait3A_197, %dma_wait3A_202, %dma_wait3A_203] : memref<2x50x128xf32, #tpu.memory_space<vmem>> -> memref<1x50x128xf32, #tpu.memory_space<vmem>>
    %dma_wait3A_205 = tpu.memref_squeeze %dma_wait3A_204 : memref<1x50x128xf32, #tpu.memory_space<vmem>> -> memref<50x128xf32, #tpu.memory_space<vmem>>
    tpu.wait_dma2 semaphore(%arg22 : memref<!tpu.dma_semaphore, #tpu.memory_space<semaphore_mem>>) src(%arg4 : memref<50x128xf32, #tpu.memory_space<hbm>>) dst(%dma_wait3A_205 : memref<50x128xf32, #tpu.memory_space<vmem>>)
    %dma_start3A_206 = arith.constant 1 : i32
    %dma_start3A_207 = arith.constant 0 : i32
    %dma_start3A_208 = arith.constant 1 : i32
    %dma_start3A_209 = arith.constant 0 : i32
    %dma_start3A_210 = arith.constant 0 : i32
    %dma_start3A_211 = tpu.memref_slice %arg11[%dma_start3A_208, %dma_start3A_209, %dma_start3A_210] : memref<2x50x128xf32, #tpu.memory_space<vmem>> -> memref<1x50x128xf32, #tpu.memory_space<vmem>>
    %dma_start3A_212 = tpu.memref_squeeze %dma_start3A_211 : memref<1x50x128xf32, #tpu.memory_space<vmem>> -> memref<50x128xf32, #tpu.memory_space<vmem>>
    %dma_start3A_213 = arith.constant 0 : i32
    %dma_start3A_214 = tpu.memref_slice %arg9[%dma_start3A_206, %dma_start3A_207, %dma_start3A_213] : memref<2x2x50xi32, #tpu.memory_space<vmem>> -> memref<1x1x50xi32, #tpu.memory_space<vmem>>
    %dma_start3A_215 = tpu.memref_squeeze %dma_start3A_214 : memref<1x1x50xi32, #tpu.memory_space<vmem>> -> memref<50xi32, #tpu.memory_space<vmem>>
    %dma_start3A_216 = arith.constant 0 : i32
    %dma_start3A_217 = arith.constant 0 : i32
    %dma_start3A_218 = tpu.memref_slice %arg2[%dma_start3A_216, %dma_start3A_217] : memref<10240x128xf32, #tpu.memory_space<hbm>> -> memref<10240x128xf32, #tpu.memory_space<hbm>>
    tpu.enqueue_indirect_dma source(%dma_start3A_218 : memref<10240x128xf32, #tpu.memory_space<hbm>>) target(%dma_start3A_212 : memref<50x128xf32, #tpu.memory_space<vmem>>) offsets(%dma_start3A_215 : memref<50xi32, #tpu.memory_space<vmem>>) semaphore(%arg18 : memref<!tpu.dma_semaphore, #tpu.memory_space<semaphore_mem>>)
    %dma_wait3A_219 = arith.constant 0 : i32
    %dma_wait3A_220 = arith.constant 0 : i32
    %dma_wait3A_221 = arith.constant 0 : i32
    %dma_wait3A_222 = arith.constant 0 : i32
    %dma_wait3A_223 = arith.constant 0 : i32
    %dma_wait3A_224 = tpu.memref_slice %arg12[%dma_wait3A_221, %dma_wait3A_222, %dma_wait3A_223] : memref<2x50x128xf32, #tpu.memory_space<vmem>> -> memref<1x50x128xf32, #tpu.memory_space<vmem>>
    %dma_wait3A_225 = tpu.memref_squeeze %dma_wait3A_224 : memref<1x50x128xf32, #tpu.memory_space<vmem>> -> memref<50x128xf32, #tpu.memory_space<vmem>>
    %dma_wait3A_226 = arith.constant 0 : i32
    %dma_wait3A_227 = tpu.memref_slice %arg8[%dma_wait3A_219, %dma_wait3A_220, %dma_wait3A_226] : memref<2x2x50xi32, #tpu.memory_space<vmem>> -> memref<1x1x50xi32, #tpu.memory_space<vmem>>
    %dma_wait3A_228 = tpu.memref_squeeze %dma_wait3A_227 : memref<1x1x50xi32, #tpu.memory_space<vmem>> -> memref<50xi32, #tpu.memory_space<vmem>>
    %dma_wait3A_229 = arith.constant 0 : i32
    %dma_wait3A_230 = arith.constant 0 : i32
    %dma_wait3A_231 = tpu.memref_slice %arg2[%dma_wait3A_229, %dma_wait3A_230] : memref<10240x128xf32, #tpu.memory_space<hbm>> -> memref<10240x128xf32, #tpu.memory_space<hbm>>
    tpu.wait_indirect_dma semaphore(%arg19 : memref<!tpu.dma_semaphore, #tpu.memory_space<semaphore_mem>>) src(%dma_wait3A_231 : memref<10240x128xf32, #tpu.memory_space<hbm>>) dst(%dma_wait3A_225 : memref<50x128xf32, #tpu.memory_space<vmem>>)
    %dma_start3A_232 = arith.constant 0 : i32
    %dma_start3A_233 = arith.constant 0 : i32
    %dma_start3A_234 = arith.constant 1 : i32
    %dma_start3A_235 = arith.constant 0 : i32
    %dma_start3A_236 = arith.constant 0 : i32
    %dma_start3A_237 = tpu.memref_slice %arg12[%dma_start3A_232, %dma_start3A_235, %dma_start3A_236] : memref<2x50x128xf32, #tpu.memory_space<vmem>> -> memref<1x50x128xf32, #tpu.memory_space<vmem>>
    %dma_start3A_238 = tpu.memref_squeeze %dma_start3A_237 : memref<1x50x128xf32, #tpu.memory_space<vmem>> -> memref<50x128xf32, #tpu.memory_space<vmem>>
    %dma_start3A_239 = arith.constant 0 : i32
    %dma_start3A_240 = tpu.memref_slice %arg8[%dma_start3A_233, %dma_start3A_234, %dma_start3A_239] : memref<2x2x50xi32, #tpu.memory_space<vmem>> -> memref<1x1x50xi32, #tpu.memory_space<vmem>>
    %dma_start3A_241 = tpu.memref_squeeze %dma_start3A_240 : memref<1x1x50xi32, #tpu.memory_space<vmem>> -> memref<50xi32, #tpu.memory_space<vmem>>
    %dma_start3A_242 = arith.constant 0 : i32
    %dma_start3A_243 = arith.constant 0 : i32
    %dma_start3A_244 = tpu.memref_slice %arg6[%dma_start3A_242, %dma_start3A_243] : memref<10240x128xf32, #tpu.memory_space<vmem_shared>> -> memref<10240x128xf32, #tpu.memory_space<vmem_shared>>
    tpu.enqueue_indirect_dma source(%dma_start3A_238 : memref<50x128xf32, #tpu.memory_space<vmem>>) target(%dma_start3A_244 : memref<10240x128xf32, #tpu.memory_space<vmem_shared>>) offsets(%dma_start3A_241 : memref<50xi32, #tpu.memory_space<vmem>>) semaphore(%arg23 : memref<!tpu.dma_semaphore, #tpu.memory_space<semaphore_mem>>) {add = true}
    %dma_wait3A_245 = arith.constant 1 : i32
    %dma_wait3A_246 = arith.constant 0 : i32
    %dma_wait3A_247 = arith.constant 1 : i32
    %dma_wait3A_248 = arith.constant 0 : i32
    %dma_wait3A_249 = arith.constant 0 : i32
    %dma_wait3A_250 = tpu.memref_slice %arg12[%dma_wait3A_247, %dma_wait3A_248, %dma_wait3A_249] : memref<2x50x128xf32, #tpu.memory_space<vmem>> -> memref<1x50x128xf32, #tpu.memory_space<vmem>>
    %dma_wait3A_251 = tpu.memref_squeeze %dma_wait3A_250 : memref<1x50x128xf32, #tpu.memory_space<vmem>> -> memref<50x128xf32, #tpu.memory_space<vmem>>
    %dma_wait3A_252 = arith.constant 0 : i32
    %dma_wait3A_253 = tpu.memref_slice %arg8[%dma_wait3A_245, %dma_wait3A_246, %dma_wait3A_252] : memref<2x2x50xi32, #tpu.memory_space<vmem>> -> memref<1x1x50xi32, #tpu.memory_space<vmem>>
    %dma_wait3A_254 = tpu.memref_squeeze %dma_wait3A_253 : memref<1x1x50xi32, #tpu.memory_space<vmem>> -> memref<50xi32, #tpu.memory_space<vmem>>
    %dma_wait3A_255 = arith.constant 0 : i32
    %dma_wait3A_256 = arith.constant 0 : i32
    %dma_wait3A_257 = tpu.memref_slice %arg2[%dma_wait3A_255, %dma_wait3A_256] : memref<10240x128xf32, #tpu.memory_space<hbm>> -> memref<10240x128xf32, #tpu.memory_space<hbm>>
    tpu.wait_indirect_dma semaphore(%arg20 : memref<!tpu.dma_semaphore, #tpu.memory_space<semaphore_mem>>) src(%dma_wait3A_257 : memref<10240x128xf32, #tpu.memory_space<hbm>>) dst(%dma_wait3A_251 : memref<50x128xf32, #tpu.memory_space<vmem>>)
    %dma_start3A_258 = arith.constant 1 : i32
    %dma_start3A_259 = arith.constant 1 : i32
    %dma_start3A_260 = arith.constant 1 : i32
    %dma_start3A_261 = arith.constant 0 : i32
    %dma_start3A_262 = arith.constant 0 : i32
    %dma_start3A_263 = tpu.memref_slice %arg12[%dma_start3A_258, %dma_start3A_261, %dma_start3A_262] : memref<2x50x128xf32, #tpu.memory_space<vmem>> -> memref<1x50x128xf32, #tpu.memory_space<vmem>>
    %dma_start3A_264 = tpu.memref_squeeze %dma_start3A_263 : memref<1x50x128xf32, #tpu.memory_space<vmem>> -> memref<50x128xf32, #tpu.memory_space<vmem>>
    %dma_start3A_265 = arith.constant 0 : i32
    %dma_start3A_266 = tpu.memref_slice %arg8[%dma_start3A_259, %dma_start3A_260, %dma_start3A_265] : memref<2x2x50xi32, #tpu.memory_space<vmem>> -> memref<1x1x50xi32, #tpu.memory_space<vmem>>
    %dma_start3A_267 = tpu.memref_squeeze %dma_start3A_266 : memref<1x1x50xi32, #tpu.memory_space<vmem>> -> memref<50xi32, #tpu.memory_space<vmem>>
    %dma_start3A_268 = arith.constant 0 : i32
    %dma_start3A_269 = arith.constant 0 : i32
    %dma_start3A_270 = tpu.memref_slice %arg6[%dma_start3A_268, %dma_start3A_269] : memref<10240x128xf32, #tpu.memory_space<vmem_shared>> -> memref<10240x128xf32, #tpu.memory_space<vmem_shared>>
    tpu.enqueue_indirect_dma source(%dma_start3A_264 : memref<50x128xf32, #tpu.memory_space<vmem>>) target(%dma_start3A_270 : memref<10240x128xf32, #tpu.memory_space<vmem_shared>>) offsets(%dma_start3A_267 : memref<50xi32, #tpu.memory_space<vmem>>) semaphore(%arg24 : memref<!tpu.dma_semaphore, #tpu.memory_space<semaphore_mem>>) {add = true}
    %dma_start3A_271 = arith.constant 8 : i32
    %dma_start3A_272 = arith.constant 0 : i32
    %dma_start3A_273 = arith.constant 0 : i32
    %dma_start3A_274 = tpu.memref_slice %arg3[%add3A, %dma_start3A_271, %dma_start3A_272, %dma_start3A_273] : memref<32x200x2x50xi32, #tpu.memory_space<hbm>> -> memref<1x2x2x50xi32, #tpu.memory_space<hbm>>
    %dma_start3A_275 = tpu.memref_squeeze %dma_start3A_274 : memref<1x2x2x50xi32, #tpu.memory_space<hbm>> -> memref<2x2x50xi32, #tpu.memory_space<hbm>>
    %dma_start3A_276 = arith.constant 8 : i32
    %dma_start3A_277 = arith.constant 0 : i32
    %dma_start3A_278 = arith.constant 0 : i32
    %dma_start3A_279 = tpu.memref_slice %arg3[%add3A, %dma_start3A_276, %dma_start3A_277, %dma_start3A_278] : memref<32x200x2x50xi32, #tpu.memory_space<hbm>> -> memref<1x2x2x50xi32, #tpu.memory_space<hbm>>
    %dma_start3A_280 = tpu.memref_squeeze %dma_start3A_279 : memref<1x2x2x50xi32, #tpu.memory_space<hbm>> -> memref<2x2x50xi32, #tpu.memory_space<hbm>>
    tpu.enqueue_dma source(%dma_start3A_280 : memref<2x2x50xi32, #tpu.memory_space<hbm>>) target(%arg7 : memref<2x2x50xi32, #tpu.memory_space<vmem>>) target_semaphore(%arg13 : memref<!tpu.dma_semaphore, #tpu.memory_space<semaphore_mem>>)
    %dma_wait3A_281 = arith.constant 6 : i32
    %dma_wait3A_282 = arith.constant 0 : i32
    %dma_wait3A_283 = arith.constant 0 : i32
    %dma_wait3A_284 = tpu.memref_slice %arg3[%add3A, %dma_wait3A_281, %dma_wait3A_282, %dma_wait3A_283] : memref<32x200x2x50xi32, #tpu.memory_space<hbm>> -> memref<1x2x2x50xi32, #tpu.memory_space<hbm>>
    %dma_wait3A_285 = tpu.memref_squeeze %dma_wait3A_284 : memref<1x2x2x50xi32, #tpu.memory_space<hbm>> -> memref<2x2x50xi32, #tpu.memory_space<hbm>>
    %dma_wait3A_286 = arith.constant 6 : i32
    %dma_wait3A_287 = arith.constant 0 : i32
    %dma_wait3A_288 = arith.constant 0 : i32
    %dma_wait3A_289 = tpu.memref_slice %arg3[%add3A, %dma_wait3A_286, %dma_wait3A_287, %dma_wait3A_288] : memref<32x200x2x50xi32, #tpu.memory_space<hbm>> -> memref<1x2x2x50xi32, #tpu.memory_space<hbm>>
    %dma_wait3A_290 = tpu.memref_squeeze %dma_wait3A_289 : memref<1x2x2x50xi32, #tpu.memory_space<hbm>> -> memref<2x2x50xi32, #tpu.memory_space<hbm>>
    tpu.wait_dma2 semaphore(%arg16 : memref<!tpu.dma_semaphore, #tpu.memory_space<semaphore_mem>>) src(%dma_wait3A_290 : memref<2x2x50xi32, #tpu.memory_space<hbm>>) dst(%arg10 : memref<2x2x50xi32, #tpu.memory_space<vmem>>)
    %dma_wait3A_291 = arith.constant 0 : i32
    %dma_wait3A_292 = arith.constant 0 : i32
    %dma_wait3A_293 = arith.constant 0 : i32
    %dma_wait3A_294 = tpu.memref_slice %arg12[%dma_wait3A_291, %dma_wait3A_292, %dma_wait3A_293] : memref<2x50x128xf32, #tpu.memory_space<vmem>> -> memref<1x50x128xf32, #tpu.memory_space<vmem>>
    %dma_wait3A_295 = tpu.memref_squeeze %dma_wait3A_294 : memref<1x50x128xf32, #tpu.memory_space<vmem>> -> memref<50x128xf32, #tpu.memory_space<vmem>>
    %dma_wait3A_296 = arith.constant 0 : i32
    %dma_wait3A_297 = arith.constant 0 : i32
    %dma_wait3A_298 = tpu.memref_slice %arg12[%dma_wait3A_291, %dma_wait3A_296, %dma_wait3A_297] : memref<2x50x128xf32, #tpu.memory_space<vmem>> -> memref<1x50x128xf32, #tpu.memory_space<vmem>>
    %dma_wait3A_299 = tpu.memref_squeeze %dma_wait3A_298 : memref<1x50x128xf32, #tpu.memory_space<vmem>> -> memref<50x128xf32, #tpu.memory_space<vmem>>
    tpu.wait_dma2 semaphore(%arg23 : memref<!tpu.dma_semaphore, #tpu.memory_space<semaphore_mem>>) src(%arg4 : memref<50x128xf32, #tpu.memory_space<hbm>>) dst(%dma_wait3A_299 : memref<50x128xf32, #tpu.memory_space<vmem>>)
    %dma_start3A_300 = arith.constant 0 : i32
    %dma_start3A_301 = arith.constant 0 : i32
    %dma_start3A_302 = arith.constant 0 : i32
    %dma_start3A_303 = arith.constant 0 : i32
    %dma_start3A_304 = arith.constant 0 : i32
    %dma_start3A_305 = tpu.memref_slice %arg12[%dma_start3A_302, %dma_start3A_303, %dma_start3A_304] : memref<2x50x128xf32, #tpu.memory_space<vmem>> -> memref<1x50x128xf32, #tpu.memory_space<vmem>>
    %dma_start3A_306 = tpu.memref_squeeze %dma_start3A_305 : memref<1x50x128xf32, #tpu.memory_space<vmem>> -> memref<50x128xf32, #tpu.memory_space<vmem>>
    %dma_start3A_307 = arith.constant 0 : i32
    %dma_start3A_308 = tpu.memref_slice %arg10[%dma_start3A_300, %dma_start3A_301, %dma_start3A_307] : memref<2x2x50xi32, #tpu.memory_space<vmem>> -> memref<1x1x50xi32, #tpu.memory_space<vmem>>
    %dma_start3A_309 = tpu.memref_squeeze %dma_start3A_308 : memref<1x1x50xi32, #tpu.memory_space<vmem>> -> memref<50xi32, #tpu.memory_space<vmem>>
    %dma_start3A_310 = arith.constant 0 : i32
    %dma_start3A_311 = arith.constant 0 : i32
    %dma_start3A_312 = tpu.memref_slice %arg2[%dma_start3A_310, %dma_start3A_311] : memref<10240x128xf32, #tpu.memory_space<hbm>> -> memref<10240x128xf32, #tpu.memory_space<hbm>>
    tpu.enqueue_indirect_dma source(%dma_start3A_312 : memref<10240x128xf32, #tpu.memory_space<hbm>>) target(%dma_start3A_306 : memref<50x128xf32, #tpu.memory_space<vmem>>) offsets(%dma_start3A_309 : memref<50xi32, #tpu.memory_space<vmem>>) semaphore(%arg19 : memref<!tpu.dma_semaphore, #tpu.memory_space<semaphore_mem>>)
    %dma_wait3A_313 = arith.constant 1 : i32
    %dma_wait3A_314 = arith.constant 0 : i32
    %dma_wait3A_315 = arith.constant 0 : i32
    %dma_wait3A_316 = tpu.memref_slice %arg12[%dma_wait3A_313, %dma_wait3A_314, %dma_wait3A_315] : memref<2x50x128xf32, #tpu.memory_space<vmem>> -> memref<1x50x128xf32, #tpu.memory_space<vmem>>
    %dma_wait3A_317 = tpu.memref_squeeze %dma_wait3A_316 : memref<1x50x128xf32, #tpu.memory_space<vmem>> -> memref<50x128xf32, #tpu.memory_space<vmem>>
    %dma_wait3A_318 = arith.constant 0 : i32
    %dma_wait3A_319 = arith.constant 0 : i32
    %dma_wait3A_320 = tpu.memref_slice %arg12[%dma_wait3A_313, %dma_wait3A_318, %dma_wait3A_319] : memref<2x50x128xf32, #tpu.memory_space<vmem>> -> memref<1x50x128xf32, #tpu.memory_space<vmem>>
    %dma_wait3A_321 = tpu.memref_squeeze %dma_wait3A_320 : memref<1x50x128xf32, #tpu.memory_space<vmem>> -> memref<50x128xf32, #tpu.memory_space<vmem>>
    tpu.wait_dma2 semaphore(%arg24 : memref<!tpu.dma_semaphore, #tpu.memory_space<semaphore_mem>>) src(%arg4 : memref<50x128xf32, #tpu.memory_space<hbm>>) dst(%dma_wait3A_321 : memref<50x128xf32, #tpu.memory_space<vmem>>)
    %dma_start3A_322 = arith.constant 1 : i32
    %dma_start3A_323 = arith.constant 0 : i32
    %dma_start3A_324 = arith.constant 1 : i32
    %dma_start3A_325 = arith.constant 0 : i32
    %dma_start3A_326 = arith.constant 0 : i32
    %dma_start3A_327 = tpu.memref_slice %arg12[%dma_start3A_324, %dma_start3A_325, %dma_start3A_326] : memref<2x50x128xf32, #tpu.memory_space<vmem>> -> memref<1x50x128xf32, #tpu.memory_space<vmem>>
    %dma_start3A_328 = tpu.memref_squeeze %dma_start3A_327 : memref<1x50x128xf32, #tpu.memory_space<vmem>> -> memref<50x128xf32, #tpu.memory_space<vmem>>
    %dma_start3A_329 = arith.constant 0 : i32
    %dma_start3A_330 = tpu.memref_slice %arg10[%dma_start3A_322, %dma_start3A_323, %dma_start3A_329] : memref<2x2x50xi32, #tpu.memory_space<vmem>> -> memref<1x1x50xi32, #tpu.memory_space<vmem>>
    %dma_start3A_331 = tpu.memref_squeeze %dma_start3A_330 : memref<1x1x50xi32, #tpu.memory_space<vmem>> -> memref<50xi32, #tpu.memory_space<vmem>>
    %dma_start3A_332 = arith.constant 0 : i32
    %dma_start3A_333 = arith.constant 0 : i32
    %dma_start3A_334 = tpu.memref_slice %arg2[%dma_start3A_332, %dma_start3A_333] : memref<10240x128xf32, #tpu.memory_space<hbm>> -> memref<10240x128xf32, #tpu.memory_space<hbm>>
    tpu.enqueue_indirect_dma source(%dma_start3A_334 : memref<10240x128xf32, #tpu.memory_space<hbm>>) target(%dma_start3A_328 : memref<50x128xf32, #tpu.memory_space<vmem>>) offsets(%dma_start3A_331 : memref<50xi32, #tpu.memory_space<vmem>>) semaphore(%arg20 : memref<!tpu.dma_semaphore, #tpu.memory_space<semaphore_mem>>)
    %dma_wait3A_335 = arith.constant 0 : i32
    %dma_wait3A_336 = arith.constant 0 : i32
    %dma_wait3A_337 = arith.constant 0 : i32
    %dma_wait3A_338 = arith.constant 0 : i32
    %dma_wait3A_339 = arith.constant 0 : i32
    %dma_wait3A_340 = tpu.memref_slice %arg11[%dma_wait3A_337, %dma_wait3A_338, %dma_wait3A_339] : memref<2x50x128xf32, #tpu.memory_space<vmem>> -> memref<1x50x128xf32, #tpu.memory_space<vmem>>
    %dma_wait3A_341 = tpu.memref_squeeze %dma_wait3A_340 : memref<1x50x128xf32, #tpu.memory_space<vmem>> -> memref<50x128xf32, #tpu.memory_space<vmem>>
    %dma_wait3A_342 = arith.constant 0 : i32
    %dma_wait3A_343 = tpu.memref_slice %arg9[%dma_wait3A_335, %dma_wait3A_336, %dma_wait3A_342] : memref<2x2x50xi32, #tpu.memory_space<vmem>> -> memref<1x1x50xi32, #tpu.memory_space<vmem>>
    %dma_wait3A_344 = tpu.memref_squeeze %dma_wait3A_343 : memref<1x1x50xi32, #tpu.memory_space<vmem>> -> memref<50xi32, #tpu.memory_space<vmem>>
    %dma_wait3A_345 = arith.constant 0 : i32
    %dma_wait3A_346 = arith.constant 0 : i32
    %dma_wait3A_347 = tpu.memref_slice %arg2[%dma_wait3A_345, %dma_wait3A_346] : memref<10240x128xf32, #tpu.memory_space<hbm>> -> memref<10240x128xf32, #tpu.memory_space<hbm>>
    tpu.wait_indirect_dma semaphore(%arg17 : memref<!tpu.dma_semaphore, #tpu.memory_space<semaphore_mem>>) src(%dma_wait3A_347 : memref<10240x128xf32, #tpu.memory_space<hbm>>) dst(%dma_wait3A_341 : memref<50x128xf32, #tpu.memory_space<vmem>>)
    %dma_start3A_348 = arith.constant 0 : i32
    %dma_start3A_349 = arith.constant 0 : i32
    %dma_start3A_350 = arith.constant 1 : i32
    %dma_start3A_351 = arith.constant 0 : i32
    %dma_start3A_352 = arith.constant 0 : i32
    %dma_start3A_353 = tpu.memref_slice %arg11[%dma_start3A_348, %dma_start3A_351, %dma_start3A_352] : memref<2x50x128xf32, #tpu.memory_space<vmem>> -> memref<1x50x128xf32, #tpu.memory_space<vmem>>
    %dma_start3A_354 = tpu.memref_squeeze %dma_start3A_353 : memref<1x50x128xf32, #tpu.memory_space<vmem>> -> memref<50x128xf32, #tpu.memory_space<vmem>>
    %dma_start3A_355 = arith.constant 0 : i32
    %dma_start3A_356 = tpu.memref_slice %arg9[%dma_start3A_349, %dma_start3A_350, %dma_start3A_355] : memref<2x2x50xi32, #tpu.memory_space<vmem>> -> memref<1x1x50xi32, #tpu.memory_space<vmem>>
    %dma_start3A_357 = tpu.memref_squeeze %dma_start3A_356 : memref<1x1x50xi32, #tpu.memory_space<vmem>> -> memref<50xi32, #tpu.memory_space<vmem>>
    %dma_start3A_358 = arith.constant 0 : i32
    %dma_start3A_359 = arith.constant 0 : i32
    %dma_start3A_360 = tpu.memref_slice %arg6[%dma_start3A_358, %dma_start3A_359] : memref<10240x128xf32, #tpu.memory_space<vmem_shared>> -> memref<10240x128xf32, #tpu.memory_space<vmem_shared>>
    tpu.enqueue_indirect_dma source(%dma_start3A_354 : memref<50x128xf32, #tpu.memory_space<vmem>>) target(%dma_start3A_360 : memref<10240x128xf32, #tpu.memory_space<vmem_shared>>) offsets(%dma_start3A_357 : memref<50xi32, #tpu.memory_space<vmem>>) semaphore(%arg21 : memref<!tpu.dma_semaphore, #tpu.memory_space<semaphore_mem>>) {add = true}
    %dma_wait3A_361 = arith.constant 1 : i32
    %dma_wait3A_362 = arith.constant 0 : i32
    %dma_wait3A_363 = arith.constant 1 : i32
    %dma_wait3A_364 = arith.constant 0 : i32
    %dma_wait3A_365 = arith.constant 0 : i32
    %dma_wait3A_366 = tpu.memref_slice %arg11[%dma_wait3A_363, %dma_wait3A_364, %dma_wait3A_365] : memref<2x50x128xf32, #tpu.memory_space<vmem>> -> memref<1x50x128xf32, #tpu.memory_space<vmem>>
    %dma_wait3A_367 = tpu.memref_squeeze %dma_wait3A_366 : memref<1x50x128xf32, #tpu.memory_space<vmem>> -> memref<50x128xf32, #tpu.memory_space<vmem>>
    %dma_wait3A_368 = arith.constant 0 : i32
    %dma_wait3A_369 = tpu.memref_slice %arg9[%dma_wait3A_361, %dma_wait3A_362, %dma_wait3A_368] : memref<2x2x50xi32, #tpu.memory_space<vmem>> -> memref<1x1x50xi32, #tpu.memory_space<vmem>>
    %dma_wait3A_370 = tpu.memref_squeeze %dma_wait3A_369 : memref<1x1x50xi32, #tpu.memory_space<vmem>> -> memref<50xi32, #tpu.memory_space<vmem>>
    %dma_wait3A_371 = arith.constant 0 : i32
    %dma_wait3A_372 = arith.constant 0 : i32
    %dma_wait3A_373 = tpu.memref_slice %arg2[%dma_wait3A_371, %dma_wait3A_372] : memref<10240x128xf32, #tpu.memory_space<hbm>> -> memref<10240x128xf32, #tpu.memory_space<hbm>>
    tpu.wait_indirect_dma semaphore(%arg18 : memref<!tpu.dma_semaphore, #tpu.memory_space<semaphore_mem>>) src(%dma_wait3A_373 : memref<10240x128xf32, #tpu.memory_space<hbm>>) dst(%dma_wait3A_367 : memref<50x128xf32, #tpu.memory_space<vmem>>)
    %dma_start3A_374 = arith.constant 1 : i32
    %dma_start3A_375 = arith.constant 1 : i32
    %dma_start3A_376 = arith.constant 1 : i32
    %dma_start3A_377 = arith.constant 0 : i32
    %dma_start3A_378 = arith.constant 0 : i32
    %dma_start3A_379 = tpu.memref_slice %arg11[%dma_start3A_374, %dma_start3A_377, %dma_start3A_378] : memref<2x50x128xf32, #tpu.memory_space<vmem>> -> memref<1x50x128xf32, #tpu.memory_space<vmem>>
    %dma_start3A_380 = tpu.memref_squeeze %dma_start3A_379 : memref<1x50x128xf32, #tpu.memory_space<vmem>> -> memref<50x128xf32, #tpu.memory_space<vmem>>
    %dma_start3A_381 = arith.constant 0 : i32
    %dma_start3A_382 = tpu.memref_slice %arg9[%dma_start3A_375, %dma_start3A_376, %dma_start3A_381] : memref<2x2x50xi32, #tpu.memory_space<vmem>> -> memref<1x1x50xi32, #tpu.memory_space<vmem>>
    %dma_start3A_383 = tpu.memref_squeeze %dma_start3A_382 : memref<1x1x50xi32, #tpu.memory_space<vmem>> -> memref<50xi32, #tpu.memory_space<vmem>>
    %dma_start3A_384 = arith.constant 0 : i32
    %dma_start3A_385 = arith.constant 0 : i32
    %dma_start3A_386 = tpu.memref_slice %arg6[%dma_start3A_384, %dma_start3A_385] : memref<10240x128xf32, #tpu.memory_space<vmem_shared>> -> memref<10240x128xf32, #tpu.memory_space<vmem_shared>>
    tpu.enqueue_indirect_dma source(%dma_start3A_380 : memref<50x128xf32, #tpu.memory_space<vmem>>) target(%dma_start3A_386 : memref<10240x128xf32, #tpu.memory_space<vmem_shared>>) offsets(%dma_start3A_383 : memref<50xi32, #tpu.memory_space<vmem>>) semaphore(%arg22 : memref<!tpu.dma_semaphore, #tpu.memory_space<semaphore_mem>>) {add = true}
    %dma_start3A_387 = arith.constant 10 : i32
    %dma_start3A_388 = arith.constant 0 : i32
    %dma_start3A_389 = arith.constant 0 : i32
    %dma_start3A_390 = tpu.memref_slice %arg3[%add3A, %dma_start3A_387, %dma_start3A_388, %dma_start3A_389] : memref<32x200x2x50xi32, #tpu.memory_space<hbm>> -> memref<1x2x2x50xi32, #tpu.memory_space<hbm>>
    %dma_start3A_391 = tpu.memref_squeeze %dma_start3A_390 : memref<1x2x2x50xi32, #tpu.memory_space<hbm>> -> memref<2x2x50xi32, #tpu.memory_space<hbm>>
    %dma_start3A_392 = arith.constant 10 : i32
    %dma_start3A_393 = arith.constant 0 : i32
    %dma_start3A_394 = arith.constant 0 : i32
    %dma_start3A_395 = tpu.memref_slice %arg3[%add3A, %dma_start3A_392, %dma_start3A_393, %dma_start3A_394] : memref<32x200x2x50xi32, #tpu.memory_space<hbm>> -> memref<1x2x2x50xi32, #tpu.memory_space<hbm>>
    %dma_start3A_396 = tpu.memref_squeeze %dma_start3A_395 : memref<1x2x2x50xi32, #tpu.memory_space<hbm>> -> memref<2x2x50xi32, #tpu.memory_space<hbm>>
    tpu.enqueue_dma source(%dma_start3A_396 : memref<2x2x50xi32, #tpu.memory_space<hbm>>) target(%arg8 : memref<2x2x50xi32, #tpu.memory_space<vmem>>) target_semaphore(%arg14 : memref<!tpu.dma_semaphore, #tpu.memory_space<semaphore_mem>>)
    %dma_wait3A_397 = arith.constant 8 : i32
    %dma_wait3A_398 = arith.constant 0 : i32
    %dma_wait3A_399 = arith.constant 0 : i32
    %dma_wait3A_400 = tpu.memref_slice %arg3[%add3A, %dma_wait3A_397, %dma_wait3A_398, %dma_wait3A_399] : memref<32x200x2x50xi32, #tpu.memory_space<hbm>> -> memref<1x2x2x50xi32, #tpu.memory_space<hbm>>
    %dma_wait3A_401 = tpu.memref_squeeze %dma_wait3A_400 : memref<1x2x2x50xi32, #tpu.memory_space<hbm>> -> memref<2x2x50xi32, #tpu.memory_space<hbm>>
    %dma_wait3A_402 = arith.constant 8 : i32
    %dma_wait3A_403 = arith.constant 0 : i32
    %dma_wait3A_404 = arith.constant 0 : i32
    %dma_wait3A_405 = tpu.memref_slice %arg3[%add3A, %dma_wait3A_402, %dma_wait3A_403, %dma_wait3A_404] : memref<32x200x2x50xi32, #tpu.memory_space<hbm>> -> memref<1x2x2x50xi32, #tpu.memory_space<hbm>>
    %dma_wait3A_406 = tpu.memref_squeeze %dma_wait3A_405 : memref<1x2x2x50xi32, #tpu.memory_space<hbm>> -> memref<2x2x50xi32, #tpu.memory_space<hbm>>
    tpu.wait_dma2 semaphore(%arg13 : memref<!tpu.dma_semaphore, #tpu.memory_space<semaphore_mem>>) src(%dma_wait3A_406 : memref<2x2x50xi32, #tpu.memory_space<hbm>>) dst(%arg7 : memref<2x2x50xi32, #tpu.memory_space<vmem>>)
    %dma_wait3A_407 = arith.constant 0 : i32
    %dma_wait3A_408 = arith.constant 0 : i32
    %dma_wait3A_409 = arith.constant 0 : i32
    %dma_wait3A_410 = tpu.memref_slice %arg11[%dma_wait3A_407, %dma_wait3A_408, %dma_wait3A_409] : memref<2x50x128xf32, #tpu.memory_space<vmem>> -> memref<1x50x128xf32, #tpu.memory_space<vmem>>
    %dma_wait3A_411 = tpu.memref_squeeze %dma_wait3A_410 : memref<1x50x128xf32, #tpu.memory_space<vmem>> -> memref<50x128xf32, #tpu.memory_space<vmem>>
    %dma_wait3A_412 = arith.constant 0 : i32
    %dma_wait3A_413 = arith.constant 0 : i32
    %dma_wait3A_414 = tpu.memref_slice %arg11[%dma_wait3A_407, %dma_wait3A_412, %dma_wait3A_413] : memref<2x50x128xf32, #tpu.memory_space<vmem>> -> memref<1x50x128xf32, #tpu.memory_space<vmem>>
    %dma_wait3A_415 = tpu.memref_squeeze %dma_wait3A_414 : memref<1x50x128xf32, #tpu.memory_space<vmem>> -> memref<50x128xf32, #tpu.memory_space<vmem>>
    tpu.wait_dma2 semaphore(%arg21 : memref<!tpu.dma_semaphore, #tpu.memory_space<semaphore_mem>>) src(%arg4 : memref<50x128xf32, #tpu.memory_space<hbm>>) dst(%dma_wait3A_415 : memref<50x128xf32, #tpu.memory_space<vmem>>)
    %dma_start3A_416 = arith.constant 0 : i32
    %dma_start3A_417 = arith.constant 0 : i32
    %dma_start3A_418 = arith.constant 0 : i32
    %dma_start3A_419 = arith.constant 0 : i32
    %dma_start3A_420 = arith.constant 0 : i32
    %dma_start3A_421 = tpu.memref_slice %arg11[%dma_start3A_418, %dma_start3A_419, %dma_start3A_420] : memref<2x50x128xf32, #tpu.memory_space<vmem>> -> memref<1x50x128xf32, #tpu.memory_space<vmem>>
    %dma_start3A_422 = tpu.memref_squeeze %dma_start3A_421 : memref<1x50x128xf32, #tpu.memory_space<vmem>> -> memref<50x128xf32, #tpu.memory_space<vmem>>
    %dma_start3A_423 = arith.constant 0 : i32
    %dma_start3A_424 = tpu.memref_slice %arg7[%dma_start3A_416, %dma_start3A_417, %dma_start3A_423] : memref<2x2x50xi32, #tpu.memory_space<vmem>> -> memref<1x1x50xi32, #tpu.memory_space<vmem>>
    %dma_start3A_425 = tpu.memref_squeeze %dma_start3A_424 : memref<1x1x50xi32, #tpu.memory_space<vmem>> -> memref<50xi32, #tpu.memory_space<vmem>>
    %dma_start3A_426 = arith.constant 0 : i32
    %dma_start3A_427 = arith.constant 0 : i32
    %dma_start3A_428 = tpu.memref_slice %arg2[%dma_start3A_426, %dma_start3A_427] : memref<10240x128xf32, #tpu.memory_space<hbm>> -> memref<10240x128xf32, #tpu.memory_space<hbm>>
    tpu.enqueue_indirect_dma source(%dma_start3A_428 : memref<10240x128xf32, #tpu.memory_space<hbm>>) target(%dma_start3A_422 : memref<50x128xf32, #tpu.memory_space<vmem>>) offsets(%dma_start3A_425 : memref<50xi32, #tpu.memory_space<vmem>>) semaphore(%arg17 : memref<!tpu.dma_semaphore, #tpu.memory_space<semaphore_mem>>)
    %dma_wait3A_429 = arith.constant 1 : i32
    %dma_wait3A_430 = arith.constant 0 : i32
    %dma_wait3A_431 = arith.constant 0 : i32
    %dma_wait3A_432 = tpu.memref_slice %arg11[%dma_wait3A_429, %dma_wait3A_430, %dma_wait3A_431] : memref<2x50x128xf32, #tpu.memory_space<vmem>> -> memref<1x50x128xf32, #tpu.memory_space<vmem>>
    %dma_wait3A_433 = tpu.memref_squeeze %dma_wait3A_432 : memref<1x50x128xf32, #tpu.memory_space<vmem>> -> memref<50x128xf32, #tpu.memory_space<vmem>>
    %dma_wait3A_434 = arith.constant 0 : i32
    %dma_wait3A_435 = arith.constant 0 : i32
    %dma_wait3A_436 = tpu.memref_slice %arg11[%dma_wait3A_429, %dma_wait3A_434, %dma_wait3A_435] : memref<2x50x128xf32, #tpu.memory_space<vmem>> -> memref<1x50x128xf32, #tpu.memory_space<vmem>>
    %dma_wait3A_437 = tpu.memref_squeeze %dma_wait3A_436 : memref<1x50x128xf32, #tpu.memory_space<vmem>> -> memref<50x128xf32, #tpu.memory_space<vmem>>
    tpu.wait_dma2 semaphore(%arg22 : memref<!tpu.dma_semaphore, #tpu.memory_space<semaphore_mem>>) src(%arg4 : memref<50x128xf32, #tpu.memory_space<hbm>>) dst(%dma_wait3A_437 : memref<50x128xf32, #tpu.memory_space<vmem>>)
    %dma_start3A_438 = arith.constant 1 : i32
    %dma_start3A_439 = arith.constant 0 : i32
    %dma_start3A_440 = arith.constant 1 : i32
    %dma_start3A_441 = arith.constant 0 : i32
    %dma_start3A_442 = arith.constant 0 : i32
    %dma_start3A_443 = tpu.memref_slice %arg11[%dma_start3A_440, %dma_start3A_441, %dma_start3A_442] : memref<2x50x128xf32, #tpu.memory_space<vmem>> -> memref<1x50x128xf32, #tpu.memory_space<vmem>>
    %dma_start3A_444 = tpu.memref_squeeze %dma_start3A_443 : memref<1x50x128xf32, #tpu.memory_space<vmem>> -> memref<50x128xf32, #tpu.memory_space<vmem>>
    %dma_start3A_445 = arith.constant 0 : i32
    %dma_start3A_446 = tpu.memref_slice %arg7[%dma_start3A_438, %dma_start3A_439, %dma_start3A_445] : memref<2x2x50xi32, #tpu.memory_space<vmem>> -> memref<1x1x50xi32, #tpu.memory_space<vmem>>
    %dma_start3A_447 = tpu.memref_squeeze %dma_start3A_446 : memref<1x1x50xi32, #tpu.memory_space<vmem>> -> memref<50xi32, #tpu.memory_space<vmem>>
    %dma_start3A_448 = arith.constant 0 : i32
    %dma_start3A_449 = arith.constant 0 : i32
    %dma_start3A_450 = tpu.memref_slice %arg2[%dma_start3A_448, %dma_start3A_449] : memref<10240x128xf32, #tpu.memory_space<hbm>> -> memref<10240x128xf32, #tpu.memory_space<hbm>>
    tpu.enqueue_indirect_dma source(%dma_start3A_450 : memref<10240x128xf32, #tpu.memory_space<hbm>>) target(%dma_start3A_444 : memref<50x128xf32, #tpu.memory_space<vmem>>) offsets(%dma_start3A_447 : memref<50xi32, #tpu.memory_space<vmem>>) semaphore(%arg18 : memref<!tpu.dma_semaphore, #tpu.memory_space<semaphore_mem>>)
    %dma_wait3A_451 = arith.constant 0 : i32
    %dma_wait3A_452 = arith.constant 0 : i32
    %dma_wait3A_453 = arith.constant 0 : i32
    %dma_wait3A_454 = arith.constant 0 : i32
    %dma_wait3A_455 = arith.constant 0 : i32
    %dma_wait3A_456 = tpu.memref_slice %arg12[%dma_wait3A_453, %dma_wait3A_454, %dma_wait3A_455] : memref<2x50x128xf32, #tpu.memory_space<vmem>> -> memref<1x50x128xf32, #tpu.memory_space<vmem>>
    %dma_wait3A_457 = tpu.memref_squeeze %dma_wait3A_456 : memref<1x50x128xf32, #tpu.memory_space<vmem>> -> memref<50x128xf32, #tpu.memory_space<vmem>>
    %dma_wait3A_458 = arith.constant 0 : i32
    %dma_wait3A_459 = tpu.memref_slice %arg10[%dma_wait3A_451, %dma_wait3A_452, %dma_wait3A_458] : memref<2x2x50xi32, #tpu.memory_space<vmem>> -> memref<1x1x50xi32, #tpu.memory_space<vmem>>
    %dma_wait3A_460 = tpu.memref_squeeze %dma_wait3A_459 : memref<1x1x50xi32, #tpu.memory_space<vmem>> -> memref<50xi32, #tpu.memory_space<vmem>>
    %dma_wait3A_461 = arith.constant 0 : i32
    %dma_wait3A_462 = arith.constant 0 : i32
    %dma_wait3A_463 = tpu.memref_slice %arg2[%dma_wait3A_461, %dma_wait3A_462] : memref<10240x128xf32, #tpu.memory_space<hbm>> -> memref<10240x128xf32, #tpu.memory_space<hbm>>
    tpu.wait_indirect_dma semaphore(%arg19 : memref<!tpu.dma_semaphore, #tpu.memory_space<semaphore_mem>>) src(%dma_wait3A_463 : memref<10240x128xf32, #tpu.memory_space<hbm>>) dst(%dma_wait3A_457 : memref<50x128xf32, #tpu.memory_space<vmem>>)
    %dma_start3A_464 = arith.constant 0 : i32
    %dma_start3A_465 = arith.constant 0 : i32
    %dma_start3A_466 = arith.constant 1 : i32
    %dma_start3A_467 = arith.constant 0 : i32
    %dma_start3A_468 = arith.constant 0 : i32
    %dma_start3A_469 = tpu.memref_slice %arg12[%dma_start3A_464, %dma_start3A_467, %dma_start3A_468] : memref<2x50x128xf32, #tpu.memory_space<vmem>> -> memref<1x50x128xf32, #tpu.memory_space<vmem>>
    %dma_start3A_470 = tpu.memref_squeeze %dma_start3A_469 : memref<1x50x128xf32, #tpu.memory_space<vmem>> -> memref<50x128xf32, #tpu.memory_space<vmem>>
    %dma_start3A_471 = arith.constant 0 : i32
    %dma_start3A_472 = tpu.memref_slice %arg10[%dma_start3A_465, %dma_start3A_466, %dma_start3A_471] : memref<2x2x50xi32, #tpu.memory_space<vmem>> -> memref<1x1x50xi32, #tpu.memory_space<vmem>>
    %dma_start3A_473 = tpu.memref_squeeze %dma_start3A_472 : memref<1x1x50xi32, #tpu.memory_space<vmem>> -> memref<50xi32, #tpu.memory_space<vmem>>
    %dma_start3A_474 = arith.constant 0 : i32
    %dma_start3A_475 = arith.constant 0 : i32
    %dma_start3A_476 = tpu.memref_slice %arg6[%dma_start3A_474, %dma_start3A_475] : memref<10240x128xf32, #tpu.memory_space<vmem_shared>> -> memref<10240x128xf32, #tpu.memory_space<vmem_shared>>
    tpu.enqueue_indirect_dma source(%dma_start3A_470 : memref<50x128xf32, #tpu.memory_space<vmem>>) target(%dma_start3A_476 : memref<10240x128xf32, #tpu.memory_space<vmem_shared>>) offsets(%dma_start3A_473 : memref<50xi32, #tpu.memory_space<vmem>>) semaphore(%arg23 : memref<!tpu.dma_semaphore, #tpu.memory_space<semaphore_mem>>) {add = true}
    %dma_wait3A_477 = arith.constant 1 : i32
    %dma_wait3A_478 = arith.constant 0 : i32
    %dma_wait3A_479 = arith.constant 1 : i32
    %dma_wait3A_480 = arith.constant 0 : i32
    %dma_wait3A_481 = arith.constant 0 : i32
    %dma_wait3A_482 = tpu.memref_slice %arg12[%dma_wait3A_479, %dma_wait3A_480, %dma_wait3A_481] : memref<2x50x128xf32, #tpu.memory_space<vmem>> -> memref<1x50x128xf32, #tpu.memory_space<vmem>>
    %dma_wait3A_483 = tpu.memref_squeeze %dma_wait3A_482 : memref<1x50x128xf32, #tpu.memory_space<vmem>> -> memref<50x128xf32, #tpu.memory_space<vmem>>
    %dma_wait3A_484 = arith.constant 0 : i32
    %dma_wait3A_485 = tpu.memref_slice %arg10[%dma_wait3A_477, %dma_wait3A_478, %dma_wait3A_484] : memref<2x2x50xi32, #tpu.memory_space<vmem>> -> memref<1x1x50xi32, #tpu.memory_space<vmem>>
    %dma_wait3A_486 = tpu.memref_squeeze %dma_wait3A_485 : memref<1x1x50xi32, #tpu.memory_space<vmem>> -> memref<50xi32, #tpu.memory_space<vmem>>
    %dma_wait3A_487 = arith.constant 0 : i32
    %dma_wait3A_488 = arith.constant 0 : i32
    %dma_wait3A_489 = tpu.memref_slice %arg2[%dma_wait3A_487, %dma_wait3A_488] : memref<10240x128xf32, #tpu.memory_space<hbm>> -> memref<10240x128xf32, #tpu.memory_space<hbm>>
    tpu.wait_indirect_dma semaphore(%arg20 : memref<!tpu.dma_semaphore, #tpu.memory_space<semaphore_mem>>) src(%dma_wait3A_489 : memref<10240x128xf32, #tpu.memory_space<hbm>>) dst(%dma_wait3A_483 : memref<50x128xf32, #tpu.memory_space<vmem>>)
    %dma_start3A_490 = arith.constant 1 : i32
    %dma_start3A_491 = arith.constant 1 : i32
    %dma_start3A_492 = arith.constant 1 : i32
    %dma_start3A_493 = arith.constant 0 : i32
    %dma_start3A_494 = arith.constant 0 : i32
    %dma_start3A_495 = tpu.memref_slice %arg12[%dma_start3A_490, %dma_start3A_493, %dma_start3A_494] : memref<2x50x128xf32, #tpu.memory_space<vmem>> -> memref<1x50x128xf32, #tpu.memory_space<vmem>>
    %dma_start3A_496 = tpu.memref_squeeze %dma_start3A_495 : memref<1x50x128xf32, #tpu.memory_space<vmem>> -> memref<50x128xf32, #tpu.memory_space<vmem>>
    %dma_start3A_497 = arith.constant 0 : i32
    %dma_start3A_498 = tpu.memref_slice %arg10[%dma_start3A_491, %dma_start3A_492, %dma_start3A_497] : memref<2x2x50xi32, #tpu.memory_space<vmem>> -> memref<1x1x50xi32, #tpu.memory_space<vmem>>
    %dma_start3A_499 = tpu.memref_squeeze %dma_start3A_498 : memref<1x1x50xi32, #tpu.memory_space<vmem>> -> memref<50xi32, #tpu.memory_space<vmem>>
    %dma_start3A_500 = arith.constant 0 : i32
    %dma_start3A_501 = arith.constant 0 : i32
    %dma_start3A_502 = tpu.memref_slice %arg6[%dma_start3A_500, %dma_start3A_501] : memref<10240x128xf32, #tpu.memory_space<vmem_shared>> -> memref<10240x128xf32, #tpu.memory_space<vmem_shared>>
    tpu.enqueue_indirect_dma source(%dma_start3A_496 : memref<50x128xf32, #tpu.memory_space<vmem>>) target(%dma_start3A_502 : memref<10240x128xf32, #tpu.memory_space<vmem_shared>>) offsets(%dma_start3A_499 : memref<50xi32, #tpu.memory_space<vmem>>) semaphore(%arg24 : memref<!tpu.dma_semaphore, #tpu.memory_space<semaphore_mem>>) {add = true}
    %dma_start3A_503 = arith.constant 12 : i32
    %dma_start3A_504 = arith.constant 0 : i32
    %dma_start3A_505 = arith.constant 0 : i32
    %dma_start3A_506 = tpu.memref_slice %arg3[%add3A, %dma_start3A_503, %dma_start3A_504, %dma_start3A_505] : memref<32x200x2x50xi32, #tpu.memory_space<hbm>> -> memref<1x2x2x50xi32, #tpu.memory_space<hbm>>
    %dma_start3A_507 = tpu.memref_squeeze %dma_start3A_506 : memref<1x2x2x50xi32, #tpu.memory_space<hbm>> -> memref<2x2x50xi32, #tpu.memory_space<hbm>>
    %dma_start3A_508 = arith.constant 12 : i32
    %dma_start3A_509 = arith.constant 0 : i32
    %dma_start3A_510 = arith.constant 0 : i32
    %dma_start3A_511 = tpu.memref_slice %arg3[%add3A, %dma_start3A_508, %dma_start3A_509, %dma_start3A_510] : memref<32x200x2x50xi32, #tpu.memory_space<hbm>> -> memref<1x2x2x50xi32, #tpu.memory_space<hbm>>
    %dma_start3A_512 = tpu.memref_squeeze %dma_start3A_511 : memref<1x2x2x50xi32, #tpu.memory_space<hbm>> -> memref<2x2x50xi32, #tpu.memory_space<hbm>>
    tpu.enqueue_dma source(%dma_start3A_512 : memref<2x2x50xi32, #tpu.memory_space<hbm>>) target(%arg9 : memref<2x2x50xi32, #tpu.memory_space<vmem>>) target_semaphore(%arg15 : memref<!tpu.dma_semaphore, #tpu.memory_space<semaphore_mem>>)
    %scan3A = arith.constant 0 : i32
    %scan3A_513 = arith.constant 1 : i32
    %scan3A_514 = arith.constant 23 : i32
    %scan3A_515 = arith.addi %scan3A_513, %scan3A_514 : i32
    %scan3A_516 = arith.constant 1 : i32
    scf.for %scan3A_935 = %scan3A_513 to %scan3A_515 step %scan3A_516  : i32 {
      %mul3A_936 = arith.constant 4 : i32
      %mul3A_937 = arith.muli %mul3A_936, %scan3A_935 : i32
      %add3A_938 = arith.constant 0 : i32
      %add3A_939 = arith.addi %mul3A_937, %add3A_938 : i32
      %add3A_940 = arith.constant 1 : i32
      %add3A_941 = arith.addi %add3A_939, %add3A_940 : i32
      %mul3A_942 = arith.constant 2 : i32
      %mul3A_943 = arith.muli %add3A_941, %mul3A_942 : i32
      %dma_wait3A_944 = arith.constant 0 : i32
      %dma_wait3A_945 = arith.constant 0 : i32
      %dma_wait3A_946 = tpu.memref_slice %arg3[%add3A, %mul3A_943, %dma_wait3A_944, %dma_wait3A_945] : memref<32x200x2x50xi32, #tpu.memory_space<hbm>> -> memref<1x2x2x50xi32, #tpu.memory_space<hbm>>
      %dma_wait3A_947 = tpu.memref_squeeze %dma_wait3A_946 : memref<1x2x2x50xi32, #tpu.memory_space<hbm>> -> memref<2x2x50xi32, #tpu.memory_space<hbm>>
      %dma_wait3A_948 = arith.constant 0 : i32
      %dma_wait3A_949 = arith.constant 0 : i32
      %dma_wait3A_950 = tpu.memref_slice %arg3[%add3A, %mul3A_943, %dma_wait3A_948, %dma_wait3A_949] : memref<32x200x2x50xi32, #tpu.memory_space<hbm>> -> memref<1x2x2x50xi32, #tpu.memory_space<hbm>>
      %dma_wait3A_951 = tpu.memref_squeeze %dma_wait3A_950 : memref<1x2x2x50xi32, #tpu.memory_space<hbm>> -> memref<2x2x50xi32, #tpu.memory_space<hbm>>
      tpu.wait_dma2 semaphore(%arg14 : memref<!tpu.dma_semaphore, #tpu.memory_space<semaphore_mem>>) src(%dma_wait3A_951 : memref<2x2x50xi32, #tpu.memory_space<hbm>>) dst(%arg8 : memref<2x2x50xi32, #tpu.memory_space<vmem>>)
      %dma_wait3A_952 = arith.constant 0 : i32
      %dma_wait3A_953 = arith.constant 0 : i32
      %dma_wait3A_954 = arith.constant 0 : i32
      %dma_wait3A_955 = tpu.memref_slice %arg12[%dma_wait3A_952, %dma_wait3A_953, %dma_wait3A_954] : memref<2x50x128xf32, #tpu.memory_space<vmem>> -> memref<1x50x128xf32, #tpu.memory_space<vmem>>
      %dma_wait3A_956 = tpu.memref_squeeze %dma_wait3A_955 : memref<1x50x128xf32, #tpu.memory_space<vmem>> -> memref<50x128xf32, #tpu.memory_space<vmem>>
      %dma_wait3A_957 = arith.constant 0 : i32
      %dma_wait3A_958 = arith.constant 0 : i32
      %dma_wait3A_959 = tpu.memref_slice %arg12[%dma_wait3A_952, %dma_wait3A_957, %dma_wait3A_958] : memref<2x50x128xf32, #tpu.memory_space<vmem>> -> memref<1x50x128xf32, #tpu.memory_space<vmem>>
      %dma_wait3A_960 = tpu.memref_squeeze %dma_wait3A_959 : memref<1x50x128xf32, #tpu.memory_space<vmem>> -> memref<50x128xf32, #tpu.memory_space<vmem>>
      tpu.wait_dma2 semaphore(%arg23 : memref<!tpu.dma_semaphore, #tpu.memory_space<semaphore_mem>>) src(%arg4 : memref<50x128xf32, #tpu.memory_space<hbm>>) dst(%dma_wait3A_960 : memref<50x128xf32, #tpu.memory_space<vmem>>)
      %dma_start3A_961 = arith.constant 0 : i32
      %dma_start3A_962 = arith.constant 0 : i32
      %dma_start3A_963 = arith.constant 0 : i32
      %dma_start3A_964 = arith.constant 0 : i32
      %dma_start3A_965 = arith.constant 0 : i32
      %dma_start3A_966 = tpu.memref_slice %arg12[%dma_start3A_963, %dma_start3A_964, %dma_start3A_965] : memref<2x50x128xf32, #tpu.memory_space<vmem>> -> memref<1x50x128xf32, #tpu.memory_space<vmem>>
      %dma_start3A_967 = tpu.memref_squeeze %dma_start3A_966 : memref<1x50x128xf32, #tpu.memory_space<vmem>> -> memref<50x128xf32, #tpu.memory_space<vmem>>
      %dma_start3A_968 = arith.constant 0 : i32
      %dma_start3A_969 = tpu.memref_slice %arg8[%dma_start3A_961, %dma_start3A_962, %dma_start3A_968] : memref<2x2x50xi32, #tpu.memory_space<vmem>> -> memref<1x1x50xi32, #tpu.memory_space<vmem>>
      %dma_start3A_970 = tpu.memref_squeeze %dma_start3A_969 : memref<1x1x50xi32, #tpu.memory_space<vmem>> -> memref<50xi32, #tpu.memory_space<vmem>>
      %dma_start3A_971 = arith.constant 0 : i32
      %dma_start3A_972 = arith.constant 0 : i32
      %dma_start3A_973 = tpu.memref_slice %arg2[%dma_start3A_971, %dma_start3A_972] : memref<10240x128xf32, #tpu.memory_space<hbm>> -> memref<10240x128xf32, #tpu.memory_space<hbm>>
      tpu.enqueue_indirect_dma source(%dma_start3A_973 : memref<10240x128xf32, #tpu.memory_space<hbm>>) target(%dma_start3A_967 : memref<50x128xf32, #tpu.memory_space<vmem>>) offsets(%dma_start3A_970 : memref<50xi32, #tpu.memory_space<vmem>>) semaphore(%arg19 : memref<!tpu.dma_semaphore, #tpu.memory_space<semaphore_mem>>)
      %dma_wait3A_974 = arith.constant 1 : i32
      %dma_wait3A_975 = arith.constant 0 : i32
      %dma_wait3A_976 = arith.constant 0 : i32
      %dma_wait3A_977 = tpu.memref_slice %arg12[%dma_wait3A_974, %dma_wait3A_975, %dma_wait3A_976] : memref<2x50x128xf32, #tpu.memory_space<vmem>> -> memref<1x50x128xf32, #tpu.memory_space<vmem>>
      %dma_wait3A_978 = tpu.memref_squeeze %dma_wait3A_977 : memref<1x50x128xf32, #tpu.memory_space<vmem>> -> memref<50x128xf32, #tpu.memory_space<vmem>>
      %dma_wait3A_979 = arith.constant 0 : i32
      %dma_wait3A_980 = arith.constant 0 : i32
      %dma_wait3A_981 = tpu.memref_slice %arg12[%dma_wait3A_974, %dma_wait3A_979, %dma_wait3A_980] : memref<2x50x128xf32, #tpu.memory_space<vmem>> -> memref<1x50x128xf32, #tpu.memory_space<vmem>>
      %dma_wait3A_982 = tpu.memref_squeeze %dma_wait3A_981 : memref<1x50x128xf32, #tpu.memory_space<vmem>> -> memref<50x128xf32, #tpu.memory_space<vmem>>
      tpu.wait_dma2 semaphore(%arg24 : memref<!tpu.dma_semaphore, #tpu.memory_space<semaphore_mem>>) src(%arg4 : memref<50x128xf32, #tpu.memory_space<hbm>>) dst(%dma_wait3A_982 : memref<50x128xf32, #tpu.memory_space<vmem>>)
      %dma_start3A_983 = arith.constant 1 : i32
      %dma_start3A_984 = arith.constant 0 : i32
      %dma_start3A_985 = arith.constant 1 : i32
      %dma_start3A_986 = arith.constant 0 : i32
      %dma_start3A_987 = arith.constant 0 : i32
      %dma_start3A_988 = tpu.memref_slice %arg12[%dma_start3A_985, %dma_start3A_986, %dma_start3A_987] : memref<2x50x128xf32, #tpu.memory_space<vmem>> -> memref<1x50x128xf32, #tpu.memory_space<vmem>>
      %dma_start3A_989 = tpu.memref_squeeze %dma_start3A_988 : memref<1x50x128xf32, #tpu.memory_space<vmem>> -> memref<50x128xf32, #tpu.memory_space<vmem>>
      %dma_start3A_990 = arith.constant 0 : i32
      %dma_start3A_991 = tpu.memref_slice %arg8[%dma_start3A_983, %dma_start3A_984, %dma_start3A_990] : memref<2x2x50xi32, #tpu.memory_space<vmem>> -> memref<1x1x50xi32, #tpu.memory_space<vmem>>
      %dma_start3A_992 = tpu.memref_squeeze %dma_start3A_991 : memref<1x1x50xi32, #tpu.memory_space<vmem>> -> memref<50xi32, #tpu.memory_space<vmem>>
      %dma_start3A_993 = arith.constant 0 : i32
      %dma_start3A_994 = arith.constant 0 : i32
      %dma_start3A_995 = tpu.memref_slice %arg2[%dma_start3A_993, %dma_start3A_994] : memref<10240x128xf32, #tpu.memory_space<hbm>> -> memref<10240x128xf32, #tpu.memory_space<hbm>>
      tpu.enqueue_indirect_dma source(%dma_start3A_995 : memref<10240x128xf32, #tpu.memory_space<hbm>>) target(%dma_start3A_989 : memref<50x128xf32, #tpu.memory_space<vmem>>) offsets(%dma_start3A_992 : memref<50xi32, #tpu.memory_space<vmem>>) semaphore(%arg20 : memref<!tpu.dma_semaphore, #tpu.memory_space<semaphore_mem>>)
      %add3A_996 = arith.constant 0 : i32
      %add3A_997 = arith.addi %mul3A_937, %add3A_996 : i32
      %dma_wait3A_998 = arith.constant 0 : i32
      %dma_wait3A_999 = arith.constant 0 : i32
      %dma_wait3A_1000 = arith.constant 0 : i32
      %dma_wait3A_1001 = arith.constant 0 : i32
      %dma_wait3A_1002 = arith.constant 0 : i32
      %dma_wait3A_1003 = tpu.memref_slice %arg11[%dma_wait3A_1000, %dma_wait3A_1001, %dma_wait3A_1002] : memref<2x50x128xf32, #tpu.memory_space<vmem>> -> memref<1x50x128xf32, #tpu.memory_space<vmem>>
      %dma_wait3A_1004 = tpu.memref_squeeze %dma_wait3A_1003 : memref<1x50x128xf32, #tpu.memory_space<vmem>> -> memref<50x128xf32, #tpu.memory_space<vmem>>
      %dma_wait3A_1005 = arith.constant 0 : i32
      %dma_wait3A_1006 = tpu.memref_slice %arg7[%dma_wait3A_998, %dma_wait3A_999, %dma_wait3A_1005] : memref<2x2x50xi32, #tpu.memory_space<vmem>> -> memref<1x1x50xi32, #tpu.memory_space<vmem>>
      %dma_wait3A_1007 = tpu.memref_squeeze %dma_wait3A_1006 : memref<1x1x50xi32, #tpu.memory_space<vmem>> -> memref<50xi32, #tpu.memory_space<vmem>>
      %dma_wait3A_1008 = arith.constant 0 : i32
      %dma_wait3A_1009 = arith.constant 0 : i32
      %dma_wait3A_1010 = tpu.memref_slice %arg2[%dma_wait3A_1008, %dma_wait3A_1009] : memref<10240x128xf32, #tpu.memory_space<hbm>> -> memref<10240x128xf32, #tpu.memory_space<hbm>>
      tpu.wait_indirect_dma semaphore(%arg17 : memref<!tpu.dma_semaphore, #tpu.memory_space<semaphore_mem>>) src(%dma_wait3A_1010 : memref<10240x128xf32, #tpu.memory_space<hbm>>) dst(%dma_wait3A_1004 : memref<50x128xf32, #tpu.memory_space<vmem>>)
      %dma_start3A_1011 = arith.constant 0 : i32
      %dma_start3A_1012 = arith.constant 0 : i32
      %dma_start3A_1013 = arith.constant 1 : i32
      %dma_start3A_1014 = arith.constant 0 : i32
      %dma_start3A_1015 = arith.constant 0 : i32
      %dma_start3A_1016 = tpu.memref_slice %arg11[%dma_start3A_1011, %dma_start3A_1014, %dma_start3A_1015] : memref<2x50x128xf32, #tpu.memory_space<vmem>> -> memref<1x50x128xf32, #tpu.memory_space<vmem>>
      %dma_start3A_1017 = tpu.memref_squeeze %dma_start3A_1016 : memref<1x50x128xf32, #tpu.memory_space<vmem>> -> memref<50x128xf32, #tpu.memory_space<vmem>>
      %dma_start3A_1018 = arith.constant 0 : i32
      %dma_start3A_1019 = tpu.memref_slice %arg7[%dma_start3A_1012, %dma_start3A_1013, %dma_start3A_1018] : memref<2x2x50xi32, #tpu.memory_space<vmem>> -> memref<1x1x50xi32, #tpu.memory_space<vmem>>
      %dma_start3A_1020 = tpu.memref_squeeze %dma_start3A_1019 : memref<1x1x50xi32, #tpu.memory_space<vmem>> -> memref<50xi32, #tpu.memory_space<vmem>>
      %dma_start3A_1021 = arith.constant 0 : i32
      %dma_start3A_1022 = arith.constant 0 : i32
      %dma_start3A_1023 = tpu.memref_slice %arg6[%dma_start3A_1021, %dma_start3A_1022] : memref<10240x128xf32, #tpu.memory_space<vmem_shared>> -> memref<10240x128xf32, #tpu.memory_space<vmem_shared>>
      tpu.enqueue_indirect_dma source(%dma_start3A_1017 : memref<50x128xf32, #tpu.memory_space<vmem>>) target(%dma_start3A_1023 : memref<10240x128xf32, #tpu.memory_space<vmem_shared>>) offsets(%dma_start3A_1020 : memref<50xi32, #tpu.memory_space<vmem>>) semaphore(%arg21 : memref<!tpu.dma_semaphore, #tpu.memory_space<semaphore_mem>>) {add = true}
      %dma_wait3A_1024 = arith.constant 1 : i32
      %dma_wait3A_1025 = arith.constant 0 : i32
      %dma_wait3A_1026 = arith.constant 1 : i32
      %dma_wait3A_1027 = arith.constant 0 : i32
      %dma_wait3A_1028 = arith.constant 0 : i32
      %dma_wait3A_1029 = tpu.memref_slice %arg11[%dma_wait3A_1026, %dma_wait3A_1027, %dma_wait3A_1028] : memref<2x50x128xf32, #tpu.memory_space<vmem>> -> memref<1x50x128xf32, #tpu.memory_space<vmem>>
      %dma_wait3A_1030 = tpu.memref_squeeze %dma_wait3A_1029 : memref<1x50x128xf32, #tpu.memory_space<vmem>> -> memref<50x128xf32, #tpu.memory_space<vmem>>
      %dma_wait3A_1031 = arith.constant 0 : i32
      %dma_wait3A_1032 = tpu.memref_slice %arg7[%dma_wait3A_1024, %dma_wait3A_1025, %dma_wait3A_1031] : memref<2x2x50xi32, #tpu.memory_space<vmem>> -> memref<1x1x50xi32, #tpu.memory_space<vmem>>
      %dma_wait3A_1033 = tpu.memref_squeeze %dma_wait3A_1032 : memref<1x1x50xi32, #tpu.memory_space<vmem>> -> memref<50xi32, #tpu.memory_space<vmem>>
      %dma_wait3A_1034 = arith.constant 0 : i32
      %dma_wait3A_1035 = arith.constant 0 : i32
      %dma_wait3A_1036 = tpu.memref_slice %arg2[%dma_wait3A_1034, %dma_wait3A_1035] : memref<10240x128xf32, #tpu.memory_space<hbm>> -> memref<10240x128xf32, #tpu.memory_space<hbm>>
      tpu.wait_indirect_dma semaphore(%arg18 : memref<!tpu.dma_semaphore, #tpu.memory_space<semaphore_mem>>) src(%dma_wait3A_1036 : memref<10240x128xf32, #tpu.memory_space<hbm>>) dst(%dma_wait3A_1030 : memref<50x128xf32, #tpu.memory_space<vmem>>)
      %dma_start3A_1037 = arith.constant 1 : i32
      %dma_start3A_1038 = arith.constant 1 : i32
      %dma_start3A_1039 = arith.constant 1 : i32
      %dma_start3A_1040 = arith.constant 0 : i32
      %dma_start3A_1041 = arith.constant 0 : i32
      %dma_start3A_1042 = tpu.memref_slice %arg11[%dma_start3A_1037, %dma_start3A_1040, %dma_start3A_1041] : memref<2x50x128xf32, #tpu.memory_space<vmem>> -> memref<1x50x128xf32, #tpu.memory_space<vmem>>
      %dma_start3A_1043 = tpu.memref_squeeze %dma_start3A_1042 : memref<1x50x128xf32, #tpu.memory_space<vmem>> -> memref<50x128xf32, #tpu.memory_space<vmem>>
      %dma_start3A_1044 = arith.constant 0 : i32
      %dma_start3A_1045 = tpu.memref_slice %arg7[%dma_start3A_1038, %dma_start3A_1039, %dma_start3A_1044] : memref<2x2x50xi32, #tpu.memory_space<vmem>> -> memref<1x1x50xi32, #tpu.memory_space<vmem>>
      %dma_start3A_1046 = tpu.memref_squeeze %dma_start3A_1045 : memref<1x1x50xi32, #tpu.memory_space<vmem>> -> memref<50xi32, #tpu.memory_space<vmem>>
      %dma_start3A_1047 = arith.constant 0 : i32
      %dma_start3A_1048 = arith.constant 0 : i32
      %dma_start3A_1049 = tpu.memref_slice %arg6[%dma_start3A_1047, %dma_start3A_1048] : memref<10240x128xf32, #tpu.memory_space<vmem_shared>> -> memref<10240x128xf32, #tpu.memory_space<vmem_shared>>
      tpu.enqueue_indirect_dma source(%dma_start3A_1043 : memref<50x128xf32, #tpu.memory_space<vmem>>) target(%dma_start3A_1049 : memref<10240x128xf32, #tpu.memory_space<vmem_shared>>) offsets(%dma_start3A_1046 : memref<50xi32, #tpu.memory_space<vmem>>) semaphore(%arg22 : memref<!tpu.dma_semaphore, #tpu.memory_space<semaphore_mem>>) {add = true}
      %add3A_1050 = arith.constant 0 : i32
      %add3A_1051 = arith.addi %mul3A_937, %add3A_1050 : i32
      %add3A_1052 = arith.constant 3 : i32
      %add3A_1053 = arith.addi %add3A_1051, %add3A_1052 : i32
      %mul3A_1054 = arith.constant 2 : i32
      %mul3A_1055 = arith.muli %add3A_1053, %mul3A_1054 : i32
      %dma_start3A_1056 = arith.constant 0 : i32
      %dma_start3A_1057 = arith.constant 0 : i32
      %dma_start3A_1058 = tpu.memref_slice %arg3[%add3A, %mul3A_1055, %dma_start3A_1056, %dma_start3A_1057] : memref<32x200x2x50xi32, #tpu.memory_space<hbm>> -> memref<1x2x2x50xi32, #tpu.memory_space<hbm>>
      %dma_start3A_1059 = tpu.memref_squeeze %dma_start3A_1058 : memref<1x2x2x50xi32, #tpu.memory_space<hbm>> -> memref<2x2x50xi32, #tpu.memory_space<hbm>>
      %dma_start3A_1060 = arith.constant 0 : i32
      %dma_start3A_1061 = arith.constant 0 : i32
      %dma_start3A_1062 = tpu.memref_slice %arg3[%add3A, %mul3A_1055, %dma_start3A_1060, %dma_start3A_1061] : memref<32x200x2x50xi32, #tpu.memory_space<hbm>> -> memref<1x2x2x50xi32, #tpu.memory_space<hbm>>
      %dma_start3A_1063 = tpu.memref_squeeze %dma_start3A_1062 : memref<1x2x2x50xi32, #tpu.memory_space<hbm>> -> memref<2x2x50xi32, #tpu.memory_space<hbm>>
      tpu.enqueue_dma source(%dma_start3A_1063 : memref<2x2x50xi32, #tpu.memory_space<hbm>>) target(%arg10 : memref<2x2x50xi32, #tpu.memory_space<vmem>>) target_semaphore(%arg16 : memref<!tpu.dma_semaphore, #tpu.memory_space<semaphore_mem>>)
      %add3A_1064 = arith.constant 1 : i32
      %add3A_1065 = arith.addi %mul3A_937, %add3A_1064 : i32
      %add3A_1066 = arith.constant 1 : i32
      %add3A_1067 = arith.addi %add3A_1065, %add3A_1066 : i32
      %mul3A_1068 = arith.constant 2 : i32
      %mul3A_1069 = arith.muli %add3A_1067, %mul3A_1068 : i32
      %dma_wait3A_1070 = arith.constant 0 : i32
      %dma_wait3A_1071 = arith.constant 0 : i32
      %dma_wait3A_1072 = tpu.memref_slice %arg3[%add3A, %mul3A_1069, %dma_wait3A_1070, %dma_wait3A_1071] : memref<32x200x2x50xi32, #tpu.memory_space<hbm>> -> memref<1x2x2x50xi32, #tpu.memory_space<hbm>>
      %dma_wait3A_1073 = tpu.memref_squeeze %dma_wait3A_1072 : memref<1x2x2x50xi32, #tpu.memory_space<hbm>> -> memref<2x2x50xi32, #tpu.memory_space<hbm>>
      %dma_wait3A_1074 = arith.constant 0 : i32
      %dma_wait3A_1075 = arith.constant 0 : i32
      %dma_wait3A_1076 = tpu.memref_slice %arg3[%add3A, %mul3A_1069, %dma_wait3A_1074, %dma_wait3A_1075] : memref<32x200x2x50xi32, #tpu.memory_space<hbm>> -> memref<1x2x2x50xi32, #tpu.memory_space<hbm>>
      %dma_wait3A_1077 = tpu.memref_squeeze %dma_wait3A_1076 : memref<1x2x2x50xi32, #tpu.memory_space<hbm>> -> memref<2x2x50xi32, #tpu.memory_space<hbm>>
      tpu.wait_dma2 semaphore(%arg15 : memref<!tpu.dma_semaphore, #tpu.memory_space<semaphore_mem>>) src(%dma_wait3A_1077 : memref<2x2x50xi32, #tpu.memory_space<hbm>>) dst(%arg9 : memref<2x2x50xi32, #tpu.memory_space<vmem>>)
      %dma_wait3A_1078 = arith.constant 0 : i32
      %dma_wait3A_1079 = arith.constant 0 : i32
      %dma_wait3A_1080 = arith.constant 0 : i32
      %dma_wait3A_1081 = tpu.memref_slice %arg11[%dma_wait3A_1078, %dma_wait3A_1079, %dma_wait3A_1080] : memref<2x50x128xf32, #tpu.memory_space<vmem>> -> memref<1x50x128xf32, #tpu.memory_space<vmem>>
      %dma_wait3A_1082 = tpu.memref_squeeze %dma_wait3A_1081 : memref<1x50x128xf32, #tpu.memory_space<vmem>> -> memref<50x128xf32, #tpu.memory_space<vmem>>
      %dma_wait3A_1083 = arith.constant 0 : i32
      %dma_wait3A_1084 = arith.constant 0 : i32
      %dma_wait3A_1085 = tpu.memref_slice %arg11[%dma_wait3A_1078, %dma_wait3A_1083, %dma_wait3A_1084] : memref<2x50x128xf32, #tpu.memory_space<vmem>> -> memref<1x50x128xf32, #tpu.memory_space<vmem>>
      %dma_wait3A_1086 = tpu.memref_squeeze %dma_wait3A_1085 : memref<1x50x128xf32, #tpu.memory_space<vmem>> -> memref<50x128xf32, #tpu.memory_space<vmem>>
      tpu.wait_dma2 semaphore(%arg21 : memref<!tpu.dma_semaphore, #tpu.memory_space<semaphore_mem>>) src(%arg4 : memref<50x128xf32, #tpu.memory_space<hbm>>) dst(%dma_wait3A_1086 : memref<50x128xf32, #tpu.memory_space<vmem>>)
      %dma_start3A_1087 = arith.constant 0 : i32
      %dma_start3A_1088 = arith.constant 0 : i32
      %dma_start3A_1089 = arith.constant 0 : i32
      %dma_start3A_1090 = arith.constant 0 : i32
      %dma_start3A_1091 = arith.constant 0 : i32
      %dma_start3A_1092 = tpu.memref_slice %arg11[%dma_start3A_1089, %dma_start3A_1090, %dma_start3A_1091] : memref<2x50x128xf32, #tpu.memory_space<vmem>> -> memref<1x50x128xf32, #tpu.memory_space<vmem>>
      %dma_start3A_1093 = tpu.memref_squeeze %dma_start3A_1092 : memref<1x50x128xf32, #tpu.memory_space<vmem>> -> memref<50x128xf32, #tpu.memory_space<vmem>>
      %dma_start3A_1094 = arith.constant 0 : i32
      %dma_start3A_1095 = tpu.memref_slice %arg9[%dma_start3A_1087, %dma_start3A_1088, %dma_start3A_1094] : memref<2x2x50xi32, #tpu.memory_space<vmem>> -> memref<1x1x50xi32, #tpu.memory_space<vmem>>
      %dma_start3A_1096 = tpu.memref_squeeze %dma_start3A_1095 : memref<1x1x50xi32, #tpu.memory_space<vmem>> -> memref<50xi32, #tpu.memory_space<vmem>>
      %dma_start3A_1097 = arith.constant 0 : i32
      %dma_start3A_1098 = arith.constant 0 : i32
      %dma_start3A_1099 = tpu.memref_slice %arg2[%dma_start3A_1097, %dma_start3A_1098] : memref<10240x128xf32, #tpu.memory_space<hbm>> -> memref<10240x128xf32, #tpu.memory_space<hbm>>
      tpu.enqueue_indirect_dma source(%dma_start3A_1099 : memref<10240x128xf32, #tpu.memory_space<hbm>>) target(%dma_start3A_1093 : memref<50x128xf32, #tpu.memory_space<vmem>>) offsets(%dma_start3A_1096 : memref<50xi32, #tpu.memory_space<vmem>>) semaphore(%arg17 : memref<!tpu.dma_semaphore, #tpu.memory_space<semaphore_mem>>)
      %dma_wait3A_1100 = arith.constant 1 : i32
      %dma_wait3A_1101 = arith.constant 0 : i32
      %dma_wait3A_1102 = arith.constant 0 : i32
      %dma_wait3A_1103 = tpu.memref_slice %arg11[%dma_wait3A_1100, %dma_wait3A_1101, %dma_wait3A_1102] : memref<2x50x128xf32, #tpu.memory_space<vmem>> -> memref<1x50x128xf32, #tpu.memory_space<vmem>>
      %dma_wait3A_1104 = tpu.memref_squeeze %dma_wait3A_1103 : memref<1x50x128xf32, #tpu.memory_space<vmem>> -> memref<50x128xf32, #tpu.memory_space<vmem>>
      %dma_wait3A_1105 = arith.constant 0 : i32
      %dma_wait3A_1106 = arith.constant 0 : i32
      %dma_wait3A_1107 = tpu.memref_slice %arg11[%dma_wait3A_1100, %dma_wait3A_1105, %dma_wait3A_1106] : memref<2x50x128xf32, #tpu.memory_space<vmem>> -> memref<1x50x128xf32, #tpu.memory_space<vmem>>
      %dma_wait3A_1108 = tpu.memref_squeeze %dma_wait3A_1107 : memref<1x50x128xf32, #tpu.memory_space<vmem>> -> memref<50x128xf32, #tpu.memory_space<vmem>>
      tpu.wait_dma2 semaphore(%arg22 : memref<!tpu.dma_semaphore, #tpu.memory_space<semaphore_mem>>) src(%arg4 : memref<50x128xf32, #tpu.memory_space<hbm>>) dst(%dma_wait3A_1108 : memref<50x128xf32, #tpu.memory_space<vmem>>)
      %dma_start3A_1109 = arith.constant 1 : i32
      %dma_start3A_1110 = arith.constant 0 : i32
      %dma_start3A_1111 = arith.constant 1 : i32
      %dma_start3A_1112 = arith.constant 0 : i32
      %dma_start3A_1113 = arith.constant 0 : i32
      %dma_start3A_1114 = tpu.memref_slice %arg11[%dma_start3A_1111, %dma_start3A_1112, %dma_start3A_1113] : memref<2x50x128xf32, #tpu.memory_space<vmem>> -> memref<1x50x128xf32, #tpu.memory_space<vmem>>
      %dma_start3A_1115 = tpu.memref_squeeze %dma_start3A_1114 : memref<1x50x128xf32, #tpu.memory_space<vmem>> -> memref<50x128xf32, #tpu.memory_space<vmem>>
      %dma_start3A_1116 = arith.constant 0 : i32
      %dma_start3A_1117 = tpu.memref_slice %arg9[%dma_start3A_1109, %dma_start3A_1110, %dma_start3A_1116] : memref<2x2x50xi32, #tpu.memory_space<vmem>> -> memref<1x1x50xi32, #tpu.memory_space<vmem>>
      %dma_start3A_1118 = tpu.memref_squeeze %dma_start3A_1117 : memref<1x1x50xi32, #tpu.memory_space<vmem>> -> memref<50xi32, #tpu.memory_space<vmem>>
      %dma_start3A_1119 = arith.constant 0 : i32
      %dma_start3A_1120 = arith.constant 0 : i32
      %dma_start3A_1121 = tpu.memref_slice %arg2[%dma_start3A_1119, %dma_start3A_1120] : memref<10240x128xf32, #tpu.memory_space<hbm>> -> memref<10240x128xf32, #tpu.memory_space<hbm>>
      tpu.enqueue_indirect_dma source(%dma_start3A_1121 : memref<10240x128xf32, #tpu.memory_space<hbm>>) target(%dma_start3A_1115 : memref<50x128xf32, #tpu.memory_space<vmem>>) offsets(%dma_start3A_1118 : memref<50xi32, #tpu.memory_space<vmem>>) semaphore(%arg18 : memref<!tpu.dma_semaphore, #tpu.memory_space<semaphore_mem>>)
      %add3A_1122 = arith.constant 1 : i32
      %add3A_1123 = arith.addi %mul3A_937, %add3A_1122 : i32
      %dma_wait3A_1124 = arith.constant 0 : i32
      %dma_wait3A_1125 = arith.constant 0 : i32
      %dma_wait3A_1126 = arith.constant 0 : i32
      %dma_wait3A_1127 = arith.constant 0 : i32
      %dma_wait3A_1128 = arith.constant 0 : i32
      %dma_wait3A_1129 = tpu.memref_slice %arg12[%dma_wait3A_1126, %dma_wait3A_1127, %dma_wait3A_1128] : memref<2x50x128xf32, #tpu.memory_space<vmem>> -> memref<1x50x128xf32, #tpu.memory_space<vmem>>
      %dma_wait3A_1130 = tpu.memref_squeeze %dma_wait3A_1129 : memref<1x50x128xf32, #tpu.memory_space<vmem>> -> memref<50x128xf32, #tpu.memory_space<vmem>>
      %dma_wait3A_1131 = arith.constant 0 : i32
      %dma_wait3A_1132 = tpu.memref_slice %arg8[%dma_wait3A_1124, %dma_wait3A_1125, %dma_wait3A_1131] : memref<2x2x50xi32, #tpu.memory_space<vmem>> -> memref<1x1x50xi32, #tpu.memory_space<vmem>>
      %dma_wait3A_1133 = tpu.memref_squeeze %dma_wait3A_1132 : memref<1x1x50xi32, #tpu.memory_space<vmem>> -> memref<50xi32, #tpu.memory_space<vmem>>
      %dma_wait3A_1134 = arith.constant 0 : i32
      %dma_wait3A_1135 = arith.constant 0 : i32
      %dma_wait3A_1136 = tpu.memref_slice %arg2[%dma_wait3A_1134, %dma_wait3A_1135] : memref<10240x128xf32, #tpu.memory_space<hbm>> -> memref<10240x128xf32, #tpu.memory_space<hbm>>
      tpu.wait_indirect_dma semaphore(%arg19 : memref<!tpu.dma_semaphore, #tpu.memory_space<semaphore_mem>>) src(%dma_wait3A_1136 : memref<10240x128xf32, #tpu.memory_space<hbm>>) dst(%dma_wait3A_1130 : memref<50x128xf32, #tpu.memory_space<vmem>>)
      %dma_start3A_1137 = arith.constant 0 : i32
      %dma_start3A_1138 = arith.constant 0 : i32
      %dma_start3A_1139 = arith.constant 1 : i32
      %dma_start3A_1140 = arith.constant 0 : i32
      %dma_start3A_1141 = arith.constant 0 : i32
      %dma_start3A_1142 = tpu.memref_slice %arg12[%dma_start3A_1137, %dma_start3A_1140, %dma_start3A_1141] : memref<2x50x128xf32, #tpu.memory_space<vmem>> -> memref<1x50x128xf32, #tpu.memory_space<vmem>>
      %dma_start3A_1143 = tpu.memref_squeeze %dma_start3A_1142 : memref<1x50x128xf32, #tpu.memory_space<vmem>> -> memref<50x128xf32, #tpu.memory_space<vmem>>
      %dma_start3A_1144 = arith.constant 0 : i32
      %dma_start3A_1145 = tpu.memref_slice %arg8[%dma_start3A_1138, %dma_start3A_1139, %dma_start3A_1144] : memref<2x2x50xi32, #tpu.memory_space<vmem>> -> memref<1x1x50xi32, #tpu.memory_space<vmem>>
      %dma_start3A_1146 = tpu.memref_squeeze %dma_start3A_1145 : memref<1x1x50xi32, #tpu.memory_space<vmem>> -> memref<50xi32, #tpu.memory_space<vmem>>
      %dma_start3A_1147 = arith.constant 0 : i32
      %dma_start3A_1148 = arith.constant 0 : i32
      %dma_start3A_1149 = tpu.memref_slice %arg6[%dma_start3A_1147, %dma_start3A_1148] : memref<10240x128xf32, #tpu.memory_space<vmem_shared>> -> memref<10240x128xf32, #tpu.memory_space<vmem_shared>>
      tpu.enqueue_indirect_dma source(%dma_start3A_1143 : memref<50x128xf32, #tpu.memory_space<vmem>>) target(%dma_start3A_1149 : memref<10240x128xf32, #tpu.memory_space<vmem_shared>>) offsets(%dma_start3A_1146 : memref<50xi32, #tpu.memory_space<vmem>>) semaphore(%arg23 : memref<!tpu.dma_semaphore, #tpu.memory_space<semaphore_mem>>) {add = true}
      %dma_wait3A_1150 = arith.constant 1 : i32
      %dma_wait3A_1151 = arith.constant 0 : i32
      %dma_wait3A_1152 = arith.constant 1 : i32
      %dma_wait3A_1153 = arith.constant 0 : i32
      %dma_wait3A_1154 = arith.constant 0 : i32
      %dma_wait3A_1155 = tpu.memref_slice %arg12[%dma_wait3A_1152, %dma_wait3A_1153, %dma_wait3A_1154] : memref<2x50x128xf32, #tpu.memory_space<vmem>> -> memref<1x50x128xf32, #tpu.memory_space<vmem>>
      %dma_wait3A_1156 = tpu.memref_squeeze %dma_wait3A_1155 : memref<1x50x128xf32, #tpu.memory_space<vmem>> -> memref<50x128xf32, #tpu.memory_space<vmem>>
      %dma_wait3A_1157 = arith.constant 0 : i32
      %dma_wait3A_1158 = tpu.memref_slice %arg8[%dma_wait3A_1150, %dma_wait3A_1151, %dma_wait3A_1157] : memref<2x2x50xi32, #tpu.memory_space<vmem>> -> memref<1x1x50xi32, #tpu.memory_space<vmem>>
      %dma_wait3A_1159 = tpu.memref_squeeze %dma_wait3A_1158 : memref<1x1x50xi32, #tpu.memory_space<vmem>> -> memref<50xi32, #tpu.memory_space<vmem>>
      %dma_wait3A_1160 = arith.constant 0 : i32
      %dma_wait3A_1161 = arith.constant 0 : i32
      %dma_wait3A_1162 = tpu.memref_slice %arg2[%dma_wait3A_1160, %dma_wait3A_1161] : memref<10240x128xf32, #tpu.memory_space<hbm>> -> memref<10240x128xf32, #tpu.memory_space<hbm>>
      tpu.wait_indirect_dma semaphore(%arg20 : memref<!tpu.dma_semaphore, #tpu.memory_space<semaphore_mem>>) src(%dma_wait3A_1162 : memref<10240x128xf32, #tpu.memory_space<hbm>>) dst(%dma_wait3A_1156 : memref<50x128xf32, #tpu.memory_space<vmem>>)
      %dma_start3A_1163 = arith.constant 1 : i32
      %dma_start3A_1164 = arith.constant 1 : i32
      %dma_start3A_1165 = arith.constant 1 : i32
      %dma_start3A_1166 = arith.constant 0 : i32
      %dma_start3A_1167 = arith.constant 0 : i32
      %dma_start3A_1168 = tpu.memref_slice %arg12[%dma_start3A_1163, %dma_start3A_1166, %dma_start3A_1167] : memref<2x50x128xf32, #tpu.memory_space<vmem>> -> memref<1x50x128xf32, #tpu.memory_space<vmem>>
      %dma_start3A_1169 = tpu.memref_squeeze %dma_start3A_1168 : memref<1x50x128xf32, #tpu.memory_space<vmem>> -> memref<50x128xf32, #tpu.memory_space<vmem>>
      %dma_start3A_1170 = arith.constant 0 : i32
      %dma_start3A_1171 = tpu.memref_slice %arg8[%dma_start3A_1164, %dma_start3A_1165, %dma_start3A_1170] : memref<2x2x50xi32, #tpu.memory_space<vmem>> -> memref<1x1x50xi32, #tpu.memory_space<vmem>>
      %dma_start3A_1172 = tpu.memref_squeeze %dma_start3A_1171 : memref<1x1x50xi32, #tpu.memory_space<vmem>> -> memref<50xi32, #tpu.memory_space<vmem>>
      %dma_start3A_1173 = arith.constant 0 : i32
      %dma_start3A_1174 = arith.constant 0 : i32
      %dma_start3A_1175 = tpu.memref_slice %arg6[%dma_start3A_1173, %dma_start3A_1174] : memref<10240x128xf32, #tpu.memory_space<vmem_shared>> -> memref<10240x128xf32, #tpu.memory_space<vmem_shared>>
      tpu.enqueue_indirect_dma source(%dma_start3A_1169 : memref<50x128xf32, #tpu.memory_space<vmem>>) target(%dma_start3A_1175 : memref<10240x128xf32, #tpu.memory_space<vmem_shared>>) offsets(%dma_start3A_1172 : memref<50xi32, #tpu.memory_space<vmem>>) semaphore(%arg24 : memref<!tpu.dma_semaphore, #tpu.memory_space<semaphore_mem>>) {add = true}
      %add3A_1176 = arith.constant 1 : i32
      %add3A_1177 = arith.addi %mul3A_937, %add3A_1176 : i32
      %add3A_1178 = arith.constant 3 : i32
      %add3A_1179 = arith.addi %add3A_1177, %add3A_1178 : i32
      %mul3A_1180 = arith.constant 2 : i32
      %mul3A_1181 = arith.muli %add3A_1179, %mul3A_1180 : i32
      %dma_start3A_1182 = arith.constant 0 : i32
      %dma_start3A_1183 = arith.constant 0 : i32
      %dma_start3A_1184 = tpu.memref_slice %arg3[%add3A, %mul3A_1181, %dma_start3A_1182, %dma_start3A_1183] : memref<32x200x2x50xi32, #tpu.memory_space<hbm>> -> memref<1x2x2x50xi32, #tpu.memory_space<hbm>>
      %dma_start3A_1185 = tpu.memref_squeeze %dma_start3A_1184 : memref<1x2x2x50xi32, #tpu.memory_space<hbm>> -> memref<2x2x50xi32, #tpu.memory_space<hbm>>
      %dma_start3A_1186 = arith.constant 0 : i32
      %dma_start3A_1187 = arith.constant 0 : i32
      %dma_start3A_1188 = tpu.memref_slice %arg3[%add3A, %mul3A_1181, %dma_start3A_1186, %dma_start3A_1187] : memref<32x200x2x50xi32, #tpu.memory_space<hbm>> -> memref<1x2x2x50xi32, #tpu.memory_space<hbm>>
      %dma_start3A_1189 = tpu.memref_squeeze %dma_start3A_1188 : memref<1x2x2x50xi32, #tpu.memory_space<hbm>> -> memref<2x2x50xi32, #tpu.memory_space<hbm>>
      tpu.enqueue_dma source(%dma_start3A_1189 : memref<2x2x50xi32, #tpu.memory_space<hbm>>) target(%arg7 : memref<2x2x50xi32, #tpu.memory_space<vmem>>) target_semaphore(%arg13 : memref<!tpu.dma_semaphore, #tpu.memory_space<semaphore_mem>>)
      %add3A_1190 = arith.constant 2 : i32
      %add3A_1191 = arith.addi %mul3A_937, %add3A_1190 : i32
      %add3A_1192 = arith.constant 1 : i32
      %add3A_1193 = arith.addi %add3A_1191, %add3A_1192 : i32
      %mul3A_1194 = arith.constant 2 : i32
      %mul3A_1195 = arith.muli %add3A_1193, %mul3A_1194 : i32
      %dma_wait3A_1196 = arith.constant 0 : i32
      %dma_wait3A_1197 = arith.constant 0 : i32
      %dma_wait3A_1198 = tpu.memref_slice %arg3[%add3A, %mul3A_1195, %dma_wait3A_1196, %dma_wait3A_1197] : memref<32x200x2x50xi32, #tpu.memory_space<hbm>> -> memref<1x2x2x50xi32, #tpu.memory_space<hbm>>
      %dma_wait3A_1199 = tpu.memref_squeeze %dma_wait3A_1198 : memref<1x2x2x50xi32, #tpu.memory_space<hbm>> -> memref<2x2x50xi32, #tpu.memory_space<hbm>>
      %dma_wait3A_1200 = arith.constant 0 : i32
      %dma_wait3A_1201 = arith.constant 0 : i32
      %dma_wait3A_1202 = tpu.memref_slice %arg3[%add3A, %mul3A_1195, %dma_wait3A_1200, %dma_wait3A_1201] : memref<32x200x2x50xi32, #tpu.memory_space<hbm>> -> memref<1x2x2x50xi32, #tpu.memory_space<hbm>>
      %dma_wait3A_1203 = tpu.memref_squeeze %dma_wait3A_1202 : memref<1x2x2x50xi32, #tpu.memory_space<hbm>> -> memref<2x2x50xi32, #tpu.memory_space<hbm>>
      tpu.wait_dma2 semaphore(%arg16 : memref<!tpu.dma_semaphore, #tpu.memory_space<semaphore_mem>>) src(%dma_wait3A_1203 : memref<2x2x50xi32, #tpu.memory_space<hbm>>) dst(%arg10 : memref<2x2x50xi32, #tpu.memory_space<vmem>>)
      %dma_wait3A_1204 = arith.constant 0 : i32
      %dma_wait3A_1205 = arith.constant 0 : i32
      %dma_wait3A_1206 = arith.constant 0 : i32
      %dma_wait3A_1207 = tpu.memref_slice %arg12[%dma_wait3A_1204, %dma_wait3A_1205, %dma_wait3A_1206] : memref<2x50x128xf32, #tpu.memory_space<vmem>> -> memref<1x50x128xf32, #tpu.memory_space<vmem>>
      %dma_wait3A_1208 = tpu.memref_squeeze %dma_wait3A_1207 : memref<1x50x128xf32, #tpu.memory_space<vmem>> -> memref<50x128xf32, #tpu.memory_space<vmem>>
      %dma_wait3A_1209 = arith.constant 0 : i32
      %dma_wait3A_1210 = arith.constant 0 : i32
      %dma_wait3A_1211 = tpu.memref_slice %arg12[%dma_wait3A_1204, %dma_wait3A_1209, %dma_wait3A_1210] : memref<2x50x128xf32, #tpu.memory_space<vmem>> -> memref<1x50x128xf32, #tpu.memory_space<vmem>>
      %dma_wait3A_1212 = tpu.memref_squeeze %dma_wait3A_1211 : memref<1x50x128xf32, #tpu.memory_space<vmem>> -> memref<50x128xf32, #tpu.memory_space<vmem>>
      tpu.wait_dma2 semaphore(%arg23 : memref<!tpu.dma_semaphore, #tpu.memory_space<semaphore_mem>>) src(%arg4 : memref<50x128xf32, #tpu.memory_space<hbm>>) dst(%dma_wait3A_1212 : memref<50x128xf32, #tpu.memory_space<vmem>>)
      %dma_start3A_1213 = arith.constant 0 : i32
      %dma_start3A_1214 = arith.constant 0 : i32
      %dma_start3A_1215 = arith.constant 0 : i32
      %dma_start3A_1216 = arith.constant 0 : i32
      %dma_start3A_1217 = arith.constant 0 : i32
      %dma_start3A_1218 = tpu.memref_slice %arg12[%dma_start3A_1215, %dma_start3A_1216, %dma_start3A_1217] : memref<2x50x128xf32, #tpu.memory_space<vmem>> -> memref<1x50x128xf32, #tpu.memory_space<vmem>>
      %dma_start3A_1219 = tpu.memref_squeeze %dma_start3A_1218 : memref<1x50x128xf32, #tpu.memory_space<vmem>> -> memref<50x128xf32, #tpu.memory_space<vmem>>
      %dma_start3A_1220 = arith.constant 0 : i32
      %dma_start3A_1221 = tpu.memref_slice %arg10[%dma_start3A_1213, %dma_start3A_1214, %dma_start3A_1220] : memref<2x2x50xi32, #tpu.memory_space<vmem>> -> memref<1x1x50xi32, #tpu.memory_space<vmem>>
      %dma_start3A_1222 = tpu.memref_squeeze %dma_start3A_1221 : memref<1x1x50xi32, #tpu.memory_space<vmem>> -> memref<50xi32, #tpu.memory_space<vmem>>
      %dma_start3A_1223 = arith.constant 0 : i32
      %dma_start3A_1224 = arith.constant 0 : i32
      %dma_start3A_1225 = tpu.memref_slice %arg2[%dma_start3A_1223, %dma_start3A_1224] : memref<10240x128xf32, #tpu.memory_space<hbm>> -> memref<10240x128xf32, #tpu.memory_space<hbm>>
      tpu.enqueue_indirect_dma source(%dma_start3A_1225 : memref<10240x128xf32, #tpu.memory_space<hbm>>) target(%dma_start3A_1219 : memref<50x128xf32, #tpu.memory_space<vmem>>) offsets(%dma_start3A_1222 : memref<50xi32, #tpu.memory_space<vmem>>) semaphore(%arg19 : memref<!tpu.dma_semaphore, #tpu.memory_space<semaphore_mem>>)
      %dma_wait3A_1226 = arith.constant 1 : i32
      %dma_wait3A_1227 = arith.constant 0 : i32
      %dma_wait3A_1228 = arith.constant 0 : i32
      %dma_wait3A_1229 = tpu.memref_slice %arg12[%dma_wait3A_1226, %dma_wait3A_1227, %dma_wait3A_1228] : memref<2x50x128xf32, #tpu.memory_space<vmem>> -> memref<1x50x128xf32, #tpu.memory_space<vmem>>
      %dma_wait3A_1230 = tpu.memref_squeeze %dma_wait3A_1229 : memref<1x50x128xf32, #tpu.memory_space<vmem>> -> memref<50x128xf32, #tpu.memory_space<vmem>>
      %dma_wait3A_1231 = arith.constant 0 : i32
      %dma_wait3A_1232 = arith.constant 0 : i32
      %dma_wait3A_1233 = tpu.memref_slice %arg12[%dma_wait3A_1226, %dma_wait3A_1231, %dma_wait3A_1232] : memref<2x50x128xf32, #tpu.memory_space<vmem>> -> memref<1x50x128xf32, #tpu.memory_space<vmem>>
      %dma_wait3A_1234 = tpu.memref_squeeze %dma_wait3A_1233 : memref<1x50x128xf32, #tpu.memory_space<vmem>> -> memref<50x128xf32, #tpu.memory_space<vmem>>
      tpu.wait_dma2 semaphore(%arg24 : memref<!tpu.dma_semaphore, #tpu.memory_space<semaphore_mem>>) src(%arg4 : memref<50x128xf32, #tpu.memory_space<hbm>>) dst(%dma_wait3A_1234 : memref<50x128xf32, #tpu.memory_space<vmem>>)
      %dma_start3A_1235 = arith.constant 1 : i32
      %dma_start3A_1236 = arith.constant 0 : i32
      %dma_start3A_1237 = arith.constant 1 : i32
      %dma_start3A_1238 = arith.constant 0 : i32
      %dma_start3A_1239 = arith.constant 0 : i32
      %dma_start3A_1240 = tpu.memref_slice %arg12[%dma_start3A_1237, %dma_start3A_1238, %dma_start3A_1239] : memref<2x50x128xf32, #tpu.memory_space<vmem>> -> memref<1x50x128xf32, #tpu.memory_space<vmem>>
      %dma_start3A_1241 = tpu.memref_squeeze %dma_start3A_1240 : memref<1x50x128xf32, #tpu.memory_space<vmem>> -> memref<50x128xf32, #tpu.memory_space<vmem>>
      %dma_start3A_1242 = arith.constant 0 : i32
      %dma_start3A_1243 = tpu.memref_slice %arg10[%dma_start3A_1235, %dma_start3A_1236, %dma_start3A_1242] : memref<2x2x50xi32, #tpu.memory_space<vmem>> -> memref<1x1x50xi32, #tpu.memory_space<vmem>>
      %dma_start3A_1244 = tpu.memref_squeeze %dma_start3A_1243 : memref<1x1x50xi32, #tpu.memory_space<vmem>> -> memref<50xi32, #tpu.memory_space<vmem>>
      %dma_start3A_1245 = arith.constant 0 : i32
      %dma_start3A_1246 = arith.constant 0 : i32
      %dma_start3A_1247 = tpu.memref_slice %arg2[%dma_start3A_1245, %dma_start3A_1246] : memref<10240x128xf32, #tpu.memory_space<hbm>> -> memref<10240x128xf32, #tpu.memory_space<hbm>>
      tpu.enqueue_indirect_dma source(%dma_start3A_1247 : memref<10240x128xf32, #tpu.memory_space<hbm>>) target(%dma_start3A_1241 : memref<50x128xf32, #tpu.memory_space<vmem>>) offsets(%dma_start3A_1244 : memref<50xi32, #tpu.memory_space<vmem>>) semaphore(%arg20 : memref<!tpu.dma_semaphore, #tpu.memory_space<semaphore_mem>>)
      %add3A_1248 = arith.constant 2 : i32
      %add3A_1249 = arith.addi %mul3A_937, %add3A_1248 : i32
      %dma_wait3A_1250 = arith.constant 0 : i32
      %dma_wait3A_1251 = arith.constant 0 : i32
      %dma_wait3A_1252 = arith.constant 0 : i32
      %dma_wait3A_1253 = arith.constant 0 : i32
      %dma_wait3A_1254 = arith.constant 0 : i32
      %dma_wait3A_1255 = tpu.memref_slice %arg11[%dma_wait3A_1252, %dma_wait3A_1253, %dma_wait3A_1254] : memref<2x50x128xf32, #tpu.memory_space<vmem>> -> memref<1x50x128xf32, #tpu.memory_space<vmem>>
      %dma_wait3A_1256 = tpu.memref_squeeze %dma_wait3A_1255 : memref<1x50x128xf32, #tpu.memory_space<vmem>> -> memref<50x128xf32, #tpu.memory_space<vmem>>
      %dma_wait3A_1257 = arith.constant 0 : i32
      %dma_wait3A_1258 = tpu.memref_slice %arg9[%dma_wait3A_1250, %dma_wait3A_1251, %dma_wait3A_1257] : memref<2x2x50xi32, #tpu.memory_space<vmem>> -> memref<1x1x50xi32, #tpu.memory_space<vmem>>
      %dma_wait3A_1259 = tpu.memref_squeeze %dma_wait3A_1258 : memref<1x1x50xi32, #tpu.memory_space<vmem>> -> memref<50xi32, #tpu.memory_space<vmem>>
      %dma_wait3A_1260 = arith.constant 0 : i32
      %dma_wait3A_1261 = arith.constant 0 : i32
      %dma_wait3A_1262 = tpu.memref_slice %arg2[%dma_wait3A_1260, %dma_wait3A_1261] : memref<10240x128xf32, #tpu.memory_space<hbm>> -> memref<10240x128xf32, #tpu.memory_space<hbm>>
      tpu.wait_indirect_dma semaphore(%arg17 : memref<!tpu.dma_semaphore, #tpu.memory_space<semaphore_mem>>) src(%dma_wait3A_1262 : memref<10240x128xf32, #tpu.memory_space<hbm>>) dst(%dma_wait3A_1256 : memref<50x128xf32, #tpu.memory_space<vmem>>)
      %dma_start3A_1263 = arith.constant 0 : i32
      %dma_start3A_1264 = arith.constant 0 : i32
      %dma_start3A_1265 = arith.constant 1 : i32
      %dma_start3A_1266 = arith.constant 0 : i32
      %dma_start3A_1267 = arith.constant 0 : i32
      %dma_start3A_1268 = tpu.memref_slice %arg11[%dma_start3A_1263, %dma_start3A_1266, %dma_start3A_1267] : memref<2x50x128xf32, #tpu.memory_space<vmem>> -> memref<1x50x128xf32, #tpu.memory_space<vmem>>
      %dma_start3A_1269 = tpu.memref_squeeze %dma_start3A_1268 : memref<1x50x128xf32, #tpu.memory_space<vmem>> -> memref<50x128xf32, #tpu.memory_space<vmem>>
      %dma_start3A_1270 = arith.constant 0 : i32
      %dma_start3A_1271 = tpu.memref_slice %arg9[%dma_start3A_1264, %dma_start3A_1265, %dma_start3A_1270] : memref<2x2x50xi32, #tpu.memory_space<vmem>> -> memref<1x1x50xi32, #tpu.memory_space<vmem>>
      %dma_start3A_1272 = tpu.memref_squeeze %dma_start3A_1271 : memref<1x1x50xi32, #tpu.memory_space<vmem>> -> memref<50xi32, #tpu.memory_space<vmem>>
      %dma_start3A_1273 = arith.constant 0 : i32
      %dma_start3A_1274 = arith.constant 0 : i32
      %dma_start3A_1275 = tpu.memref_slice %arg6[%dma_start3A_1273, %dma_start3A_1274] : memref<10240x128xf32, #tpu.memory_space<vmem_shared>> -> memref<10240x128xf32, #tpu.memory_space<vmem_shared>>
      tpu.enqueue_indirect_dma source(%dma_start3A_1269 : memref<50x128xf32, #tpu.memory_space<vmem>>) target(%dma_start3A_1275 : memref<10240x128xf32, #tpu.memory_space<vmem_shared>>) offsets(%dma_start3A_1272 : memref<50xi32, #tpu.memory_space<vmem>>) semaphore(%arg21 : memref<!tpu.dma_semaphore, #tpu.memory_space<semaphore_mem>>) {add = true}
      %dma_wait3A_1276 = arith.constant 1 : i32
      %dma_wait3A_1277 = arith.constant 0 : i32
      %dma_wait3A_1278 = arith.constant 1 : i32
      %dma_wait3A_1279 = arith.constant 0 : i32
      %dma_wait3A_1280 = arith.constant 0 : i32
      %dma_wait3A_1281 = tpu.memref_slice %arg11[%dma_wait3A_1278, %dma_wait3A_1279, %dma_wait3A_1280] : memref<2x50x128xf32, #tpu.memory_space<vmem>> -> memref<1x50x128xf32, #tpu.memory_space<vmem>>
      %dma_wait3A_1282 = tpu.memref_squeeze %dma_wait3A_1281 : memref<1x50x128xf32, #tpu.memory_space<vmem>> -> memref<50x128xf32, #tpu.memory_space<vmem>>
      %dma_wait3A_1283 = arith.constant 0 : i32
      %dma_wait3A_1284 = tpu.memref_slice %arg9[%dma_wait3A_1276, %dma_wait3A_1277, %dma_wait3A_1283] : memref<2x2x50xi32, #tpu.memory_space<vmem>> -> memref<1x1x50xi32, #tpu.memory_space<vmem>>
      %dma_wait3A_1285 = tpu.memref_squeeze %dma_wait3A_1284 : memref<1x1x50xi32, #tpu.memory_space<vmem>> -> memref<50xi32, #tpu.memory_space<vmem>>
      %dma_wait3A_1286 = arith.constant 0 : i32
      %dma_wait3A_1287 = arith.constant 0 : i32
      %dma_wait3A_1288 = tpu.memref_slice %arg2[%dma_wait3A_1286, %dma_wait3A_1287] : memref<10240x128xf32, #tpu.memory_space<hbm>> -> memref<10240x128xf32, #tpu.memory_space<hbm>>
      tpu.wait_indirect_dma semaphore(%arg18 : memref<!tpu.dma_semaphore, #tpu.memory_space<semaphore_mem>>) src(%dma_wait3A_1288 : memref<10240x128xf32, #tpu.memory_space<hbm>>) dst(%dma_wait3A_1282 : memref<50x128xf32, #tpu.memory_space<vmem>>)
      %dma_start3A_1289 = arith.constant 1 : i32
      %dma_start3A_1290 = arith.constant 1 : i32
      %dma_start3A_1291 = arith.constant 1 : i32
      %dma_start3A_1292 = arith.constant 0 : i32
      %dma_start3A_1293 = arith.constant 0 : i32
      %dma_start3A_1294 = tpu.memref_slice %arg11[%dma_start3A_1289, %dma_start3A_1292, %dma_start3A_1293] : memref<2x50x128xf32, #tpu.memory_space<vmem>> -> memref<1x50x128xf32, #tpu.memory_space<vmem>>
      %dma_start3A_1295 = tpu.memref_squeeze %dma_start3A_1294 : memref<1x50x128xf32, #tpu.memory_space<vmem>> -> memref<50x128xf32, #tpu.memory_space<vmem>>
      %dma_start3A_1296 = arith.constant 0 : i32
      %dma_start3A_1297 = tpu.memref_slice %arg9[%dma_start3A_1290, %dma_start3A_1291, %dma_start3A_1296] : memref<2x2x50xi32, #tpu.memory_space<vmem>> -> memref<1x1x50xi32, #tpu.memory_space<vmem>>
      %dma_start3A_1298 = tpu.memref_squeeze %dma_start3A_1297 : memref<1x1x50xi32, #tpu.memory_space<vmem>> -> memref<50xi32, #tpu.memory_space<vmem>>
      %dma_start3A_1299 = arith.constant 0 : i32
      %dma_start3A_1300 = arith.constant 0 : i32
      %dma_start3A_1301 = tpu.memref_slice %arg6[%dma_start3A_1299, %dma_start3A_1300] : memref<10240x128xf32, #tpu.memory_space<vmem_shared>> -> memref<10240x128xf32, #tpu.memory_space<vmem_shared>>
      tpu.enqueue_indirect_dma source(%dma_start3A_1295 : memref<50x128xf32, #tpu.memory_space<vmem>>) target(%dma_start3A_1301 : memref<10240x128xf32, #tpu.memory_space<vmem_shared>>) offsets(%dma_start3A_1298 : memref<50xi32, #tpu.memory_space<vmem>>) semaphore(%arg22 : memref<!tpu.dma_semaphore, #tpu.memory_space<semaphore_mem>>) {add = true}
      %add3A_1302 = arith.constant 2 : i32
      %add3A_1303 = arith.addi %mul3A_937, %add3A_1302 : i32
      %add3A_1304 = arith.constant 3 : i32
      %add3A_1305 = arith.addi %add3A_1303, %add3A_1304 : i32
      %mul3A_1306 = arith.constant 2 : i32
      %mul3A_1307 = arith.muli %add3A_1305, %mul3A_1306 : i32
      %dma_start3A_1308 = arith.constant 0 : i32
      %dma_start3A_1309 = arith.constant 0 : i32
      %dma_start3A_1310 = tpu.memref_slice %arg3[%add3A, %mul3A_1307, %dma_start3A_1308, %dma_start3A_1309] : memref<32x200x2x50xi32, #tpu.memory_space<hbm>> -> memref<1x2x2x50xi32, #tpu.memory_space<hbm>>
      %dma_start3A_1311 = tpu.memref_squeeze %dma_start3A_1310 : memref<1x2x2x50xi32, #tpu.memory_space<hbm>> -> memref<2x2x50xi32, #tpu.memory_space<hbm>>
      %dma_start3A_1312 = arith.constant 0 : i32
      %dma_start3A_1313 = arith.constant 0 : i32
      %dma_start3A_1314 = tpu.memref_slice %arg3[%add3A, %mul3A_1307, %dma_start3A_1312, %dma_start3A_1313] : memref<32x200x2x50xi32, #tpu.memory_space<hbm>> -> memref<1x2x2x50xi32, #tpu.memory_space<hbm>>
      %dma_start3A_1315 = tpu.memref_squeeze %dma_start3A_1314 : memref<1x2x2x50xi32, #tpu.memory_space<hbm>> -> memref<2x2x50xi32, #tpu.memory_space<hbm>>
      tpu.enqueue_dma source(%dma_start3A_1315 : memref<2x2x50xi32, #tpu.memory_space<hbm>>) target(%arg8 : memref<2x2x50xi32, #tpu.memory_space<vmem>>) target_semaphore(%arg14 : memref<!tpu.dma_semaphore, #tpu.memory_space<semaphore_mem>>)
      %add3A_1316 = arith.constant 3 : i32
      %add3A_1317 = arith.addi %mul3A_937, %add3A_1316 : i32
      %add3A_1318 = arith.constant 1 : i32
      %add3A_1319 = arith.addi %add3A_1317, %add3A_1318 : i32
      %mul3A_1320 = arith.constant 2 : i32
      %mul3A_1321 = arith.muli %add3A_1319, %mul3A_1320 : i32
      %dma_wait3A_1322 = arith.constant 0 : i32
      %dma_wait3A_1323 = arith.constant 0 : i32
      %dma_wait3A_1324 = tpu.memref_slice %arg3[%add3A, %mul3A_1321, %dma_wait3A_1322, %dma_wait3A_1323] : memref<32x200x2x50xi32, #tpu.memory_space<hbm>> -> memref<1x2x2x50xi32, #tpu.memory_space<hbm>>
      %dma_wait3A_1325 = tpu.memref_squeeze %dma_wait3A_1324 : memref<1x2x2x50xi32, #tpu.memory_space<hbm>> -> memref<2x2x50xi32, #tpu.memory_space<hbm>>
      %dma_wait3A_1326 = arith.constant 0 : i32
      %dma_wait3A_1327 = arith.constant 0 : i32
      %dma_wait3A_1328 = tpu.memref_slice %arg3[%add3A, %mul3A_1321, %dma_wait3A_1326, %dma_wait3A_1327] : memref<32x200x2x50xi32, #tpu.memory_space<hbm>> -> memref<1x2x2x50xi32, #tpu.memory_space<hbm>>
      %dma_wait3A_1329 = tpu.memref_squeeze %dma_wait3A_1328 : memref<1x2x2x50xi32, #tpu.memory_space<hbm>> -> memref<2x2x50xi32, #tpu.memory_space<hbm>>
      tpu.wait_dma2 semaphore(%arg13 : memref<!tpu.dma_semaphore, #tpu.memory_space<semaphore_mem>>) src(%dma_wait3A_1329 : memref<2x2x50xi32, #tpu.memory_space<hbm>>) dst(%arg7 : memref<2x2x50xi32, #tpu.memory_space<vmem>>)
      %dma_wait3A_1330 = arith.constant 0 : i32
      %dma_wait3A_1331 = arith.constant 0 : i32
      %dma_wait3A_1332 = arith.constant 0 : i32
      %dma_wait3A_1333 = tpu.memref_slice %arg11[%dma_wait3A_1330, %dma_wait3A_1331, %dma_wait3A_1332] : memref<2x50x128xf32, #tpu.memory_space<vmem>> -> memref<1x50x128xf32, #tpu.memory_space<vmem>>
      %dma_wait3A_1334 = tpu.memref_squeeze %dma_wait3A_1333 : memref<1x50x128xf32, #tpu.memory_space<vmem>> -> memref<50x128xf32, #tpu.memory_space<vmem>>
      %dma_wait3A_1335 = arith.constant 0 : i32
      %dma_wait3A_1336 = arith.constant 0 : i32
      %dma_wait3A_1337 = tpu.memref_slice %arg11[%dma_wait3A_1330, %dma_wait3A_1335, %dma_wait3A_1336] : memref<2x50x128xf32, #tpu.memory_space<vmem>> -> memref<1x50x128xf32, #tpu.memory_space<vmem>>
      %dma_wait3A_1338 = tpu.memref_squeeze %dma_wait3A_1337 : memref<1x50x128xf32, #tpu.memory_space<vmem>> -> memref<50x128xf32, #tpu.memory_space<vmem>>
      tpu.wait_dma2 semaphore(%arg21 : memref<!tpu.dma_semaphore, #tpu.memory_space<semaphore_mem>>) src(%arg4 : memref<50x128xf32, #tpu.memory_space<hbm>>) dst(%dma_wait3A_1338 : memref<50x128xf32, #tpu.memory_space<vmem>>)
      %dma_start3A_1339 = arith.constant 0 : i32
      %dma_start3A_1340 = arith.constant 0 : i32
      %dma_start3A_1341 = arith.constant 0 : i32
      %dma_start3A_1342 = arith.constant 0 : i32
      %dma_start3A_1343 = arith.constant 0 : i32
      %dma_start3A_1344 = tpu.memref_slice %arg11[%dma_start3A_1341, %dma_start3A_1342, %dma_start3A_1343] : memref<2x50x128xf32, #tpu.memory_space<vmem>> -> memref<1x50x128xf32, #tpu.memory_space<vmem>>
      %dma_start3A_1345 = tpu.memref_squeeze %dma_start3A_1344 : memref<1x50x128xf32, #tpu.memory_space<vmem>> -> memref<50x128xf32, #tpu.memory_space<vmem>>
      %dma_start3A_1346 = arith.constant 0 : i32
      %dma_start3A_1347 = tpu.memref_slice %arg7[%dma_start3A_1339, %dma_start3A_1340, %dma_start3A_1346] : memref<2x2x50xi32, #tpu.memory_space<vmem>> -> memref<1x1x50xi32, #tpu.memory_space<vmem>>
      %dma_start3A_1348 = tpu.memref_squeeze %dma_start3A_1347 : memref<1x1x50xi32, #tpu.memory_space<vmem>> -> memref<50xi32, #tpu.memory_space<vmem>>
      %dma_start3A_1349 = arith.constant 0 : i32
      %dma_start3A_1350 = arith.constant 0 : i32
      %dma_start3A_1351 = tpu.memref_slice %arg2[%dma_start3A_1349, %dma_start3A_1350] : memref<10240x128xf32, #tpu.memory_space<hbm>> -> memref<10240x128xf32, #tpu.memory_space<hbm>>
      tpu.enqueue_indirect_dma source(%dma_start3A_1351 : memref<10240x128xf32, #tpu.memory_space<hbm>>) target(%dma_start3A_1345 : memref<50x128xf32, #tpu.memory_space<vmem>>) offsets(%dma_start3A_1348 : memref<50xi32, #tpu.memory_space<vmem>>) semaphore(%arg17 : memref<!tpu.dma_semaphore, #tpu.memory_space<semaphore_mem>>)
      %dma_wait3A_1352 = arith.constant 1 : i32
      %dma_wait3A_1353 = arith.constant 0 : i32
      %dma_wait3A_1354 = arith.constant 0 : i32
      %dma_wait3A_1355 = tpu.memref_slice %arg11[%dma_wait3A_1352, %dma_wait3A_1353, %dma_wait3A_1354] : memref<2x50x128xf32, #tpu.memory_space<vmem>> -> memref<1x50x128xf32, #tpu.memory_space<vmem>>
      %dma_wait3A_1356 = tpu.memref_squeeze %dma_wait3A_1355 : memref<1x50x128xf32, #tpu.memory_space<vmem>> -> memref<50x128xf32, #tpu.memory_space<vmem>>
      %dma_wait3A_1357 = arith.constant 0 : i32
      %dma_wait3A_1358 = arith.constant 0 : i32
      %dma_wait3A_1359 = tpu.memref_slice %arg11[%dma_wait3A_1352, %dma_wait3A_1357, %dma_wait3A_1358] : memref<2x50x128xf32, #tpu.memory_space<vmem>> -> memref<1x50x128xf32, #tpu.memory_space<vmem>>
      %dma_wait3A_1360 = tpu.memref_squeeze %dma_wait3A_1359 : memref<1x50x128xf32, #tpu.memory_space<vmem>> -> memref<50x128xf32, #tpu.memory_space<vmem>>
      tpu.wait_dma2 semaphore(%arg22 : memref<!tpu.dma_semaphore, #tpu.memory_space<semaphore_mem>>) src(%arg4 : memref<50x128xf32, #tpu.memory_space<hbm>>) dst(%dma_wait3A_1360 : memref<50x128xf32, #tpu.memory_space<vmem>>)
      %dma_start3A_1361 = arith.constant 1 : i32
      %dma_start3A_1362 = arith.constant 0 : i32
      %dma_start3A_1363 = arith.constant 1 : i32
      %dma_start3A_1364 = arith.constant 0 : i32
      %dma_start3A_1365 = arith.constant 0 : i32
      %dma_start3A_1366 = tpu.memref_slice %arg11[%dma_start3A_1363, %dma_start3A_1364, %dma_start3A_1365] : memref<2x50x128xf32, #tpu.memory_space<vmem>> -> memref<1x50x128xf32, #tpu.memory_space<vmem>>
      %dma_start3A_1367 = tpu.memref_squeeze %dma_start3A_1366 : memref<1x50x128xf32, #tpu.memory_space<vmem>> -> memref<50x128xf32, #tpu.memory_space<vmem>>
      %dma_start3A_1368 = arith.constant 0 : i32
      %dma_start3A_1369 = tpu.memref_slice %arg7[%dma_start3A_1361, %dma_start3A_1362, %dma_start3A_1368] : memref<2x2x50xi32, #tpu.memory_space<vmem>> -> memref<1x1x50xi32, #tpu.memory_space<vmem>>
      %dma_start3A_1370 = tpu.memref_squeeze %dma_start3A_1369 : memref<1x1x50xi32, #tpu.memory_space<vmem>> -> memref<50xi32, #tpu.memory_space<vmem>>
      %dma_start3A_1371 = arith.constant 0 : i32
      %dma_start3A_1372 = arith.constant 0 : i32
      %dma_start3A_1373 = tpu.memref_slice %arg2[%dma_start3A_1371, %dma_start3A_1372] : memref<10240x128xf32, #tpu.memory_space<hbm>> -> memref<10240x128xf32, #tpu.memory_space<hbm>>
      tpu.enqueue_indirect_dma source(%dma_start3A_1373 : memref<10240x128xf32, #tpu.memory_space<hbm>>) target(%dma_start3A_1367 : memref<50x128xf32, #tpu.memory_space<vmem>>) offsets(%dma_start3A_1370 : memref<50xi32, #tpu.memory_space<vmem>>) semaphore(%arg18 : memref<!tpu.dma_semaphore, #tpu.memory_space<semaphore_mem>>)
      %add3A_1374 = arith.constant 3 : i32
      %add3A_1375 = arith.addi %mul3A_937, %add3A_1374 : i32
      %dma_wait3A_1376 = arith.constant 0 : i32
      %dma_wait3A_1377 = arith.constant 0 : i32
      %dma_wait3A_1378 = arith.constant 0 : i32
      %dma_wait3A_1379 = arith.constant 0 : i32
      %dma_wait3A_1380 = arith.constant 0 : i32
      %dma_wait3A_1381 = tpu.memref_slice %arg12[%dma_wait3A_1378, %dma_wait3A_1379, %dma_wait3A_1380] : memref<2x50x128xf32, #tpu.memory_space<vmem>> -> memref<1x50x128xf32, #tpu.memory_space<vmem>>
      %dma_wait3A_1382 = tpu.memref_squeeze %dma_wait3A_1381 : memref<1x50x128xf32, #tpu.memory_space<vmem>> -> memref<50x128xf32, #tpu.memory_space<vmem>>
      %dma_wait3A_1383 = arith.constant 0 : i32
      %dma_wait3A_1384 = tpu.memref_slice %arg10[%dma_wait3A_1376, %dma_wait3A_1377, %dma_wait3A_1383] : memref<2x2x50xi32, #tpu.memory_space<vmem>> -> memref<1x1x50xi32, #tpu.memory_space<vmem>>
      %dma_wait3A_1385 = tpu.memref_squeeze %dma_wait3A_1384 : memref<1x1x50xi32, #tpu.memory_space<vmem>> -> memref<50xi32, #tpu.memory_space<vmem>>
      %dma_wait3A_1386 = arith.constant 0 : i32
      %dma_wait3A_1387 = arith.constant 0 : i32
      %dma_wait3A_1388 = tpu.memref_slice %arg2[%dma_wait3A_1386, %dma_wait3A_1387] : memref<10240x128xf32, #tpu.memory_space<hbm>> -> memref<10240x128xf32, #tpu.memory_space<hbm>>
      tpu.wait_indirect_dma semaphore(%arg19 : memref<!tpu.dma_semaphore, #tpu.memory_space<semaphore_mem>>) src(%dma_wait3A_1388 : memref<10240x128xf32, #tpu.memory_space<hbm>>) dst(%dma_wait3A_1382 : memref<50x128xf32, #tpu.memory_space<vmem>>)
      %dma_start3A_1389 = arith.constant 0 : i32
      %dma_start3A_1390 = arith.constant 0 : i32
      %dma_start3A_1391 = arith.constant 1 : i32
      %dma_start3A_1392 = arith.constant 0 : i32
      %dma_start3A_1393 = arith.constant 0 : i32
      %dma_start3A_1394 = tpu.memref_slice %arg12[%dma_start3A_1389, %dma_start3A_1392, %dma_start3A_1393] : memref<2x50x128xf32, #tpu.memory_space<vmem>> -> memref<1x50x128xf32, #tpu.memory_space<vmem>>
      %dma_start3A_1395 = tpu.memref_squeeze %dma_start3A_1394 : memref<1x50x128xf32, #tpu.memory_space<vmem>> -> memref<50x128xf32, #tpu.memory_space<vmem>>
      %dma_start3A_1396 = arith.constant 0 : i32
      %dma_start3A_1397 = tpu.memref_slice %arg10[%dma_start3A_1390, %dma_start3A_1391, %dma_start3A_1396] : memref<2x2x50xi32, #tpu.memory_space<vmem>> -> memref<1x1x50xi32, #tpu.memory_space<vmem>>
      %dma_start3A_1398 = tpu.memref_squeeze %dma_start3A_1397 : memref<1x1x50xi32, #tpu.memory_space<vmem>> -> memref<50xi32, #tpu.memory_space<vmem>>
      %dma_start3A_1399 = arith.constant 0 : i32
      %dma_start3A_1400 = arith.constant 0 : i32
      %dma_start3A_1401 = tpu.memref_slice %arg6[%dma_start3A_1399, %dma_start3A_1400] : memref<10240x128xf32, #tpu.memory_space<vmem_shared>> -> memref<10240x128xf32, #tpu.memory_space<vmem_shared>>
      tpu.enqueue_indirect_dma source(%dma_start3A_1395 : memref<50x128xf32, #tpu.memory_space<vmem>>) target(%dma_start3A_1401 : memref<10240x128xf32, #tpu.memory_space<vmem_shared>>) offsets(%dma_start3A_1398 : memref<50xi32, #tpu.memory_space<vmem>>) semaphore(%arg23 : memref<!tpu.dma_semaphore, #tpu.memory_space<semaphore_mem>>) {add = true}
      %dma_wait3A_1402 = arith.constant 1 : i32
      %dma_wait3A_1403 = arith.constant 0 : i32
      %dma_wait3A_1404 = arith.constant 1 : i32
      %dma_wait3A_1405 = arith.constant 0 : i32
      %dma_wait3A_1406 = arith.constant 0 : i32
      %dma_wait3A_1407 = tpu.memref_slice %arg12[%dma_wait3A_1404, %dma_wait3A_1405, %dma_wait3A_1406] : memref<2x50x128xf32, #tpu.memory_space<vmem>> -> memref<1x50x128xf32, #tpu.memory_space<vmem>>
      %dma_wait3A_1408 = tpu.memref_squeeze %dma_wait3A_1407 : memref<1x50x128xf32, #tpu.memory_space<vmem>> -> memref<50x128xf32, #tpu.memory_space<vmem>>
      %dma_wait3A_1409 = arith.constant 0 : i32
      %dma_wait3A_1410 = tpu.memref_slice %arg10[%dma_wait3A_1402, %dma_wait3A_1403, %dma_wait3A_1409] : memref<2x2x50xi32, #tpu.memory_space<vmem>> -> memref<1x1x50xi32, #tpu.memory_space<vmem>>
      %dma_wait3A_1411 = tpu.memref_squeeze %dma_wait3A_1410 : memref<1x1x50xi32, #tpu.memory_space<vmem>> -> memref<50xi32, #tpu.memory_space<vmem>>
      %dma_wait3A_1412 = arith.constant 0 : i32
      %dma_wait3A_1413 = arith.constant 0 : i32
      %dma_wait3A_1414 = tpu.memref_slice %arg2[%dma_wait3A_1412, %dma_wait3A_1413] : memref<10240x128xf32, #tpu.memory_space<hbm>> -> memref<10240x128xf32, #tpu.memory_space<hbm>>
      tpu.wait_indirect_dma semaphore(%arg20 : memref<!tpu.dma_semaphore, #tpu.memory_space<semaphore_mem>>) src(%dma_wait3A_1414 : memref<10240x128xf32, #tpu.memory_space<hbm>>) dst(%dma_wait3A_1408 : memref<50x128xf32, #tpu.memory_space<vmem>>)
      %dma_start3A_1415 = arith.constant 1 : i32
      %dma_start3A_1416 = arith.constant 1 : i32
      %dma_start3A_1417 = arith.constant 1 : i32
      %dma_start3A_1418 = arith.constant 0 : i32
      %dma_start3A_1419 = arith.constant 0 : i32
      %dma_start3A_1420 = tpu.memref_slice %arg12[%dma_start3A_1415, %dma_start3A_1418, %dma_start3A_1419] : memref<2x50x128xf32, #tpu.memory_space<vmem>> -> memref<1x50x128xf32, #tpu.memory_space<vmem>>
      %dma_start3A_1421 = tpu.memref_squeeze %dma_start3A_1420 : memref<1x50x128xf32, #tpu.memory_space<vmem>> -> memref<50x128xf32, #tpu.memory_space<vmem>>
      %dma_start3A_1422 = arith.constant 0 : i32
      %dma_start3A_1423 = tpu.memref_slice %arg10[%dma_start3A_1416, %dma_start3A_1417, %dma_start3A_1422] : memref<2x2x50xi32, #tpu.memory_space<vmem>> -> memref<1x1x50xi32, #tpu.memory_space<vmem>>
      %dma_start3A_1424 = tpu.memref_squeeze %dma_start3A_1423 : memref<1x1x50xi32, #tpu.memory_space<vmem>> -> memref<50xi32, #tpu.memory_space<vmem>>
      %dma_start3A_1425 = arith.constant 0 : i32
      %dma_start3A_1426 = arith.constant 0 : i32
      %dma_start3A_1427 = tpu.memref_slice %arg6[%dma_start3A_1425, %dma_start3A_1426] : memref<10240x128xf32, #tpu.memory_space<vmem_shared>> -> memref<10240x128xf32, #tpu.memory_space<vmem_shared>>
      tpu.enqueue_indirect_dma source(%dma_start3A_1421 : memref<50x128xf32, #tpu.memory_space<vmem>>) target(%dma_start3A_1427 : memref<10240x128xf32, #tpu.memory_space<vmem_shared>>) offsets(%dma_start3A_1424 : memref<50xi32, #tpu.memory_space<vmem>>) semaphore(%arg24 : memref<!tpu.dma_semaphore, #tpu.memory_space<semaphore_mem>>) {add = true}
      %add3A_1428 = arith.constant 3 : i32
      %add3A_1429 = arith.addi %mul3A_937, %add3A_1428 : i32
      %add3A_1430 = arith.constant 3 : i32
      %add3A_1431 = arith.addi %add3A_1429, %add3A_1430 : i32
      %mul3A_1432 = arith.constant 2 : i32
      %mul3A_1433 = arith.muli %add3A_1431, %mul3A_1432 : i32
      %dma_start3A_1434 = arith.constant 0 : i32
      %dma_start3A_1435 = arith.constant 0 : i32
      %dma_start3A_1436 = tpu.memref_slice %arg3[%add3A, %mul3A_1433, %dma_start3A_1434, %dma_start3A_1435] : memref<32x200x2x50xi32, #tpu.memory_space<hbm>> -> memref<1x2x2x50xi32, #tpu.memory_space<hbm>>
      %dma_start3A_1437 = tpu.memref_squeeze %dma_start3A_1436 : memref<1x2x2x50xi32, #tpu.memory_space<hbm>> -> memref<2x2x50xi32, #tpu.memory_space<hbm>>
      %dma_start3A_1438 = arith.constant 0 : i32
      %dma_start3A_1439 = arith.constant 0 : i32
      %dma_start3A_1440 = tpu.memref_slice %arg3[%add3A, %mul3A_1433, %dma_start3A_1438, %dma_start3A_1439] : memref<32x200x2x50xi32, #tpu.memory_space<hbm>> -> memref<1x2x2x50xi32, #tpu.memory_space<hbm>>
      %dma_start3A_1441 = tpu.memref_squeeze %dma_start3A_1440 : memref<1x2x2x50xi32, #tpu.memory_space<hbm>> -> memref<2x2x50xi32, #tpu.memory_space<hbm>>
      tpu.enqueue_dma source(%dma_start3A_1441 : memref<2x2x50xi32, #tpu.memory_space<hbm>>) target(%arg9 : memref<2x2x50xi32, #tpu.memory_space<vmem>>) target_semaphore(%arg15 : memref<!tpu.dma_semaphore, #tpu.memory_space<semaphore_mem>>)
    }
    %scan3A_517 = arith.constant 23 : i32
    %dma_wait3A_518 = arith.constant 194 : i32
    %dma_wait3A_519 = arith.constant 0 : i32
    %dma_wait3A_520 = arith.constant 0 : i32
    %dma_wait3A_521 = tpu.memref_slice %arg3[%add3A, %dma_wait3A_518, %dma_wait3A_519, %dma_wait3A_520] : memref<32x200x2x50xi32, #tpu.memory_space<hbm>> -> memref<1x2x2x50xi32, #tpu.memory_space<hbm>>
    %dma_wait3A_522 = tpu.memref_squeeze %dma_wait3A_521 : memref<1x2x2x50xi32, #tpu.memory_space<hbm>> -> memref<2x2x50xi32, #tpu.memory_space<hbm>>
    %dma_wait3A_523 = arith.constant 194 : i32
    %dma_wait3A_524 = arith.constant 0 : i32
    %dma_wait3A_525 = arith.constant 0 : i32
    %dma_wait3A_526 = tpu.memref_slice %arg3[%add3A, %dma_wait3A_523, %dma_wait3A_524, %dma_wait3A_525] : memref<32x200x2x50xi32, #tpu.memory_space<hbm>> -> memref<1x2x2x50xi32, #tpu.memory_space<hbm>>
    %dma_wait3A_527 = tpu.memref_squeeze %dma_wait3A_526 : memref<1x2x2x50xi32, #tpu.memory_space<hbm>> -> memref<2x2x50xi32, #tpu.memory_space<hbm>>
    tpu.wait_dma2 semaphore(%arg14 : memref<!tpu.dma_semaphore, #tpu.memory_space<semaphore_mem>>) src(%dma_wait3A_527 : memref<2x2x50xi32, #tpu.memory_space<hbm>>) dst(%arg8 : memref<2x2x50xi32, #tpu.memory_space<vmem>>)
    %dma_wait3A_528 = arith.constant 0 : i32
    %dma_wait3A_529 = arith.constant 0 : i32
    %dma_wait3A_530 = arith.constant 0 : i32
    %dma_wait3A_531 = tpu.memref_slice %arg12[%dma_wait3A_528, %dma_wait3A_529, %dma_wait3A_530] : memref<2x50x128xf32, #tpu.memory_space<vmem>> -> memref<1x50x128xf32, #tpu.memory_space<vmem>>
    %dma_wait3A_532 = tpu.memref_squeeze %dma_wait3A_531 : memref<1x50x128xf32, #tpu.memory_space<vmem>> -> memref<50x128xf32, #tpu.memory_space<vmem>>
    %dma_wait3A_533 = arith.constant 0 : i32
    %dma_wait3A_534 = arith.constant 0 : i32
    %dma_wait3A_535 = tpu.memref_slice %arg12[%dma_wait3A_528, %dma_wait3A_533, %dma_wait3A_534] : memref<2x50x128xf32, #tpu.memory_space<vmem>> -> memref<1x50x128xf32, #tpu.memory_space<vmem>>
    %dma_wait3A_536 = tpu.memref_squeeze %dma_wait3A_535 : memref<1x50x128xf32, #tpu.memory_space<vmem>> -> memref<50x128xf32, #tpu.memory_space<vmem>>
    tpu.wait_dma2 semaphore(%arg23 : memref<!tpu.dma_semaphore, #tpu.memory_space<semaphore_mem>>) src(%arg4 : memref<50x128xf32, #tpu.memory_space<hbm>>) dst(%dma_wait3A_536 : memref<50x128xf32, #tpu.memory_space<vmem>>)
    %dma_start3A_537 = arith.constant 0 : i32
    %dma_start3A_538 = arith.constant 0 : i32
    %dma_start3A_539 = arith.constant 0 : i32
    %dma_start3A_540 = arith.constant 0 : i32
    %dma_start3A_541 = arith.constant 0 : i32
    %dma_start3A_542 = tpu.memref_slice %arg12[%dma_start3A_539, %dma_start3A_540, %dma_start3A_541] : memref<2x50x128xf32, #tpu.memory_space<vmem>> -> memref<1x50x128xf32, #tpu.memory_space<vmem>>
    %dma_start3A_543 = tpu.memref_squeeze %dma_start3A_542 : memref<1x50x128xf32, #tpu.memory_space<vmem>> -> memref<50x128xf32, #tpu.memory_space<vmem>>
    %dma_start3A_544 = arith.constant 0 : i32
    %dma_start3A_545 = tpu.memref_slice %arg8[%dma_start3A_537, %dma_start3A_538, %dma_start3A_544] : memref<2x2x50xi32, #tpu.memory_space<vmem>> -> memref<1x1x50xi32, #tpu.memory_space<vmem>>
    %dma_start3A_546 = tpu.memref_squeeze %dma_start3A_545 : memref<1x1x50xi32, #tpu.memory_space<vmem>> -> memref<50xi32, #tpu.memory_space<vmem>>
    %dma_start3A_547 = arith.constant 0 : i32
    %dma_start3A_548 = arith.constant 0 : i32
    %dma_start3A_549 = tpu.memref_slice %arg2[%dma_start3A_547, %dma_start3A_548] : memref<10240x128xf32, #tpu.memory_space<hbm>> -> memref<10240x128xf32, #tpu.memory_space<hbm>>
    tpu.enqueue_indirect_dma source(%dma_start3A_549 : memref<10240x128xf32, #tpu.memory_space<hbm>>) target(%dma_start3A_543 : memref<50x128xf32, #tpu.memory_space<vmem>>) offsets(%dma_start3A_546 : memref<50xi32, #tpu.memory_space<vmem>>) semaphore(%arg19 : memref<!tpu.dma_semaphore, #tpu.memory_space<semaphore_mem>>)
    %dma_wait3A_550 = arith.constant 1 : i32
    %dma_wait3A_551 = arith.constant 0 : i32
    %dma_wait3A_552 = arith.constant 0 : i32
    %dma_wait3A_553 = tpu.memref_slice %arg12[%dma_wait3A_550, %dma_wait3A_551, %dma_wait3A_552] : memref<2x50x128xf32, #tpu.memory_space<vmem>> -> memref<1x50x128xf32, #tpu.memory_space<vmem>>
    %dma_wait3A_554 = tpu.memref_squeeze %dma_wait3A_553 : memref<1x50x128xf32, #tpu.memory_space<vmem>> -> memref<50x128xf32, #tpu.memory_space<vmem>>
    %dma_wait3A_555 = arith.constant 0 : i32
    %dma_wait3A_556 = arith.constant 0 : i32
    %dma_wait3A_557 = tpu.memref_slice %arg12[%dma_wait3A_550, %dma_wait3A_555, %dma_wait3A_556] : memref<2x50x128xf32, #tpu.memory_space<vmem>> -> memref<1x50x128xf32, #tpu.memory_space<vmem>>
    %dma_wait3A_558 = tpu.memref_squeeze %dma_wait3A_557 : memref<1x50x128xf32, #tpu.memory_space<vmem>> -> memref<50x128xf32, #tpu.memory_space<vmem>>
    tpu.wait_dma2 semaphore(%arg24 : memref<!tpu.dma_semaphore, #tpu.memory_space<semaphore_mem>>) src(%arg4 : memref<50x128xf32, #tpu.memory_space<hbm>>) dst(%dma_wait3A_558 : memref<50x128xf32, #tpu.memory_space<vmem>>)
    %dma_start3A_559 = arith.constant 1 : i32
    %dma_start3A_560 = arith.constant 0 : i32
    %dma_start3A_561 = arith.constant 1 : i32
    %dma_start3A_562 = arith.constant 0 : i32
    %dma_start3A_563 = arith.constant 0 : i32
    %dma_start3A_564 = tpu.memref_slice %arg12[%dma_start3A_561, %dma_start3A_562, %dma_start3A_563] : memref<2x50x128xf32, #tpu.memory_space<vmem>> -> memref<1x50x128xf32, #tpu.memory_space<vmem>>
    %dma_start3A_565 = tpu.memref_squeeze %dma_start3A_564 : memref<1x50x128xf32, #tpu.memory_space<vmem>> -> memref<50x128xf32, #tpu.memory_space<vmem>>
    %dma_start3A_566 = arith.constant 0 : i32
    %dma_start3A_567 = tpu.memref_slice %arg8[%dma_start3A_559, %dma_start3A_560, %dma_start3A_566] : memref<2x2x50xi32, #tpu.memory_space<vmem>> -> memref<1x1x50xi32, #tpu.memory_space<vmem>>
    %dma_start3A_568 = tpu.memref_squeeze %dma_start3A_567 : memref<1x1x50xi32, #tpu.memory_space<vmem>> -> memref<50xi32, #tpu.memory_space<vmem>>
    %dma_start3A_569 = arith.constant 0 : i32
    %dma_start3A_570 = arith.constant 0 : i32
    %dma_start3A_571 = tpu.memref_slice %arg2[%dma_start3A_569, %dma_start3A_570] : memref<10240x128xf32, #tpu.memory_space<hbm>> -> memref<10240x128xf32, #tpu.memory_space<hbm>>
    tpu.enqueue_indirect_dma source(%dma_start3A_571 : memref<10240x128xf32, #tpu.memory_space<hbm>>) target(%dma_start3A_565 : memref<50x128xf32, #tpu.memory_space<vmem>>) offsets(%dma_start3A_568 : memref<50xi32, #tpu.memory_space<vmem>>) semaphore(%arg20 : memref<!tpu.dma_semaphore, #tpu.memory_space<semaphore_mem>>)
    %dma_wait3A_572 = arith.constant 0 : i32
    %dma_wait3A_573 = arith.constant 0 : i32
    %dma_wait3A_574 = arith.constant 0 : i32
    %dma_wait3A_575 = arith.constant 0 : i32
    %dma_wait3A_576 = arith.constant 0 : i32
    %dma_wait3A_577 = tpu.memref_slice %arg11[%dma_wait3A_574, %dma_wait3A_575, %dma_wait3A_576] : memref<2x50x128xf32, #tpu.memory_space<vmem>> -> memref<1x50x128xf32, #tpu.memory_space<vmem>>
    %dma_wait3A_578 = tpu.memref_squeeze %dma_wait3A_577 : memref<1x50x128xf32, #tpu.memory_space<vmem>> -> memref<50x128xf32, #tpu.memory_space<vmem>>
    %dma_wait3A_579 = arith.constant 0 : i32
    %dma_wait3A_580 = tpu.memref_slice %arg7[%dma_wait3A_572, %dma_wait3A_573, %dma_wait3A_579] : memref<2x2x50xi32, #tpu.memory_space<vmem>> -> memref<1x1x50xi32, #tpu.memory_space<vmem>>
    %dma_wait3A_581 = tpu.memref_squeeze %dma_wait3A_580 : memref<1x1x50xi32, #tpu.memory_space<vmem>> -> memref<50xi32, #tpu.memory_space<vmem>>
    %dma_wait3A_582 = arith.constant 0 : i32
    %dma_wait3A_583 = arith.constant 0 : i32
    %dma_wait3A_584 = tpu.memref_slice %arg2[%dma_wait3A_582, %dma_wait3A_583] : memref<10240x128xf32, #tpu.memory_space<hbm>> -> memref<10240x128xf32, #tpu.memory_space<hbm>>
    tpu.wait_indirect_dma semaphore(%arg17 : memref<!tpu.dma_semaphore, #tpu.memory_space<semaphore_mem>>) src(%dma_wait3A_584 : memref<10240x128xf32, #tpu.memory_space<hbm>>) dst(%dma_wait3A_578 : memref<50x128xf32, #tpu.memory_space<vmem>>)
    %dma_start3A_585 = arith.constant 0 : i32
    %dma_start3A_586 = arith.constant 0 : i32
    %dma_start3A_587 = arith.constant 1 : i32
    %dma_start3A_588 = arith.constant 0 : i32
    %dma_start3A_589 = arith.constant 0 : i32
    %dma_start3A_590 = tpu.memref_slice %arg11[%dma_start3A_585, %dma_start3A_588, %dma_start3A_589] : memref<2x50x128xf32, #tpu.memory_space<vmem>> -> memref<1x50x128xf32, #tpu.memory_space<vmem>>
    %dma_start3A_591 = tpu.memref_squeeze %dma_start3A_590 : memref<1x50x128xf32, #tpu.memory_space<vmem>> -> memref<50x128xf32, #tpu.memory_space<vmem>>
    %dma_start3A_592 = arith.constant 0 : i32
    %dma_start3A_593 = tpu.memref_slice %arg7[%dma_start3A_586, %dma_start3A_587, %dma_start3A_592] : memref<2x2x50xi32, #tpu.memory_space<vmem>> -> memref<1x1x50xi32, #tpu.memory_space<vmem>>
    %dma_start3A_594 = tpu.memref_squeeze %dma_start3A_593 : memref<1x1x50xi32, #tpu.memory_space<vmem>> -> memref<50xi32, #tpu.memory_space<vmem>>
    %dma_start3A_595 = arith.constant 0 : i32
    %dma_start3A_596 = arith.constant 0 : i32
    %dma_start3A_597 = tpu.memref_slice %arg6[%dma_start3A_595, %dma_start3A_596] : memref<10240x128xf32, #tpu.memory_space<vmem_shared>> -> memref<10240x128xf32, #tpu.memory_space<vmem_shared>>
    tpu.enqueue_indirect_dma source(%dma_start3A_591 : memref<50x128xf32, #tpu.memory_space<vmem>>) target(%dma_start3A_597 : memref<10240x128xf32, #tpu.memory_space<vmem_shared>>) offsets(%dma_start3A_594 : memref<50xi32, #tpu.memory_space<vmem>>) semaphore(%arg21 : memref<!tpu.dma_semaphore, #tpu.memory_space<semaphore_mem>>) {add = true}
    %dma_wait3A_598 = arith.constant 1 : i32
    %dma_wait3A_599 = arith.constant 0 : i32
    %dma_wait3A_600 = arith.constant 1 : i32
    %dma_wait3A_601 = arith.constant 0 : i32
    %dma_wait3A_602 = arith.constant 0 : i32
    %dma_wait3A_603 = tpu.memref_slice %arg11[%dma_wait3A_600, %dma_wait3A_601, %dma_wait3A_602] : memref<2x50x128xf32, #tpu.memory_space<vmem>> -> memref<1x50x128xf32, #tpu.memory_space<vmem>>
    %dma_wait3A_604 = tpu.memref_squeeze %dma_wait3A_603 : memref<1x50x128xf32, #tpu.memory_space<vmem>> -> memref<50x128xf32, #tpu.memory_space<vmem>>
    %dma_wait3A_605 = arith.constant 0 : i32
    %dma_wait3A_606 = tpu.memref_slice %arg7[%dma_wait3A_598, %dma_wait3A_599, %dma_wait3A_605] : memref<2x2x50xi32, #tpu.memory_space<vmem>> -> memref<1x1x50xi32, #tpu.memory_space<vmem>>
    %dma_wait3A_607 = tpu.memref_squeeze %dma_wait3A_606 : memref<1x1x50xi32, #tpu.memory_space<vmem>> -> memref<50xi32, #tpu.memory_space<vmem>>
    %dma_wait3A_608 = arith.constant 0 : i32
    %dma_wait3A_609 = arith.constant 0 : i32
    %dma_wait3A_610 = tpu.memref_slice %arg2[%dma_wait3A_608, %dma_wait3A_609] : memref<10240x128xf32, #tpu.memory_space<hbm>> -> memref<10240x128xf32, #tpu.memory_space<hbm>>
    tpu.wait_indirect_dma semaphore(%arg18 : memref<!tpu.dma_semaphore, #tpu.memory_space<semaphore_mem>>) src(%dma_wait3A_610 : memref<10240x128xf32, #tpu.memory_space<hbm>>) dst(%dma_wait3A_604 : memref<50x128xf32, #tpu.memory_space<vmem>>)
    %dma_start3A_611 = arith.constant 1 : i32
    %dma_start3A_612 = arith.constant 1 : i32
    %dma_start3A_613 = arith.constant 1 : i32
    %dma_start3A_614 = arith.constant 0 : i32
    %dma_start3A_615 = arith.constant 0 : i32
    %dma_start3A_616 = tpu.memref_slice %arg11[%dma_start3A_611, %dma_start3A_614, %dma_start3A_615] : memref<2x50x128xf32, #tpu.memory_space<vmem>> -> memref<1x50x128xf32, #tpu.memory_space<vmem>>
    %dma_start3A_617 = tpu.memref_squeeze %dma_start3A_616 : memref<1x50x128xf32, #tpu.memory_space<vmem>> -> memref<50x128xf32, #tpu.memory_space<vmem>>
    %dma_start3A_618 = arith.constant 0 : i32
    %dma_start3A_619 = tpu.memref_slice %arg7[%dma_start3A_612, %dma_start3A_613, %dma_start3A_618] : memref<2x2x50xi32, #tpu.memory_space<vmem>> -> memref<1x1x50xi32, #tpu.memory_space<vmem>>
    %dma_start3A_620 = tpu.memref_squeeze %dma_start3A_619 : memref<1x1x50xi32, #tpu.memory_space<vmem>> -> memref<50xi32, #tpu.memory_space<vmem>>
    %dma_start3A_621 = arith.constant 0 : i32
    %dma_start3A_622 = arith.constant 0 : i32
    %dma_start3A_623 = tpu.memref_slice %arg6[%dma_start3A_621, %dma_start3A_622] : memref<10240x128xf32, #tpu.memory_space<vmem_shared>> -> memref<10240x128xf32, #tpu.memory_space<vmem_shared>>
    tpu.enqueue_indirect_dma source(%dma_start3A_617 : memref<50x128xf32, #tpu.memory_space<vmem>>) target(%dma_start3A_623 : memref<10240x128xf32, #tpu.memory_space<vmem_shared>>) offsets(%dma_start3A_620 : memref<50xi32, #tpu.memory_space<vmem>>) semaphore(%arg22 : memref<!tpu.dma_semaphore, #tpu.memory_space<semaphore_mem>>) {add = true}
    %dma_start3A_624 = arith.constant 198 : i32
    %dma_start3A_625 = arith.constant 0 : i32
    %dma_start3A_626 = arith.constant 0 : i32
    %dma_start3A_627 = tpu.memref_slice %arg3[%add3A, %dma_start3A_624, %dma_start3A_625, %dma_start3A_626] : memref<32x200x2x50xi32, #tpu.memory_space<hbm>> -> memref<1x2x2x50xi32, #tpu.memory_space<hbm>>
    %dma_start3A_628 = tpu.memref_squeeze %dma_start3A_627 : memref<1x2x2x50xi32, #tpu.memory_space<hbm>> -> memref<2x2x50xi32, #tpu.memory_space<hbm>>
    %dma_start3A_629 = arith.constant 198 : i32
    %dma_start3A_630 = arith.constant 0 : i32
    %dma_start3A_631 = arith.constant 0 : i32
    %dma_start3A_632 = tpu.memref_slice %arg3[%add3A, %dma_start3A_629, %dma_start3A_630, %dma_start3A_631] : memref<32x200x2x50xi32, #tpu.memory_space<hbm>> -> memref<1x2x2x50xi32, #tpu.memory_space<hbm>>
    %dma_start3A_633 = tpu.memref_squeeze %dma_start3A_632 : memref<1x2x2x50xi32, #tpu.memory_space<hbm>> -> memref<2x2x50xi32, #tpu.memory_space<hbm>>
    tpu.enqueue_dma source(%dma_start3A_633 : memref<2x2x50xi32, #tpu.memory_space<hbm>>) target(%arg10 : memref<2x2x50xi32, #tpu.memory_space<vmem>>) target_semaphore(%arg16 : memref<!tpu.dma_semaphore, #tpu.memory_space<semaphore_mem>>)
    %dma_wait3A_634 = arith.constant 196 : i32
    %dma_wait3A_635 = arith.constant 0 : i32
    %dma_wait3A_636 = arith.constant 0 : i32
    %dma_wait3A_637 = tpu.memref_slice %arg3[%add3A, %dma_wait3A_634, %dma_wait3A_635, %dma_wait3A_636] : memref<32x200x2x50xi32, #tpu.memory_space<hbm>> -> memref<1x2x2x50xi32, #tpu.memory_space<hbm>>
    %dma_wait3A_638 = tpu.memref_squeeze %dma_wait3A_637 : memref<1x2x2x50xi32, #tpu.memory_space<hbm>> -> memref<2x2x50xi32, #tpu.memory_space<hbm>>
    %dma_wait3A_639 = arith.constant 196 : i32
    %dma_wait3A_640 = arith.constant 0 : i32
    %dma_wait3A_641 = arith.constant 0 : i32
    %dma_wait3A_642 = tpu.memref_slice %arg3[%add3A, %dma_wait3A_639, %dma_wait3A_640, %dma_wait3A_641] : memref<32x200x2x50xi32, #tpu.memory_space<hbm>> -> memref<1x2x2x50xi32, #tpu.memory_space<hbm>>
    %dma_wait3A_643 = tpu.memref_squeeze %dma_wait3A_642 : memref<1x2x2x50xi32, #tpu.memory_space<hbm>> -> memref<2x2x50xi32, #tpu.memory_space<hbm>>
    tpu.wait_dma2 semaphore(%arg15 : memref<!tpu.dma_semaphore, #tpu.memory_space<semaphore_mem>>) src(%dma_wait3A_643 : memref<2x2x50xi32, #tpu.memory_space<hbm>>) dst(%arg9 : memref<2x2x50xi32, #tpu.memory_space<vmem>>)
    %dma_wait3A_644 = arith.constant 0 : i32
    %dma_wait3A_645 = arith.constant 0 : i32
    %dma_wait3A_646 = arith.constant 0 : i32
    %dma_wait3A_647 = tpu.memref_slice %arg11[%dma_wait3A_644, %dma_wait3A_645, %dma_wait3A_646] : memref<2x50x128xf32, #tpu.memory_space<vmem>> -> memref<1x50x128xf32, #tpu.memory_space<vmem>>
    %dma_wait3A_648 = tpu.memref_squeeze %dma_wait3A_647 : memref<1x50x128xf32, #tpu.memory_space<vmem>> -> memref<50x128xf32, #tpu.memory_space<vmem>>
    %dma_wait3A_649 = arith.constant 0 : i32
    %dma_wait3A_650 = arith.constant 0 : i32
    %dma_wait3A_651 = tpu.memref_slice %arg11[%dma_wait3A_644, %dma_wait3A_649, %dma_wait3A_650] : memref<2x50x128xf32, #tpu.memory_space<vmem>> -> memref<1x50x128xf32, #tpu.memory_space<vmem>>
    %dma_wait3A_652 = tpu.memref_squeeze %dma_wait3A_651 : memref<1x50x128xf32, #tpu.memory_space<vmem>> -> memref<50x128xf32, #tpu.memory_space<vmem>>
    tpu.wait_dma2 semaphore(%arg21 : memref<!tpu.dma_semaphore, #tpu.memory_space<semaphore_mem>>) src(%arg4 : memref<50x128xf32, #tpu.memory_space<hbm>>) dst(%dma_wait3A_652 : memref<50x128xf32, #tpu.memory_space<vmem>>)
    %dma_start3A_653 = arith.constant 0 : i32
    %dma_start3A_654 = arith.constant 0 : i32
    %dma_start3A_655 = arith.constant 0 : i32
    %dma_start3A_656 = arith.constant 0 : i32
    %dma_start3A_657 = arith.constant 0 : i32
    %dma_start3A_658 = tpu.memref_slice %arg11[%dma_start3A_655, %dma_start3A_656, %dma_start3A_657] : memref<2x50x128xf32, #tpu.memory_space<vmem>> -> memref<1x50x128xf32, #tpu.memory_space<vmem>>
    %dma_start3A_659 = tpu.memref_squeeze %dma_start3A_658 : memref<1x50x128xf32, #tpu.memory_space<vmem>> -> memref<50x128xf32, #tpu.memory_space<vmem>>
    %dma_start3A_660 = arith.constant 0 : i32
    %dma_start3A_661 = tpu.memref_slice %arg9[%dma_start3A_653, %dma_start3A_654, %dma_start3A_660] : memref<2x2x50xi32, #tpu.memory_space<vmem>> -> memref<1x1x50xi32, #tpu.memory_space<vmem>>
    %dma_start3A_662 = tpu.memref_squeeze %dma_start3A_661 : memref<1x1x50xi32, #tpu.memory_space<vmem>> -> memref<50xi32, #tpu.memory_space<vmem>>
    %dma_start3A_663 = arith.constant 0 : i32
    %dma_start3A_664 = arith.constant 0 : i32
    %dma_start3A_665 = tpu.memref_slice %arg2[%dma_start3A_663, %dma_start3A_664] : memref<10240x128xf32, #tpu.memory_space<hbm>> -> memref<10240x128xf32, #tpu.memory_space<hbm>>
    tpu.enqueue_indirect_dma source(%dma_start3A_665 : memref<10240x128xf32, #tpu.memory_space<hbm>>) target(%dma_start3A_659 : memref<50x128xf32, #tpu.memory_space<vmem>>) offsets(%dma_start3A_662 : memref<50xi32, #tpu.memory_space<vmem>>) semaphore(%arg17 : memref<!tpu.dma_semaphore, #tpu.memory_space<semaphore_mem>>)
    %dma_wait3A_666 = arith.constant 1 : i32
    %dma_wait3A_667 = arith.constant 0 : i32
    %dma_wait3A_668 = arith.constant 0 : i32
    %dma_wait3A_669 = tpu.memref_slice %arg11[%dma_wait3A_666, %dma_wait3A_667, %dma_wait3A_668] : memref<2x50x128xf32, #tpu.memory_space<vmem>> -> memref<1x50x128xf32, #tpu.memory_space<vmem>>
    %dma_wait3A_670 = tpu.memref_squeeze %dma_wait3A_669 : memref<1x50x128xf32, #tpu.memory_space<vmem>> -> memref<50x128xf32, #tpu.memory_space<vmem>>
    %dma_wait3A_671 = arith.constant 0 : i32
    %dma_wait3A_672 = arith.constant 0 : i32
    %dma_wait3A_673 = tpu.memref_slice %arg11[%dma_wait3A_666, %dma_wait3A_671, %dma_wait3A_672] : memref<2x50x128xf32, #tpu.memory_space<vmem>> -> memref<1x50x128xf32, #tpu.memory_space<vmem>>
    %dma_wait3A_674 = tpu.memref_squeeze %dma_wait3A_673 : memref<1x50x128xf32, #tpu.memory_space<vmem>> -> memref<50x128xf32, #tpu.memory_space<vmem>>
    tpu.wait_dma2 semaphore(%arg22 : memref<!tpu.dma_semaphore, #tpu.memory_space<semaphore_mem>>) src(%arg4 : memref<50x128xf32, #tpu.memory_space<hbm>>) dst(%dma_wait3A_674 : memref<50x128xf32, #tpu.memory_space<vmem>>)
    %dma_start3A_675 = arith.constant 1 : i32
    %dma_start3A_676 = arith.constant 0 : i32
    %dma_start3A_677 = arith.constant 1 : i32
    %dma_start3A_678 = arith.constant 0 : i32
    %dma_start3A_679 = arith.constant 0 : i32
    %dma_start3A_680 = tpu.memref_slice %arg11[%dma_start3A_677, %dma_start3A_678, %dma_start3A_679] : memref<2x50x128xf32, #tpu.memory_space<vmem>> -> memref<1x50x128xf32, #tpu.memory_space<vmem>>
    %dma_start3A_681 = tpu.memref_squeeze %dma_start3A_680 : memref<1x50x128xf32, #tpu.memory_space<vmem>> -> memref<50x128xf32, #tpu.memory_space<vmem>>
    %dma_start3A_682 = arith.constant 0 : i32
    %dma_start3A_683 = tpu.memref_slice %arg9[%dma_start3A_675, %dma_start3A_676, %dma_start3A_682] : memref<2x2x50xi32, #tpu.memory_space<vmem>> -> memref<1x1x50xi32, #tpu.memory_space<vmem>>
    %dma_start3A_684 = tpu.memref_squeeze %dma_start3A_683 : memref<1x1x50xi32, #tpu.memory_space<vmem>> -> memref<50xi32, #tpu.memory_space<vmem>>
    %dma_start3A_685 = arith.constant 0 : i32
    %dma_start3A_686 = arith.constant 0 : i32
    %dma_start3A_687 = tpu.memref_slice %arg2[%dma_start3A_685, %dma_start3A_686] : memref<10240x128xf32, #tpu.memory_space<hbm>> -> memref<10240x128xf32, #tpu.memory_space<hbm>>
    tpu.enqueue_indirect_dma source(%dma_start3A_687 : memref<10240x128xf32, #tpu.memory_space<hbm>>) target(%dma_start3A_681 : memref<50x128xf32, #tpu.memory_space<vmem>>) offsets(%dma_start3A_684 : memref<50xi32, #tpu.memory_space<vmem>>) semaphore(%arg18 : memref<!tpu.dma_semaphore, #tpu.memory_space<semaphore_mem>>)
    %dma_wait3A_688 = arith.constant 0 : i32
    %dma_wait3A_689 = arith.constant 0 : i32
    %dma_wait3A_690 = arith.constant 0 : i32
    %dma_wait3A_691 = arith.constant 0 : i32
    %dma_wait3A_692 = arith.constant 0 : i32
    %dma_wait3A_693 = tpu.memref_slice %arg12[%dma_wait3A_690, %dma_wait3A_691, %dma_wait3A_692] : memref<2x50x128xf32, #tpu.memory_space<vmem>> -> memref<1x50x128xf32, #tpu.memory_space<vmem>>
    %dma_wait3A_694 = tpu.memref_squeeze %dma_wait3A_693 : memref<1x50x128xf32, #tpu.memory_space<vmem>> -> memref<50x128xf32, #tpu.memory_space<vmem>>
    %dma_wait3A_695 = arith.constant 0 : i32
    %dma_wait3A_696 = tpu.memref_slice %arg8[%dma_wait3A_688, %dma_wait3A_689, %dma_wait3A_695] : memref<2x2x50xi32, #tpu.memory_space<vmem>> -> memref<1x1x50xi32, #tpu.memory_space<vmem>>
    %dma_wait3A_697 = tpu.memref_squeeze %dma_wait3A_696 : memref<1x1x50xi32, #tpu.memory_space<vmem>> -> memref<50xi32, #tpu.memory_space<vmem>>
    %dma_wait3A_698 = arith.constant 0 : i32
    %dma_wait3A_699 = arith.constant 0 : i32
    %dma_wait3A_700 = tpu.memref_slice %arg2[%dma_wait3A_698, %dma_wait3A_699] : memref<10240x128xf32, #tpu.memory_space<hbm>> -> memref<10240x128xf32, #tpu.memory_space<hbm>>
    tpu.wait_indirect_dma semaphore(%arg19 : memref<!tpu.dma_semaphore, #tpu.memory_space<semaphore_mem>>) src(%dma_wait3A_700 : memref<10240x128xf32, #tpu.memory_space<hbm>>) dst(%dma_wait3A_694 : memref<50x128xf32, #tpu.memory_space<vmem>>)
    %dma_start3A_701 = arith.constant 0 : i32
    %dma_start3A_702 = arith.constant 0 : i32
    %dma_start3A_703 = arith.constant 1 : i32
    %dma_start3A_704 = arith.constant 0 : i32
    %dma_start3A_705 = arith.constant 0 : i32
    %dma_start3A_706 = tpu.memref_slice %arg12[%dma_start3A_701, %dma_start3A_704, %dma_start3A_705] : memref<2x50x128xf32, #tpu.memory_space<vmem>> -> memref<1x50x128xf32, #tpu.memory_space<vmem>>
    %dma_start3A_707 = tpu.memref_squeeze %dma_start3A_706 : memref<1x50x128xf32, #tpu.memory_space<vmem>> -> memref<50x128xf32, #tpu.memory_space<vmem>>
    %dma_start3A_708 = arith.constant 0 : i32
    %dma_start3A_709 = tpu.memref_slice %arg8[%dma_start3A_702, %dma_start3A_703, %dma_start3A_708] : memref<2x2x50xi32, #tpu.memory_space<vmem>> -> memref<1x1x50xi32, #tpu.memory_space<vmem>>
    %dma_start3A_710 = tpu.memref_squeeze %dma_start3A_709 : memref<1x1x50xi32, #tpu.memory_space<vmem>> -> memref<50xi32, #tpu.memory_space<vmem>>
    %dma_start3A_711 = arith.constant 0 : i32
    %dma_start3A_712 = arith.constant 0 : i32
    %dma_start3A_713 = tpu.memref_slice %arg6[%dma_start3A_711, %dma_start3A_712] : memref<10240x128xf32, #tpu.memory_space<vmem_shared>> -> memref<10240x128xf32, #tpu.memory_space<vmem_shared>>
    tpu.enqueue_indirect_dma source(%dma_start3A_707 : memref<50x128xf32, #tpu.memory_space<vmem>>) target(%dma_start3A_713 : memref<10240x128xf32, #tpu.memory_space<vmem_shared>>) offsets(%dma_start3A_710 : memref<50xi32, #tpu.memory_space<vmem>>) semaphore(%arg23 : memref<!tpu.dma_semaphore, #tpu.memory_space<semaphore_mem>>) {add = true}
    %dma_wait3A_714 = arith.constant 1 : i32
    %dma_wait3A_715 = arith.constant 0 : i32
    %dma_wait3A_716 = arith.constant 1 : i32
    %dma_wait3A_717 = arith.constant 0 : i32
    %dma_wait3A_718 = arith.constant 0 : i32
    %dma_wait3A_719 = tpu.memref_slice %arg12[%dma_wait3A_716, %dma_wait3A_717, %dma_wait3A_718] : memref<2x50x128xf32, #tpu.memory_space<vmem>> -> memref<1x50x128xf32, #tpu.memory_space<vmem>>
    %dma_wait3A_720 = tpu.memref_squeeze %dma_wait3A_719 : memref<1x50x128xf32, #tpu.memory_space<vmem>> -> memref<50x128xf32, #tpu.memory_space<vmem>>
    %dma_wait3A_721 = arith.constant 0 : i32
    %dma_wait3A_722 = tpu.memref_slice %arg8[%dma_wait3A_714, %dma_wait3A_715, %dma_wait3A_721] : memref<2x2x50xi32, #tpu.memory_space<vmem>> -> memref<1x1x50xi32, #tpu.memory_space<vmem>>
    %dma_wait3A_723 = tpu.memref_squeeze %dma_wait3A_722 : memref<1x1x50xi32, #tpu.memory_space<vmem>> -> memref<50xi32, #tpu.memory_space<vmem>>
    %dma_wait3A_724 = arith.constant 0 : i32
    %dma_wait3A_725 = arith.constant 0 : i32
    %dma_wait3A_726 = tpu.memref_slice %arg2[%dma_wait3A_724, %dma_wait3A_725] : memref<10240x128xf32, #tpu.memory_space<hbm>> -> memref<10240x128xf32, #tpu.memory_space<hbm>>
    tpu.wait_indirect_dma semaphore(%arg20 : memref<!tpu.dma_semaphore, #tpu.memory_space<semaphore_mem>>) src(%dma_wait3A_726 : memref<10240x128xf32, #tpu.memory_space<hbm>>) dst(%dma_wait3A_720 : memref<50x128xf32, #tpu.memory_space<vmem>>)
    %dma_start3A_727 = arith.constant 1 : i32
    %dma_start3A_728 = arith.constant 1 : i32
    %dma_start3A_729 = arith.constant 1 : i32
    %dma_start3A_730 = arith.constant 0 : i32
    %dma_start3A_731 = arith.constant 0 : i32
    %dma_start3A_732 = tpu.memref_slice %arg12[%dma_start3A_727, %dma_start3A_730, %dma_start3A_731] : memref<2x50x128xf32, #tpu.memory_space<vmem>> -> memref<1x50x128xf32, #tpu.memory_space<vmem>>
    %dma_start3A_733 = tpu.memref_squeeze %dma_start3A_732 : memref<1x50x128xf32, #tpu.memory_space<vmem>> -> memref<50x128xf32, #tpu.memory_space<vmem>>
    %dma_start3A_734 = arith.constant 0 : i32
    %dma_start3A_735 = tpu.memref_slice %arg8[%dma_start3A_728, %dma_start3A_729, %dma_start3A_734] : memref<2x2x50xi32, #tpu.memory_space<vmem>> -> memref<1x1x50xi32, #tpu.memory_space<vmem>>
    %dma_start3A_736 = tpu.memref_squeeze %dma_start3A_735 : memref<1x1x50xi32, #tpu.memory_space<vmem>> -> memref<50xi32, #tpu.memory_space<vmem>>
    %dma_start3A_737 = arith.constant 0 : i32
    %dma_start3A_738 = arith.constant 0 : i32
    %dma_start3A_739 = tpu.memref_slice %arg6[%dma_start3A_737, %dma_start3A_738] : memref<10240x128xf32, #tpu.memory_space<vmem_shared>> -> memref<10240x128xf32, #tpu.memory_space<vmem_shared>>
    tpu.enqueue_indirect_dma source(%dma_start3A_733 : memref<50x128xf32, #tpu.memory_space<vmem>>) target(%dma_start3A_739 : memref<10240x128xf32, #tpu.memory_space<vmem_shared>>) offsets(%dma_start3A_736 : memref<50xi32, #tpu.memory_space<vmem>>) semaphore(%arg24 : memref<!tpu.dma_semaphore, #tpu.memory_space<semaphore_mem>>) {add = true}
    %dma_wait3A_740 = arith.constant 198 : i32
    %dma_wait3A_741 = arith.constant 0 : i32
    %dma_wait3A_742 = arith.constant 0 : i32
    %dma_wait3A_743 = tpu.memref_slice %arg3[%add3A, %dma_wait3A_740, %dma_wait3A_741, %dma_wait3A_742] : memref<32x200x2x50xi32, #tpu.memory_space<hbm>> -> memref<1x2x2x50xi32, #tpu.memory_space<hbm>>
    %dma_wait3A_744 = tpu.memref_squeeze %dma_wait3A_743 : memref<1x2x2x50xi32, #tpu.memory_space<hbm>> -> memref<2x2x50xi32, #tpu.memory_space<hbm>>
    %dma_wait3A_745 = arith.constant 198 : i32
    %dma_wait3A_746 = arith.constant 0 : i32
    %dma_wait3A_747 = arith.constant 0 : i32
    %dma_wait3A_748 = tpu.memref_slice %arg3[%add3A, %dma_wait3A_745, %dma_wait3A_746, %dma_wait3A_747] : memref<32x200x2x50xi32, #tpu.memory_space<hbm>> -> memref<1x2x2x50xi32, #tpu.memory_space<hbm>>
    %dma_wait3A_749 = tpu.memref_squeeze %dma_wait3A_748 : memref<1x2x2x50xi32, #tpu.memory_space<hbm>> -> memref<2x2x50xi32, #tpu.memory_space<hbm>>
    tpu.wait_dma2 semaphore(%arg16 : memref<!tpu.dma_semaphore, #tpu.memory_space<semaphore_mem>>) src(%dma_wait3A_749 : memref<2x2x50xi32, #tpu.memory_space<hbm>>) dst(%arg10 : memref<2x2x50xi32, #tpu.memory_space<vmem>>)
    %dma_wait3A_750 = arith.constant 0 : i32
    %dma_wait3A_751 = arith.constant 0 : i32
    %dma_wait3A_752 = arith.constant 0 : i32
    %dma_wait3A_753 = tpu.memref_slice %arg12[%dma_wait3A_750, %dma_wait3A_751, %dma_wait3A_752] : memref<2x50x128xf32, #tpu.memory_space<vmem>> -> memref<1x50x128xf32, #tpu.memory_space<vmem>>
    %dma_wait3A_754 = tpu.memref_squeeze %dma_wait3A_753 : memref<1x50x128xf32, #tpu.memory_space<vmem>> -> memref<50x128xf32, #tpu.memory_space<vmem>>
    %dma_wait3A_755 = arith.constant 0 : i32
    %dma_wait3A_756 = arith.constant 0 : i32
    %dma_wait3A_757 = tpu.memref_slice %arg12[%dma_wait3A_750, %dma_wait3A_755, %dma_wait3A_756] : memref<2x50x128xf32, #tpu.memory_space<vmem>> -> memref<1x50x128xf32, #tpu.memory_space<vmem>>
    %dma_wait3A_758 = tpu.memref_squeeze %dma_wait3A_757 : memref<1x50x128xf32, #tpu.memory_space<vmem>> -> memref<50x128xf32, #tpu.memory_space<vmem>>
    tpu.wait_dma2 semaphore(%arg23 : memref<!tpu.dma_semaphore, #tpu.memory_space<semaphore_mem>>) src(%arg4 : memref<50x128xf32, #tpu.memory_space<hbm>>) dst(%dma_wait3A_758 : memref<50x128xf32, #tpu.memory_space<vmem>>)
    %dma_start3A_759 = arith.constant 0 : i32
    %dma_start3A_760 = arith.constant 0 : i32
    %dma_start3A_761 = arith.constant 0 : i32
    %dma_start3A_762 = arith.constant 0 : i32
    %dma_start3A_763 = arith.constant 0 : i32
    %dma_start3A_764 = tpu.memref_slice %arg12[%dma_start3A_761, %dma_start3A_762, %dma_start3A_763] : memref<2x50x128xf32, #tpu.memory_space<vmem>> -> memref<1x50x128xf32, #tpu.memory_space<vmem>>
    %dma_start3A_765 = tpu.memref_squeeze %dma_start3A_764 : memref<1x50x128xf32, #tpu.memory_space<vmem>> -> memref<50x128xf32, #tpu.memory_space<vmem>>
    %dma_start3A_766 = arith.constant 0 : i32
    %dma_start3A_767 = tpu.memref_slice %arg10[%dma_start3A_759, %dma_start3A_760, %dma_start3A_766] : memref<2x2x50xi32, #tpu.memory_space<vmem>> -> memref<1x1x50xi32, #tpu.memory_space<vmem>>
    %dma_start3A_768 = tpu.memref_squeeze %dma_start3A_767 : memref<1x1x50xi32, #tpu.memory_space<vmem>> -> memref<50xi32, #tpu.memory_space<vmem>>
    %dma_start3A_769 = arith.constant 0 : i32
    %dma_start3A_770 = arith.constant 0 : i32
    %dma_start3A_771 = tpu.memref_slice %arg2[%dma_start3A_769, %dma_start3A_770] : memref<10240x128xf32, #tpu.memory_space<hbm>> -> memref<10240x128xf32, #tpu.memory_space<hbm>>
    tpu.enqueue_indirect_dma source(%dma_start3A_771 : memref<10240x128xf32, #tpu.memory_space<hbm>>) target(%dma_start3A_765 : memref<50x128xf32, #tpu.memory_space<vmem>>) offsets(%dma_start3A_768 : memref<50xi32, #tpu.memory_space<vmem>>) semaphore(%arg19 : memref<!tpu.dma_semaphore, #tpu.memory_space<semaphore_mem>>)
    %dma_wait3A_772 = arith.constant 1 : i32
    %dma_wait3A_773 = arith.constant 0 : i32
    %dma_wait3A_774 = arith.constant 0 : i32
    %dma_wait3A_775 = tpu.memref_slice %arg12[%dma_wait3A_772, %dma_wait3A_773, %dma_wait3A_774] : memref<2x50x128xf32, #tpu.memory_space<vmem>> -> memref<1x50x128xf32, #tpu.memory_space<vmem>>
    %dma_wait3A_776 = tpu.memref_squeeze %dma_wait3A_775 : memref<1x50x128xf32, #tpu.memory_space<vmem>> -> memref<50x128xf32, #tpu.memory_space<vmem>>
    %dma_wait3A_777 = arith.constant 0 : i32
    %dma_wait3A_778 = arith.constant 0 : i32
    %dma_wait3A_779 = tpu.memref_slice %arg12[%dma_wait3A_772, %dma_wait3A_777, %dma_wait3A_778] : memref<2x50x128xf32, #tpu.memory_space<vmem>> -> memref<1x50x128xf32, #tpu.memory_space<vmem>>
    %dma_wait3A_780 = tpu.memref_squeeze %dma_wait3A_779 : memref<1x50x128xf32, #tpu.memory_space<vmem>> -> memref<50x128xf32, #tpu.memory_space<vmem>>
    tpu.wait_dma2 semaphore(%arg24 : memref<!tpu.dma_semaphore, #tpu.memory_space<semaphore_mem>>) src(%arg4 : memref<50x128xf32, #tpu.memory_space<hbm>>) dst(%dma_wait3A_780 : memref<50x128xf32, #tpu.memory_space<vmem>>)
    %dma_start3A_781 = arith.constant 1 : i32
    %dma_start3A_782 = arith.constant 0 : i32
    %dma_start3A_783 = arith.constant 1 : i32
    %dma_start3A_784 = arith.constant 0 : i32
    %dma_start3A_785 = arith.constant 0 : i32
    %dma_start3A_786 = tpu.memref_slice %arg12[%dma_start3A_783, %dma_start3A_784, %dma_start3A_785] : memref<2x50x128xf32, #tpu.memory_space<vmem>> -> memref<1x50x128xf32, #tpu.memory_space<vmem>>
    %dma_start3A_787 = tpu.memref_squeeze %dma_start3A_786 : memref<1x50x128xf32, #tpu.memory_space<vmem>> -> memref<50x128xf32, #tpu.memory_space<vmem>>
    %dma_start3A_788 = arith.constant 0 : i32
    %dma_start3A_789 = tpu.memref_slice %arg10[%dma_start3A_781, %dma_start3A_782, %dma_start3A_788] : memref<2x2x50xi32, #tpu.memory_space<vmem>> -> memref<1x1x50xi32, #tpu.memory_space<vmem>>
    %dma_start3A_790 = tpu.memref_squeeze %dma_start3A_789 : memref<1x1x50xi32, #tpu.memory_space<vmem>> -> memref<50xi32, #tpu.memory_space<vmem>>
    %dma_start3A_791 = arith.constant 0 : i32
    %dma_start3A_792 = arith.constant 0 : i32
    %dma_start3A_793 = tpu.memref_slice %arg2[%dma_start3A_791, %dma_start3A_792] : memref<10240x128xf32, #tpu.memory_space<hbm>> -> memref<10240x128xf32, #tpu.memory_space<hbm>>
    tpu.enqueue_indirect_dma source(%dma_start3A_793 : memref<10240x128xf32, #tpu.memory_space<hbm>>) target(%dma_start3A_787 : memref<50x128xf32, #tpu.memory_space<vmem>>) offsets(%dma_start3A_790 : memref<50xi32, #tpu.memory_space<vmem>>) semaphore(%arg20 : memref<!tpu.dma_semaphore, #tpu.memory_space<semaphore_mem>>)
    %dma_wait3A_794 = arith.constant 0 : i32
    %dma_wait3A_795 = arith.constant 0 : i32
    %dma_wait3A_796 = arith.constant 0 : i32
    %dma_wait3A_797 = arith.constant 0 : i32
    %dma_wait3A_798 = arith.constant 0 : i32
    %dma_wait3A_799 = tpu.memref_slice %arg11[%dma_wait3A_796, %dma_wait3A_797, %dma_wait3A_798] : memref<2x50x128xf32, #tpu.memory_space<vmem>> -> memref<1x50x128xf32, #tpu.memory_space<vmem>>
    %dma_wait3A_800 = tpu.memref_squeeze %dma_wait3A_799 : memref<1x50x128xf32, #tpu.memory_space<vmem>> -> memref<50x128xf32, #tpu.memory_space<vmem>>
    %dma_wait3A_801 = arith.constant 0 : i32
    %dma_wait3A_802 = tpu.memref_slice %arg9[%dma_wait3A_794, %dma_wait3A_795, %dma_wait3A_801] : memref<2x2x50xi32, #tpu.memory_space<vmem>> -> memref<1x1x50xi32, #tpu.memory_space<vmem>>
    %dma_wait3A_803 = tpu.memref_squeeze %dma_wait3A_802 : memref<1x1x50xi32, #tpu.memory_space<vmem>> -> memref<50xi32, #tpu.memory_space<vmem>>
    %dma_wait3A_804 = arith.constant 0 : i32
    %dma_wait3A_805 = arith.constant 0 : i32
    %dma_wait3A_806 = tpu.memref_slice %arg2[%dma_wait3A_804, %dma_wait3A_805] : memref<10240x128xf32, #tpu.memory_space<hbm>> -> memref<10240x128xf32, #tpu.memory_space<hbm>>
    tpu.wait_indirect_dma semaphore(%arg17 : memref<!tpu.dma_semaphore, #tpu.memory_space<semaphore_mem>>) src(%dma_wait3A_806 : memref<10240x128xf32, #tpu.memory_space<hbm>>) dst(%dma_wait3A_800 : memref<50x128xf32, #tpu.memory_space<vmem>>)
    %dma_start3A_807 = arith.constant 0 : i32
    %dma_start3A_808 = arith.constant 0 : i32
    %dma_start3A_809 = arith.constant 1 : i32
    %dma_start3A_810 = arith.constant 0 : i32
    %dma_start3A_811 = arith.constant 0 : i32
    %dma_start3A_812 = tpu.memref_slice %arg11[%dma_start3A_807, %dma_start3A_810, %dma_start3A_811] : memref<2x50x128xf32, #tpu.memory_space<vmem>> -> memref<1x50x128xf32, #tpu.memory_space<vmem>>
    %dma_start3A_813 = tpu.memref_squeeze %dma_start3A_812 : memref<1x50x128xf32, #tpu.memory_space<vmem>> -> memref<50x128xf32, #tpu.memory_space<vmem>>
    %dma_start3A_814 = arith.constant 0 : i32
    %dma_start3A_815 = tpu.memref_slice %arg9[%dma_start3A_808, %dma_start3A_809, %dma_start3A_814] : memref<2x2x50xi32, #tpu.memory_space<vmem>> -> memref<1x1x50xi32, #tpu.memory_space<vmem>>
    %dma_start3A_816 = tpu.memref_squeeze %dma_start3A_815 : memref<1x1x50xi32, #tpu.memory_space<vmem>> -> memref<50xi32, #tpu.memory_space<vmem>>
    %dma_start3A_817 = arith.constant 0 : i32
    %dma_start3A_818 = arith.constant 0 : i32
    %dma_start3A_819 = tpu.memref_slice %arg6[%dma_start3A_817, %dma_start3A_818] : memref<10240x128xf32, #tpu.memory_space<vmem_shared>> -> memref<10240x128xf32, #tpu.memory_space<vmem_shared>>
    tpu.enqueue_indirect_dma source(%dma_start3A_813 : memref<50x128xf32, #tpu.memory_space<vmem>>) target(%dma_start3A_819 : memref<10240x128xf32, #tpu.memory_space<vmem_shared>>) offsets(%dma_start3A_816 : memref<50xi32, #tpu.memory_space<vmem>>) semaphore(%arg21 : memref<!tpu.dma_semaphore, #tpu.memory_space<semaphore_mem>>) {add = true}
    %dma_wait3A_820 = arith.constant 1 : i32
    %dma_wait3A_821 = arith.constant 0 : i32
    %dma_wait3A_822 = arith.constant 1 : i32
    %dma_wait3A_823 = arith.constant 0 : i32
    %dma_wait3A_824 = arith.constant 0 : i32
    %dma_wait3A_825 = tpu.memref_slice %arg11[%dma_wait3A_822, %dma_wait3A_823, %dma_wait3A_824] : memref<2x50x128xf32, #tpu.memory_space<vmem>> -> memref<1x50x128xf32, #tpu.memory_space<vmem>>
    %dma_wait3A_826 = tpu.memref_squeeze %dma_wait3A_825 : memref<1x50x128xf32, #tpu.memory_space<vmem>> -> memref<50x128xf32, #tpu.memory_space<vmem>>
    %dma_wait3A_827 = arith.constant 0 : i32
    %dma_wait3A_828 = tpu.memref_slice %arg9[%dma_wait3A_820, %dma_wait3A_821, %dma_wait3A_827] : memref<2x2x50xi32, #tpu.memory_space<vmem>> -> memref<1x1x50xi32, #tpu.memory_space<vmem>>
    %dma_wait3A_829 = tpu.memref_squeeze %dma_wait3A_828 : memref<1x1x50xi32, #tpu.memory_space<vmem>> -> memref<50xi32, #tpu.memory_space<vmem>>
    %dma_wait3A_830 = arith.constant 0 : i32
    %dma_wait3A_831 = arith.constant 0 : i32
    %dma_wait3A_832 = tpu.memref_slice %arg2[%dma_wait3A_830, %dma_wait3A_831] : memref<10240x128xf32, #tpu.memory_space<hbm>> -> memref<10240x128xf32, #tpu.memory_space<hbm>>
    tpu.wait_indirect_dma semaphore(%arg18 : memref<!tpu.dma_semaphore, #tpu.memory_space<semaphore_mem>>) src(%dma_wait3A_832 : memref<10240x128xf32, #tpu.memory_space<hbm>>) dst(%dma_wait3A_826 : memref<50x128xf32, #tpu.memory_space<vmem>>)
    %dma_start3A_833 = arith.constant 1 : i32
    %dma_start3A_834 = arith.constant 1 : i32
    %dma_start3A_835 = arith.constant 1 : i32
    %dma_start3A_836 = arith.constant 0 : i32
    %dma_start3A_837 = arith.constant 0 : i32
    %dma_start3A_838 = tpu.memref_slice %arg11[%dma_start3A_833, %dma_start3A_836, %dma_start3A_837] : memref<2x50x128xf32, #tpu.memory_space<vmem>> -> memref<1x50x128xf32, #tpu.memory_space<vmem>>
    %dma_start3A_839 = tpu.memref_squeeze %dma_start3A_838 : memref<1x50x128xf32, #tpu.memory_space<vmem>> -> memref<50x128xf32, #tpu.memory_space<vmem>>
    %dma_start3A_840 = arith.constant 0 : i32
    %dma_start3A_841 = tpu.memref_slice %arg9[%dma_start3A_834, %dma_start3A_835, %dma_start3A_840] : memref<2x2x50xi32, #tpu.memory_space<vmem>> -> memref<1x1x50xi32, #tpu.memory_space<vmem>>
    %dma_start3A_842 = tpu.memref_squeeze %dma_start3A_841 : memref<1x1x50xi32, #tpu.memory_space<vmem>> -> memref<50xi32, #tpu.memory_space<vmem>>
    %dma_start3A_843 = arith.constant 0 : i32
    %dma_start3A_844 = arith.constant 0 : i32
    %dma_start3A_845 = tpu.memref_slice %arg6[%dma_start3A_843, %dma_start3A_844] : memref<10240x128xf32, #tpu.memory_space<vmem_shared>> -> memref<10240x128xf32, #tpu.memory_space<vmem_shared>>
    tpu.enqueue_indirect_dma source(%dma_start3A_839 : memref<50x128xf32, #tpu.memory_space<vmem>>) target(%dma_start3A_845 : memref<10240x128xf32, #tpu.memory_space<vmem_shared>>) offsets(%dma_start3A_842 : memref<50xi32, #tpu.memory_space<vmem>>) semaphore(%arg22 : memref<!tpu.dma_semaphore, #tpu.memory_space<semaphore_mem>>) {add = true}
    %dma_wait3A_846 = arith.constant 0 : i32
    %dma_wait3A_847 = arith.constant 0 : i32
    %dma_wait3A_848 = arith.constant 0 : i32
    %dma_wait3A_849 = arith.constant 0 : i32
    %dma_wait3A_850 = arith.constant 0 : i32
    %dma_wait3A_851 = tpu.memref_slice %arg12[%dma_wait3A_848, %dma_wait3A_849, %dma_wait3A_850] : memref<2x50x128xf32, #tpu.memory_space<vmem>> -> memref<1x50x128xf32, #tpu.memory_space<vmem>>
    %dma_wait3A_852 = tpu.memref_squeeze %dma_wait3A_851 : memref<1x50x128xf32, #tpu.memory_space<vmem>> -> memref<50x128xf32, #tpu.memory_space<vmem>>
    %dma_wait3A_853 = arith.constant 0 : i32
    %dma_wait3A_854 = tpu.memref_slice %arg10[%dma_wait3A_846, %dma_wait3A_847, %dma_wait3A_853] : memref<2x2x50xi32, #tpu.memory_space<vmem>> -> memref<1x1x50xi32, #tpu.memory_space<vmem>>
    %dma_wait3A_855 = tpu.memref_squeeze %dma_wait3A_854 : memref<1x1x50xi32, #tpu.memory_space<vmem>> -> memref<50xi32, #tpu.memory_space<vmem>>
    %dma_wait3A_856 = arith.constant 0 : i32
    %dma_wait3A_857 = arith.constant 0 : i32
    %dma_wait3A_858 = tpu.memref_slice %arg2[%dma_wait3A_856, %dma_wait3A_857] : memref<10240x128xf32, #tpu.memory_space<hbm>> -> memref<10240x128xf32, #tpu.memory_space<hbm>>
    tpu.wait_indirect_dma semaphore(%arg19 : memref<!tpu.dma_semaphore, #tpu.memory_space<semaphore_mem>>) src(%dma_wait3A_858 : memref<10240x128xf32, #tpu.memory_space<hbm>>) dst(%dma_wait3A_852 : memref<50x128xf32, #tpu.memory_space<vmem>>)
    %dma_start3A_859 = arith.constant 0 : i32
    %dma_start3A_860 = arith.constant 0 : i32
    %dma_start3A_861 = arith.constant 1 : i32
    %dma_start3A_862 = arith.constant 0 : i32
    %dma_start3A_863 = arith.constant 0 : i32
    %dma_start3A_864 = tpu.memref_slice %arg12[%dma_start3A_859, %dma_start3A_862, %dma_start3A_863] : memref<2x50x128xf32, #tpu.memory_space<vmem>> -> memref<1x50x128xf32, #tpu.memory_space<vmem>>
    %dma_start3A_865 = tpu.memref_squeeze %dma_start3A_864 : memref<1x50x128xf32, #tpu.memory_space<vmem>> -> memref<50x128xf32, #tpu.memory_space<vmem>>
    %dma_start3A_866 = arith.constant 0 : i32
    %dma_start3A_867 = tpu.memref_slice %arg10[%dma_start3A_860, %dma_start3A_861, %dma_start3A_866] : memref<2x2x50xi32, #tpu.memory_space<vmem>> -> memref<1x1x50xi32, #tpu.memory_space<vmem>>
    %dma_start3A_868 = tpu.memref_squeeze %dma_start3A_867 : memref<1x1x50xi32, #tpu.memory_space<vmem>> -> memref<50xi32, #tpu.memory_space<vmem>>
    %dma_start3A_869 = arith.constant 0 : i32
    %dma_start3A_870 = arith.constant 0 : i32
    %dma_start3A_871 = tpu.memref_slice %arg6[%dma_start3A_869, %dma_start3A_870] : memref<10240x128xf32, #tpu.memory_space<vmem_shared>> -> memref<10240x128xf32, #tpu.memory_space<vmem_shared>>
    tpu.enqueue_indirect_dma source(%dma_start3A_865 : memref<50x128xf32, #tpu.memory_space<vmem>>) target(%dma_start3A_871 : memref<10240x128xf32, #tpu.memory_space<vmem_shared>>) offsets(%dma_start3A_868 : memref<50xi32, #tpu.memory_space<vmem>>) semaphore(%arg23 : memref<!tpu.dma_semaphore, #tpu.memory_space<semaphore_mem>>) {add = true}
    %dma_wait3A_872 = arith.constant 1 : i32
    %dma_wait3A_873 = arith.constant 0 : i32
    %dma_wait3A_874 = arith.constant 1 : i32
    %dma_wait3A_875 = arith.constant 0 : i32
    %dma_wait3A_876 = arith.constant 0 : i32
    %dma_wait3A_877 = tpu.memref_slice %arg12[%dma_wait3A_874, %dma_wait3A_875, %dma_wait3A_876] : memref<2x50x128xf32, #tpu.memory_space<vmem>> -> memref<1x50x128xf32, #tpu.memory_space<vmem>>
    %dma_wait3A_878 = tpu.memref_squeeze %dma_wait3A_877 : memref<1x50x128xf32, #tpu.memory_space<vmem>> -> memref<50x128xf32, #tpu.memory_space<vmem>>
    %dma_wait3A_879 = arith.constant 0 : i32
    %dma_wait3A_880 = tpu.memref_slice %arg10[%dma_wait3A_872, %dma_wait3A_873, %dma_wait3A_879] : memref<2x2x50xi32, #tpu.memory_space<vmem>> -> memref<1x1x50xi32, #tpu.memory_space<vmem>>
    %dma_wait3A_881 = tpu.memref_squeeze %dma_wait3A_880 : memref<1x1x50xi32, #tpu.memory_space<vmem>> -> memref<50xi32, #tpu.memory_space<vmem>>
    %dma_wait3A_882 = arith.constant 0 : i32
    %dma_wait3A_883 = arith.constant 0 : i32
    %dma_wait3A_884 = tpu.memref_slice %arg2[%dma_wait3A_882, %dma_wait3A_883] : memref<10240x128xf32, #tpu.memory_space<hbm>> -> memref<10240x128xf32, #tpu.memory_space<hbm>>
    tpu.wait_indirect_dma semaphore(%arg20 : memref<!tpu.dma_semaphore, #tpu.memory_space<semaphore_mem>>) src(%dma_wait3A_884 : memref<10240x128xf32, #tpu.memory_space<hbm>>) dst(%dma_wait3A_878 : memref<50x128xf32, #tpu.memory_space<vmem>>)
    %dma_start3A_885 = arith.constant 1 : i32
    %dma_start3A_886 = arith.constant 1 : i32
    %dma_start3A_887 = arith.constant 1 : i32
    %dma_start3A_888 = arith.constant 0 : i32
    %dma_start3A_889 = arith.constant 0 : i32
    %dma_start3A_890 = tpu.memref_slice %arg12[%dma_start3A_885, %dma_start3A_888, %dma_start3A_889] : memref<2x50x128xf32, #tpu.memory_space<vmem>> -> memref<1x50x128xf32, #tpu.memory_space<vmem>>
    %dma_start3A_891 = tpu.memref_squeeze %dma_start3A_890 : memref<1x50x128xf32, #tpu.memory_space<vmem>> -> memref<50x128xf32, #tpu.memory_space<vmem>>
    %dma_start3A_892 = arith.constant 0 : i32
    %dma_start3A_893 = tpu.memref_slice %arg10[%dma_start3A_886, %dma_start3A_887, %dma_start3A_892] : memref<2x2x50xi32, #tpu.memory_space<vmem>> -> memref<1x1x50xi32, #tpu.memory_space<vmem>>
    %dma_start3A_894 = tpu.memref_squeeze %dma_start3A_893 : memref<1x1x50xi32, #tpu.memory_space<vmem>> -> memref<50xi32, #tpu.memory_space<vmem>>
    %dma_start3A_895 = arith.constant 0 : i32
    %dma_start3A_896 = arith.constant 0 : i32
    %dma_start3A_897 = tpu.memref_slice %arg6[%dma_start3A_895, %dma_start3A_896] : memref<10240x128xf32, #tpu.memory_space<vmem_shared>> -> memref<10240x128xf32, #tpu.memory_space<vmem_shared>>
    tpu.enqueue_indirect_dma source(%dma_start3A_891 : memref<50x128xf32, #tpu.memory_space<vmem>>) target(%dma_start3A_897 : memref<10240x128xf32, #tpu.memory_space<vmem_shared>>) offsets(%dma_start3A_894 : memref<50xi32, #tpu.memory_space<vmem>>) semaphore(%arg24 : memref<!tpu.dma_semaphore, #tpu.memory_space<semaphore_mem>>) {add = true}
    %dma_wait3A_898 = arith.constant 0 : i32
    %dma_wait3A_899 = arith.constant 0 : i32
    %dma_wait3A_900 = arith.constant 0 : i32
    %dma_wait3A_901 = tpu.memref_slice %arg11[%dma_wait3A_898, %dma_wait3A_899, %dma_wait3A_900] : memref<2x50x128xf32, #tpu.memory_space<vmem>> -> memref<1x50x128xf32, #tpu.memory_space<vmem>>
    %dma_wait3A_902 = tpu.memref_squeeze %dma_wait3A_901 : memref<1x50x128xf32, #tpu.memory_space<vmem>> -> memref<50x128xf32, #tpu.memory_space<vmem>>
    %dma_wait3A_903 = arith.constant 0 : i32
    %dma_wait3A_904 = arith.constant 0 : i32
    %dma_wait3A_905 = tpu.memref_slice %arg11[%dma_wait3A_898, %dma_wait3A_903, %dma_wait3A_904] : memref<2x50x128xf32, #tpu.memory_space<vmem>> -> memref<1x50x128xf32, #tpu.memory_space<vmem>>
    %dma_wait3A_906 = tpu.memref_squeeze %dma_wait3A_905 : memref<1x50x128xf32, #tpu.memory_space<vmem>> -> memref<50x128xf32, #tpu.memory_space<vmem>>
    tpu.wait_dma2 semaphore(%arg21 : memref<!tpu.dma_semaphore, #tpu.memory_space<semaphore_mem>>) src(%arg4 : memref<50x128xf32, #tpu.memory_space<hbm>>) dst(%dma_wait3A_906 : memref<50x128xf32, #tpu.memory_space<vmem>>)
    %dma_wait3A_907 = arith.constant 1 : i32
    %dma_wait3A_908 = arith.constant 0 : i32
    %dma_wait3A_909 = arith.constant 0 : i32
    %dma_wait3A_910 = tpu.memref_slice %arg11[%dma_wait3A_907, %dma_wait3A_908, %dma_wait3A_909] : memref<2x50x128xf32, #tpu.memory_space<vmem>> -> memref<1x50x128xf32, #tpu.memory_space<vmem>>
    %dma_wait3A_911 = tpu.memref_squeeze %dma_wait3A_910 : memref<1x50x128xf32, #tpu.memory_space<vmem>> -> memref<50x128xf32, #tpu.memory_space<vmem>>
    %dma_wait3A_912 = arith.constant 0 : i32
    %dma_wait3A_913 = arith.constant 0 : i32
    %dma_wait3A_914 = tpu.memref_slice %arg11[%dma_wait3A_907, %dma_wait3A_912, %dma_wait3A_913] : memref<2x50x128xf32, #tpu.memory_space<vmem>> -> memref<1x50x128xf32, #tpu.memory_space<vmem>>
    %dma_wait3A_915 = tpu.memref_squeeze %dma_wait3A_914 : memref<1x50x128xf32, #tpu.memory_space<vmem>> -> memref<50x128xf32, #tpu.memory_space<vmem>>
    tpu.wait_dma2 semaphore(%arg22 : memref<!tpu.dma_semaphore, #tpu.memory_space<semaphore_mem>>) src(%arg4 : memref<50x128xf32, #tpu.memory_space<hbm>>) dst(%dma_wait3A_915 : memref<50x128xf32, #tpu.memory_space<vmem>>)
    %dma_wait3A_916 = arith.constant 0 : i32
    %dma_wait3A_917 = arith.constant 0 : i32
    %dma_wait3A_918 = arith.constant 0 : i32
    %dma_wait3A_919 = tpu.memref_slice %arg12[%dma_wait3A_916, %dma_wait3A_917, %dma_wait3A_918] : memref<2x50x128xf32, #tpu.memory_space<vmem>> -> memref<1x50x128xf32, #tpu.memory_space<vmem>>
    %dma_wait3A_920 = tpu.memref_squeeze %dma_wait3A_919 : memref<1x50x128xf32, #tpu.memory_space<vmem>> -> memref<50x128xf32, #tpu.memory_space<vmem>>
    %dma_wait3A_921 = arith.constant 0 : i32
    %dma_wait3A_922 = arith.constant 0 : i32
    %dma_wait3A_923 = tpu.memref_slice %arg12[%dma_wait3A_916, %dma_wait3A_921, %dma_wait3A_922] : memref<2x50x128xf32, #tpu.memory_space<vmem>> -> memref<1x50x128xf32, #tpu.memory_space<vmem>>
    %dma_wait3A_924 = tpu.memref_squeeze %dma_wait3A_923 : memref<1x50x128xf32, #tpu.memory_space<vmem>> -> memref<50x128xf32, #tpu.memory_space<vmem>>
    tpu.wait_dma2 semaphore(%arg23 : memref<!tpu.dma_semaphore, #tpu.memory_space<semaphore_mem>>) src(%arg4 : memref<50x128xf32, #tpu.memory_space<hbm>>) dst(%dma_wait3A_924 : memref<50x128xf32, #tpu.memory_space<vmem>>)
    %dma_wait3A_925 = arith.constant 1 : i32
    %dma_wait3A_926 = arith.constant 0 : i32
    %dma_wait3A_927 = arith.constant 0 : i32
    %dma_wait3A_928 = tpu.memref_slice %arg12[%dma_wait3A_925, %dma_wait3A_926, %dma_wait3A_927] : memref<2x50x128xf32, #tpu.memory_space<vmem>> -> memref<1x50x128xf32, #tpu.memory_space<vmem>>
    %dma_wait3A_929 = tpu.memref_squeeze %dma_wait3A_928 : memref<1x50x128xf32, #tpu.memory_space<vmem>> -> memref<50x128xf32, #tpu.memory_space<vmem>>
    %dma_wait3A_930 = arith.constant 0 : i32
    %dma_wait3A_931 = arith.constant 0 : i32
    %dma_wait3A_932 = tpu.memref_slice %arg12[%dma_wait3A_925, %dma_wait3A_930, %dma_wait3A_931] : memref<2x50x128xf32, #tpu.memory_space<vmem>> -> memref<1x50x128xf32, #tpu.memory_space<vmem>>
    %dma_wait3A_933 = tpu.memref_squeeze %dma_wait3A_932 : memref<1x50x128xf32, #tpu.memory_space<vmem>> -> memref<50x128xf32, #tpu.memory_space<vmem>>
    tpu.wait_dma2 semaphore(%arg24 : memref<!tpu.dma_semaphore, #tpu.memory_space<semaphore_mem>>) src(%arg4 : memref<50x128xf32, #tpu.memory_space<hbm>>) dst(%dma_wait3A_933 : memref<50x128xf32, #tpu.memory_space<vmem>>)
    %barrier3A_934 = arith.constant 0 : index
    tpu.barrier barrier_id(%barrier3A_934)
    "tpu.region"() ({
      %run_scoped3A = tpu.sem_alloc : memref<!tpu.dma_semaphore, #tpu.memory_space<semaphore_mem>>
      %dma_start3A_935 = arith.constant 0 : i32
      %dma_start3A_936 = tpu.memref_slice %arg5[%arg0, %mul3A_2, %dma_start3A_935] : memref<2x10240x128xf32, #tpu.memory_space<hbm>> -> memref<1x640x128xf32, #tpu.memory_space<hbm>>
      %dma_start3A_937 = tpu.memref_squeeze %dma_start3A_936 : memref<1x640x128xf32, #tpu.memory_space<hbm>> -> memref<640x128xf32, #tpu.memory_space<hbm>>
      %dma_start3A_938 = arith.constant 0 : i32
      %dma_start3A_939 = tpu.memref_slice %arg6[%mul3A_2, %dma_start3A_938] : memref<10240x128xf32, #tpu.memory_space<vmem_shared>> -> memref<640x128xf32, #tpu.memory_space<vmem_shared>>
      tpu.enqueue_dma source(%dma_start3A_939 : memref<640x128xf32, #tpu.memory_space<vmem_shared>>) target(%dma_start3A_937 : memref<640x128xf32, #tpu.memory_space<hbm>>) target_semaphore(%run_scoped3A : memref<!tpu.dma_semaphore, #tpu.memory_space<semaphore_mem>>)
      %dma_wait3A_940 = arith.constant 0 : i32
      %dma_wait3A_941 = tpu.memref_slice %arg5[%arg0, %mul3A_2, %dma_wait3A_940] : memref<2x10240x128xf32, #tpu.memory_space<hbm>> -> memref<1x640x128xf32, #tpu.memory_space<hbm>>
      %dma_wait3A_942 = tpu.memref_squeeze %dma_wait3A_941 : memref<1x640x128xf32, #tpu.memory_space<hbm>> -> memref<640x128xf32, #tpu.memory_space<hbm>>
      %dma_wait3A_943 = arith.constant 0 : i32
      %dma_wait3A_944 = tpu.memref_slice %arg6[%mul3A_2, %dma_wait3A_943] : memref<10240x128xf32, #tpu.memory_space<vmem_shared>> -> memref<640x128xf32, #tpu.memory_space<vmem_shared>>
      tpu.wait_dma2 semaphore(%run_scoped3A : memref<!tpu.dma_semaphore, #tpu.memory_space<semaphore_mem>>) src(%dma_wait3A_944 : memref<640x128xf32, #tpu.memory_space<vmem_shared>>) dst(%dma_wait3A_942 : memref<640x128xf32, #tpu.memory_space<hbm>>)
      tpu.yield
    }) : () -> ()
    return
  }
}

module attributes {stable_mosaic.version = 14 : i64} {
  func.func @_mm1_body(%arg0: i32, %arg1: memref<1000x128xf32, #tpu.memory_space<vmem>>, %arg2: memref<128x128xf32, #tpu.memory_space<vmem>>, %arg3: memref<1000x1xf32, #tpu.memory_space<vmem>>, %arg4: memref<1000x1xf32, #tpu.memory_space<vmem>>, %arg5: memref<1000x128xf32, #tpu.memory_space<vmem>>, %arg6: memref<1000x1xf32, #tpu.memory_space<vmem>>) attributes {dimension_semantics = [#tpu.dimension_semantics<arbitrary>], iteration_bounds = array<i64: 10>, scalar_prefetch = 0 : i64, scratch_operands = 0 : i64, tpu.core_type = #tpu.core_type<tc>, window_params = [{transform_indices = @transform_0, window_bounds = array<i64: 1000, 128>}, {pipeline_mode = #tpu.pipeline_mode<synchronous>, transform_indices = @transform_1, window_bounds = array<i64: 128, 128>}, {transform_indices = @transform_2, window_bounds = array<i64: 1000, 1>}, {transform_indices = @transform_3, window_bounds = array<i64: 1000, 1>}, {transform_indices = @transform_4, window_bounds = array<i64: 1000, 128>}, {transform_indices = @transform_5, window_bounds = array<i64: 1000, 1>}]} {
    %get3A = arith.constant 0 : index
    %get3A_0 = arith.constant 0 : index
    %get3A_1 = vector.load %arg3[%get3A, %get3A_0] : memref<1000x1xf32, #tpu.memory_space<vmem>>, vector<1000x1xf32>
    %get3A_2 = arith.constant 0 : index
    %get3A_3 = arith.constant 0 : index
    %get3A_4 = vector.load %arg4[%get3A_2, %get3A_3] : memref<1000x1xf32, #tpu.memory_space<vmem>>, vector<1000x1xf32>
    %add3A = arith.addf %get3A_1, %get3A_4 : vector<1000x1xf32>
    %add3A_5 = arith.constant 1.000000e+00 : f32
    %add3A_6 = vector.broadcast %add3A_5 : f32 to vector<1000x1xf32>
    %add3A_7 = arith.addf %add3A, %add3A_6 : vector<1000x1xf32>
    %rsqrt3A = math.rsqrt %add3A_7 : vector<1000x1xf32>
    %swap3A = arith.constant 0 : index
    %swap3A_8 = arith.constant 0 : index
    %swap3A_9 = vector.load %arg6[%swap3A, %swap3A_8] : memref<1000x1xf32, #tpu.memory_space<vmem>>, vector<1000x1xf32>
    tpu.vector_store %arg6[%swap3A, %swap3A_8], %rsqrt3A {strides = array<i32>} : memref<1000x1xf32, #tpu.memory_space<vmem>>, vector<1000x1xf32>,
    %get3A_10 = arith.constant 0 : index
    %get3A_11 = arith.constant 0 : index
    %get3A_12 = vector.load %arg1[%get3A_10, %get3A_11] : memref<1000x128xf32, #tpu.memory_space<vmem>>, vector<1000x128xf32>
    %get3A_13 = arith.constant 0 : index
    %get3A_14 = arith.constant 0 : index
    %get3A_15 = vector.load %arg2[%get3A_13, %get3A_14] : memref<128x128xf32, #tpu.memory_space<vmem>>, vector<128x128xf32>
    %dot_general3A = arith.constant dense<0.000000e+00> : vector<1000x128xf32>
    %dot_general3A_16 = tpu.matmul %get3A_12, %get3A_15, %dot_general3A {dimension_numbers = #tpu.dot_dimension_numbers<[1], [0], [0], [1], [0, 0, 1, 1], [], []>, transpose_lhs_hint = false} : vector<1000x128xf32>, vector<128x128xf32>, vector<1000x128xf32> -> vector<1000x128xf32>
    %mul3A = vector.broadcast %rsqrt3A : vector<1000x1xf32> to vector<1000x128xf32>
    %mul3A_17 = arith.mulf %dot_general3A_16, %mul3A : vector<1000x128xf32>
    %swap3A_18 = arith.constant 0 : index
    %swap3A_19 = arith.constant 0 : index
    %swap3A_20 = vector.load %arg5[%swap3A_18, %swap3A_19] : memref<1000x128xf32, #tpu.memory_space<vmem>>, vector<1000x128xf32>
    tpu.vector_store %arg5[%swap3A_18, %swap3A_19], %mul3A_17 {strides = array<i32>} : memref<1000x128xf32, #tpu.memory_space<vmem>>, vector<1000x128xf32>,
    return
  }
  func.func @transform_0(%arg0: i32) -> (i32, i32) {
    %c0_i32 = arith.constant 0 : i32
    %c0_i32_0 = arith.constant 0 : i32
    return %arg0, %c0_i32 : i32, i32
  }
  func.func @transform_1(%arg0: i32) -> (i32, i32) {
    %c0_i32 = arith.constant 0 : i32
    %c0_i32_0 = arith.constant 0 : i32
    %c0_i32_1 = arith.constant 0 : i32
    return %c0_i32, %c0_i32_0 : i32, i32
  }
  func.func @transform_2(%arg0: i32) -> (i32, i32) {
    %c0_i32 = arith.constant 0 : i32
    %c0_i32_0 = arith.constant 0 : i32
    return %arg0, %c0_i32 : i32, i32
  }
  func.func @transform_3(%arg0: i32) -> (i32, i32) {
    %c0_i32 = arith.constant 0 : i32
    %c0_i32_0 = arith.constant 0 : i32
    return %arg0, %c0_i32 : i32, i32
  }
  func.func @transform_4(%arg0: i32) -> (i32, i32) {
    %c0_i32 = arith.constant 0 : i32
    %c0_i32_0 = arith.constant 0 : i32
    return %arg0, %c0_i32 : i32, i32
  }
  func.func @transform_5(%arg0: i32) -> (i32, i32) {
    %c0_i32 = arith.constant 0 : i32
    %c0_i32_0 = arith.constant 0 : i32
    return %arg0, %c0_i32 : i32, i32
  }
}

module attributes {stable_mosaic.version = 14 : i64} {
  func.func @_mid_body(%arg0: i32, %arg1: memref<1x1024x128xf32, #tpu.memory_space<vmem>>, %arg2: memref<1x1024x128xf32, #tpu.memory_space<vmem>>, %arg3: memref<1024x128xf32, #tpu.memory_space<vmem>>, %arg4: memref<1024x1xf32, #tpu.memory_space<vmem>>, %arg5: memref<1x128xf32, #tpu.memory_space<vmem>>, %arg6: memref<128x128xf32, #tpu.memory_space<vmem>>, %arg7: memref<1024x128xf32, #tpu.memory_space<vmem>>) attributes {dimension_semantics = [#tpu.dimension_semantics<arbitrary>], iteration_bounds = array<i64: 10>, scalar_prefetch = 0 : i64, scratch_operands = 0 : i64, tpu.core_type = #tpu.core_type<tc>, window_params = [{transform_indices = @transform_0, window_bounds = array<i64: 1, 1024, 128>}, {transform_indices = @transform_1, window_bounds = array<i64: 1, 1024, 128>}, {transform_indices = @transform_2, window_bounds = array<i64: 1024, 128>}, {transform_indices = @transform_3, window_bounds = array<i64: 1024, 1>}, {pipeline_mode = #tpu.pipeline_mode<synchronous>, transform_indices = @transform_4, window_bounds = array<i64: 1, 128>}, {pipeline_mode = #tpu.pipeline_mode<synchronous>, transform_indices = @transform_5, window_bounds = array<i64: 128, 128>}, {transform_indices = @transform_6, window_bounds = array<i64: 1024, 128>}]} {
    %get3A = arith.constant 0 : index
    %get3A_0 = arith.constant 0 : index
    %get3A_1 = arith.constant 0 : index
    %get3A_2 = vector.load %arg1[%get3A, %get3A_0, %get3A_1] : memref<1x1024x128xf32, #tpu.memory_space<vmem>>, vector<1x1024x128xf32>
    %get3A_3 = vector.shape_cast %get3A_2 : vector<1x1024x128xf32> to vector<1024x128xf32>
    %get3A_4 = arith.constant 0 : index
    %get3A_5 = arith.constant 0 : index
    %get3A_6 = arith.constant 0 : index
    %get3A_7 = vector.load %arg2[%get3A_4, %get3A_5, %get3A_6] : memref<1x1024x128xf32, #tpu.memory_space<vmem>>, vector<1x1024x128xf32>
    %get3A_8 = vector.shape_cast %get3A_7 : vector<1x1024x128xf32> to vector<1024x128xf32>
    %add3A = arith.addf %get3A_3, %get3A_8 : vector<1024x128xf32>
    %get3A_9 = arith.constant 0 : index
    %get3A_10 = arith.constant 0 : index
    %get3A_11 = vector.load %arg3[%get3A_9, %get3A_10] : memref<1024x128xf32, #tpu.memory_space<vmem>>, vector<1024x128xf32>
    %sub3A = arith.subf %add3A, %get3A_11 : vector<1024x128xf32>
    %get3A_12 = arith.constant 0 : index
    %get3A_13 = arith.constant 0 : index
    %get3A_14 = vector.load %arg4[%get3A_12, %get3A_13] : memref<1024x1xf32, #tpu.memory_space<vmem>>, vector<1024x1xf32>
    %mul3A = vector.broadcast %get3A_14 : vector<1024x1xf32> to vector<1024x128xf32>
    %mul3A_15 = arith.mulf %sub3A, %mul3A : vector<1024x128xf32>
    %get3A_16 = arith.constant 0 : index
    %get3A_17 = arith.constant 0 : index
    %get3A_18 = vector.load %arg5[%get3A_16, %get3A_17] : memref<1x128xf32, #tpu.memory_space<vmem>>, vector<1x128xf32>
    %add3A_19 = vector.broadcast %get3A_18 : vector<1x128xf32> to vector<1024x128xf32>
    %add3A_20 = arith.addf %mul3A_15, %add3A_19 : vector<1024x128xf32>
    %get3A_21 = arith.constant 0 : index
    %get3A_22 = arith.constant 0 : index
    %get3A_23 = vector.load %arg6[%get3A_21, %get3A_22] : memref<128x128xf32, #tpu.memory_space<vmem>>, vector<128x128xf32>
    %dot_general3A = arith.constant dense<0.000000e+00> : vector<1024x128xf32>
    %dot_general3A_24 = tpu.matmul %add3A_20, %get3A_23, %dot_general3A {dimension_numbers = #tpu.dot_dimension_numbers<[1], [0], [0], [1], [0, 0, 1, 1], [], []>, transpose_lhs_hint = false} : vector<1024x128xf32>, vector<128x128xf32>, vector<1024x128xf32> -> vector<1024x128xf32>
    %get3A_25 = arith.constant 0 : index
    %get3A_26 = arith.constant 0 : index
    %get3A_27 = vector.load %arg4[%get3A_25, %get3A_26] : memref<1024x1xf32, #tpu.memory_space<vmem>>, vector<1024x1xf32>
    %mul3A_28 = vector.broadcast %get3A_27 : vector<1024x1xf32> to vector<1024x128xf32>
    %mul3A_29 = arith.mulf %dot_general3A_24, %mul3A_28 : vector<1024x128xf32>
    %swap3A = arith.constant 0 : index
    %swap3A_30 = arith.constant 0 : index
    %swap3A_31 = vector.load %arg7[%swap3A, %swap3A_30] : memref<1024x128xf32, #tpu.memory_space<vmem>>, vector<1024x128xf32>
    tpu.vector_store %arg7[%swap3A, %swap3A_30], %mul3A_29 {strides = array<i32>} : memref<1024x128xf32, #tpu.memory_space<vmem>>, vector<1024x128xf32>,
    return
  }
  func.func @transform_0(%arg0: i32) -> (i32, i32, i32) {
    %c0_i32 = arith.constant 0 : i32
    %c0_i32_0 = arith.constant 0 : i32
    %c0_i32_1 = arith.constant 0 : i32
    return %c0_i32, %arg0, %c0_i32_0 : i32, i32, i32
  }
  func.func @transform_1(%arg0: i32) -> (i32, i32, i32) {
    %c1_i32 = arith.constant 1 : i32
    %c0_i32 = arith.constant 0 : i32
    %c0_i32_0 = arith.constant 0 : i32
    return %c1_i32, %arg0, %c0_i32 : i32, i32, i32
  }
  func.func @transform_2(%arg0: i32) -> (i32, i32) {
    %c0_i32 = arith.constant 0 : i32
    %c0_i32_0 = arith.constant 0 : i32
    return %arg0, %c0_i32 : i32, i32
  }
  func.func @transform_3(%arg0: i32) -> (i32, i32) {
    %c0_i32 = arith.constant 0 : i32
    %c0_i32_0 = arith.constant 0 : i32
    return %arg0, %c0_i32 : i32, i32
  }
  func.func @transform_4(%arg0: i32) -> (i32, i32) {
    %c0_i32 = arith.constant 0 : i32
    %c0_i32_0 = arith.constant 0 : i32
    %c0_i32_1 = arith.constant 0 : i32
    return %c0_i32, %c0_i32_0 : i32, i32
  }
  func.func @transform_5(%arg0: i32) -> (i32, i32) {
    %c0_i32 = arith.constant 0 : i32
    %c0_i32_0 = arith.constant 0 : i32
    %c0_i32_1 = arith.constant 0 : i32
    return %c0_i32, %c0_i32_0 : i32, i32
  }
  func.func @transform_6(%arg0: i32) -> (i32, i32) {
    %c0_i32 = arith.constant 0 : i32
    %c0_i32_0 = arith.constant 0 : i32
    return %arg0, %c0_i32 : i32, i32
  }
}

module attributes {stable_mosaic.version = 14 : i64} {
  func.func @_fin_body(%arg0: i32, %arg1: memref<1x1000x128xf32, #tpu.memory_space<vmem>>, %arg2: memref<1x1000x128xf32, #tpu.memory_space<vmem>>, %arg3: memref<1000x128xf32, #tpu.memory_space<vmem>>, %arg4: memref<1000x1xf32, #tpu.memory_space<vmem>>, %arg5: memref<1x128xf32, #tpu.memory_space<vmem>>, %arg6: memref<1000x128xf32, #tpu.memory_space<vmem>>) attributes {dimension_semantics = [#tpu.dimension_semantics<arbitrary>], iteration_bounds = array<i64: 10>, scalar_prefetch = 0 : i64, scratch_operands = 0 : i64, tpu.core_type = #tpu.core_type<tc>, window_params = [{transform_indices = @transform_0, window_bounds = array<i64: 1, 1000, 128>}, {transform_indices = @transform_1, window_bounds = array<i64: 1, 1000, 128>}, {transform_indices = @transform_2, window_bounds = array<i64: 1000, 128>}, {transform_indices = @transform_3, window_bounds = array<i64: 1000, 1>}, {pipeline_mode = #tpu.pipeline_mode<synchronous>, transform_indices = @transform_4, window_bounds = array<i64: 1, 128>}, {transform_indices = @transform_5, window_bounds = array<i64: 1000, 128>}]} {
    %get3A = arith.constant 0 : index
    %get3A_0 = arith.constant 0 : index
    %get3A_1 = arith.constant 0 : index
    %get3A_2 = vector.load %arg1[%get3A, %get3A_0, %get3A_1] : memref<1x1000x128xf32, #tpu.memory_space<vmem>>, vector<1x1000x128xf32>
    %get3A_3 = vector.shape_cast %get3A_2 : vector<1x1000x128xf32> to vector<1000x128xf32>
    %get3A_4 = arith.constant 0 : index
    %get3A_5 = arith.constant 0 : index
    %get3A_6 = arith.constant 0 : index
    %get3A_7 = vector.load %arg2[%get3A_4, %get3A_5, %get3A_6] : memref<1x1000x128xf32, #tpu.memory_space<vmem>>, vector<1x1000x128xf32>
    %get3A_8 = vector.shape_cast %get3A_7 : vector<1x1000x128xf32> to vector<1000x128xf32>
    %add3A = arith.addf %get3A_3, %get3A_8 : vector<1000x128xf32>
    %get3A_9 = arith.constant 0 : index
    %get3A_10 = arith.constant 0 : index
    %get3A_11 = vector.load %arg3[%get3A_9, %get3A_10] : memref<1000x128xf32, #tpu.memory_space<vmem>>, vector<1000x128xf32>
    %sub3A = arith.subf %add3A, %get3A_11 : vector<1000x128xf32>
    %get3A_12 = arith.constant 0 : index
    %get3A_13 = arith.constant 0 : index
    %get3A_14 = vector.load %arg4[%get3A_12, %get3A_13] : memref<1000x1xf32, #tpu.memory_space<vmem>>, vector<1000x1xf32>
    %mul3A = vector.broadcast %get3A_14 : vector<1000x1xf32> to vector<1000x128xf32>
    %mul3A_15 = arith.mulf %sub3A, %mul3A : vector<1000x128xf32>
    %get3A_16 = arith.constant 0 : index
    %get3A_17 = arith.constant 0 : index
    %get3A_18 = vector.load %arg5[%get3A_16, %get3A_17] : memref<1x128xf32, #tpu.memory_space<vmem>>, vector<1x128xf32>
    %add3A_19 = vector.broadcast %get3A_18 : vector<1x128xf32> to vector<1000x128xf32>
    %add3A_20 = arith.addf %mul3A_15, %add3A_19 : vector<1000x128xf32>
    %swap3A = arith.constant 0 : index
    %swap3A_21 = arith.constant 0 : index
    %swap3A_22 = vector.load %arg6[%swap3A, %swap3A_21] : memref<1000x128xf32, #tpu.memory_space<vmem>>, vector<1000x128xf32>
    tpu.vector_store %arg6[%swap3A, %swap3A_21], %add3A_20 {strides = array<i32>} : memref<1000x128xf32, #tpu.memory_space<vmem>>, vector<1000x128xf32>,
    return
  }
  func.func @transform_0(%arg0: i32) -> (i32, i32, i32) {
    %c0_i32 = arith.constant 0 : i32
    %c0_i32_0 = arith.constant 0 : i32
    %c0_i32_1 = arith.constant 0 : i32
    return %c0_i32, %arg0, %c0_i32_0 : i32, i32, i32
  }
  func.func @transform_1(%arg0: i32) -> (i32, i32, i32) {
    %c1_i32 = arith.constant 1 : i32
    %c0_i32 = arith.constant 0 : i32
    %c0_i32_0 = arith.constant 0 : i32
    return %c1_i32, %arg0, %c0_i32 : i32, i32, i32
  }
  func.func @transform_2(%arg0: i32) -> (i32, i32) {
    %c0_i32 = arith.constant 0 : i32
    %c0_i32_0 = arith.constant 0 : i32
    return %arg0, %c0_i32 : i32, i32
  }
  func.func @transform_3(%arg0: i32) -> (i32, i32) {
    %c0_i32 = arith.constant 0 : i32
    %c0_i32_0 = arith.constant 0 : i32
    return %arg0, %c0_i32 : i32, i32
  }
  func.func @transform_4(%arg0: i32) -> (i32, i32) {
    %c0_i32 = arith.constant 0 : i32
    %c0_i32_0 = arith.constant 0 : i32
    %c0_i32_1 = arith.constant 0 : i32
    return %c0_i32, %c0_i32_0 : i32, i32
  }
  func.func @transform_5(%arg0: i32) -> (i32, i32) {
    %c0_i32 = arith.constant 0 : i32
    %c0_i32_0 = arith.constant 0 : i32
    return %arg0, %c0_i32 : i32, i32
  }
}

</mosaic_0001>

<sc_bundles>
// kernel: kernel.11.cloned.1.call-start
scs
__scs_entry_jumppad:
0x0: {  	(pc) =	sbr.rel $0x88, $3  }
0x1: {  	(tag) =	ssettag $0x0;
	lr =	simm.s32 $0x1  }
0x2: {  	[smem:$0x3F9B] =	sst lr;
	_ =	strace $0xD0000000  }
0x3: {  	_ = 	snop  }
0x4: {  	_ = 	snop  }
0x5: {  	_ = 	snop  }
0x6: {  	_ = 	snop  }
0x7: {  	_ = 	snop  }
__scs_overlays_trampoline_lowered:
0x8: {  	[smem:$0x3FAA] =	sst s0  }
0x9: {  	[smem:$0x3FAB] =	sst s1  }
0xa: {  	[smem:$0x3FAC] =	sst s2  }
0xb: {  	[smem:$0x3FAD] =	sst s3  }
0xc: {  	[smem:$0x3FAE] =	sst s4  }
0xd: {  	[smem:$0x3FAF] =	sst s5  }
0xe: {  	[smem:$0x3FB0] =	sst s6  }
0xf: {  	[smem:$0x3FB1] =	sst s7  }
0x10: {  	[smem:$0x3FB2] =	sst s8  }
0x11: {  	[smem:$0x3FB3] =	sst s9;
	s0 =	simm.s32 @!p0 $0x0  }
0x12: {  	s1 =	sld [smem:$0x3F99];
	s0 =	simm.s32 @p0 $0x1  }
0x13: {  	[smem:$0x3FB4] =	sst s0;
	s0 =	simm.s32 @!p1 $0x0  }
0x14: {  	s2 =	sld [smem:$0x3F98];
	s0 =	simm.s32 @p1 $0x1  }
0x15: {  	[smem:$0x3FB5] =	sst s0;
	s0 =	simm.s32 @!p2 $0x0  }
0x16: {  	s3 =	sld [smem:$0x3FDB];
	s0 =	simm.s32 @p2 $0x1  }
0x17: {  	s4 =	simm.s32 $0x1BF5;
	[smem:$0x3FB7] =	sst s0  }
0x18: {  	s0 =	sld [smem:$0x3F9A];
	_ =	swait.ge [sflag:s4], $0x0  }
0x19: {  	s7 =	sld [smem:$0x3F9B]  }
0x1a: {  	s8 =	sadd.s32 $0xFFFFE003, lr  }
0x1b: {  	s9 =	sadd.s32 $0xFFFFFEF7, lr;
	s5 =	simm.s32 $0xFFFFFFFF;
	p2 =	slt.u32 s8, $0xFFFFF086  }
0x1c: {  	p1 =	slt.u32 s9, $0xF7A;
	s5 =	simm.s32 @!p2 $0x0  }
0x1d: {  	s5 =	simm.s32 @p1 $0x1;
	p0 =	seq.s32 s7, s2  }
0x1e: {  	s7 =	smul.u32 @!p0 $0xF7A, s2;
	p2 =	seq.s32 @!p0 s5, $0x0  }
0x1f: {  	s9 =	smul.u32 $0xF7A, s1;
	s8 =	simm.s32 @!p0 $0x1BF5;
	p2 =	por !p2, p0  }
0x20: {  	[sflag:s8] =	ssyncset.s32 @!p0 $0xFFFFF086;
	s6 =	sadd.s32 @!p0 s3, s7;
	s7 =	simm.s32 @!p0 $0x108  }
0x21: {  	s3 =	sadd.s32 s3, s9;
	s6 =	sadd.s32 @!p0 $0x88, s6;
	s7 =	simm.s32 @p2 $0x1082  }
0x22: {  	[simem:s7], [sflag:s8] =	dma.local @!p0 [hbm:s6], $0xF7A  }
0x23: {  	s9 =	sor.u32 $0xD0000000, s2;
	s6 =	simm.s32 $0x108;
	_ =	swait.ge @!p0 [sflag:s8], $0x0  }
0x24: {  	s3 =	sadd.s32 $0x88, s3;
	s6 =	simm.s32 @!p1 $0x1082;
	[sflag:s4] =	ssyncset.s32 $0xFFFFF086  }
0x25: {  	[simem:s6], [sflag:s4] =	dma.local [hbm:s3], $0xF7A  }
0x26: {  	[smem:$0x3F9B] =	sst s1;
	(tag) =	ssettag s2;
	_ =	strace s9  }
0x27: {  	s1 =	sld [smem:$0x3FAB]  }
0x28: {  	s2 =	sld [smem:$0x3FAC]  }
0x29: {  	s4 =	sld [smem:$0x3FAE]  }
0x2a: {  	p0 =	seq.s32 s5, $0x0;
	s5 =	sld [smem:$0x3FAF]  }
0x2b: {  	s6 =	sld [smem:$0x3FB0]  }
0x2c: {  	s7 =	sld [smem:$0x3FB1]  }
0x2d: {  	s3 =	simm.s32 $0x108;
	s8 =	sld [smem:$0x3FB2]  }
0x2e: {  	s3 =	simm.s32 @!p0 $0x1082;
	s9 =	sld [smem:$0x3FB3]  }
0x2f: {  	lr =	sadd.s32 s0, s3;
	s0 =	sld [smem:$0x3FAA]  }
0x30: {  	s3 =	sld [smem:$0x3FAD]  }
0x31: {  	[smem:$0x3FB6] =	sst s10  }
0x32: {  	s10 =	sld [smem:$0x3FB4];
	_ =	sdelay $0x3  }
0x33: {  	p0 =	seq.s32 s10, $0x1;
	s10 =	sld [smem:$0x3FB6];
	_ =	sdelay $0x3  }
0x34: {  	[smem:$0x3FB6] =	sst s10  }
0x35: {  	s10 =	sld [smem:$0x3FB5];
	_ =	sdelay $0x3  }
0x36: {  	p1 =	seq.s32 s10, $0x1;
	s10 =	sld [smem:$0x3FB6];
	_ =	sdelay $0x3  }
0x37: {  	[smem:$0x3FB6] =	sst s10  }
0x38: {  	s10 =	sld [smem:$0x3FB7]  }
0x39: {  	_ = 	snop;
	(pc) =	sbr.ind lr, $3  }
0x3a: {  	_ = 	snop  }
0x3b: {  	_ = 	snop  }
0x3c: {  	p2 =	seq.s32 s10, $0x1;
	s10 =	sld [smem:$0x3FB6]  }
0x3d: {  	_ =	shalt  }
0x3e: {  	_ =	shalt  }
0x3f: {  	_ =	shalt  }
0x40: {  	_ =	shalt  }
0x41: {  	_ =	shalt  }
0x42: {  	_ =	shalt  }
0x43: {  	_ =	shalt  }
0x44: {  	_ =	shalt  }
0x45: {  	_ =	shalt  }
0x46: {  	_ =	shalt  }
0x47: {  	_ =	shalt  }
0x48: {  	_ =	shalt  }
0x49: {  	_ =	shalt  }
0x4a: {  	_ =	shalt  }
0x4b: {  	_ =	shalt  }
0x4c: {  	_ =	shalt  }
0x4d: {  	_ =	shalt  }
0x4e: {  	_ =	shalt  }
0x4f: {  	_ =	shalt  }
0x50: {  	_ =	shalt  }
0x51: {  	_ =	shalt  }
0x52: {  	_ =	shalt  }
0x53: {  	_ =	shalt  }
0x54: {  	_ =	shalt  }
0x55: {  	_ =	shalt  }
0x56: {  	_ =	shalt  }
0x57: {  	_ =	shalt  }
0x58: {  	_ =	shalt  }
0x59: {  	_ =	shalt  }
0x5a: {  	_ =	shalt  }
0x5b: {  	_ =	shalt  }
0x5c: {  	_ =	shalt  }
0x5d: {  	_ =	shalt  }
0x5e: {  	_ =	shalt  }
0x5f: {  	_ =	shalt  }
0x60: {  	_ =	shalt  }
0x61: {  	_ =	shalt  }
0x62: {  	_ =	shalt  }
0x63: {  	_ =	shalt  }
0x64: {  	_ =	shalt  }
0x65: {  	_ =	shalt  }
0x66: {  	_ =	shalt  }
0x67: {  	_ =	shalt  }
0x68: {  	_ =	shalt  }
0x69: {  	_ =	shalt  }
0x6a: {  	_ =	shalt  }
0x6b: {  	_ =	shalt  }
0x6c: {  	_ =	shalt  }
0x6d: {  	_ =	shalt  }
0x6e: {  	_ =	shalt  }
0x6f: {  	_ =	shalt  }
0x70: {  	_ =	shalt  }
0x71: {  	_ =	shalt  }
0x72: {  	_ =	shalt  }
0x73: {  	_ =	shalt  }
0x74: {  	_ =	shalt  }
0x75: {  	_ =	shalt  }
0x76: {  	_ =	shalt  }
0x77: {  	_ =	shalt  }
0x78: {  	_ =	shalt  }
0x79: {  	_ =	shalt  }
0x7a: {  	_ =	shalt  }
0x7b: {  	_ =	shalt  }
0x7c: {  	_ =	shalt  }
0x7d: {  	_ =	shalt  }
0x7e: {  	_ =	shalt  }
0x7f: {  	_ =	shalt  }
0x80: {  	_ =	shalt  }
0x81: {  	_ =	shalt  }
0x82: {  	_ =	shalt  }
0x83: {  	_ =	shalt  }
0x84: {  	_ =	shalt  }
0x85: {  	_ =	shalt  }
0x86: {  	_ =	shalt  }
0x87: {  	_ =	shalt  }
.Lfunc_end0:
.L_simem_size_0:
called_computation.1_lowered:
.L_overlay_start_0:
0x88: {  	s2 =	sld [smem:$0x3FD9]  }
0x89: {  	s3 =	sld [smem:$0x3FFE];
	_ =	sdelay $0x1  }
0x8a: {  	s1 =	srdreg.scid  }
0x8b: {  	s0 =	sand.u32 $0x1, s1  }
0x8c: {  	s16 =	sshll.u32 s0, $0xA;
	s2 =	sadd.s32 s3, s2  }
0x8d: {  	s2 =	sadd.s32 s2, s16  }
0x8e: {  	[smem:$0x3FC2] =	sst s2  }
0x8f: {  	_ = 	snop  }
0x90: {  	(tm) =	ssettm $0x1  }
0x91: {  	s17 =	sld [smem:$0x3FFB];
	_ =	sdelay $0x3  }
0x92: {  	_ =	strace s17  }
0x93: {  	s2 =	sld [smem:$0x3FFC];
	_ =	sdelay $0x3  }
0x94: {  	_ =	strace s2  }
0x95: {  	s2 =	sld [smem:$0x3FFD];
	_ =	sdelay $0x3  }
0x96: {  	_ =	strace s2  }
0x97: {  	_ =	strace $0x8FFFFFFF  }
0x98: {  	s18 =	sld [smem:$0x3FDB];
	_ =	sdelay $0x1  }
0x99: {  	s19 =	simm.s32 $_scs_section_size  }
0x9a: {  	s4 =	simm.s32 $_size__tile_overlayer_lowered;
	s5 =	simm.s32 $_tile_overlayer_lowered  }
0x9b: {  	s22 =	simm.s32 $0x1BFF;
	s21 =	sshll.u32 s5, $0x1;
	s2 =	sadd.s32 s19, s18  }
0x9c: {  	s6 =	simm.s32 $0x0;
	s20 =	sshll.u32 s4, $0x1;
	s4 =	sadd.s32 s21, s2  }
0x9d: {  	[timem:s6], [sflag:s22] =	dma.local [hbm:s4], s20  }
0x9e: {  	_ =	swait.ge [sflag:s22], s20  }
0x9f: {  	s3 =	ssub.s32 $0x0, s20;
	[sflag:s22] =	ssyncset.done $0x0  }
0xa0: {  	[sflag:s22] =	ssyncadd.s32 s3;
	_ =	sdelay $0x1  }
0xa1: {  	s23 =	simm.s32 $0x1B8B  }
0xa2: {  	_ =	swait.ge [sflag:s23], $0x1  }
0xa3: {  	[sflag:s23] =	ssyncset.done $0x0  }
0xa4: {  	s25 =	simm.s32 $0x1B8E;
	s24 =	sld [smem:$0x3FFE];
	[sflag:s23] =	ssyncadd.s32 $0xFFFFFFFF  }
0xa5: {  	s26 =	simm.s32 $execute0_lowered;
	[smem:$0x3FD2] =	sst s25  }
0xa6: {  	s4 =	sshll.u32 s26, $0x1;
	_ =	strace $0x80000049;
	[dreg:$0x1] =	wrdreg $0xFFFFFFFF  }
0xa7: {  	s28 =	simm.s32 $_size_execute0_lowered;
	s2 =	sadd.s32 s2, s4;
	[dreg:$0x0] =	wrdreg $0x0  }
0xa8: {  	s4 =	sshll.u32 s28, $0x1;
	[dreg:$0x2] =	wrdreg s2  }
0xa9: {  	[dreg:$0x3] =	wrdreg s4  }
0xaa: {  	[dreg:$0x4] =	wrdreg $0xC0  }
0xab: {  	_ =	task [dreg:s6], $0x5FFFF  }
0xac: {  	[dreg:$0x1] =	wrdreg $0xFFFFFFFF  }
0xad: {  	[dreg:$0x0] =	wrdreg $0x60  }
0xae: {  	[dreg:$0x2] =	wrdreg s24  }
0xaf: {  	[dreg:$0x3] =	wrdreg $0x0  }
0xb0: {  	[dreg:$0x4] =	wrdreg $0x9  }
0xb1: {  	_ =	task.clear_ibuf [dreg:s6], $0x5FFFF;
	_ =	strace $0x90000049  }
0xb2: {  	s29 =	simm.s32 $0x9;
	_ =	strace $0x8000004B  }
0xb3: {  	_ =	swait.ge [sflag:s29], $0x1  }
0xb4: {  	[sflag:s29] =	ssyncadd.s32 $0xFFFFFFFF  }
0xb5: {  	_ =	strace $0x9000004B  }
0xb6: {  	_ =	sfence  }
0xb7: {  	s30 =	sld [smem:$0x0];
	_ =	sdelay $0x2  }
0xb8: {  	s31 =	sshll.u32 s1, $0xD;
	s1 =	sshrl.u32 s1, $0x2  }
0xb9: {  	s3 =	sand.u32 $0x4000, s31;
	s1 =	sadd.s32 s1, s30  }
0xba: {  	s0 =	sor.u32 s3, s0;
	s1 =	sshll.u32 s1, $0x11  }
0xbb: {  	s0 =	sor.u32 s1, s0  }
0xbc: {  	s0 =	sadd.s32 $0x8F2B, s0  }
0xbd: {  	[sflag:s0] =	ssyncadd.remote.s32 $0x1  }
0xbe: {  	_ =	sfence.sel $0xFFFF  }
0xbf: {  	[dreg:$0x0] =	wrdreg $0xFFFFFFFF;
	(pc) =	sbr.abs _section_cstart, $3  }
0xc0: {  	[dreg:$0x1] =	wrdreg $0xFFFFFFFF  }
0xc1: {  	_ =	task.clear_ibuf [dreg:s6], $0x2FFFF;
	_ =	strace $0x9FFFFFFF  }
0xc2: {  	(tm) =	ssettm $0x7FFFFFFF  }
0xc3: {  	_ =	shalt  }
tec
execute0_lowered:
.L_overlay_start_1:
0x0: {  	(tag) =	ssettag $0x1  }
0x1: {  	s0 =	rddreg [dreg:$0x0]  }
0x2: {  	s2 =	rddreg [dreg:$0x1]  }
0x3: {  	s1 =	srdreg.scid;
	s11 =	stileid.u32  }
0x4: {  	s3 =	simm.s32 $0x0;
	s28 =	simm.s32 $0x2;
	s29 =	simm.s32 $0x18000  }
0x5: {  	s31 =	simm.s32 $0x19C00;
	s1 =	sand.u32 $0x1, s1;
	s5 =	smul.u32 $0x14000, s11  }
0x6: {  	[smem:$0x7FF] =	sst s3;
	s4 =	sadd.s32 $0x35200, s0;
	s8 =	smul.u32 $0x50000, s11  }
0x7: {  	s7 =	sadd.s32 $0x3200, s0;
	s12 =	smul.u32 $0xC800, s11;
	s14 =	sshll.u32 s11, $0x6  }
0x8: {  	s6 =	smul.u32 $0x140000, s1;
	_ =	strace $0x8000004A;
	s9 =	sshll.u32 s1, $0x4  }
0x9: {  	s30 =	ssub.s32 $0x2, s1;
	s1 =	smul.u32 $0xC8000, s1;
	s13 =	sor.u32 $0x1C0D, s14  }
0xa: {  	s14 =	simm.s32 $0x7;
	s9 =	sor.u32 s11, s9;
	s10 =	sshrl.u32 s30, $0x1  }
0xb: {  	s8 =	sshrl.u32 s8, $0x2;
	s11 =	simm.s32 $0x9;
	[dreg:$0x9] =	wrdreg s13  }
0xc: {  	s6 =	sadd.s32 s5, s6;
	s9 =	smul.u32 $0xC800, s9;
	s8 =	sadd.s32 s8, s2  }
0xd: {  	s5 =	sshrl.u32 s5, $0x3;
	s1 =	sadd.s32 s12, s1;
	s6 =	sshrl.u32 s6, $0x3  }
0xe: {  	s5 =	sadd.s32 s4, s5;
	s19 =	sadd.s32 $0x1400, s1;
	s22 =	sadd.s32 $0x1200, s1  }
0xf: {  	s24 =	sadd.s32 $0x1000, s1;
	[dreg:$0x7] =	wrdreg s5;
	s5 =	sshrl.u32 s19, $0x3  }
0x10: {  	s1 =	sadd.s32 $0xE00, s1;
	s9 =	sshrl.u32 s9, $0x3;
	s5 =	sadd.s32 s5, s7  }
0x11: {  	s0 =	sadd.s32 s6, s0;
	s15 =	sadd.s32 s7, s9;
	[dreg:$0x3] =	wrdreg s5  }
0x12: {  	s6 =	ssub.s32 s30, s10;
	s0 =	sadd.s32 $0x5D200, s0;
	[dreg:$0x8] =	wrdreg s15  }
0x13: {  	s1 =	sshrl.u32 s1, $0x3;
	s30 =	smax.u32 s6, $0x1;
	[dreg:$0x11] =	wrdreg s0  }
0x14: {  	s12 =	simm.s32 $0xA;
	s1 =	sadd.s32 s1, s7;
	[dreg:$0x12] =	wrdreg s30  }
0x15: {  	s23 =	sshrl.u32 s22, $0x3;
	s16 =	sadd.s32 $0x40, s15;
	[dreg:$0x6] =	wrdreg s1  }
0x16: {  	s19 =	simm.s32 $0x14000;
	s17 =	sadd.s32 $0x80, s15;
	[dreg:$0xa] =	wrdreg s16  }
0x17: {  	s22 =	simm.s32 $0x1;
	s18 =	sadd.s32 $0xC0, s15;
	[dreg:$0xb] =	wrdreg s17  }
0x18: {  	s10 =	simm.s32 $0x3;
	s9 =	sadd.s32 $0x100, s15;
	[dreg:$0xc] =	wrdreg s18  }
0x19: {  	s20 =	sadd.s32 $0x140, s15;
	s21 =	sadd.s32 $0x180, s15;
	[dreg:$0xd] =	wrdreg s9  }
0x1a: {  	s5 =	sadd.s32 s23, s7;
	s26 =	sadd.s32 $0x18C0, s15;
	[dreg:$0xe] =	wrdreg s20  }
0x1b: {  	s23 =	simm.s32 $0x32;
	s0 =	simm.s32 $0x5;
	[dreg:$0xf] =	wrdreg s21  }
0x1c: {  	s1 =	simm.s32 $0x0;
	s9 =	sshrl.u32 s24, $0x3;
	[dreg:$0x4] =	wrdreg s5  }
0x1d: {  	[dreg:$0x10] =	wrdreg s26;
	s20 =	simm.s32 $0x14200;
	s21 =	simm.s32 $0x14400  }
0x1e: {  	s24 =	simm.s32 $0x14800;
	s26 =	simm.s32 $0x16400;
	s5 =	simm.s32 $0x6  }
0x1f: {  	s16 =	simm.s32 $0x8;
	s17 =	simm.s32 $0xB;
	s25 =	sadd.s32 s9, s7  }
0x20: {  	s18 =	simm.s32 $0xC;
	[dreg:$0x5] =	wrdreg s25;
	s25 =	sshrl.u32 s8, $0x3  }
0x21: {  	s9 =	simm.s32 $0x14600;
	s7 =	simm.s32 $0x4;
	[dreg:$0x13] =	wrdreg s25  }
.LBB2_1:
0x22: {  	[dreg:$0x14] =	wrdreg s1  }
0x23: {  	s15 =	simm.s32 $0xD;
	s6 =	rddreg [dreg:$0x7]  }
0x24: {  	[spmem:s25], [sflag:s13] =	dma.local [hbm:s6], $0x2800  }
0x25: {  	_ =	swait.ge [sflag:s15], $0x2800  }
0x26: {  	[sflag:s15] =	ssyncset.done $0x0  }
0x27: {  	[sflag:s15] =	ssyncadd.s32 $0xFFFFD800  }
0x28: {  	[bflag:$0x0] =	sbarrier.arrive $0xFFFF  }
0x29: {  	s15 =	rddreg [dreg:$0x8]  }
0x2a: {  	[tilespmem:s19], [sflag:$0x1] =	stream.linear.gather [hbm4b:s15+s3], $0x200, $0x38;
	[tilespmem:$0x1B800] =	vst v63  }
0x2b: {  	s25 =	rddreg [dreg:$0xa]  }
0x2c: {  	[tilespmem:s20], [sflag:$0x2] =	stream.linear.gather [hbm4b:s25+s3], $0x200, $0x38;
	[tilespmem:$0x1B800] =	vst v63  }
0x2d: {  	s1 =	rddreg [dreg:$0xb]  }
0x2e: {  	[tilespmem:s21], [sflag:$0x3] =	stream.linear.gather [hbm4b:s1+s3], $0x200, $0x38;
	[tilespmem:$0x1B800] =	vst v63  }
0x2f: {  	_ =	swait.ge [sflag:s22], $0x200  }
0x30: {  	[sflag:s22] =	ssyncset.done $0x0  }
0x31: {  	[sflag:s22] =	ssyncadd.s32 $0xFFFFFE00  }
0x32: {  	[tilespmem:s24], [sflag:$0x5] =	stream.indirect.gather [hbm4b:s4+s23], $0x80, s19, s23, $0xb8;
	[tilespmem:$0x1B800] =	vst v63  }
0x33: {  	s13 =	simm.s32 $0x14100  }
0x34: {  	[tilespmem:s26], [sflag:$0x6] =	stream.indirect.gather [hbm4b:s4+s23], $0x80, s13, s23, $0xb8;
	[tilespmem:$0x1B800] =	vst v63  }
0x35: {  	_ =	swait.ge [sflag:s28], $0x200  }
0x36: {  	[sflag:s28] =	ssyncset.done $0x0  }
0x37: {  	[sflag:s28] =	ssyncadd.s32 $0xFFFFFE00  }
0x38: {  	[tilespmem:s29], [sflag:$0x7] =	stream.indirect.gather [hbm4b:s4+s23], $0x80, s20, s23, $0xb8;
	[tilespmem:$0x1B800] =	vst v63  }
0x39: {  	s15 =	simm.s32 $0x14300  }
0x3a: {  	[tilespmem:s31], [sflag:$0x8] =	stream.indirect.gather [hbm4b:s4+s23], $0x80, s15, s23, $0xb8;
	[tilespmem:$0x1B800] =	vst v63  }
0x3b: {  	_ =	swait.ge [sflag:s0], $0x1900  }
0x3c: {  	[sflag:s0] =	ssyncset.done $0x0  }
0x3d: {  	s25 =	simm.s32 $0x14080;
	[sflag:s0] =	ssyncadd.s32 $0xFFFFE700  }
0x3e: {  	[spmem:s2] =	stream.indirect.scatter.add.f32 [tilespmem:s24], [sflag:$0x9], $0x80, s25, s23, $0xb8;
	[tilespmem:$0x1B800] =	vst v63  }
0x3f: {  	_ =	swait.ge [sflag:s5], $0x1900  }
0x40: {  	[sflag:s5] =	ssyncset.done $0x0  }
0x41: {  	s8 =	simm.s32 $0x14180;
	[sflag:s5] =	ssyncadd.s32 $0xFFFFE700  }
0x42: {  	[spmem:s2] =	stream.indirect.scatter.add.f32 [tilespmem:s26], [sflag:$0xA], $0x80, s8, s23, $0xb8;
	[tilespmem:$0x1B800] =	vst v63  }
0x43: {  	s1 =	rddreg [dreg:$0xc]  }
0x44: {  	[tilespmem:s9], [sflag:$0x4] =	stream.linear.gather [hbm4b:s1+s3], $0x200, $0x38;
	[tilespmem:$0x1B800] =	vst v63  }
0x45: {  	_ =	swait.ge [sflag:s10], $0x200  }
0x46: {  	[sflag:s10] =	ssyncset.done $0x0  }
0x47: {  	[sflag:s10] =	ssyncadd.s32 $0xFFFFFE00  }
0x48: {  	_ =	swait.ge [sflag:s11], $0x1900  }
0x49: {  	[sflag:s11] =	ssyncset.done $0x0  }
0x4a: {  	[sflag:s11] =	ssyncadd.s32 $0xFFFFE700  }
0x4b: {  	[tilespmem:s24], [sflag:$0x5] =	stream.indirect.gather [hbm4b:s4+s23], $0x80, s21, s23, $0xb8;
	[tilespmem:$0x1B800] =	vst v63  }
0x4c: {  	_ =	swait.ge [sflag:s12], $0x1900  }
0x4d: {  	[sflag:s12] =	ssyncset.done $0x0  }
0x4e: {  	s8 =	simm.s32 $0x14500;
	[sflag:s12] =	ssyncadd.s32 $0xFFFFE700  }
0x4f: {  	[tilespmem:s26], [sflag:$0x6] =	stream.indirect.gather [hbm4b:s4+s23], $0x80, s8, s23, $0xb8;
	[tilespmem:$0x1B800] =	vst v63  }
0x50: {  	_ =	swait.ge [sflag:s14], $0x1900  }
0x51: {  	[sflag:s14] =	ssyncset.done $0x0  }
0x52: {  	s6 =	simm.s32 $0x14280;
	[sflag:s14] =	ssyncadd.s32 $0xFFFFE700  }
0x53: {  	[spmem:s2] =	stream.indirect.scatter.add.f32 [tilespmem:s29], [sflag:$0xB], $0x80, s6, s23, $0xb8;
	[tilespmem:$0x1B800] =	vst v63  }
0x54: {  	_ =	swait.ge [sflag:s16], $0x1900  }
0x55: {  	[sflag:s16] =	ssyncset.done $0x0  }
0x56: {  	s8 =	simm.s32 $0x14380;
	[sflag:s16] =	ssyncadd.s32 $0xFFFFE700  }
0x57: {  	[spmem:s2] =	stream.indirect.scatter.add.f32 [tilespmem:s31], [sflag:$0xC], $0x80, s8, s23, $0xb8;
	[tilespmem:$0x1B800] =	vst v63  }
0x58: {  	s1 =	rddreg [dreg:$0xd]  }
0x59: {  	[tilespmem:s19], [sflag:$0x1] =	stream.linear.gather [hbm4b:s1+s3], $0x200, $0x38;
	[tilespmem:$0x1B800] =	vst v63  }
0x5a: {  	_ =	swait.ge [sflag:s7], $0x200  }
0x5b: {  	[sflag:s7] =	ssyncset.done $0x0  }
0x5c: {  	[sflag:s7] =	ssyncadd.s32 $0xFFFFFE00  }
0x5d: {  	_ =	swait.ge [sflag:s17], $0x1900  }
0x5e: {  	[sflag:s17] =	ssyncset.done $0x0  }
0x5f: {  	[sflag:s17] =	ssyncadd.s32 $0xFFFFE700  }
0x60: {  	[tilespmem:s29], [sflag:$0x7] =	stream.indirect.gather [hbm4b:s4+s23], $0x80, s9, s23, $0xb8;
	[tilespmem:$0x1B800] =	vst v63  }
0x61: {  	_ =	swait.ge [sflag:s18], $0x1900  }
0x62: {  	[sflag:s18] =	ssyncset.done $0x0  }
0x63: {  	s8 =	simm.s32 $0x14700;
	[sflag:s18] =	ssyncadd.s32 $0xFFFFE700  }
0x64: {  	[tilespmem:s31], [sflag:$0x8] =	stream.indirect.gather [hbm4b:s4+s23], $0x80, s8, s23, $0xb8;
	[tilespmem:$0x1B800] =	vst v63  }
0x65: {  	_ =	swait.ge [sflag:s0], $0x1900  }
0x66: {  	[sflag:s0] =	ssyncset.done $0x0  }
0x67: {  	s1 =	simm.s32 $0x14480;
	[sflag:s0] =	ssyncadd.s32 $0xFFFFE700  }
0x68: {  	[spmem:s2] =	stream.indirect.scatter.add.f32 [tilespmem:s24], [sflag:$0x9], $0x80, s1, s23, $0xb8;
	[tilespmem:$0x1B800] =	vst v63  }
0x69: {  	_ =	swait.ge [sflag:s5], $0x1900  }
0x6a: {  	[sflag:s5] =	ssyncset.done $0x0  }
0x6b: {  	s8 =	simm.s32 $0x14580;
	[sflag:s5] =	ssyncadd.s32 $0xFFFFE700  }
0x6c: {  	[spmem:s2] =	stream.indirect.scatter.add.f32 [tilespmem:s26], [sflag:$0xA], $0x80, s8, s23, $0xb8;
	[tilespmem:$0x1B800] =	vst v63  }
0x6d: {  	s6 =	rddreg [dreg:$0xe]  }
0x6e: {  	[tilespmem:s20], [sflag:$0x2] =	stream.linear.gather [hbm4b:s6+s3], $0x200, $0x38;
	[tilespmem:$0x1B800] =	vst v63  }
0x6f: {  	_ =	swait.ge [sflag:s22], $0x200  }
0x70: {  	[sflag:s22] =	ssyncset.done $0x0  }
0x71: {  	[sflag:s22] =	ssyncadd.s32 $0xFFFFFE00  }
0x72: {  	_ =	swait.ge [sflag:s11], $0x1900  }
0x73: {  	[sflag:s11] =	ssyncset.done $0x0  }
0x74: {  	[sflag:s11] =	ssyncadd.s32 $0xFFFFE700  }
0x75: {  	[tilespmem:s24], [sflag:$0x5] =	stream.indirect.gather [hbm4b:s4+s23], $0x80, s19, s23, $0xb8;
	[tilespmem:$0x1B800] =	vst v63  }
0x76: {  	_ =	swait.ge [sflag:s12], $0x1900  }
0x77: {  	[sflag:s12] =	ssyncset.done $0x0  }
0x78: {  	[sflag:s12] =	ssyncadd.s32 $0xFFFFE700  }
0x79: {  	[tilespmem:s26], [sflag:$0x6] =	stream.indirect.gather [hbm4b:s4+s23], $0x80, s13, s23, $0xb8;
	[tilespmem:$0x1B800] =	vst v63  }
0x7a: {  	_ =	swait.ge [sflag:s14], $0x1900  }
0x7b: {  	[sflag:s14] =	ssyncset.done $0x0  }
0x7c: {  	s30 =	simm.s32 $0x14680;
	[sflag:s14] =	ssyncadd.s32 $0xFFFFE700  }
0x7d: {  	[spmem:s2] =	stream.indirect.scatter.add.f32 [tilespmem:s29], [sflag:$0xB], $0x80, s30, s23, $0xb8;
	[tilespmem:$0x1B800] =	vst v63  }
0x7e: {  	_ =	swait.ge [sflag:s16], $0x1900  }
0x7f: {  	[sflag:s16] =	ssyncset.done $0x0  }
0x80: {  	s6 =	simm.s32 $0x14780;
	[sflag:s16] =	ssyncadd.s32 $0xFFFFE700  }
0x81: {  	[spmem:s2] =	stream.indirect.scatter.add.f32 [tilespmem:s31], [sflag:$0xC], $0x80, s6, s23, $0xb8;
	[tilespmem:$0x1B800] =	vst v63  }
0x82: {  	s6 =	rddreg [dreg:$0xf]  }
0x83: {  	[tilespmem:s21], [sflag:$0x3] =	stream.linear.gather [hbm4b:s6+s3], $0x200, $0x38;
	[tilespmem:$0x1B800] =	vst v63  }
0x84: {  	_ =	swait.ge [sflag:s28], $0x200  }
0x85: {  	[sflag:s28] =	ssyncset.done $0x0  }
0x86: {  	[sflag:s28] =	ssyncadd.s32 $0xFFFFFE00  }
0x87: {  	_ =	swait.ge [sflag:s17], $0x1900  }
0x88: {  	[sflag:s17] =	ssyncset.done $0x0  }
0x89: {  	[sflag:s17] =	ssyncadd.s32 $0xFFFFE700  }
0x8a: {  	[tilespmem:s29], [sflag:$0x7] =	stream.indirect.gather [hbm4b:s4+s23], $0x80, s20, s23, $0xb8;
	[tilespmem:$0x1B800] =	vst v63  }
0x8b: {  	_ =	swait.ge [sflag:s18], $0x1900  }
0x8c: {  	[sflag:s18] =	ssyncset.done $0x0  }
0x8d: {  	[sflag:s18] =	ssyncadd.s32 $0xFFFFE700  }
0x8e: {  	[tilespmem:s31], [sflag:$0x8] =	stream.indirect.gather [hbm4b:s4+s23], $0x80, s15, s23, $0xb8;
	[tilespmem:$0x1B800] =	vst v63  }
0x8f: {  	_ =	swait.ge [sflag:s0], $0x1900  }
0x90: {  	[sflag:s0] =	ssyncset.done $0x0  }
0x91: {  	[sflag:s0] =	ssyncadd.s32 $0xFFFFE700  }
0x92: {  	[spmem:s2] =	stream.indirect.scatter.add.f32 [tilespmem:s24], [sflag:$0x9], $0x80, s25, s23, $0xb8;
	[tilespmem:$0x1B800] =	vst v63  }
0x93: {  	_ =	swait.ge [sflag:s5], $0x1900  }
0x94: {  	[sflag:s5] =	ssyncset.done $0x0  }
0x95: {  	s25 =	simm.s32 $0x14180;
	s6 =	rddreg [dreg:$0x6];
	[sflag:s5] =	ssyncadd.s32 $0xFFFFE700  }
0x96: {  	[spmem:s2] =	stream.indirect.scatter.add.f32 [tilespmem:s26], [sflag:$0xA], $0x80, s25, s23, $0xb8;
	[tilespmem:$0x1B800] =	vst v63  }
0x97: {  	s6 =	sadd.s32 $0x0, s6  }
0x98: {  	[tilespmem:s9], [sflag:$0x4] =	stream.linear.gather [hbm4b:s6+s3], $0x200, $0x38;
	[tilespmem:$0x1B800] =	vst v63  }
0x99: {  	_ =	swait.ge [sflag:s10], $0x200  }
0x9a: {  	[sflag:s10] =	ssyncset.done $0x0  }
0x9b: {  	[sflag:s10] =	ssyncadd.s32 $0xFFFFFE00  }
0x9c: {  	_ =	swait.ge [sflag:s11], $0x1900  }
0x9d: {  	[sflag:s11] =	ssyncset.done $0x0  }
0x9e: {  	[sflag:s11] =	ssyncadd.s32 $0xFFFFE700  }
0x9f: {  	[tilespmem:s24], [sflag:$0x5] =	stream.indirect.gather [hbm4b:s4+s23], $0x80, s21, s23, $0xb8;
	[tilespmem:$0x1B800] =	vst v63  }
0xa0: {  	_ =	swait.ge [sflag:s12], $0x1900  }
0xa1: {  	[sflag:s12] =	ssyncset.done $0x0  }
0xa2: {  	s25 =	simm.s32 $0x14500;
	[sflag:s12] =	ssyncadd.s32 $0xFFFFE700  }
0xa3: {  	[tilespmem:s26], [sflag:$0x6] =	stream.indirect.gather [hbm4b:s4+s23], $0x80, s25, s23, $0xb8;
	[tilespmem:$0x1B800] =	vst v63  }
0xa4: {  	_ =	swait.ge [sflag:s14], $0x1900  }
0xa5: {  	[sflag:s14] =	ssyncset.done $0x0  }
0xa6: {  	s15 =	simm.s32 $0x14280;
	[sflag:s14] =	ssyncadd.s32 $0xFFFFE700  }
0xa7: {  	[spmem:s2] =	stream.indirect.scatter.add.f32 [tilespmem:s29], [sflag:$0xB], $0x80, s15, s23, $0xb8;
	[tilespmem:$0x1B800] =	vst v63  }
0xa8: {  	_ =	swait.ge [sflag:s16], $0x1900  }
0xa9: {  	[sflag:s16] =	ssyncset.done $0x0  }
0xaa: {  	s25 =	simm.s32 $0x14380;
	s6 =	rddreg [dreg:$0x5];
	[sflag:s16] =	ssyncadd.s32 $0xFFFFE700  }
0xab: {  	[spmem:s2] =	stream.indirect.scatter.add.f32 [tilespmem:s31], [sflag:$0xC], $0x80, s25, s23, $0xb8;
	[tilespmem:$0x1B800] =	vst v63  }
0xac: {  	s6 =	sadd.s32 $0x0, s6  }
0xad: {  	[tilespmem:s19], [sflag:$0x1] =	stream.linear.gather [hbm4b:s6+s3], $0x200, $0x38;
	[tilespmem:$0x1B800] =	vst v63  }
0xae: {  	_ =	swait.ge [sflag:s7], $0x200  }
0xaf: {  	[sflag:s7] =	ssyncset.done $0x0  }
0xb0: {  	[sflag:s7] =	ssyncadd.s32 $0xFFFFFE00  }
0xb1: {  	_ =	swait.ge [sflag:s17], $0x1900  }
0xb2: {  	[sflag:s17] =	ssyncset.done $0x0  }
0xb3: {  	[sflag:s17] =	ssyncadd.s32 $0xFFFFE700  }
0xb4: {  	[tilespmem:s29], [sflag:$0x7] =	stream.indirect.gather [hbm4b:s4+s23], $0x80, s9, s23, $0xb8;
	[tilespmem:$0x1B800] =	vst v63  }
0xb5: {  	_ =	swait.ge [sflag:s18], $0x1900  }
0xb6: {  	[sflag:s18] =	ssyncset.done $0x0  }
0xb7: {  	s25 =	simm.s32 $0x14700;
	[sflag:s18] =	ssyncadd.s32 $0xFFFFE700  }
0xb8: {  	[tilespmem:s31], [sflag:$0x8] =	stream.indirect.gather [hbm4b:s4+s23], $0x80, s25, s23, $0xb8;
	[tilespmem:$0x1B800] =	vst v63  }
0xb9: {  	_ =	swait.ge [sflag:s0], $0x1900  }
0xba: {  	[sflag:s0] =	ssyncset.done $0x0  }
0xbb: {  	[sflag:s0] =	ssyncadd.s32 $0xFFFFE700  }
0xbc: {  	[spmem:s2] =	stream.indirect.scatter.add.f32 [tilespmem:s24], [sflag:$0x9], $0x80, s1, s23, $0xb8;
	[tilespmem:$0x1B800] =	vst v63  }
0xbd: {  	_ =	swait.ge [sflag:s5], $0x1900  }
0xbe: {  	[sflag:s5] =	ssyncset.done $0x0  }
0xbf: {  	s15 =	rddreg [dreg:$0x4];
	[sflag:s5] =	ssyncadd.s32 $0xFFFFE700  }
0xc0: {  	[spmem:s2] =	stream.indirect.scatter.add.f32 [tilespmem:s26], [sflag:$0xA], $0x80, s8, s23, $0xb8;
	[tilespmem:$0x1B800] =	vst v63  }
0xc1: {  	s6 =	sadd.s32 $0x0, s15  }
0xc2: {  	[tilespmem:s20], [sflag:$0x2] =	stream.linear.gather [hbm4b:s6+s3], $0x200, $0x38;
	[tilespmem:$0x1B800] =	vst v63  }
0xc3: {  	_ =	swait.ge [sflag:s22], $0x200  }
0xc4: {  	[sflag:s22] =	ssyncset.done $0x0  }
0xc5: {  	[sflag:s22] =	ssyncadd.s32 $0xFFFFFE00  }
0xc6: {  	_ =	swait.ge [sflag:s11], $0x1900  }
0xc7: {  	[sflag:s11] =	ssyncset.done $0x0  }
0xc8: {  	[sflag:s11] =	ssyncadd.s32 $0xFFFFE700  }
0xc9: {  	[tilespmem:s24], [sflag:$0x5] =	stream.indirect.gather [hbm4b:s4+s23], $0x80, s19, s23, $0xb8;
	[tilespmem:$0x1B800] =	vst v63  }
0xca: {  	_ =	swait.ge [sflag:s12], $0x1900  }
0xcb: {  	[sflag:s12] =	ssyncset.done $0x0  }
0xcc: {  	[sflag:s12] =	ssyncadd.s32 $0xFFFFE700  }
0xcd: {  	[tilespmem:s26], [sflag:$0x6] =	stream.indirect.gather [hbm4b:s4+s23], $0x80, s13, s23, $0xb8;
	[tilespmem:$0x1B800] =	vst v63  }
0xce: {  	_ =	swait.ge [sflag:s14], $0x1900  }
0xcf: {  	[sflag:s14] =	ssyncset.done $0x0  }
0xd0: {  	s25 =	simm.s32 $0x14780;
	[sflag:s14] =	ssyncadd.s32 $0xFFFFE700  }
0xd1: {  	[spmem:s2] =	stream.indirect.scatter.add.f32 [tilespmem:s29], [sflag:$0xB], $0x80, s30, s23, $0xb8;
	[tilespmem:$0x1B800] =	vst v63  }
0xd2: {  	s15 =	simm.s32 $0x100;
	s8 =	simm.s32 $0x14100;
	_ =	swait.ge [sflag:s16], $0x1900  }
0xd3: {  	s13 =	simm.s32 $0x14680;
	[sflag:s16] =	ssyncset.done $0x0;
	s6 =	rddreg [dreg:$0x3]  }
0xd4: {  	s30 =	simm.s32 $0x14780;
	[sflag:s16] =	ssyncadd.s32 $0xFFFFE700;
	s6 =	sadd.s32 $0x0, s6  }
0xd5: {  	[spmem:s2] =	stream.indirect.scatter.add.f32 [tilespmem:s31], [sflag:$0xC], $0x80, s25, s23, $0xb8;
	[tilespmem:$0x1B800] =	vst v63  }
.LBB2_2:
0xd6: {  	[tilespmem:s21], [sflag:$0x3] =	stream.linear.gather [hbm4b:s6+s3], $0x200, $0x38;
	[tilespmem:$0x1B800] =	vst v63  }
0xd7: {  	_ =	swait.ge [sflag:s28], $0x200  }
0xd8: {  	[sflag:s28] =	ssyncset.done $0x0  }
0xd9: {  	[sflag:s28] =	ssyncadd.s32 $0xFFFFFE00  }
0xda: {  	_ =	swait.ge [sflag:s17], $0x1900  }
0xdb: {  	[sflag:s17] =	ssyncset.done $0x0  }
0xdc: {  	[sflag:s17] =	ssyncadd.s32 $0xFFFFE700  }
0xdd: {  	[tilespmem:s29], [sflag:$0x7] =	stream.indirect.gather [hbm4b:s4+s23], $0x80, s20, s23, $0xb8;
	[tilespmem:$0x1B800] =	vst v63  }
0xde: {  	_ =	swait.ge [sflag:s18], $0x1900  }
0xdf: {  	[sflag:s18] =	ssyncset.done $0x0  }
0xe0: {  	s25 =	simm.s32 $0x14300;
	[sflag:s18] =	ssyncadd.s32 $0xFFFFE700  }
0xe1: {  	[tilespmem:s31], [sflag:$0x8] =	stream.indirect.gather [hbm4b:s4+s23], $0x80, s25, s23, $0xb8;
	[tilespmem:$0x1B800] =	vst v63  }
0xe2: {  	_ =	swait.ge [sflag:s0], $0x1900  }
0xe3: {  	[sflag:s0] =	ssyncset.done $0x0  }
0xe4: {  	s1 =	simm.s32 $0x14080;
	[sflag:s0] =	ssyncadd.s32 $0xFFFFE700  }
0xe5: {  	[spmem:s2] =	stream.indirect.scatter.add.f32 [tilespmem:s24], [sflag:$0x9], $0x80, s1, s23, $0xb8;
	[tilespmem:$0x1B800] =	vst v63  }
0xe6: {  	_ =	swait.ge [sflag:s5], $0x1900  }
0xe7: {  	s6 =	smov.u32 s15;
	[sflag:s5] =	ssyncset.done $0x0  }
0xe8: {  	s1 =	simm.s32 $0x14180;
	s25 =	rddreg [dreg:$0x6];
	[sflag:s5] =	ssyncadd.s32 $0xFFFFE700  }
0xe9: {  	[spmem:s2] =	stream.indirect.scatter.add.f32 [tilespmem:s26], [sflag:$0xA], $0x80, s1, s23, $0xb8;
	[tilespmem:$0x1B800] =	vst v63  }
0xea: {  	s25 =	sadd.s32 s6, s25  }
0xeb: {  	[tilespmem:s9], [sflag:$0x4] =	stream.linear.gather [hbm4b:s25+s3], $0x200, $0x38;
	[tilespmem:$0x1B800] =	vst v63  }
0xec: {  	_ =	swait.ge [sflag:s10], $0x200  }
0xed: {  	[sflag:s10] =	ssyncset.done $0x0  }
0xee: {  	[sflag:s10] =	ssyncadd.s32 $0xFFFFFE00  }
0xef: {  	_ =	swait.ge [sflag:s11], $0x1900  }
0xf0: {  	[sflag:s11] =	ssyncset.done $0x0  }
0xf1: {  	[sflag:s11] =	ssyncadd.s32 $0xFFFFE700  }
0xf2: {  	[tilespmem:s24], [sflag:$0x5] =	stream.indirect.gather [hbm4b:s4+s23], $0x80, s21, s23, $0xb8;
	[tilespmem:$0x1B800] =	vst v63  }
0xf3: {  	_ =	swait.ge [sflag:s12], $0x1900  }
0xf4: {  	[sflag:s12] =	ssyncset.done $0x0  }
0xf5: {  	s25 =	simm.s32 $0x14500;
	[sflag:s12] =	ssyncadd.s32 $0xFFFFE700  }
0xf6: {  	[tilespmem:s26], [sflag:$0x6] =	stream.indirect.gather [hbm4b:s4+s23], $0x80, s25, s23, $0xb8;
	[tilespmem:$0x1B800] =	vst v63  }
0xf7: {  	_ =	swait.ge [sflag:s14], $0x1900  }
0xf8: {  	[sflag:s14] =	ssyncset.done $0x0  }
0xf9: {  	s25 =	simm.s32 $0x14280;
	[sflag:s14] =	ssyncadd.s32 $0xFFFFE700  }
0xfa: {  	[spmem:s2] =	stream.indirect.scatter.add.f32 [tilespmem:s29], [sflag:$0xB], $0x80, s25, s23, $0xb8;
	[tilespmem:$0x1B800] =	vst v63  }
0xfb: {  	_ =	swait.ge [sflag:s16], $0x1900  }
0xfc: {  	[sflag:s16] =	ssyncset.done $0x0  }
0xfd: {  	s1 =	simm.s32 $0x14380;
	s25 =	rddreg [dreg:$0x5];
	[sflag:s16] =	ssyncadd.s32 $0xFFFFE700  }
0xfe: {  	[spmem:s2] =	stream.indirect.scatter.add.f32 [tilespmem:s31], [sflag:$0xC], $0x80, s1, s23, $0xb8;
	[tilespmem:$0x1B800] =	vst v63  }
0xff: {  	s25 =	sadd.s32 s6, s25  }
0x100: {  	[tilespmem:s19], [sflag:$0x1] =	stream.linear.gather [hbm4b:s25+s3], $0x200, $0x38;
	[tilespmem:$0x1B800] =	vst v63  }
0x101: {  	_ =	swait.ge [sflag:s7], $0x200  }
0x102: {  	[sflag:s7] =	ssyncset.done $0x0  }
0x103: {  	[sflag:s7] =	ssyncadd.s32 $0xFFFFFE00  }
0x104: {  	_ =	swait.ge [sflag:s17], $0x1900  }
0x105: {  	[sflag:s17] =	ssyncset.done $0x0  }
0x106: {  	[sflag:s17] =	ssyncadd.s32 $0xFFFFE700  }
0x107: {  	[tilespmem:s29], [sflag:$0x7] =	stream.indirect.gather [hbm4b:s4+s23], $0x80, s9, s23, $0xb8;
	[tilespmem:$0x1B800] =	vst v63  }
0x108: {  	_ =	swait.ge [sflag:s18], $0x1900  }
0x109: {  	[sflag:s18] =	ssyncset.done $0x0  }
0x10a: {  	s25 =	simm.s32 $0x14700;
	[sflag:s18] =	ssyncadd.s32 $0xFFFFE700  }
0x10b: {  	[tilespmem:s31], [sflag:$0x8] =	stream.indirect.gather [hbm4b:s4+s23], $0x80, s25, s23, $0xb8;
	[tilespmem:$0x1B800] =	vst v63  }
0x10c: {  	_ =	swait.ge [sflag:s0], $0x1900  }
0x10d: {  	[sflag:s0] =	ssyncset.done $0x0  }
0x10e: {  	s25 =	simm.s32 $0x14480;
	[sflag:s0] =	ssyncadd.s32 $0xFFFFE700  }
0x10f: {  	[spmem:s2] =	stream.indirect.scatter.add.f32 [tilespmem:s24], [sflag:$0x9], $0x80, s25, s23, $0xb8;
	[tilespmem:$0x1B800] =	vst v63  }
0x110: {  	_ =	swait.ge [sflag:s5], $0x1900  }
0x111: {  	[sflag:s5] =	ssyncset.done $0x0  }
0x112: {  	s1 =	simm.s32 $0x14580;
	s25 =	rddreg [dreg:$0x4];
	[sflag:s5] =	ssyncadd.s32 $0xFFFFE700  }
0x113: {  	[spmem:s2] =	stream.indirect.scatter.add.f32 [tilespmem:s26], [sflag:$0xA], $0x80, s1, s23, $0xb8;
	[tilespmem:$0x1B800] =	vst v63  }
0x114: {  	s25 =	sadd.s32 s6, s25  }
0x115: {  	[tilespmem:s20], [sflag:$0x2] =	stream.linear.gather [hbm4b:s25+s3], $0x200, $0x38;
	[tilespmem:$0x1B800] =	vst v63  }
0x116: {  	_ =	swait.ge [sflag:s22], $0x200  }
0x117: {  	[sflag:s22] =	ssyncset.done $0x0  }
0x118: {  	[sflag:s22] =	ssyncadd.s32 $0xFFFFFE00  }
0x119: {  	_ =	swait.ge [sflag:s11], $0x1900  }
0x11a: {  	[sflag:s11] =	ssyncset.done $0x0  }
0x11b: {  	[sflag:s11] =	ssyncadd.s32 $0xFFFFE700  }
0x11c: {  	[tilespmem:s24], [sflag:$0x5] =	stream.indirect.gather [hbm4b:s4+s23], $0x80, s19, s23, $0xb8;
	[tilespmem:$0x1B800] =	vst v63  }
0x11d: {  	_ =	swait.ge [sflag:s12], $0x1900  }
0x11e: {  	[sflag:s12] =	ssyncset.done $0x0  }
0x11f: {  	[sflag:s12] =	ssyncadd.s32 $0xFFFFE700  }
0x120: {  	[tilespmem:s26], [sflag:$0x6] =	stream.indirect.gather [hbm4b:s4+s23], $0x80, s8, s23, $0xb8;
	[tilespmem:$0x1B800] =	vst v63  }
0x121: {  	_ =	swait.ge [sflag:s14], $0x1900  }
0x122: {  	[sflag:s14] =	ssyncset.done $0x0  }
0x123: {  	p0 =	sne.s32 s15, $0x1600;
	[sflag:s14] =	ssyncadd.s32 $0xFFFFE700  }
0x124: {  	[spmem:s2] =	stream.indirect.scatter.add.f32 [tilespmem:s29], [sflag:$0xB], $0x80, s13, s23, $0xb8;
	[tilespmem:$0x1B800] =	vst v63  }
.Ltmp0:
0x125: {  	_ = 	snop;
	(pc) =	sbr.rel @p0 .LBB2_2-.Ltmp0, $4  }
0x126: {  	_ =	swait.ge [sflag:s16], $0x1900  }
0x127: {  	[sflag:s16] =	ssyncset.done $0x0;
	s1 =	rddreg [dreg:$0x3]  }
0x128: {  	s15 =	sadd.s32 $0x100, s15;
	[sflag:s16] =	ssyncadd.s32 $0xFFFFE700;
	s6 =	sadd.s32 s6, s1  }
0x129: {  	[spmem:s2] =	stream.indirect.scatter.add.f32 [tilespmem:s31], [sflag:$0xC], $0x80, s30, s23, $0xb8;
	[tilespmem:$0x1B800] =	vst v63  }
0x12a: {  	[tilespmem:s21], [sflag:$0x3] =	stream.linear.gather [hbm4b:s6+s3], $0x200, $0x38;
	[tilespmem:$0x1B800] =	vst v63  }
0x12b: {  	_ =	swait.ge [sflag:s28], $0x200  }
0x12c: {  	[sflag:s28] =	ssyncset.done $0x0  }
0x12d: {  	[sflag:s28] =	ssyncadd.s32 $0xFFFFFE00  }
0x12e: {  	_ =	swait.ge [sflag:s17], $0x1900  }
0x12f: {  	[sflag:s17] =	ssyncset.done $0x0  }
0x130: {  	[sflag:s17] =	ssyncadd.s32 $0xFFFFE700  }
0x131: {  	[tilespmem:s29], [sflag:$0x7] =	stream.indirect.gather [hbm4b:s4+s23], $0x80, s20, s23, $0xb8;
	[tilespmem:$0x1B800] =	vst v63  }
0x132: {  	_ =	swait.ge [sflag:s18], $0x1900  }
0x133: {  	[sflag:s18] =	ssyncset.done $0x0  }
0x134: {  	s8 =	simm.s32 $0x14300;
	[sflag:s18] =	ssyncadd.s32 $0xFFFFE700  }
0x135: {  	[tilespmem:s31], [sflag:$0x8] =	stream.indirect.gather [hbm4b:s4+s23], $0x80, s8, s23, $0xb8;
	[tilespmem:$0x1B800] =	vst v63  }
0x136: {  	_ =	swait.ge [sflag:s0], $0x1900  }
0x137: {  	[sflag:s0] =	ssyncset.done $0x0  }
0x138: {  	s15 =	simm.s32 $0x14080;
	[sflag:s0] =	ssyncadd.s32 $0xFFFFE700  }
0x139: {  	[spmem:s2] =	stream.indirect.scatter.add.f32 [tilespmem:s24], [sflag:$0x9], $0x80, s15, s23, $0xb8;
	[tilespmem:$0x1B800] =	vst v63  }
0x13a: {  	_ =	swait.ge [sflag:s5], $0x1900  }
0x13b: {  	[sflag:s5] =	ssyncset.done $0x0  }
0x13c: {  	s25 =	simm.s32 $0x14180;
	[sflag:s5] =	ssyncadd.s32 $0xFFFFE700  }
0x13d: {  	[spmem:s2] =	stream.indirect.scatter.add.f32 [tilespmem:s26], [sflag:$0xA], $0x80, s25, s23, $0xb8;
	[tilespmem:$0x1B800] =	vst v63  }
0x13e: {  	s1 =	rddreg [dreg:$0x10]  }
0x13f: {  	[tilespmem:s9], [sflag:$0x4] =	stream.linear.gather [hbm4b:s1+s3], $0x200, $0x38;
	[tilespmem:$0x1B800] =	vst v63  }
0x140: {  	_ =	swait.ge [sflag:s10], $0x200  }
0x141: {  	[sflag:s10] =	ssyncset.done $0x0  }
0x142: {  	[sflag:s10] =	ssyncadd.s32 $0xFFFFFE00  }
0x143: {  	_ =	swait.ge [sflag:s11], $0x1900  }
0x144: {  	[sflag:s11] =	ssyncset.done $0x0  }
0x145: {  	[sflag:s11] =	ssyncadd.s32 $0xFFFFE700  }
0x146: {  	[tilespmem:s24], [sflag:$0x5] =	stream.indirect.gather [hbm4b:s4+s23], $0x80, s21, s23, $0xb8;
	[tilespmem:$0x1B800] =	vst v63  }
0x147: {  	_ =	swait.ge [sflag:s12], $0x1900  }
0x148: {  	[sflag:s12] =	ssyncset.done $0x0  }
0x149: {  	s1 =	simm.s32 $0x14500;
	[sflag:s12] =	ssyncadd.s32 $0xFFFFE700  }
0x14a: {  	[tilespmem:s26], [sflag:$0x6] =	stream.indirect.gather [hbm4b:s4+s23], $0x80, s1, s23, $0xb8;
	[tilespmem:$0x1B800] =	vst v63  }
0x14b: {  	_ =	swait.ge [sflag:s14], $0x1900  }
0x14c: {  	[sflag:s14] =	ssyncset.done $0x0  }
0x14d: {  	s8 =	simm.s32 $0x14280;
	[sflag:s14] =	ssyncadd.s32 $0xFFFFE700  }
0x14e: {  	[spmem:s2] =	stream.indirect.scatter.add.f32 [tilespmem:s29], [sflag:$0xB], $0x80, s8, s23, $0xb8;
	[tilespmem:$0x1B800] =	vst v63  }
0x14f: {  	_ =	swait.ge [sflag:s16], $0x1900  }
0x150: {  	[sflag:s16] =	ssyncset.done $0x0  }
0x151: {  	s15 =	simm.s32 $0x14380;
	[sflag:s16] =	ssyncadd.s32 $0xFFFFE700  }
0x152: {  	[spmem:s2] =	stream.indirect.scatter.add.f32 [tilespmem:s31], [sflag:$0xC], $0x80, s15, s23, $0xb8;
	[tilespmem:$0x1B800] =	vst v63  }
0x153: {  	_ =	swait.ge [sflag:s7], $0x200  }
0x154: {  	[sflag:s7] =	ssyncset.done $0x0  }
0x155: {  	[sflag:s7] =	ssyncadd.s32 $0xFFFFFE00  }
0x156: {  	_ =	swait.ge [sflag:s17], $0x1900  }
0x157: {  	[sflag:s17] =	ssyncset.done $0x0  }
0x158: {  	[sflag:s17] =	ssyncadd.s32 $0xFFFFE700  }
0x159: {  	[tilespmem:s29], [sflag:$0x7] =	stream.indirect.gather [hbm4b:s4+s23], $0x80, s9, s23, $0xb8;
	[tilespmem:$0x1B800] =	vst v63  }
0x15a: {  	_ =	swait.ge [sflag:s18], $0x1900  }
0x15b: {  	[sflag:s18] =	ssyncset.done $0x0  }
0x15c: {  	s25 =	simm.s32 $0x14700;
	[sflag:s18] =	ssyncadd.s32 $0xFFFFE700  }
0x15d: {  	[tilespmem:s31], [sflag:$0x8] =	stream.indirect.gather [hbm4b:s4+s23], $0x80, s25, s23, $0xb8;
	[tilespmem:$0x1B800] =	vst v63  }
0x15e: {  	_ =	swait.ge [sflag:s0], $0x1900  }
0x15f: {  	[sflag:s0] =	ssyncset.done $0x0  }
0x160: {  	s6 =	simm.s32 $0x14480;
	[sflag:s0] =	ssyncadd.s32 $0xFFFFE700  }
0x161: {  	[spmem:s2] =	stream.indirect.scatter.add.f32 [tilespmem:s24], [sflag:$0x9], $0x80, s6, s23, $0xb8;
	[tilespmem:$0x1B800] =	vst v63  }
0x162: {  	_ =	swait.ge [sflag:s5], $0x1900  }
0x163: {  	[sflag:s5] =	ssyncset.done $0x0  }
0x164: {  	s8 =	simm.s32 $0x14580;
	[sflag:s5] =	ssyncadd.s32 $0xFFFFE700  }
0x165: {  	[spmem:s2] =	stream.indirect.scatter.add.f32 [tilespmem:s26], [sflag:$0xA], $0x80, s8, s23, $0xb8;
	[tilespmem:$0x1B800] =	vst v63  }
0x166: {  	_ =	swait.ge [sflag:s14], $0x1900  }
0x167: {  	[sflag:s14] =	ssyncset.done $0x0  }
0x168: {  	[sflag:s14] =	ssyncadd.s32 $0xFFFFE700  }
0x169: {  	[spmem:s2] =	stream.indirect.scatter.add.f32 [tilespmem:s29], [sflag:$0xB], $0x80, s13, s23, $0xb8;
	[tilespmem:$0x1B800] =	vst v63  }
0x16a: {  	_ =	swait.ge [sflag:s16], $0x1900  }
0x16b: {  	[sflag:s16] =	ssyncset.done $0x0  }
0x16c: {  	[sflag:s16] =	ssyncadd.s32 $0xFFFFE700  }
0x16d: {  	[spmem:s2] =	stream.indirect.scatter.add.f32 [tilespmem:s31], [sflag:$0xC], $0x80, s30, s23, $0xb8;
	[tilespmem:$0x1B800] =	vst v63  }
0x16e: {  	_ =	swait.ge [sflag:s11], $0x1900  }
0x16f: {  	[sflag:s11] =	ssyncset.done $0x0  }
0x170: {  	[sflag:s11] =	ssyncadd.s32 $0xFFFFE700  }
0x171: {  	_ =	swait.ge [sflag:s12], $0x1900  }
0x172: {  	[sflag:s12] =	ssyncset.done $0x0  }
0x173: {  	[sflag:s12] =	ssyncadd.s32 $0xFFFFE700  }
0x174: {  	_ =	swait.ge [sflag:s17], $0x1900  }
0x175: {  	[sflag:s17] =	ssyncset.done $0x0  }
0x176: {  	[sflag:s17] =	ssyncadd.s32 $0xFFFFE700  }
0x177: {  	_ =	swait.ge [sflag:s18], $0x1900  }
0x178: {  	[sflag:s18] =	ssyncset.done $0x0  }
0x179: {  	[sflag:s18] =	ssyncadd.s32 $0xFFFFE700  }
0x17a: {  	[bflag:$0x0] =	sbarrier.arrive $0xFFFF  }
0x17b: {  	s13 =	rddreg [dreg:$0x9]  }
0x17c: {  	s15 =	rddreg [dreg:$0x11]  }
0x17d: {  	s30 =	simm.s32 $0xD;
	s25 =	rddreg [dreg:$0x13]  }
0x17e: {  	[hbm:s15], [sflag:s13] =	dma.local [spmem:s25], $0x2800  }
0x17f: {  	_ =	swait.ge [sflag:s30], $0x2800  }
0x180: {  	s8 =	rddreg [dreg:$0x14]  }
0x181: {  	s15 =	rddreg [dreg:$0x12];
	s1 =	sadd.s32 $0x1, s8  }
0x182: {  	p0 =	sne.s32 s1, s15  }
.Ltmp1:
0x183: {  	_ = 	snop;
	(pc) =	sbr.rel @p0 .LBB2_1-.Ltmp1, $3  }
0x184: {  	_ =	sdelay $0x1  }
0x185: {  	[sflag:s30] =	ssyncset.done $0x0;
	s30 =	simm.s32 $0xD  }
0x186: {  	[sflag:s30] =	ssyncadd.s32 $0xFFFFD800  }
0x187: {  	_ =	sfence.sel $0x180000  }
0x188: {  	[bflag:$0x0] =	sbarrier.arrive $0xFFFF  }
0x189: {  	_ =	strace $0x9000004A  }
0x18a: {  	s0 =	stileid.u32;
	[bflag:$0x2] =	sbarrier.arrive $0xFFFF  }
0x18b: {  	p0 =	sne.s32 s0, $0x0;
	s0 =	rddreg [dreg:$0x2]  }
0x18c: {  	s0 =	sadd.s32 @!p0 $0x100000, s0  }
0x18d: {  	[sflag:s0] =	ssyncadd.tile.s32 @!p0 $0x1;
	_ =	shalt  }
.Lfunc_end2:
_tile_overlayer_lowered:
.L_overlay_start_2:
0x18e: {  	(tag) =	ssettag $0x2  }
0x18f: {  	s0 =	rddreg [dreg:$0x0];
	s2 =	stileid.u32  }
0x190: {  	s1 =	rddreg [dreg:$0x1];
	p0 =	sne.s32 s2, $0x0  }
0x191: {  	s3 =	rddreg [dreg:$0x2];
	[bflag:$0x3] =	sbarrier.arrive $0xFFFF;
	s2 =	simm.s32 @!p0 $0x1C0D  }
0x192: {  	[timem:s3], [sflag:s2] =	dma.local @!p0 [hbm:s0], s1  }
0x193: {  	s0 =	simm.s32 @!p0 $0xD  }
0x194: {  	_ =	swait.ge @!p0 [sflag:s0], s1  }
0x195: {  	s1 =	ssub.s32 @!p0 $0x0, s1;
	[sflag:s0] =	ssyncset.done @!p0 $0x0  }
0x196: {  	[sflag:s0] =	ssyncadd.s32 @!p0 s1  }
0x197: {  	[bflag:$0x3] =	sbarrier.arrive $0xFFFF  }
0x198: {  	_ =	shalt  }

// kernel: kernel.14.cloned.1.call-start
scs
__scs_entry_jumppad:
0x0: {  	(pc) =	sbr.rel $0x88, $3  }
0x1: {  	(tag) =	ssettag $0x0;
	lr =	simm.s32 $0x1  }
0x2: {  	[smem:$0x3F9B] =	sst lr;
	_ =	strace $0xD0000000  }
0x3: {  	_ = 	snop  }
0x4: {  	_ = 	snop  }
0x5: {  	_ = 	snop  }
0x6: {  	_ = 	snop  }
0x7: {  	_ = 	snop  }
__scs_overlays_trampoline_lowered:
0x8: {  	[smem:$0x3FAA] =	sst s0  }
0x9: {  	[smem:$0x3FAB] =	sst s1  }
0xa: {  	[smem:$0x3FAC] =	sst s2  }
0xb: {  	[smem:$0x3FAD] =	sst s3  }
0xc: {  	[smem:$0x3FAE] =	sst s4  }
0xd: {  	[smem:$0x3FAF] =	sst s5  }
0xe: {  	[smem:$0x3FB0] =	sst s6  }
0xf: {  	[smem:$0x3FB1] =	sst s7  }
0x10: {  	[smem:$0x3FB2] =	sst s8  }
0x11: {  	[smem:$0x3FB3] =	sst s9;
	s0 =	simm.s32 @!p0 $0x0  }
0x12: {  	s1 =	sld [smem:$0x3F99];
	s0 =	simm.s32 @p0 $0x1  }
0x13: {  	[smem:$0x3FB4] =	sst s0;
	s0 =	simm.s32 @!p1 $0x0  }
0x14: {  	s2 =	sld [smem:$0x3F98];
	s0 =	simm.s32 @p1 $0x1  }
0x15: {  	[smem:$0x3FB5] =	sst s0;
	s0 =	simm.s32 @!p2 $0x0  }
0x16: {  	s3 =	sld [smem:$0x3FDB];
	s0 =	simm.s32 @p2 $0x1  }
0x17: {  	s4 =	simm.s32 $0x1BF5;
	[smem:$0x3FB7] =	sst s0  }
0x18: {  	s0 =	sld [smem:$0x3F9A];
	_ =	swait.ge [sflag:s4], $0x0  }
0x19: {  	s7 =	sld [smem:$0x3F9B]  }
0x1a: {  	s8 =	sadd.s32 $0xFFFFE003, lr  }
0x1b: {  	s9 =	sadd.s32 $0xFFFFFEF7, lr;
	s5 =	simm.s32 $0xFFFFFFFF;
	p2 =	slt.u32 s8, $0xFFFFF086  }
0x1c: {  	p1 =	slt.u32 s9, $0xF7A;
	s5 =	simm.s32 @!p2 $0x0  }
0x1d: {  	s5 =	simm.s32 @p1 $0x1;
	p0 =	seq.s32 s7, s2  }
0x1e: {  	s7 =	smul.u32 @!p0 $0xF7A, s2;
	p2 =	seq.s32 @!p0 s5, $0x0  }
0x1f: {  	s9 =	smul.u32 $0xF7A, s1;
	s8 =	simm.s32 @!p0 $0x1BF5;
	p2 =	por !p2, p0  }
0x20: {  	[sflag:s8] =	ssyncset.s32 @!p0 $0xFFFFF086;
	s6 =	sadd.s32 @!p0 s3, s7;
	s7 =	simm.s32 @!p0 $0x108  }
0x21: {  	s3 =	sadd.s32 s3, s9;
	s6 =	sadd.s32 @!p0 $0x88, s6;
	s7 =	simm.s32 @p2 $0x1082  }
0x22: {  	[simem:s7], [sflag:s8] =	dma.local @!p0 [hbm:s6], $0xF7A  }
0x23: {  	s9 =	sor.u32 $0xD0000000, s2;
	s6 =	simm.s32 $0x108;
	_ =	swait.ge @!p0 [sflag:s8], $0x0  }
0x24: {  	s3 =	sadd.s32 $0x88, s3;
	s6 =	simm.s32 @!p1 $0x1082;
	[sflag:s4] =	ssyncset.s32 $0xFFFFF086  }
0x25: {  	[simem:s6], [sflag:s4] =	dma.local [hbm:s3], $0xF7A  }
0x26: {  	[smem:$0x3F9B] =	sst s1;
	(tag) =	ssettag s2;
	_ =	strace s9  }
0x27: {  	s1 =	sld [smem:$0x3FAB]  }
0x28: {  	s2 =	sld [smem:$0x3FAC]  }
0x29: {  	s4 =	sld [smem:$0x3FAE]  }
0x2a: {  	p0 =	seq.s32 s5, $0x0;
	s5 =	sld [smem:$0x3FAF]  }
0x2b: {  	s6 =	sld [smem:$0x3FB0]  }
0x2c: {  	s7 =	sld [smem:$0x3FB1]  }
0x2d: {  	s3 =	simm.s32 $0x108;
	s8 =	sld [smem:$0x3FB2]  }
0x2e: {  	s3 =	simm.s32 @!p0 $0x1082;
	s9 =	sld [smem:$0x3FB3]  }
0x2f: {  	lr =	sadd.s32 s0, s3;
	s0 =	sld [smem:$0x3FAA]  }
0x30: {  	s3 =	sld [smem:$0x3FAD]  }
0x31: {  	[smem:$0x3FB6] =	sst s10  }
0x32: {  	s10 =	sld [smem:$0x3FB4];
	_ =	sdelay $0x3  }
0x33: {  	p0 =	seq.s32 s10, $0x1;
	s10 =	sld [smem:$0x3FB6];
	_ =	sdelay $0x3  }
0x34: {  	[smem:$0x3FB6] =	sst s10  }
0x35: {  	s10 =	sld [smem:$0x3FB5];
	_ =	sdelay $0x3  }
0x36: {  	p1 =	seq.s32 s10, $0x1;
	s10 =	sld [smem:$0x3FB6];
	_ =	sdelay $0x3  }
0x37: {  	[smem:$0x3FB6] =	sst s10  }
0x38: {  	s10 =	sld [smem:$0x3FB7]  }
0x39: {  	_ = 	snop;
	(pc) =	sbr.ind lr, $3  }
0x3a: {  	_ = 	snop  }
0x3b: {  	_ = 	snop  }
0x3c: {  	p2 =	seq.s32 s10, $0x1;
	s10 =	sld [smem:$0x3FB6]  }
0x3d: {  	_ =	shalt  }
0x3e: {  	_ =	shalt  }
0x3f: {  	_ =	shalt  }
0x40: {  	_ =	shalt  }
0x41: {  	_ =	shalt  }
0x42: {  	_ =	shalt  }
0x43: {  	_ =	shalt  }
0x44: {  	_ =	shalt  }
0x45: {  	_ =	shalt  }
0x46: {  	_ =	shalt  }
0x47: {  	_ =	shalt  }
0x48: {  	_ =	shalt  }
0x49: {  	_ =	shalt  }
0x4a: {  	_ =	shalt  }
0x4b: {  	_ =	shalt  }
0x4c: {  	_ =	shalt  }
0x4d: {  	_ =	shalt  }
0x4e: {  	_ =	shalt  }
0x4f: {  	_ =	shalt  }
0x50: {  	_ =	shalt  }
0x51: {  	_ =	shalt  }
0x52: {  	_ =	shalt  }
0x53: {  	_ =	shalt  }
0x54: {  	_ =	shalt  }
0x55: {  	_ =	shalt  }
0x56: {  	_ =	shalt  }
0x57: {  	_ =	shalt  }
0x58: {  	_ =	shalt  }
0x59: {  	_ =	shalt  }
0x5a: {  	_ =	shalt  }
0x5b: {  	_ =	shalt  }
0x5c: {  	_ =	shalt  }
0x5d: {  	_ =	shalt  }
0x5e: {  	_ =	shalt  }
0x5f: {  	_ =	shalt  }
0x60: {  	_ =	shalt  }
0x61: {  	_ =	shalt  }
0x62: {  	_ =	shalt  }
0x63: {  	_ =	shalt  }
0x64: {  	_ =	shalt  }
0x65: {  	_ =	shalt  }
0x66: {  	_ =	shalt  }
0x67: {  	_ =	shalt  }
0x68: {  	_ =	shalt  }
0x69: {  	_ =	shalt  }
0x6a: {  	_ =	shalt  }
0x6b: {  	_ =	shalt  }
0x6c: {  	_ =	shalt  }
0x6d: {  	_ =	shalt  }
0x6e: {  	_ =	shalt  }
0x6f: {  	_ =	shalt  }
0x70: {  	_ =	shalt  }
0x71: {  	_ =	shalt  }
0x72: {  	_ =	shalt  }
0x73: {  	_ =	shalt  }
0x74: {  	_ =	shalt  }
0x75: {  	_ =	shalt  }
0x76: {  	_ =	shalt  }
0x77: {  	_ =	shalt  }
0x78: {  	_ =	shalt  }
0x79: {  	_ =	shalt  }
0x7a: {  	_ =	shalt  }
0x7b: {  	_ =	shalt  }
0x7c: {  	_ =	shalt  }
0x7d: {  	_ =	shalt  }
0x7e: {  	_ =	shalt  }
0x7f: {  	_ =	shalt  }
0x80: {  	_ =	shalt  }
0x81: {  	_ =	shalt  }
0x82: {  	_ =	shalt  }
0x83: {  	_ =	shalt  }
0x84: {  	_ =	shalt  }
0x85: {  	_ =	shalt  }
0x86: {  	_ =	shalt  }
0x87: {  	_ =	shalt  }
.Lfunc_end0:
.L_simem_size_0:
called_computation.2_lowered:
.L_overlay_start_0:
0x88: {  	s2 =	sld [smem:$0x3FD9]  }
0x89: {  	s3 =	sld [smem:$0x3FFE];
	_ =	sdelay $0x1  }
0x8a: {  	s1 =	srdreg.scid  }
0x8b: {  	s0 =	sand.u32 $0x1, s1  }
0x8c: {  	s16 =	sshll.u32 s0, $0xA;
	s2 =	sadd.s32 s3, s2  }
0x8d: {  	s2 =	sadd.s32 s2, s16  }
0x8e: {  	[smem:$0x3FC2] =	sst s2  }
0x8f: {  	_ = 	snop  }
0x90: {  	(tm) =	ssettm $0x1  }
0x91: {  	s17 =	sld [smem:$0x3FFB];
	_ =	sdelay $0x3  }
0x92: {  	_ =	strace s17  }
0x93: {  	s2 =	sld [smem:$0x3FFC];
	_ =	sdelay $0x3  }
0x94: {  	_ =	strace s2  }
0x95: {  	s2 =	sld [smem:$0x3FFD];
	_ =	sdelay $0x3  }
0x96: {  	_ =	strace s2  }
0x97: {  	_ =	strace $0x8FFFFFFF  }
0x98: {  	s18 =	sld [smem:$0x3FDB];
	_ =	sdelay $0x1  }
0x99: {  	s19 =	simm.s32 $_scs_section_size  }
0x9a: {  	s4 =	simm.s32 $_size__tile_overlayer_lowered;
	s5 =	simm.s32 $_tile_overlayer_lowered  }
0x9b: {  	s22 =	simm.s32 $0x1BFF;
	s21 =	sshll.u32 s5, $0x1;
	s2 =	sadd.s32 s19, s18  }
0x9c: {  	s6 =	simm.s32 $0x0;
	s20 =	sshll.u32 s4, $0x1;
	s4 =	sadd.s32 s21, s2  }
0x9d: {  	[timem:s6], [sflag:s22] =	dma.local [hbm:s4], s20  }
0x9e: {  	_ =	swait.ge [sflag:s22], s20  }
0x9f: {  	s3 =	ssub.s32 $0x0, s20;
	[sflag:s22] =	ssyncset.done $0x0  }
0xa0: {  	[sflag:s22] =	ssyncadd.s32 s3;
	_ =	sdelay $0x1  }
0xa1: {  	s23 =	simm.s32 $0x1B8B  }
0xa2: {  	_ =	swait.ge [sflag:s23], $0x1  }
0xa3: {  	[sflag:s23] =	ssyncset.done $0x0  }
0xa4: {  	s25 =	simm.s32 $0x1B8E;
	s24 =	sld [smem:$0x3FFE];
	[sflag:s23] =	ssyncadd.s32 $0xFFFFFFFF  }
0xa5: {  	s26 =	simm.s32 $execute0_lowered;
	[smem:$0x3FD2] =	sst s25  }
0xa6: {  	s4 =	sshll.u32 s26, $0x1;
	_ =	strace $0x8000004C;
	[dreg:$0x1] =	wrdreg $0xFFFFFFFF  }
0xa7: {  	s28 =	simm.s32 $_size_execute0_lowered;
	s2 =	sadd.s32 s2, s4;
	[dreg:$0x0] =	wrdreg $0x0  }
0xa8: {  	s4 =	sshll.u32 s28, $0x1;
	[dreg:$0x2] =	wrdreg s2  }
0xa9: {  	[dreg:$0x3] =	wrdreg s4  }
0xaa: {  	[dreg:$0x4] =	wrdreg $0xC0  }
0xab: {  	_ =	task [dreg:s6], $0x5FFFF  }
0xac: {  	[dreg:$0x1] =	wrdreg $0xFFFFFFFF  }
0xad: {  	[dreg:$0x0] =	wrdreg $0x60  }
0xae: {  	[dreg:$0x2] =	wrdreg s24  }
0xaf: {  	[dreg:$0x3] =	wrdreg $0x0  }
0xb0: {  	[dreg:$0x4] =	wrdreg $0x9  }
0xb1: {  	_ =	task.clear_ibuf [dreg:s6], $0x5FFFF;
	_ =	strace $0x9000004C  }
0xb2: {  	s29 =	simm.s32 $0x9;
	_ =	strace $0x8000004E  }
0xb3: {  	_ =	swait.ge [sflag:s29], $0x1  }
0xb4: {  	[sflag:s29] =	ssyncadd.s32 $0xFFFFFFFF  }
0xb5: {  	_ =	strace $0x9000004E  }
0xb6: {  	_ =	sfence  }
0xb7: {  	s30 =	sld [smem:$0x0];
	_ =	sdelay $0x2  }
0xb8: {  	s31 =	sshll.u32 s1, $0xD;
	s1 =	sshrl.u32 s1, $0x2  }
0xb9: {  	s3 =	sand.u32 $0x4000, s31;
	s1 =	sadd.s32 s1, s30  }
0xba: {  	s0 =	sor.u32 s3, s0;
	s1 =	sshll.u32 s1, $0x11  }
0xbb: {  	s0 =	sor.u32 s1, s0  }
0xbc: {  	s0 =	sadd.s32 $0x8F2B, s0  }
0xbd: {  	[sflag:s0] =	ssyncadd.remote.s32 $0x1  }
0xbe: {  	_ =	sfence.sel $0xFFFF  }
0xbf: {  	[dreg:$0x0] =	wrdreg $0xFFFFFFFF;
	(pc) =	sbr.abs _section_cstart, $3  }
0xc0: {  	[dreg:$0x1] =	wrdreg $0xFFFFFFFF  }
0xc1: {  	_ =	task.clear_ibuf [dreg:s6], $0x2FFFF;
	_ =	strace $0x9FFFFFFF  }
0xc2: {  	(tm) =	ssettm $0x7FFFFFFF  }
0xc3: {  	_ =	shalt  }
tec
execute0_lowered:
.L_overlay_start_1:
0x0: {  	(tag) =	ssettag $0x1  }
0x1: {  	s0 =	rddreg [dreg:$0x0]  }
0x2: {  	s2 =	rddreg [dreg:$0x1]  }
0x3: {  	s1 =	srdreg.scid;
	s11 =	stileid.u32  }
0x4: {  	s3 =	simm.s32 $0x0;
	s28 =	simm.s32 $0x2;
	s29 =	simm.s32 $0x18000  }
0x5: {  	s31 =	simm.s32 $0x19C00;
	s1 =	sand.u32 $0x1, s1;
	s5 =	smul.u32 $0x14000, s11  }
0x6: {  	[smem:$0x7FF] =	sst s3;
	s4 =	sadd.s32 $0x35200, s0;
	s8 =	smul.u32 $0x50000, s11  }
0x7: {  	s7 =	sadd.s32 $0x3200, s0;
	s12 =	smul.u32 $0xC800, s11;
	s14 =	sshll.u32 s11, $0x6  }
0x8: {  	s6 =	smul.u32 $0x140000, s1;
	_ =	strace $0x8000004D;
	s9 =	sshll.u32 s1, $0x4  }
0x9: {  	s30 =	ssub.s32 $0x2, s1;
	s1 =	smul.u32 $0xC8000, s1;
	s13 =	sor.u32 $0x1C0D, s14  }
0xa: {  	s14 =	simm.s32 $0x7;
	s9 =	sor.u32 s11, s9;
	s10 =	sshrl.u32 s30, $0x1  }
0xb: {  	s8 =	sshrl.u32 s8, $0x2;
	s11 =	simm.s32 $0x9;
	[dreg:$0x9] =	wrdreg s13  }
0xc: {  	s6 =	sadd.s32 s5, s6;
	s9 =	smul.u32 $0xC800, s9;
	s8 =	sadd.s32 s8, s2  }
0xd: {  	s5 =	sshrl.u32 s5, $0x3;
	s1 =	sadd.s32 s12, s1;
	s6 =	sshrl.u32 s6, $0x3  }
0xe: {  	s5 =	sadd.s32 s4, s5;
	s19 =	sadd.s32 $0x1400, s1;
	s22 =	sadd.s32 $0x1200, s1  }
0xf: {  	s24 =	sadd.s32 $0x1000, s1;
	[dreg:$0x7] =	wrdreg s5;
	s5 =	sshrl.u32 s19, $0x3  }
0x10: {  	s1 =	sadd.s32 $0xE00, s1;
	s9 =	sshrl.u32 s9, $0x3;
	s5 =	sadd.s32 s5, s7  }
0x11: {  	s0 =	sadd.s32 s6, s0;
	s15 =	sadd.s32 s7, s9;
	[dreg:$0x3] =	wrdreg s5  }
0x12: {  	s6 =	ssub.s32 s30, s10;
	s0 =	sadd.s32 $0x5D200, s0;
	[dreg:$0x8] =	wrdreg s15  }
0x13: {  	s1 =	sshrl.u32 s1, $0x3;
	s30 =	smax.u32 s6, $0x1;
	[dreg:$0x11] =	wrdreg s0  }
0x14: {  	s12 =	simm.s32 $0xA;
	s1 =	sadd.s32 s1, s7;
	[dreg:$0x12] =	wrdreg s30  }
0x15: {  	s23 =	sshrl.u32 s22, $0x3;
	s16 =	sadd.s32 $0x40, s15;
	[dreg:$0x6] =	wrdreg s1  }
0x16: {  	s19 =	simm.s32 $0x14000;
	s17 =	sadd.s32 $0x80, s15;
	[dreg:$0xa] =	wrdreg s16  }
0x17: {  	s22 =	simm.s32 $0x1;
	s18 =	sadd.s32 $0xC0, s15;
	[dreg:$0xb] =	wrdreg s17  }
0x18: {  	s10 =	simm.s32 $0x3;
	s9 =	sadd.s32 $0x100, s15;
	[dreg:$0xc] =	wrdreg s18  }
0x19: {  	s20 =	sadd.s32 $0x140, s15;
	s21 =	sadd.s32 $0x180, s15;
	[dreg:$0xd] =	wrdreg s9  }
0x1a: {  	s5 =	sadd.s32 s23, s7;
	s26 =	sadd.s32 $0x18C0, s15;
	[dreg:$0xe] =	wrdreg s20  }
0x1b: {  	s23 =	simm.s32 $0x32;
	s0 =	simm.s32 $0x5;
	[dreg:$0xf] =	wrdreg s21  }
0x1c: {  	s1 =	simm.s32 $0x0;
	s9 =	sshrl.u32 s24, $0x3;
	[dreg:$0x4] =	wrdreg s5  }
0x1d: {  	[dreg:$0x10] =	wrdreg s26;
	s20 =	simm.s32 $0x14200;
	s21 =	simm.s32 $0x14400  }
0x1e: {  	s24 =	simm.s32 $0x14800;
	s26 =	simm.s32 $0x16400;
	s5 =	simm.s32 $0x6  }
0x1f: {  	s16 =	simm.s32 $0x8;
	s17 =	simm.s32 $0xB;
	s25 =	sadd.s32 s9, s7  }
0x20: {  	s18 =	simm.s32 $0xC;
	[dreg:$0x5] =	wrdreg s25;
	s25 =	sshrl.u32 s8, $0x3  }
0x21: {  	s9 =	simm.s32 $0x14600;
	s7 =	simm.s32 $0x4;
	[dreg:$0x13] =	wrdreg s25  }
.LBB2_1:
0x22: {  	[dreg:$0x14] =	wrdreg s1  }
0x23: {  	s15 =	simm.s32 $0xD;
	s6 =	rddreg [dreg:$0x7]  }
0x24: {  	[spmem:s25], [sflag:s13] =	dma.local [hbm:s6], $0x2800  }
0x25: {  	_ =	swait.ge [sflag:s15], $0x2800  }
0x26: {  	[sflag:s15] =	ssyncset.done $0x0  }
0x27: {  	[sflag:s15] =	ssyncadd.s32 $0xFFFFD800  }
0x28: {  	[bflag:$0x0] =	sbarrier.arrive $0xFFFF  }
0x29: {  	s15 =	rddreg [dreg:$0x8]  }
0x2a: {  	[tilespmem:s19], [sflag:$0x1] =	stream.linear.gather [hbm4b:s15+s3], $0x200, $0x38;
	[tilespmem:$0x1B800] =	vst v63  }
0x2b: {  	s25 =	rddreg [dreg:$0xa]  }
0x2c: {  	[tilespmem:s20], [sflag:$0x2] =	stream.linear.gather [hbm4b:s25+s3], $0x200, $0x38;
	[tilespmem:$0x1B800] =	vst v63  }
0x2d: {  	s1 =	rddreg [dreg:$0xb]  }
0x2e: {  	[tilespmem:s21], [sflag:$0x3] =	stream.linear.gather [hbm4b:s1+s3], $0x200, $0x38;
	[tilespmem:$0x1B800] =	vst v63  }
0x2f: {  	_ =	swait.ge [sflag:s22], $0x200  }
0x30: {  	[sflag:s22] =	ssyncset.done $0x0  }
0x31: {  	[sflag:s22] =	ssyncadd.s32 $0xFFFFFE00  }
0x32: {  	[tilespmem:s24], [sflag:$0x5] =	stream.indirect.gather [hbm4b:s4+s23], $0x80, s19, s23, $0xb8;
	[tilespmem:$0x1B800] =	vst v63  }
0x33: {  	s13 =	simm.s32 $0x14100  }
0x34: {  	[tilespmem:s26], [sflag:$0x6] =	stream.indirect.gather [hbm4b:s4+s23], $0x80, s13, s23, $0xb8;
	[tilespmem:$0x1B800] =	vst v63  }
0x35: {  	_ =	swait.ge [sflag:s28], $0x200  }
0x36: {  	[sflag:s28] =	ssyncset.done $0x0  }
0x37: {  	[sflag:s28] =	ssyncadd.s32 $0xFFFFFE00  }
0x38: {  	[tilespmem:s29], [sflag:$0x7] =	stream.indirect.gather [hbm4b:s4+s23], $0x80, s20, s23, $0xb8;
	[tilespmem:$0x1B800] =	vst v63  }
0x39: {  	s15 =	simm.s32 $0x14300  }
0x3a: {  	[tilespmem:s31], [sflag:$0x8] =	stream.indirect.gather [hbm4b:s4+s23], $0x80, s15, s23, $0xb8;
	[tilespmem:$0x1B800] =	vst v63  }
0x3b: {  	_ =	swait.ge [sflag:s0], $0x1900  }
0x3c: {  	[sflag:s0] =	ssyncset.done $0x0  }
0x3d: {  	s25 =	simm.s32 $0x14080;
	[sflag:s0] =	ssyncadd.s32 $0xFFFFE700  }
0x3e: {  	[spmem:s2] =	stream.indirect.scatter.add.f32 [tilespmem:s24], [sflag:$0x9], $0x80, s25, s23, $0xb8;
	[tilespmem:$0x1B800] =	vst v63  }
0x3f: {  	_ =	swait.ge [sflag:s5], $0x1900  }
0x40: {  	[sflag:s5] =	ssyncset.done $0x0  }
0x41: {  	s8 =	simm.s32 $0x14180;
	[sflag:s5] =	ssyncadd.s32 $0xFFFFE700  }
0x42: {  	[spmem:s2] =	stream.indirect.scatter.add.f32 [tilespmem:s26], [sflag:$0xA], $0x80, s8, s23, $0xb8;
	[tilespmem:$0x1B800] =	vst v63  }
0x43: {  	s1 =	rddreg [dreg:$0xc]  }
0x44: {  	[tilespmem:s9], [sflag:$0x4] =	stream.linear.gather [hbm4b:s1+s3], $0x200, $0x38;
	[tilespmem:$0x1B800] =	vst v63  }
0x45: {  	_ =	swait.ge [sflag:s10], $0x200  }
0x46: {  	[sflag:s10] =	ssyncset.done $0x0  }
0x47: {  	[sflag:s10] =	ssyncadd.s32 $0xFFFFFE00  }
0x48: {  	_ =	swait.ge [sflag:s11], $0x1900  }
0x49: {  	[sflag:s11] =	ssyncset.done $0x0  }
0x4a: {  	[sflag:s11] =	ssyncadd.s32 $0xFFFFE700  }
0x4b: {  	[tilespmem:s24], [sflag:$0x5] =	stream.indirect.gather [hbm4b:s4+s23], $0x80, s21, s23, $0xb8;
	[tilespmem:$0x1B800] =	vst v63  }
0x4c: {  	_ =	swait.ge [sflag:s12], $0x1900  }
0x4d: {  	[sflag:s12] =	ssyncset.done $0x0  }
0x4e: {  	s8 =	simm.s32 $0x14500;
	[sflag:s12] =	ssyncadd.s32 $0xFFFFE700  }
0x4f: {  	[tilespmem:s26], [sflag:$0x6] =	stream.indirect.gather [hbm4b:s4+s23], $0x80, s8, s23, $0xb8;
	[tilespmem:$0x1B800] =	vst v63  }
0x50: {  	_ =	swait.ge [sflag:s14], $0x1900  }
0x51: {  	[sflag:s14] =	ssyncset.done $0x0  }
0x52: {  	s6 =	simm.s32 $0x14280;
	[sflag:s14] =	ssyncadd.s32 $0xFFFFE700  }
0x53: {  	[spmem:s2] =	stream.indirect.scatter.add.f32 [tilespmem:s29], [sflag:$0xB], $0x80, s6, s23, $0xb8;
	[tilespmem:$0x1B800] =	vst v63  }
0x54: {  	_ =	swait.ge [sflag:s16], $0x1900  }
0x55: {  	[sflag:s16] =	ssyncset.done $0x0  }
0x56: {  	s8 =	simm.s32 $0x14380;
	[sflag:s16] =	ssyncadd.s32 $0xFFFFE700  }
0x57: {  	[spmem:s2] =	stream.indirect.scatter.add.f32 [tilespmem:s31], [sflag:$0xC], $0x80, s8, s23, $0xb8;
	[tilespmem:$0x1B800] =	vst v63  }
0x58: {  	s1 =	rddreg [dreg:$0xd]  }
0x59: {  	[tilespmem:s19], [sflag:$0x1] =	stream.linear.gather [hbm4b:s1+s3], $0x200, $0x38;
	[tilespmem:$0x1B800] =	vst v63  }
0x5a: {  	_ =	swait.ge [sflag:s7], $0x200  }
0x5b: {  	[sflag:s7] =	ssyncset.done $0x0  }
0x5c: {  	[sflag:s7] =	ssyncadd.s32 $0xFFFFFE00  }
0x5d: {  	_ =	swait.ge [sflag:s17], $0x1900  }
0x5e: {  	[sflag:s17] =	ssyncset.done $0x0  }
0x5f: {  	[sflag:s17] =	ssyncadd.s32 $0xFFFFE700  }
0x60: {  	[tilespmem:s29], [sflag:$0x7] =	stream.indirect.gather [hbm4b:s4+s23], $0x80, s9, s23, $0xb8;
	[tilespmem:$0x1B800] =	vst v63  }
0x61: {  	_ =	swait.ge [sflag:s18], $0x1900  }
0x62: {  	[sflag:s18] =	ssyncset.done $0x0  }
0x63: {  	s8 =	simm.s32 $0x14700;
	[sflag:s18] =	ssyncadd.s32 $0xFFFFE700  }
0x64: {  	[tilespmem:s31], [sflag:$0x8] =	stream.indirect.gather [hbm4b:s4+s23], $0x80, s8, s23, $0xb8;
	[tilespmem:$0x1B800] =	vst v63  }
0x65: {  	_ =	swait.ge [sflag:s0], $0x1900  }
0x66: {  	[sflag:s0] =	ssyncset.done $0x0  }
0x67: {  	s1 =	simm.s32 $0x14480;
	[sflag:s0] =	ssyncadd.s32 $0xFFFFE700  }
0x68: {  	[spmem:s2] =	stream.indirect.scatter.add.f32 [tilespmem:s24], [sflag:$0x9], $0x80, s1, s23, $0xb8;
	[tilespmem:$0x1B800] =	vst v63  }
0x69: {  	_ =	swait.ge [sflag:s5], $0x1900  }
0x6a: {  	[sflag:s5] =	ssyncset.done $0x0  }
0x6b: {  	s8 =	simm.s32 $0x14580;
	[sflag:s5] =	ssyncadd.s32 $0xFFFFE700  }
0x6c: {  	[spmem:s2] =	stream.indirect.scatter.add.f32 [tilespmem:s26], [sflag:$0xA], $0x80, s8, s23, $0xb8;
	[tilespmem:$0x1B800] =	vst v63  }
0x6d: {  	s6 =	rddreg [dreg:$0xe]  }
0x6e: {  	[tilespmem:s20], [sflag:$0x2] =	stream.linear.gather [hbm4b:s6+s3], $0x200, $0x38;
	[tilespmem:$0x1B800] =	vst v63  }
0x6f: {  	_ =	swait.ge [sflag:s22], $0x200  }
0x70: {  	[sflag:s22] =	ssyncset.done $0x0  }
0x71: {  	[sflag:s22] =	ssyncadd.s32 $0xFFFFFE00  }
0x72: {  	_ =	swait.ge [sflag:s11], $0x1900  }
0x73: {  	[sflag:s11] =	ssyncset.done $0x0  }
0x74: {  	[sflag:s11] =	ssyncadd.s32 $0xFFFFE700  }
0x75: {  	[tilespmem:s24], [sflag:$0x5] =	stream.indirect.gather [hbm4b:s4+s23], $0x80, s19, s23, $0xb8;
	[tilespmem:$0x1B800] =	vst v63  }
0x76: {  	_ =	swait.ge [sflag:s12], $0x1900  }
0x77: {  	[sflag:s12] =	ssyncset.done $0x0  }
0x78: {  	[sflag:s12] =	ssyncadd.s32 $0xFFFFE700  }
0x79: {  	[tilespmem:s26], [sflag:$0x6] =	stream.indirect.gather [hbm4b:s4+s23], $0x80, s13, s23, $0xb8;
	[tilespmem:$0x1B800] =	vst v63  }
0x7a: {  	_ =	swait.ge [sflag:s14], $0x1900  }
0x7b: {  	[sflag:s14] =	ssyncset.done $0x0  }
0x7c: {  	s30 =	simm.s32 $0x14680;
	[sflag:s14] =	ssyncadd.s32 $0xFFFFE700  }
0x7d: {  	[spmem:s2] =	stream.indirect.scatter.add.f32 [tilespmem:s29], [sflag:$0xB], $0x80, s30, s23, $0xb8;
	[tilespmem:$0x1B800] =	vst v63  }
0x7e: {  	_ =	swait.ge [sflag:s16], $0x1900  }
0x7f: {  	[sflag:s16] =	ssyncset.done $0x0  }
0x80: {  	s6 =	simm.s32 $0x14780;
	[sflag:s16] =	ssyncadd.s32 $0xFFFFE700  }
0x81: {  	[spmem:s2] =	stream.indirect.scatter.add.f32 [tilespmem:s31], [sflag:$0xC], $0x80, s6, s23, $0xb8;
	[tilespmem:$0x1B800] =	vst v63  }
0x82: {  	s6 =	rddreg [dreg:$0xf]  }
0x83: {  	[tilespmem:s21], [sflag:$0x3] =	stream.linear.gather [hbm4b:s6+s3], $0x200, $0x38;
	[tilespmem:$0x1B800] =	vst v63  }
0x84: {  	_ =	swait.ge [sflag:s28], $0x200  }
0x85: {  	[sflag:s28] =	ssyncset.done $0x0  }
0x86: {  	[sflag:s28] =	ssyncadd.s32 $0xFFFFFE00  }
0x87: {  	_ =	swait.ge [sflag:s17], $0x1900  }
0x88: {  	[sflag:s17] =	ssyncset.done $0x0  }
0x89: {  	[sflag:s17] =	ssyncadd.s32 $0xFFFFE700  }
0x8a: {  	[tilespmem:s29], [sflag:$0x7] =	stream.indirect.gather [hbm4b:s4+s23], $0x80, s20, s23, $0xb8;
	[tilespmem:$0x1B800] =	vst v63  }
0x8b: {  	_ =	swait.ge [sflag:s18], $0x1900  }
0x8c: {  	[sflag:s18] =	ssyncset.done $0x0  }
0x8d: {  	[sflag:s18] =	ssyncadd.s32 $0xFFFFE700  }
0x8e: {  	[tilespmem:s31], [sflag:$0x8] =	stream.indirect.gather [hbm4b:s4+s23], $0x80, s15, s23, $0xb8;
	[tilespmem:$0x1B800] =	vst v63  }
0x8f: {  	_ =	swait.ge [sflag:s0], $0x1900  }
0x90: {  	[sflag:s0] =	ssyncset.done $0x0  }
0x91: {  	[sflag:s0] =	ssyncadd.s32 $0xFFFFE700  }
0x92: {  	[spmem:s2] =	stream.indirect.scatter.add.f32 [tilespmem:s24], [sflag:$0x9], $0x80, s25, s23, $0xb8;
	[tilespmem:$0x1B800] =	vst v63  }
0x93: {  	_ =	swait.ge [sflag:s5], $0x1900  }
0x94: {  	[sflag:s5] =	ssyncset.done $0x0  }
0x95: {  	s25 =	simm.s32 $0x14180;
	s6 =	rddreg [dreg:$0x6];
	[sflag:s5] =	ssyncadd.s32 $0xFFFFE700  }
0x96: {  	[spmem:s2] =	stream.indirect.scatter.add.f32 [tilespmem:s26], [sflag:$0xA], $0x80, s25, s23, $0xb8;
	[tilespmem:$0x1B800] =	vst v63  }
0x97: {  	s6 =	sadd.s32 $0x0, s6  }
0x98: {  	[tilespmem:s9], [sflag:$0x4] =	stream.linear.gather [hbm4b:s6+s3], $0x200, $0x38;
	[tilespmem:$0x1B800] =	vst v63  }
0x99: {  	_ =	swait.ge [sflag:s10], $0x200  }
0x9a: {  	[sflag:s10] =	ssyncset.done $0x0  }
0x9b: {  	[sflag:s10] =	ssyncadd.s32 $0xFFFFFE00  }
0x9c: {  	_ =	swait.ge [sflag:s11], $0x1900  }
0x9d: {  	[sflag:s11] =	ssyncset.done $0x0  }
0x9e: {  	[sflag:s11] =	ssyncadd.s32 $0xFFFFE700  }
0x9f: {  	[tilespmem:s24], [sflag:$0x5] =	stream.indirect.gather [hbm4b:s4+s23], $0x80, s21, s23, $0xb8;
	[tilespmem:$0x1B800] =	vst v63  }
0xa0: {  	_ =	swait.ge [sflag:s12], $0x1900  }
0xa1: {  	[sflag:s12] =	ssyncset.done $0x0  }
0xa2: {  	s25 =	simm.s32 $0x14500;
	[sflag:s12] =	ssyncadd.s32 $0xFFFFE700  }
0xa3: {  	[tilespmem:s26], [sflag:$0x6] =	stream.indirect.gather [hbm4b:s4+s23], $0x80, s25, s23, $0xb8;
	[tilespmem:$0x1B800] =	vst v63  }
0xa4: {  	_ =	swait.ge [sflag:s14], $0x1900  }
0xa5: {  	[sflag:s14] =	ssyncset.done $0x0  }
0xa6: {  	s15 =	simm.s32 $0x14280;
	[sflag:s14] =	ssyncadd.s32 $0xFFFFE700  }
0xa7: {  	[spmem:s2] =	stream.indirect.scatter.add.f32 [tilespmem:s29], [sflag:$0xB], $0x80, s15, s23, $0xb8;
	[tilespmem:$0x1B800] =	vst v63  }
0xa8: {  	_ =	swait.ge [sflag:s16], $0x1900  }
0xa9: {  	[sflag:s16] =	ssyncset.done $0x0  }
0xaa: {  	s25 =	simm.s32 $0x14380;
	s6 =	rddreg [dreg:$0x5];
	[sflag:s16] =	ssyncadd.s32 $0xFFFFE700  }
0xab: {  	[spmem:s2] =	stream.indirect.scatter.add.f32 [tilespmem:s31], [sflag:$0xC], $0x80, s25, s23, $0xb8;
	[tilespmem:$0x1B800] =	vst v63  }
0xac: {  	s6 =	sadd.s32 $0x0, s6  }
0xad: {  	[tilespmem:s19], [sflag:$0x1] =	stream.linear.gather [hbm4b:s6+s3], $0x200, $0x38;
	[tilespmem:$0x1B800] =	vst v63  }
0xae: {  	_ =	swait.ge [sflag:s7], $0x200  }
0xaf: {  	[sflag:s7] =	ssyncset.done $0x0  }
0xb0: {  	[sflag:s7] =	ssyncadd.s32 $0xFFFFFE00  }
0xb1: {  	_ =	swait.ge [sflag:s17], $0x1900  }
0xb2: {  	[sflag:s17] =	ssyncset.done $0x0  }
0xb3: {  	[sflag:s17] =	ssyncadd.s32 $0xFFFFE700  }
0xb4: {  	[tilespmem:s29], [sflag:$0x7] =	stream.indirect.gather [hbm4b:s4+s23], $0x80, s9, s23, $0xb8;
	[tilespmem:$0x1B800] =	vst v63  }
0xb5: {  	_ =	swait.ge [sflag:s18], $0x1900  }
0xb6: {  	[sflag:s18] =	ssyncset.done $0x0  }
0xb7: {  	s25 =	simm.s32 $0x14700;
	[sflag:s18] =	ssyncadd.s32 $0xFFFFE700  }
0xb8: {  	[tilespmem:s31], [sflag:$0x8] =	stream.indirect.gather [hbm4b:s4+s23], $0x80, s25, s23, $0xb8;
	[tilespmem:$0x1B800] =	vst v63  }
0xb9: {  	_ =	swait.ge [sflag:s0], $0x1900  }
0xba: {  	[sflag:s0] =	ssyncset.done $0x0  }
0xbb: {  	[sflag:s0] =	ssyncadd.s32 $0xFFFFE700  }
0xbc: {  	[spmem:s2] =	stream.indirect.scatter.add.f32 [tilespmem:s24], [sflag:$0x9], $0x80, s1, s23, $0xb8;
	[tilespmem:$0x1B800] =	vst v63  }
0xbd: {  	_ =	swait.ge [sflag:s5], $0x1900  }
0xbe: {  	[sflag:s5] =	ssyncset.done $0x0  }
0xbf: {  	s15 =	rddreg [dreg:$0x4];
	[sflag:s5] =	ssyncadd.s32 $0xFFFFE700  }
0xc0: {  	[spmem:s2] =	stream.indirect.scatter.add.f32 [tilespmem:s26], [sflag:$0xA], $0x80, s8, s23, $0xb8;
	[tilespmem:$0x1B800] =	vst v63  }
0xc1: {  	s6 =	sadd.s32 $0x0, s15  }
0xc2: {  	[tilespmem:s20], [sflag:$0x2] =	stream.linear.gather [hbm4b:s6+s3], $0x200, $0x38;
	[tilespmem:$0x1B800] =	vst v63  }
0xc3: {  	_ =	swait.ge [sflag:s22], $0x200  }
0xc4: {  	[sflag:s22] =	ssyncset.done $0x0  }
0xc5: {  	[sflag:s22] =	ssyncadd.s32 $0xFFFFFE00  }
0xc6: {  	_ =	swait.ge [sflag:s11], $0x1900  }
0xc7: {  	[sflag:s11] =	ssyncset.done $0x0  }
0xc8: {  	[sflag:s11] =	ssyncadd.s32 $0xFFFFE700  }
0xc9: {  	[tilespmem:s24], [sflag:$0x5] =	stream.indirect.gather [hbm4b:s4+s23], $0x80, s19, s23, $0xb8;
	[tilespmem:$0x1B800] =	vst v63  }
0xca: {  	_ =	swait.ge [sflag:s12], $0x1900  }
0xcb: {  	[sflag:s12] =	ssyncset.done $0x0  }
0xcc: {  	[sflag:s12] =	ssyncadd.s32 $0xFFFFE700  }
0xcd: {  	[tilespmem:s26], [sflag:$0x6] =	stream.indirect.gather [hbm4b:s4+s23], $0x80, s13, s23, $0xb8;
	[tilespmem:$0x1B800] =	vst v63  }
0xce: {  	_ =	swait.ge [sflag:s14], $0x1900  }
0xcf: {  	[sflag:s14] =	ssyncset.done $0x0  }
0xd0: {  	s25 =	simm.s32 $0x14780;
	[sflag:s14] =	ssyncadd.s32 $0xFFFFE700  }
0xd1: {  	[spmem:s2] =	stream.indirect.scatter.add.f32 [tilespmem:s29], [sflag:$0xB], $0x80, s30, s23, $0xb8;
	[tilespmem:$0x1B800] =	vst v63  }
0xd2: {  	s15 =	simm.s32 $0x100;
	s8 =	simm.s32 $0x14100;
	_ =	swait.ge [sflag:s16], $0x1900  }
0xd3: {  	s13 =	simm.s32 $0x14680;
	[sflag:s16] =	ssyncset.done $0x0;
	s6 =	rddreg [dreg:$0x3]  }
0xd4: {  	s30 =	simm.s32 $0x14780;
	[sflag:s16] =	ssyncadd.s32 $0xFFFFE700;
	s6 =	sadd.s32 $0x0, s6  }
0xd5: {  	[spmem:s2] =	stream.indirect.scatter.add.f32 [tilespmem:s31], [sflag:$0xC], $0x80, s25, s23, $0xb8;
	[tilespmem:$0x1B800] =	vst v63  }
.LBB2_2:
0xd6: {  	[tilespmem:s21], [sflag:$0x3] =	stream.linear.gather [hbm4b:s6+s3], $0x200, $0x38;
	[tilespmem:$0x1B800] =	vst v63  }
0xd7: {  	_ =	swait.ge [sflag:s28], $0x200  }
0xd8: {  	[sflag:s28] =	ssyncset.done $0x0  }
0xd9: {  	[sflag:s28] =	ssyncadd.s32 $0xFFFFFE00  }
0xda: {  	_ =	swait.ge [sflag:s17], $0x1900  }
0xdb: {  	[sflag:s17] =	ssyncset.done $0x0  }
0xdc: {  	[sflag:s17] =	ssyncadd.s32 $0xFFFFE700  }
0xdd: {  	[tilespmem:s29], [sflag:$0x7] =	stream.indirect.gather [hbm4b:s4+s23], $0x80, s20, s23, $0xb8;
	[tilespmem:$0x1B800] =	vst v63  }
0xde: {  	_ =	swait.ge [sflag:s18], $0x1900  }
0xdf: {  	[sflag:s18] =	ssyncset.done $0x0  }
0xe0: {  	s25 =	simm.s32 $0x14300;
	[sflag:s18] =	ssyncadd.s32 $0xFFFFE700  }
0xe1: {  	[tilespmem:s31], [sflag:$0x8] =	stream.indirect.gather [hbm4b:s4+s23], $0x80, s25, s23, $0xb8;
	[tilespmem:$0x1B800] =	vst v63  }
0xe2: {  	_ =	swait.ge [sflag:s0], $0x1900  }
0xe3: {  	[sflag:s0] =	ssyncset.done $0x0  }
0xe4: {  	s1 =	simm.s32 $0x14080;
	[sflag:s0] =	ssyncadd.s32 $0xFFFFE700  }
0xe5: {  	[spmem:s2] =	stream.indirect.scatter.add.f32 [tilespmem:s24], [sflag:$0x9], $0x80, s1, s23, $0xb8;
	[tilespmem:$0x1B800] =	vst v63  }
0xe6: {  	_ =	swait.ge [sflag:s5], $0x1900  }
0xe7: {  	s6 =	smov.u32 s15;
	[sflag:s5] =	ssyncset.done $0x0  }
0xe8: {  	s1 =	simm.s32 $0x14180;
	s25 =	rddreg [dreg:$0x6];
	[sflag:s5] =	ssyncadd.s32 $0xFFFFE700  }
0xe9: {  	[spmem:s2] =	stream.indirect.scatter.add.f32 [tilespmem:s26], [sflag:$0xA], $0x80, s1, s23, $0xb8;
	[tilespmem:$0x1B800] =	vst v63  }
0xea: {  	s25 =	sadd.s32 s6, s25  }
0xeb: {  	[tilespmem:s9], [sflag:$0x4] =	stream.linear.gather [hbm4b:s25+s3], $0x200, $0x38;
	[tilespmem:$0x1B800] =	vst v63  }
0xec: {  	_ =	swait.ge [sflag:s10], $0x200  }
0xed: {  	[sflag:s10] =	ssyncset.done $0x0  }
0xee: {  	[sflag:s10] =	ssyncadd.s32 $0xFFFFFE00  }
0xef: {  	_ =	swait.ge [sflag:s11], $0x1900  }
0xf0: {  	[sflag:s11] =	ssyncset.done $0x0  }
0xf1: {  	[sflag:s11] =	ssyncadd.s32 $0xFFFFE700  }
0xf2: {  	[tilespmem:s24], [sflag:$0x5] =	stream.indirect.gather [hbm4b:s4+s23], $0x80, s21, s23, $0xb8;
	[tilespmem:$0x1B800] =	vst v63  }
0xf3: {  	_ =	swait.ge [sflag:s12], $0x1900  }
0xf4: {  	[sflag:s12] =	ssyncset.done $0x0  }
0xf5: {  	s25 =	simm.s32 $0x14500;
	[sflag:s12] =	ssyncadd.s32 $0xFFFFE700  }
0xf6: {  	[tilespmem:s26], [sflag:$0x6] =	stream.indirect.gather [hbm4b:s4+s23], $0x80, s25, s23, $0xb8;
	[tilespmem:$0x1B800] =	vst v63  }
0xf7: {  	_ =	swait.ge [sflag:s14], $0x1900  }
0xf8: {  	[sflag:s14] =	ssyncset.done $0x0  }
0xf9: {  	s25 =	simm.s32 $0x14280;
	[sflag:s14] =	ssyncadd.s32 $0xFFFFE700  }
0xfa: {  	[spmem:s2] =	stream.indirect.scatter.add.f32 [tilespmem:s29], [sflag:$0xB], $0x80, s25, s23, $0xb8;
	[tilespmem:$0x1B800] =	vst v63  }
0xfb: {  	_ =	swait.ge [sflag:s16], $0x1900  }
0xfc: {  	[sflag:s16] =	ssyncset.done $0x0  }
0xfd: {  	s1 =	simm.s32 $0x14380;
	s25 =	rddreg [dreg:$0x5];
	[sflag:s16] =	ssyncadd.s32 $0xFFFFE700  }
0xfe: {  	[spmem:s2] =	stream.indirect.scatter.add.f32 [tilespmem:s31], [sflag:$0xC], $0x80, s1, s23, $0xb8;
	[tilespmem:$0x1B800] =	vst v63  }
0xff: {  	s25 =	sadd.s32 s6, s25  }
0x100: {  	[tilespmem:s19], [sflag:$0x1] =	stream.linear.gather [hbm4b:s25+s3], $0x200, $0x38;
	[tilespmem:$0x1B800] =	vst v63  }
0x101: {  	_ =	swait.ge [sflag:s7], $0x200  }
0x102: {  	[sflag:s7] =	ssyncset.done $0x0  }
0x103: {  	[sflag:s7] =	ssyncadd.s32 $0xFFFFFE00  }
0x104: {  	_ =	swait.ge [sflag:s17], $0x1900  }
0x105: {  	[sflag:s17] =	ssyncset.done $0x0  }
0x106: {  	[sflag:s17] =	ssyncadd.s32 $0xFFFFE700  }
0x107: {  	[tilespmem:s29], [sflag:$0x7] =	stream.indirect.gather [hbm4b:s4+s23], $0x80, s9, s23, $0xb8;
	[tilespmem:$0x1B800] =	vst v63  }
0x108: {  	_ =	swait.ge [sflag:s18], $0x1900  }
0x109: {  	[sflag:s18] =	ssyncset.done $0x0  }
0x10a: {  	s25 =	simm.s32 $0x14700;
	[sflag:s18] =	ssyncadd.s32 $0xFFFFE700  }
0x10b: {  	[tilespmem:s31], [sflag:$0x8] =	stream.indirect.gather [hbm4b:s4+s23], $0x80, s25, s23, $0xb8;
	[tilespmem:$0x1B800] =	vst v63  }
0x10c: {  	_ =	swait.ge [sflag:s0], $0x1900  }
0x10d: {  	[sflag:s0] =	ssyncset.done $0x0  }
0x10e: {  	s25 =	simm.s32 $0x14480;
	[sflag:s0] =	ssyncadd.s32 $0xFFFFE700  }
0x10f: {  	[spmem:s2] =	stream.indirect.scatter.add.f32 [tilespmem:s24], [sflag:$0x9], $0x80, s25, s23, $0xb8;
	[tilespmem:$0x1B800] =	vst v63  }
0x110: {  	_ =	swait.ge [sflag:s5], $0x1900  }
0x111: {  	[sflag:s5] =	ssyncset.done $0x0  }
0x112: {  	s1 =	simm.s32 $0x14580;
	s25 =	rddreg [dreg:$0x4];
	[sflag:s5] =	ssyncadd.s32 $0xFFFFE700  }
0x113: {  	[spmem:s2] =	stream.indirect.scatter.add.f32 [tilespmem:s26], [sflag:$0xA], $0x80, s1, s23, $0xb8;
	[tilespmem:$0x1B800] =	vst v63  }
0x114: {  	s25 =	sadd.s32 s6, s25  }
0x115: {  	[tilespmem:s20], [sflag:$0x2] =	stream.linear.gather [hbm4b:s25+s3], $0x200, $0x38;
	[tilespmem:$0x1B800] =	vst v63  }
0x116: {  	_ =	swait.ge [sflag:s22], $0x200  }
0x117: {  	[sflag:s22] =	ssyncset.done $0x0  }
0x118: {  	[sflag:s22] =	ssyncadd.s32 $0xFFFFFE00  }
0x119: {  	_ =	swait.ge [sflag:s11], $0x1900  }
0x11a: {  	[sflag:s11] =	ssyncset.done $0x0  }
0x11b: {  	[sflag:s11] =	ssyncadd.s32 $0xFFFFE700  }
0x11c: {  	[tilespmem:s24], [sflag:$0x5] =	stream.indirect.gather [hbm4b:s4+s23], $0x80, s19, s23, $0xb8;
	[tilespmem:$0x1B800] =	vst v63  }
0x11d: {  	_ =	swait.ge [sflag:s12], $0x1900  }
0x11e: {  	[sflag:s12] =	ssyncset.done $0x0  }
0x11f: {  	[sflag:s12] =	ssyncadd.s32 $0xFFFFE700  }
0x120: {  	[tilespmem:s26], [sflag:$0x6] =	stream.indirect.gather [hbm4b:s4+s23], $0x80, s8, s23, $0xb8;
	[tilespmem:$0x1B800] =	vst v63  }
0x121: {  	_ =	swait.ge [sflag:s14], $0x1900  }
0x122: {  	[sflag:s14] =	ssyncset.done $0x0  }
0x123: {  	p0 =	sne.s32 s15, $0x1600;
	[sflag:s14] =	ssyncadd.s32 $0xFFFFE700  }
0x124: {  	[spmem:s2] =	stream.indirect.scatter.add.f32 [tilespmem:s29], [sflag:$0xB], $0x80, s13, s23, $0xb8;
	[tilespmem:$0x1B800] =	vst v63  }
.Ltmp0:
0x125: {  	_ = 	snop;
	(pc) =	sbr.rel @p0 .LBB2_2-.Ltmp0, $4  }
0x126: {  	_ =	swait.ge [sflag:s16], $0x1900  }
0x127: {  	[sflag:s16] =	ssyncset.done $0x0;
	s1 =	rddreg [dreg:$0x3]  }
0x128: {  	s15 =	sadd.s32 $0x100, s15;
	[sflag:s16] =	ssyncadd.s32 $0xFFFFE700;
	s6 =	sadd.s32 s6, s1  }
0x129: {  	[spmem:s2] =	stream.indirect.scatter.add.f32 [tilespmem:s31], [sflag:$0xC], $0x80, s30, s23, $0xb8;
	[tilespmem:$0x1B800] =	vst v63  }
0x12a: {  	[tilespmem:s21], [sflag:$0x3] =	stream.linear.gather [hbm4b:s6+s3], $0x200, $0x38;
	[tilespmem:$0x1B800] =	vst v63  }
0x12b: {  	_ =	swait.ge [sflag:s28], $0x200  }
0x12c: {  	[sflag:s28] =	ssyncset.done $0x0  }
0x12d: {  	[sflag:s28] =	ssyncadd.s32 $0xFFFFFE00  }
0x12e: {  	_ =	swait.ge [sflag:s17], $0x1900  }
0x12f: {  	[sflag:s17] =	ssyncset.done $0x0  }
0x130: {  	[sflag:s17] =	ssyncadd.s32 $0xFFFFE700  }
0x131: {  	[tilespmem:s29], [sflag:$0x7] =	stream.indirect.gather [hbm4b:s4+s23], $0x80, s20, s23, $0xb8;
	[tilespmem:$0x1B800] =	vst v63  }
0x132: {  	_ =	swait.ge [sflag:s18], $0x1900  }
0x133: {  	[sflag:s18] =	ssyncset.done $0x0  }
0x134: {  	s8 =	simm.s32 $0x14300;
	[sflag:s18] =	ssyncadd.s32 $0xFFFFE700  }
0x135: {  	[tilespmem:s31], [sflag:$0x8] =	stream.indirect.gather [hbm4b:s4+s23], $0x80, s8, s23, $0xb8;
	[tilespmem:$0x1B800] =	vst v63  }
0x136: {  	_ =	swait.ge [sflag:s0], $0x1900  }
0x137: {  	[sflag:s0] =	ssyncset.done $0x0  }
0x138: {  	s15 =	simm.s32 $0x14080;
	[sflag:s0] =	ssyncadd.s32 $0xFFFFE700  }
0x139: {  	[spmem:s2] =	stream.indirect.scatter.add.f32 [tilespmem:s24], [sflag:$0x9], $0x80, s15, s23, $0xb8;
	[tilespmem:$0x1B800] =	vst v63  }
0x13a: {  	_ =	swait.ge [sflag:s5], $0x1900  }
0x13b: {  	[sflag:s5] =	ssyncset.done $0x0  }
0x13c: {  	s25 =	simm.s32 $0x14180;
	[sflag:s5] =	ssyncadd.s32 $0xFFFFE700  }
0x13d: {  	[spmem:s2] =	stream.indirect.scatter.add.f32 [tilespmem:s26], [sflag:$0xA], $0x80, s25, s23, $0xb8;
	[tilespmem:$0x1B800] =	vst v63  }
0x13e: {  	s1 =	rddreg [dreg:$0x10]  }
0x13f: {  	[tilespmem:s9], [sflag:$0x4] =	stream.linear.gather [hbm4b:s1+s3], $0x200, $0x38;
	[tilespmem:$0x1B800] =	vst v63  }
0x140: {  	_ =	swait.ge [sflag:s10], $0x200  }
0x141: {  	[sflag:s10] =	ssyncset.done $0x0  }
0x142: {  	[sflag:s10] =	ssyncadd.s32 $0xFFFFFE00  }
0x143: {  	_ =	swait.ge [sflag:s11], $0x1900  }
0x144: {  	[sflag:s11] =	ssyncset.done $0x0  }
0x145: {  	[sflag:s11] =	ssyncadd.s32 $0xFFFFE700  }
0x146: {  	[tilespmem:s24], [sflag:$0x5] =	stream.indirect.gather [hbm4b:s4+s23], $0x80, s21, s23, $0xb8;
	[tilespmem:$0x1B800] =	vst v63  }
0x147: {  	_ =	swait.ge [sflag:s12], $0x1900  }
0x148: {  	[sflag:s12] =	ssyncset.done $0x0  }
0x149: {  	s1 =	simm.s32 $0x14500;
	[sflag:s12] =	ssyncadd.s32 $0xFFFFE700  }
0x14a: {  	[tilespmem:s26], [sflag:$0x6] =	stream.indirect.gather [hbm4b:s4+s23], $0x80, s1, s23, $0xb8;
	[tilespmem:$0x1B800] =	vst v63  }
0x14b: {  	_ =	swait.ge [sflag:s14], $0x1900  }
0x14c: {  	[sflag:s14] =	ssyncset.done $0x0  }
0x14d: {  	s8 =	simm.s32 $0x14280;
	[sflag:s14] =	ssyncadd.s32 $0xFFFFE700  }
0x14e: {  	[spmem:s2] =	stream.indirect.scatter.add.f32 [tilespmem:s29], [sflag:$0xB], $0x80, s8, s23, $0xb8;
	[tilespmem:$0x1B800] =	vst v63  }
0x14f: {  	_ =	swait.ge [sflag:s16], $0x1900  }
0x150: {  	[sflag:s16] =	ssyncset.done $0x0  }
0x151: {  	s15 =	simm.s32 $0x14380;
	[sflag:s16] =	ssyncadd.s32 $0xFFFFE700  }
0x152: {  	[spmem:s2] =	stream.indirect.scatter.add.f32 [tilespmem:s31], [sflag:$0xC], $0x80, s15, s23, $0xb8;
	[tilespmem:$0x1B800] =	vst v63  }
0x153: {  	_ =	swait.ge [sflag:s7], $0x200  }
0x154: {  	[sflag:s7] =	ssyncset.done $0x0  }
0x155: {  	[sflag:s7] =	ssyncadd.s32 $0xFFFFFE00  }
0x156: {  	_ =	swait.ge [sflag:s17], $0x1900  }
0x157: {  	[sflag:s17] =	ssyncset.done $0x0  }
0x158: {  	[sflag:s17] =	ssyncadd.s32 $0xFFFFE700  }
0x159: {  	[tilespmem:s29], [sflag:$0x7] =	stream.indirect.gather [hbm4b:s4+s23], $0x80, s9, s23, $0xb8;
	[tilespmem:$0x1B800] =	vst v63  }
0x15a: {  	_ =	swait.ge [sflag:s18], $0x1900  }
0x15b: {  	[sflag:s18] =	ssyncset.done $0x0  }
0x15c: {  	s25 =	simm.s32 $0x14700;
	[sflag:s18] =	ssyncadd.s32 $0xFFFFE700  }
0x15d: {  	[tilespmem:s31], [sflag:$0x8] =	stream.indirect.gather [hbm4b:s4+s23], $0x80, s25, s23, $0xb8;
	[tilespmem:$0x1B800] =	vst v63  }
0x15e: {  	_ =	swait.ge [sflag:s0], $0x1900  }
0x15f: {  	[sflag:s0] =	ssyncset.done $0x0  }
0x160: {  	s6 =	simm.s32 $0x14480;
	[sflag:s0] =	ssyncadd.s32 $0xFFFFE700  }
0x161: {  	[spmem:s2] =	stream.indirect.scatter.add.f32 [tilespmem:s24], [sflag:$0x9], $0x80, s6, s23, $0xb8;
	[tilespmem:$0x1B800] =	vst v63  }
0x162: {  	_ =	swait.ge [sflag:s5], $0x1900  }
0x163: {  	[sflag:s5] =	ssyncset.done $0x0  }
0x164: {  	s8 =	simm.s32 $0x14580;
	[sflag:s5] =	ssyncadd.s32 $0xFFFFE700  }
0x165: {  	[spmem:s2] =	stream.indirect.scatter.add.f32 [tilespmem:s26], [sflag:$0xA], $0x80, s8, s23, $0xb8;
	[tilespmem:$0x1B800] =	vst v63  }
0x166: {  	_ =	swait.ge [sflag:s14], $0x1900  }
0x167: {  	[sflag:s14] =	ssyncset.done $0x0  }
0x168: {  	[sflag:s14] =	ssyncadd.s32 $0xFFFFE700  }
0x169: {  	[spmem:s2] =	stream.indirect.scatter.add.f32 [tilespmem:s29], [sflag:$0xB], $0x80, s13, s23, $0xb8;
	[tilespmem:$0x1B800] =	vst v63  }
0x16a: {  	_ =	swait.ge [sflag:s16], $0x1900  }
0x16b: {  	[sflag:s16] =	ssyncset.done $0x0  }
0x16c: {  	[sflag:s16] =	ssyncadd.s32 $0xFFFFE700  }
0x16d: {  	[spmem:s2] =	stream.indirect.scatter.add.f32 [tilespmem:s31], [sflag:$0xC], $0x80, s30, s23, $0xb8;
	[tilespmem:$0x1B800] =	vst v63  }
0x16e: {  	_ =	swait.ge [sflag:s11], $0x1900  }
0x16f: {  	[sflag:s11] =	ssyncset.done $0x0  }
0x170: {  	[sflag:s11] =	ssyncadd.s32 $0xFFFFE700  }
0x171: {  	_ =	swait.ge [sflag:s12], $0x1900  }
0x172: {  	[sflag:s12] =	ssyncset.done $0x0  }
0x173: {  	[sflag:s12] =	ssyncadd.s32 $0xFFFFE700  }
0x174: {  	_ =	swait.ge [sflag:s17], $0x1900  }
0x175: {  	[sflag:s17] =	ssyncset.done $0x0  }
0x176: {  	[sflag:s17] =	ssyncadd.s32 $0xFFFFE700  }
0x177: {  	_ =	swait.ge [sflag:s18], $0x1900  }
0x178: {  	[sflag:s18] =	ssyncset.done $0x0  }
0x179: {  	[sflag:s18] =	ssyncadd.s32 $0xFFFFE700  }
0x17a: {  	[bflag:$0x0] =	sbarrier.arrive $0xFFFF  }
0x17b: {  	s13 =	rddreg [dreg:$0x9]  }
0x17c: {  	s15 =	rddreg [dreg:$0x11]  }
0x17d: {  	s30 =	simm.s32 $0xD;
	s25 =	rddreg [dreg:$0x13]  }
0x17e: {  	[hbm:s15], [sflag:s13] =	dma.local [spmem:s25], $0x2800  }
0x17f: {  	_ =	swait.ge [sflag:s30], $0x2800  }
0x180: {  	s8 =	rddreg [dreg:$0x14]  }
0x181: {  	s15 =	rddreg [dreg:$0x12];
	s1 =	sadd.s32 $0x1, s8  }
0x182: {  	p0 =	sne.s32 s1, s15  }
.Ltmp1:
0x183: {  	_ = 	snop;
	(pc) =	sbr.rel @p0 .LBB2_1-.Ltmp1, $3  }
0x184: {  	_ =	sdelay $0x1  }
0x185: {  	[sflag:s30] =	ssyncset.done $0x0;
	s30 =	simm.s32 $0xD  }
0x186: {  	[sflag:s30] =	ssyncadd.s32 $0xFFFFD800  }
0x187: {  	_ =	sfence.sel $0x180000  }
0x188: {  	[bflag:$0x0] =	sbarrier.arrive $0xFFFF  }
0x189: {  	_ =	strace $0x9000004D  }
0x18a: {  	s0 =	stileid.u32;
	[bflag:$0x2] =	sbarrier.arrive $0xFFFF  }
0x18b: {  	p0 =	sne.s32 s0, $0x0;
	s0 =	rddreg [dreg:$0x2]  }
0x18c: {  	s0 =	sadd.s32 @!p0 $0x100000, s0  }
0x18d: {  	[sflag:s0] =	ssyncadd.tile.s32 @!p0 $0x1;
	_ =	shalt  }
.Lfunc_end2:
_tile_overlayer_lowered:
.L_overlay_start_2:
0x18e: {  	(tag) =	ssettag $0x2  }
0x18f: {  	s0 =	rddreg [dreg:$0x0];
	s2 =	stileid.u32  }
0x190: {  	s1 =	rddreg [dreg:$0x1];
	p0 =	sne.s32 s2, $0x0  }
0x191: {  	s3 =	rddreg [dreg:$0x2];
	[bflag:$0x3] =	sbarrier.arrive $0xFFFF;
	s2 =	simm.s32 @!p0 $0x1C0D  }
0x192: {  	[timem:s3], [sflag:s2] =	dma.local @!p0 [hbm:s0], s1  }
0x193: {  	s0 =	simm.s32 @!p0 $0xD  }
0x194: {  	_ =	swait.ge @!p0 [sflag:s0], s1  }
0x195: {  	s1 =	ssub.s32 @!p0 $0x0, s1;
	[sflag:s0] =	ssyncset.done @!p0 $0x0  }
0x196: {  	[sflag:s0] =	ssyncadd.s32 @!p0 s1  }
0x197: {  	[bflag:$0x3] =	sbarrier.arrive $0xFFFF  }
0x198: {  	_ =	shalt  }

// kernel: kernel.8.cloned.1.call-start
scs
__scs_entry_jumppad:
0x0: {  	(pc) =	sbr.rel $0x88, $3  }
0x1: {  	(tag) =	ssettag $0x0;
	lr =	simm.s32 $0x1  }
0x2: {  	[smem:$0x3F9B] =	sst lr;
	_ =	strace $0xD0000000  }
0x3: {  	_ = 	snop  }
0x4: {  	_ = 	snop  }
0x5: {  	_ = 	snop  }
0x6: {  	_ = 	snop  }
0x7: {  	_ = 	snop  }
__scs_overlays_trampoline_lowered:
0x8: {  	[smem:$0x3FAA] =	sst s0  }
0x9: {  	[smem:$0x3FAB] =	sst s1  }
0xa: {  	[smem:$0x3FAC] =	sst s2  }
0xb: {  	[smem:$0x3FAD] =	sst s3  }
0xc: {  	[smem:$0x3FAE] =	sst s4  }
0xd: {  	[smem:$0x3FAF] =	sst s5  }
0xe: {  	[smem:$0x3FB0] =	sst s6  }
0xf: {  	[smem:$0x3FB1] =	sst s7  }
0x10: {  	[smem:$0x3FB2] =	sst s8  }
0x11: {  	[smem:$0x3FB3] =	sst s9;
	s0 =	simm.s32 @!p0 $0x0  }
0x12: {  	s1 =	sld [smem:$0x3F99];
	s0 =	simm.s32 @p0 $0x1  }
0x13: {  	[smem:$0x3FB4] =	sst s0;
	s0 =	simm.s32 @!p1 $0x0  }
0x14: {  	s2 =	sld [smem:$0x3F98];
	s0 =	simm.s32 @p1 $0x1  }
0x15: {  	[smem:$0x3FB5] =	sst s0;
	s0 =	simm.s32 @!p2 $0x0  }
0x16: {  	s3 =	sld [smem:$0x3FDB];
	s0 =	simm.s32 @p2 $0x1  }
0x17: {  	s4 =	simm.s32 $0x1BF5;
	[smem:$0x3FB7] =	sst s0  }
0x18: {  	s0 =	sld [smem:$0x3F9A];
	_ =	swait.ge [sflag:s4], $0x0  }
0x19: {  	s7 =	sld [smem:$0x3F9B]  }
0x1a: {  	s8 =	sadd.s32 $0xFFFFE003, lr  }
0x1b: {  	s9 =	sadd.s32 $0xFFFFFEF7, lr;
	s5 =	simm.s32 $0xFFFFFFFF;
	p2 =	slt.u32 s8, $0xFFFFF086  }
0x1c: {  	p1 =	slt.u32 s9, $0xF7A;
	s5 =	simm.s32 @!p2 $0x0  }
0x1d: {  	s5 =	simm.s32 @p1 $0x1;
	p0 =	seq.s32 s7, s2  }
0x1e: {  	s7 =	smul.u32 @!p0 $0xF7A, s2;
	p2 =	seq.s32 @!p0 s5, $0x0  }
0x1f: {  	s9 =	smul.u32 $0xF7A, s1;
	s8 =	simm.s32 @!p0 $0x1BF5;
	p2 =	por !p2, p0  }
0x20: {  	[sflag:s8] =	ssyncset.s32 @!p0 $0xFFFFF086;
	s6 =	sadd.s32 @!p0 s3, s7;
	s7 =	simm.s32 @!p0 $0x108  }
0x21: {  	s3 =	sadd.s32 s3, s9;
	s6 =	sadd.s32 @!p0 $0x88, s6;
	s7 =	simm.s32 @p2 $0x1082  }
0x22: {  	[simem:s7], [sflag:s8] =	dma.local @!p0 [hbm:s6], $0xF7A  }
0x23: {  	s9 =	sor.u32 $0xD0000000, s2;
	s6 =	simm.s32 $0x108;
	_ =	swait.ge @!p0 [sflag:s8], $0x0  }
0x24: {  	s3 =	sadd.s32 $0x88, s3;
	s6 =	simm.s32 @!p1 $0x1082;
	[sflag:s4] =	ssyncset.s32 $0xFFFFF086  }
0x25: {  	[simem:s6], [sflag:s4] =	dma.local [hbm:s3], $0xF7A  }
0x26: {  	[smem:$0x3F9B] =	sst s1;
	(tag) =	ssettag s2;
	_ =	strace s9  }
0x27: {  	s1 =	sld [smem:$0x3FAB]  }
0x28: {  	s2 =	sld [smem:$0x3FAC]  }
0x29: {  	s4 =	sld [smem:$0x3FAE]  }
0x2a: {  	p0 =	seq.s32 s5, $0x0;
	s5 =	sld [smem:$0x3FAF]  }
0x2b: {  	s6 =	sld [smem:$0x3FB0]  }
0x2c: {  	s7 =	sld [smem:$0x3FB1]  }
0x2d: {  	s3 =	simm.s32 $0x108;
	s8 =	sld [smem:$0x3FB2]  }
0x2e: {  	s3 =	simm.s32 @!p0 $0x1082;
	s9 =	sld [smem:$0x3FB3]  }
0x2f: {  	lr =	sadd.s32 s0, s3;
	s0 =	sld [smem:$0x3FAA]  }
0x30: {  	s3 =	sld [smem:$0x3FAD]  }
0x31: {  	[smem:$0x3FB6] =	sst s10  }
0x32: {  	s10 =	sld [smem:$0x3FB4];
	_ =	sdelay $0x3  }
0x33: {  	p0 =	seq.s32 s10, $0x1;
	s10 =	sld [smem:$0x3FB6];
	_ =	sdelay $0x3  }
0x34: {  	[smem:$0x3FB6] =	sst s10  }
0x35: {  	s10 =	sld [smem:$0x3FB5];
	_ =	sdelay $0x3  }
0x36: {  	p1 =	seq.s32 s10, $0x1;
	s10 =	sld [smem:$0x3FB6];
	_ =	sdelay $0x3  }
0x37: {  	[smem:$0x3FB6] =	sst s10  }
0x38: {  	s10 =	sld [smem:$0x3FB7]  }
0x39: {  	_ = 	snop;
	(pc) =	sbr.ind lr, $3  }
0x3a: {  	_ = 	snop  }
0x3b: {  	_ = 	snop  }
0x3c: {  	p2 =	seq.s32 s10, $0x1;
	s10 =	sld [smem:$0x3FB6]  }
0x3d: {  	_ =	shalt  }
0x3e: {  	_ =	shalt  }
0x3f: {  	_ =	shalt  }
0x40: {  	_ =	shalt  }
0x41: {  	_ =	shalt  }
0x42: {  	_ =	shalt  }
0x43: {  	_ =	shalt  }
0x44: {  	_ =	shalt  }
0x45: {  	_ =	shalt  }
0x46: {  	_ =	shalt  }
0x47: {  	_ =	shalt  }
0x48: {  	_ =	shalt  }
0x49: {  	_ =	shalt  }
0x4a: {  	_ =	shalt  }
0x4b: {  	_ =	shalt  }
0x4c: {  	_ =	shalt  }
0x4d: {  	_ =	shalt  }
0x4e: {  	_ =	shalt  }
0x4f: {  	_ =	shalt  }
0x50: {  	_ =	shalt  }
0x51: {  	_ =	shalt  }
0x52: {  	_ =	shalt  }
0x53: {  	_ =	shalt  }
0x54: {  	_ =	shalt  }
0x55: {  	_ =	shalt  }
0x56: {  	_ =	shalt  }
0x57: {  	_ =	shalt  }
0x58: {  	_ =	shalt  }
0x59: {  	_ =	shalt  }
0x5a: {  	_ =	shalt  }
0x5b: {  	_ =	shalt  }
0x5c: {  	_ =	shalt  }
0x5d: {  	_ =	shalt  }
0x5e: {  	_ =	shalt  }
0x5f: {  	_ =	shalt  }
0x60: {  	_ =	shalt  }
0x61: {  	_ =	shalt  }
0x62: {  	_ =	shalt  }
0x63: {  	_ =	shalt  }
0x64: {  	_ =	shalt  }
0x65: {  	_ =	shalt  }
0x66: {  	_ =	shalt  }
0x67: {  	_ =	shalt  }
0x68: {  	_ =	shalt  }
0x69: {  	_ =	shalt  }
0x6a: {  	_ =	shalt  }
0x6b: {  	_ =	shalt  }
0x6c: {  	_ =	shalt  }
0x6d: {  	_ =	shalt  }
0x6e: {  	_ =	shalt  }
0x6f: {  	_ =	shalt  }
0x70: {  	_ =	shalt  }
0x71: {  	_ =	shalt  }
0x72: {  	_ =	shalt  }
0x73: {  	_ =	shalt  }
0x74: {  	_ =	shalt  }
0x75: {  	_ =	shalt  }
0x76: {  	_ =	shalt  }
0x77: {  	_ =	shalt  }
0x78: {  	_ =	shalt  }
0x79: {  	_ =	shalt  }
0x7a: {  	_ =	shalt  }
0x7b: {  	_ =	shalt  }
0x7c: {  	_ =	shalt  }
0x7d: {  	_ =	shalt  }
0x7e: {  	_ =	shalt  }
0x7f: {  	_ =	shalt  }
0x80: {  	_ =	shalt  }
0x81: {  	_ =	shalt  }
0x82: {  	_ =	shalt  }
0x83: {  	_ =	shalt  }
0x84: {  	_ =	shalt  }
0x85: {  	_ =	shalt  }
0x86: {  	_ =	shalt  }
0x87: {  	_ =	shalt  }
.Lfunc_end0:
.L_simem_size_0:
called_computation_lowered:
.L_overlay_start_0:
0x88: {  	s2 =	sld [smem:$0x3FD9]  }
0x89: {  	s3 =	sld [smem:$0x3FFE];
	_ =	sdelay $0x1  }
0x8a: {  	s1 =	srdreg.scid  }
0x8b: {  	s0 =	sand.u32 $0x1, s1  }
0x8c: {  	s17 =	sshll.u32 s0, $0xA;
	s2 =	sadd.s32 s3, s2  }
0x8d: {  	s2 =	sadd.s32 s2, s17  }
0x8e: {  	[smem:$0x3FC2] =	sst s2  }
0x8f: {  	_ = 	snop  }
0x90: {  	s2 =	sld [smem:$0x3FD0];
	(tm) =	ssettm $0x1  }
0x91: {  	s18 =	sld [smem:$0x3FFB];
	_ =	sdelay $0x3  }
0x92: {  	_ =	strace s18  }
0x93: {  	s3 =	sld [smem:$0x3FFC];
	_ =	sdelay $0x3  }
0x94: {  	_ =	strace s3  }
0x95: {  	s3 =	sld [smem:$0x3FFD];
	_ =	sdelay $0x3  }
0x96: {  	_ =	strace s3  }
0x97: {  	_ =	strace $0x8FFFFFFF  }
0x98: {  	s19 =	sld [smem:$0x3FDB];
	_ =	sdelay $0x1  }
0x99: {  	s4 =	simm.s32 $_scs_section_size  }
0x9a: {  	s5 =	simm.s32 $_size__tile_overlayer_lowered;
	s6 =	simm.s32 $_tile_overlayer_lowered  }
0x9b: {  	s22 =	simm.s32 $0x1BFF;
	s21 =	sshll.u32 s6, $0x1;
	s3 =	sadd.s32 s4, s19  }
0x9c: {  	s7 =	simm.s32 $0x0;
	s20 =	sshll.u32 s5, $0x1;
	s5 =	sadd.s32 s21, s3  }
0x9d: {  	[timem:s7], [sflag:s22] =	dma.local [hbm:s5], s20  }
0x9e: {  	_ =	swait.ge [sflag:s22], s20  }
0x9f: {  	s4 =	ssub.s32 $0x0, s20;
	[sflag:s22] =	ssyncset.done $0x0  }
0xa0: {  	[sflag:s22] =	ssyncadd.s32 s4;
	_ =	sdelay $0x1  }
0xa1: {  	s23 =	simm.s32 $0x1B8B  }
0xa2: {  	_ =	swait.ge [sflag:s23], $0x1  }
0xa3: {  	[sflag:s23] =	ssyncset.done $0x0  }
0xa4: {  	s25 =	simm.s32 $0x1B8E;
	s24 =	sld [smem:$0x3FFE];
	[sflag:s23] =	ssyncadd.s32 $0xFFFFFFFF  }
0xa5: {  	s26 =	simm.s32 $execute0_lowered;
	[smem:$0x3FD2] =	sst s25  }
0xa6: {  	s5 =	sshll.u32 s26, $0x1;
	_ =	strace $0x80000046;
	[dreg:$0x1] =	wrdreg $0xFFFFFFFF  }
0xa7: {  	s28 =	simm.s32 $_size_execute0_lowered;
	s3 =	sadd.s32 s3, s5;
	[dreg:$0x0] =	wrdreg $0x0  }
0xa8: {  	s5 =	sshll.u32 s28, $0x1;
	[dreg:$0x2] =	wrdreg s3  }
0xa9: {  	[dreg:$0x3] =	wrdreg s5  }
0xaa: {  	[dreg:$0x4] =	wrdreg $0xC0  }
0xab: {  	_ =	task [dreg:s7], $0x5FFFF  }
0xac: {  	[dreg:$0x1] =	wrdreg $0xFFFFFFFF  }
0xad: {  	[dreg:$0x0] =	wrdreg $0x60  }
0xae: {  	[dreg:$0x2] =	wrdreg s2  }
0xaf: {  	[dreg:$0x3] =	wrdreg s24  }
0xb0: {  	[dreg:$0x4] =	wrdreg $0x0  }
0xb1: {  	[dreg:$0x5] =	wrdreg $0x9  }
0xb2: {  	_ =	task.clear_ibuf [dreg:s7], $0x6FFFF;
	_ =	strace $0x90000046  }
0xb3: {  	s29 =	simm.s32 $0x9;
	_ =	strace $0x80000048  }
0xb4: {  	_ =	swait.ge [sflag:s29], $0x1  }
0xb5: {  	[sflag:s29] =	ssyncadd.s32 $0xFFFFFFFF  }
0xb6: {  	_ =	strace $0x90000048  }
0xb7: {  	_ =	sfence  }
0xb8: {  	s30 =	sld [smem:$0x0];
	_ =	sdelay $0x2  }
0xb9: {  	s31 =	sshll.u32 s1, $0xD;
	s1 =	sshrl.u32 s1, $0x2  }
0xba: {  	s3 =	sand.u32 $0x4000, s31;
	s1 =	sadd.s32 s1, s30  }
0xbb: {  	s0 =	sor.u32 s3, s0;
	s1 =	sshll.u32 s1, $0x11  }
0xbc: {  	s0 =	sor.u32 s1, s0  }
0xbd: {  	s0 =	sadd.s32 $0x8F2B, s0  }
0xbe: {  	[sflag:s0] =	ssyncadd.remote.s32 $0x1  }
0xbf: {  	_ =	sfence.sel $0xFFFF  }
0xc0: {  	[dreg:$0x0] =	wrdreg $0xFFFFFFFF;
	(pc) =	sbr.abs _section_cstart, $3  }
0xc1: {  	[dreg:$0x1] =	wrdreg $0xFFFFFFFF  }
0xc2: {  	_ =	task.clear_ibuf [dreg:s7], $0x2FFFF;
	_ =	strace $0x9FFFFFFF  }
0xc3: {  	(tm) =	ssettm $0x7FFFFFFF  }
tec
execute0_lowered:
.L_overlay_start_1:
0x0: {  	(tag) =	ssettag $0x1  }
0x1: {  	s5 =	rddreg [dreg:$0x0]  }
0x2: {  	s4 =	rddreg [dreg:$0x1]  }
0x3: {  	s2 =	rddreg [dreg:$0x2]  }
0x4: {  	s0 =	rddreg [dreg:$0x3]  }
0x5: {  	s6 =	srdreg.scid;
	s1 =	stileid.u32;
	s3 =	simm.s32 $0x0  }
0x6: {  	s11 =	simm.s32 $0x80;
	s12 =	simm.s32 $0x2C80;
	s15 =	simm.s32 $0x0  }
0x7: {  	s6 =	sand.u32 $0x1, s6;
	s7 =	smul.u32 $0x280, s1;
	[smem:$0x7FF] =	sst s3  }
0x8: {  	s13 =	sshll.u32 s1, $0x6;
	s8 =	smul.u32 $0x2800, s6;
	s9 =	sshll.u32 s6, $0x4  }
0x9: {  	_ =	strace $0x80000047;
	s6 =	ssub.s32 $0x2, s6;
	s9 =	sor.u32 s1, s9  }
0xa: {  	s10 =	sshrl.u32 s6, $0x1;
	s8 =	sadd.s32 s7, s8;
	s9 =	smul.u32 $0x4F0, s9  }
0xb: {  	s13 =	sor.u32 $0x1C01, s13;
	s10 =	ssub.s32 s6, s10;
	s8 =	sshrl.u32 s8, $0x3  }
0xc: {  	s8 =	sadd.s32 s8, s4;
	s4 =	sadd.s32 s7, s2;
	s5 =	sadd.s32 s5, s9  }
0xd: {  	s7 =	smax.u32 s10, $0x1;
	s9 =	simm.s32 $0x1;
	s10 =	simm.s32 $0x280  }
0xe: {  	v0 =	vimm.f32 $0.0e+00;
	v1 =	vimm.f32 $1.000000000e+00;
	s6 =	sadd.s32 $0x2800, s8;
	s8 =	simm.s32 $0x2A00;
	s14 =	sshrl.u32 s4, $0x3  }
.LBB2_1:
0xf: {  	[tilespmem:$0x2A00] =	vst v0  }
0x10: {  	[tilespmem:$0x2A10] =	vst v0  }
0x11: {  	[tilespmem:$0x2A20] =	vst v0  }
0x12: {  	[tilespmem:$0x2A30] =	vst v0  }
0x13: {  	[tilespmem:$0x2A40] =	vst v0  }
0x14: {  	[tilespmem:$0x2A50] =	vst v0  }
0x15: {  	[tilespmem:$0x2A60] =	vst v0  }
0x16: {  	[tilespmem:$0x2A70] =	vst v0  }
0x17: {  	[tilespmem:$0x2A80] =	vst v0  }
0x18: {  	[tilespmem:$0x2A90] =	vst v0  }
0x19: {  	[tilespmem:$0x2AA0] =	vst v0  }
0x1a: {  	[tilespmem:$0x2AB0] =	vst v0  }
0x1b: {  	[tilespmem:$0x2AC0] =	vst v0  }
0x1c: {  	[tilespmem:$0x2AD0] =	vst v0  }
0x1d: {  	[tilespmem:$0x2AE0] =	vst v0  }
0x1e: {  	[tilespmem:$0x2AF0] =	vst v0  }
0x1f: {  	[tilespmem:$0x2B00] =	vst v0  }
0x20: {  	[tilespmem:$0x2B10] =	vst v0  }
0x21: {  	[tilespmem:$0x2B20] =	vst v0  }
0x22: {  	[tilespmem:$0x2B30] =	vst v0  }
0x23: {  	[tilespmem:$0x2B40] =	vst v0  }
0x24: {  	[tilespmem:$0x2B50] =	vst v0  }
0x25: {  	[tilespmem:$0x2B60] =	vst v0  }
0x26: {  	[tilespmem:$0x2B70] =	vst v0  }
0x27: {  	[tilespmem:$0x2B80] =	vst v0  }
0x28: {  	[tilespmem:$0x2B90] =	vst v0  }
0x29: {  	[tilespmem:$0x2BA0] =	vst v0  }
0x2a: {  	[tilespmem:$0x2BB0] =	vst v0  }
0x2b: {  	[tilespmem:$0x2BC0] =	vst v0  }
0x2c: {  	[tilespmem:$0x2BD0] =	vst v0  }
0x2d: {  	[tilespmem:$0x2BE0] =	vst v0  }
0x2e: {  	[tilespmem:$0x2BF0] =	vst v0  }
0x2f: {  	[tilespmem:$0x2C00] =	vst v0  }
0x30: {  	[tilespmem:$0x2C10] =	vst v0  }
0x31: {  	[tilespmem:$0x2C20] =	vst v0  }
0x32: {  	[tilespmem:$0x2C30] =	vst v0  }
0x33: {  	[tilespmem:$0x2C40] =	vst v0  }
0x34: {  	[tilespmem:$0x2C50] =	vst v0  }
0x35: {  	[tilespmem:$0x2C60] =	vst v0  }
0x36: {  	[tilespmem:$0x2C70] =	vst v0  }
0x37: {  	[tilespmem:$0x2C80] =	vst v1  }
0x38: {  	[tilespmem:$0x2C90] =	vst v1  }
0x39: {  	[tilespmem:$0x2CA0] =	vst v1  }
0x3a: {  	[tilespmem:$0x2CB0] =	vst v1  }
0x3b: {  	[tilespmem:$0x2CC0] =	vst v1  }
0x3c: {  	[tilespmem:$0x2CD0] =	vst v1  }
0x3d: {  	[tilespmem:$0x2CE0] =	vst v1  }
0x3e: {  	[tilespmem:$0x2CF0] =	vst v1  }
0x3f: {  	[spmem:s4] =	stream.linear.scatter [tilespmem:s8], [sflag:$0x1], $0x280, $0x38;
	[tilespmem:$0x2D00] =	vst v63  }
0x40: {  	_ =	swait.ge [sflag:s9], $0x280  }
0x41: {  	[sflag:s9] =	ssyncset.done $0x0  }
0x42: {  	[sflag:s9] =	ssyncadd.s32 $0xFFFFFD80  }
0x43: {  	[tilespmem:s10], [sflag:$0x1] =	stream.linear.gather [hbm4b:s5+s3], $0x2780, $0x38;
	[tilespmem:$0x2D00] =	vst v63  }
0x44: {  	_ =	swait.ge [sflag:s9], $0x2780  }
0x45: {  	[sflag:s9] =	ssyncset.done $0x0  }
0x46: {  	[sflag:s9] =	ssyncadd.s32 $0xFFFFD880  }
0x47: {  	s16 =	simm.s32 $0x280;
	[bflag:$0x0] =	sbarrier.arrive $0xFFFF  }
0x48: {  	[spmem:s2] =	stream.indirect.scatter.add.f32 [tilespmem:s12], [sflag:$0x1], $0x1, s16, s11, $0xb8;
	[tilespmem:$0x2D00] =	vst v63  }
0x49: {  	s16 =	simm.s32 $0x200;
	_ =	swait.ge [sflag:s9], $0x80  }
.LBB2_2:
0x4a: {  	s17 =	sshra.s32 s16, $0x2;
	[sflag:s9] =	ssyncset.done $0x0;
	p0 =	sne.s32 s16, $0x9C00  }
.Ltmp0:
0x4b: {  	s17 =	sadd.s32 $0x280, s17;
	[sflag:s9] =	ssyncadd.s32 $0xFFFFFF80;
	(pc) =	sbr.rel @p0 .LBB2_2-.Ltmp0, $3  }
0x4c: {  	[spmem:s2] =	stream.indirect.scatter.add.f32 [tilespmem:s12], [sflag:$0x1], $0x1, s17, s11, $0xb8;
	[tilespmem:$0x2D00] =	vst v63  }
0x4d: {  	s16 =	sadd.s32 $0x200, s16;
	_ =	sdelay $0x1  }
0x4e: {  	_ =	swait.ge [sflag:s9], $0x80  }
0x4f: {  	[sflag:s9] =	ssyncset.done $0x0;
	s15 =	sadd.s32 $0x1, s15  }
0x50: {  	[sflag:s9] =	ssyncadd.s32 $0xFFFFFF80;
	p0 =	sne.s32 s15, s7  }
.Ltmp1:
0x51: {  	[bflag:$0x0] =	sbarrier.arrive $0xFFFF;
	(pc) =	sbr.rel @p0 .LBB2_1-.Ltmp1, $4  }
0x52: {  	[hbm:s6], [sflag:s13] =	dma.local [spmem:s14], $0x50  }
0x53: {  	_ =	swait.ge [sflag:s9], $0x50  }
0x54: {  	[sflag:s9] =	ssyncset.done $0x0  }
0x55: {  	[sflag:s9] =	ssyncadd.s32 $0xFFFFFFB0  }
0x56: {  	_ =	sfence.sel $0x180000  }
0x57: {  	[bflag:$0x0] =	sbarrier.arrive $0xFFFF  }
0x58: {  	p0 =	sne.s32 s1, $0x0;
	_ =	strace $0x90000047  }
0x59: {  	s0 =	sadd.s32 @!p0 $0x100000, s0;
	[bflag:$0x2] =	sbarrier.arrive $0xFFFF  }
0x5a: {  	[sflag:s0] =	ssyncadd.tile.s32 @!p0 $0x1;
	_ =	shalt  }
.Lfunc_end2:
_tile_overlayer_lowered:
.L_overlay_start_2:
0x5b: {  	(tag) =	ssettag $0x2  }
0x5c: {  	s0 =	rddreg [dreg:$0x0];
	s2 =	stileid.u32  }
0x5d: {  	s1 =	rddreg [dreg:$0x1];
	p0 =	sne.s32 s2, $0x0  }
0x5e: {  	s3 =	rddreg [dreg:$0x2];
	[bflag:$0x3] =	sbarrier.arrive $0xFFFF;
	s2 =	simm.s32 @!p0 $0x1C01  }
0x5f: {  	[timem:s3], [sflag:s2] =	dma.local @!p0 [hbm:s0], s1  }
0x60: {  	s0 =	simm.s32 @!p0 $0x1  }
0x61: {  	_ =	swait.ge @!p0 [sflag:s0], s1  }
0x62: {  	s1 =	ssub.s32 @!p0 $0x0, s1;
	[sflag:s0] =	ssyncset.done @!p0 $0x0  }
0x63: {  	[sflag:s0] =	ssyncadd.s32 @!p0 s1  }
0x64: {  	[bflag:$0x3] =	sbarrier.arrive $0xFFFF  }
0x65: {  	_ =	shalt  }

</sc_bundles>
